<compile_context>
chip_gen: v7x
topology: tpu7x:2x2x1
jax: 0.10.2.dev20260603
libtpu: 0.0.44.dev20260713+nightly
codegen_flags: <defaults>
</compile_context>

<pallas_src>
import functools

import jax
import jax.numpy as jnp
from jax import lax
from jax.experimental import pallas as pl
from jax.experimental.pallas import tpu as pltpu
from jax.experimental.pallas import tpu_sc as plsc

N = 10000
F = 128
E = 320000
G = 256
NDEG = 11

NC = 2
NS = 16
NW = NC * NS
EPW = E // NW
NP = 10240
NPT = NP // NS
DR = NP // F

RT = 1000
NT = N // RT



def _make_segsum(with_deg):
    mesh = plsc.VectorSubcoreMesh(
        core_axis_name="c", subcore_axis_name="s", num_cores=NC, num_subcores=NS
    )
    K = 80
    NCHUNK = EPW // K
    NB = 2 if with_deg else 4
    NITER = NCHUNK // NB
    TAIL = NCHUNK - NITER * NB
    out_type = [jax.ShapeDtypeStruct((NC, NP, F), jnp.float32)]
    scratch = (
        [pltpu.VMEM((K,), jnp.int32) for _ in range(NB)]
        + [pltpu.VMEM((K,), jnp.int32) for _ in range(NB)]
        + [pltpu.VMEM((K, F), jnp.float32) for _ in range(NB)]
        + [pltpu.VMEM_SHARED((NP, F), jnp.float32)]
        + [pltpu.SemaphoreType.DMA for _ in range(NB)]
        + [pltpu.SemaphoreType.DMA]
    )
    if with_deg:
        out_type.append(jax.ShapeDtypeStruct((NC, DR, F), jnp.float32))
        scratch += (
            [pltpu.VMEM((K,), jnp.int32) for _ in range(NB)]
            + [pltpu.VMEM((K,), jnp.int32) for _ in range(NB)]
            + [pltpu.VMEM((K, F), jnp.float32) for _ in range(NB)]
            + [pltpu.VMEM_SHARED((DR, F), jnp.float32)]
            + [pltpu.SemaphoreType.DMA for _ in range(NB)]
            + [pltpu.SemaphoreType.DMA]
        )

    @functools.partial(
        pl.kernel, out_type=out_type, mesh=mesh, scratch_types=scratch
    )
    def segsum(feat, srch, dsth, *args):
        if with_deg:
            (zeros_hbm, eye_hbm, part, deg_part) = args[:4]
            args = args[4:]
        else:
            (zeros_hbm, part) = args[:2]
            args = args[2:]
        srcv = args[:NB]
        dstv = args[NB : 2 * NB]
        rows = args[2 * NB : 3 * NB]
        acc_sh = args[3 * NB]
        gsem = args[3 * NB + 1 : 4 * NB + 1]
        ssem = args[4 * NB + 1]
        if with_deg:
            args = args[4 * NB + 2 :]
            rowv = args[:NB]
            colv = args[NB : 2 * NB]
            ohs = args[2 * NB : 3 * NB]
            deg_sh = args[3 * NB]
            esem = args[3 * NB + 1 : 4 * NB + 1]
            dsem = args[4 * NB + 1]
        cid = lax.axis_index("c")
        sid = lax.axis_index("s")
        tid = cid * NS + sid
        pltpu.sync_copy(
            zeros_hbm.at[pl.ds(sid * NPT, NPT)], acc_sh.at[pl.ds(sid * NPT, NPT)]
        )
        if with_deg:
            @pl.when(sid == 0)
            def _():
                pltpu.sync_copy(zeros_hbm.at[pl.ds(0, DR)], deg_sh)

        plsc.subcore_barrier()

        ebase = tid * EPW

        def drain(b):
            pltpu.make_async_copy(rows[b], acc_sh.at[dstv[b]], ssem).wait()
            if with_deg:
                pltpu.make_async_copy(ohs[b], deg_sh.at[rowv[b]], dsem).wait()

        def issue(base, b, gd, ed):
            off = base + b * K
            pltpu.sync_copy(srch.at[pl.ds(off, K)], srcv[b])
            pltpu.sync_copy(dsth.at[pl.ds(off, K)], dstv[b])
            gd.append(pltpu.async_copy(feat.at[srcv[b]], rows[b], gsem[b]))
            if with_deg:
                for j in range(K // 16):
                    dv = dstv[b][pl.ds(j * 16, 16)]
                    rowv[b][pl.ds(j * 16, 16)] = lax.shift_right_logical(dv, 7)
                    colv[b][pl.ds(j * 16, 16)] = lax.bitwise_and(dv, 127)
                ed.append(
                    pltpu.async_copy(eye_hbm.at[colv[b]], ohs[b], esem[b])
                )

        def scatter(b, gd, ed):
            gd[b].wait()
            pltpu.async_copy(rows[b], acc_sh.at[dstv[b]], ssem, add=True)
            if with_deg:
                ed[b].wait()
                pltpu.async_copy(ohs[b], deg_sh.at[rowv[b]], dsem, add=True)

        def body(it, carry):
            base = ebase + it * (NB * K)
            gd, ed = [], []
            for b in range(NB):
                @pl.when(it > 0)
                def _(b=b):
                    drain(b)

                issue(base, b, gd, ed)
            for b in range(NB):
                scatter(b, gd, ed)
            return carry

        lax.fori_loop(0, NITER, body, 0)
        for b in range(NB):
            drain(b)
        if TAIL:
            gd, ed = [], []
            for b in range(TAIL):
                issue(ebase + NITER * NB * K, b, gd, ed)
            for b in range(TAIL):
                scatter(b, gd, ed)
            for b in range(TAIL):
                drain(b)

        plsc.subcore_barrier()
        pltpu.sync_copy(
            acc_sh.at[pl.ds(sid * NPT, NPT)],
            part.at[cid, pl.ds(sid * NPT, NPT)],
        )
        if with_deg:
            @pl.when(sid == 0)
            def _():
                pltpu.sync_copy(deg_sh, deg_part.at[cid])

    return segsum


_segsum_deg = _make_segsum(True)
_segsum = _make_segsum(False)


def _combine1_body(part_ref, x_ref, dp_ref, Wl_ref, bl_ref, Wr_ref,
                   out_ref, deg_ref):
    h = part_ref[0] + part_ref[1]
    xt = x_ref[...]
    deg = jnp.minimum((dp_ref[0] + dp_ref[1]).astype(jnp.int32), NDEG - 1)
    deg_ref[...] = deg
    _degree_banks(h, xt, deg, Wl_ref, bl_ref, Wr_ref, out_ref)


def _degree_banks(h, xt, deg, Wl_ref, bl_ref, Wr_ref, out_ref):
    bf = jnp.bfloat16
    hb = h.astype(bf)
    xb = xt.astype(bf)
    out_ref[...] = jnp.zeros_like(out_ref)
    for d in range(NDEG):
        m = deg == d

        @pl.when(jnp.any(m))
        def _(d=d, m=m):
            r = (
                jnp.dot(hb, Wl_ref[d].astype(bf), preferred_element_type=jnp.float32)
                + jnp.dot(xb, Wr_ref[d].astype(bf), preferred_element_type=jnp.float32)
                + bl_ref[d][None, :]
            )
            out_ref[...] += jnp.where(m, r, 0.0)


def _combine_body(part_ref, x_ref, deg_ref, Wl_ref, bl_ref, Wr_ref, out_ref):
    h = part_ref[0] + part_ref[1]
    xt = x_ref[...]
    deg = deg_ref[...]
    _degree_banks(h, xt, deg, Wl_ref, bl_ref, Wr_ref, out_ref)


def _full(shape):
    return pl.BlockSpec(shape, lambda i: tuple(0 for _ in shape))


def _rows(shape):
    return pl.BlockSpec(shape, lambda i: (i,) + tuple(0 for _ in shape[1:]))


def _combine1(part, x, degp, Wl, bl, Wr):
    return pl.pallas_call(
        _combine1_body,
        grid=(NT,),
        in_specs=[
            pl.BlockSpec((NC, RT, F), lambda i: (0, i, 0)),
            _rows((RT, F)),
            pl.BlockSpec((NC, RT, 1), lambda i: (0, i, 0)),
            _full((NDEG, F, F)),
            _full((NDEG, F)),
            _full((NDEG, F, F)),
        ],
        out_specs=[_rows((RT, F)), _rows((RT, 1))],
        out_shape=[
            jax.ShapeDtypeStruct((N, F), jnp.float32),
            jax.ShapeDtypeStruct((N, 1), jnp.int32),
        ],
    )(part, x, degp, Wl, bl, Wr)


def _combine(part, x, deg, Wl, bl, Wr):
    return pl.pallas_call(
        _combine_body,
        grid=(NT,),
        in_specs=[
            pl.BlockSpec((NC, RT, F), lambda i: (0, i, 0)),
            _rows((RT, F)),
            _rows((RT, 1)),
            _full((NDEG, F, F)),
            _full((NDEG, F)),
            _full((NDEG, F, F)),
        ],
        out_specs=_rows((RT, F)),
        out_shape=jax.ShapeDtypeStruct((N, F), jnp.float32),
    )(part, x, deg, Wl, bl, Wr)


def _combine3_body(part_ref, x_ref, deg_ref, batch_ref, Wl_ref, bl_ref,
                   Wr_ref, out_ref, pool_ref):
    _combine_body(part_ref, x_ref, deg_ref, Wl_ref, bl_ref, Wr_ref, out_ref)

    @pl.when(pl.program_id(0) == 0)
    def _():
        pool_ref[...] = jnp.zeros_like(pool_ref)

    oh = (
        batch_ref[...] == lax.broadcasted_iota(jnp.int32, (RT, G), 1)
    ).astype(jnp.float32)
    pool_ref[...] += lax.dot_general(
        oh, out_ref[...], (((0,), (0,)), ((), ())),
        preferred_element_type=jnp.float32,
    )


def _combine3_pool(part, x, deg, batch2, Wl, bl, Wr):
    return pl.pallas_call(
        _combine3_body,
        grid=(NT,),
        in_specs=[
            pl.BlockSpec((NC, RT, F), lambda i: (0, i, 0)),
            _rows((RT, F)),
            _rows((RT, 1)),
            _rows((RT, 1)),
            _full((NDEG, F, F)),
            _full((NDEG, F)),
            _full((NDEG, F, F)),
        ],
        out_specs=[_rows((RT, F)), _full((G, F))],
        out_shape=[
            jax.ShapeDtypeStruct((N, F), jnp.float32),
            jax.ShapeDtypeStruct((G, F), jnp.float32),
        ],
    )(part, x, deg, batch2, Wl, bl, Wr)


def _mlp_body(
    batch_ref, h1_ref, h2_ref, h3_ref, pool_ref,
    L1_ref, b1_ref, L2_ref, b2_ref, L3_ref, b3_ref, out_ref,
):
    bf = jnp.bfloat16
    oh = (
        batch_ref[...] == lax.broadcasted_iota(jnp.int32, (RT, G), 1)
    ).astype(bf)
    hp = jnp.dot(oh, pool_ref[...].astype(bf), preferred_element_type=jnp.float32)
    a = (
        jnp.dot(h1_ref[...].astype(bf), L1_ref[0:F].astype(bf), preferred_element_type=jnp.float32)
        + jnp.dot(h2_ref[...].astype(bf), L1_ref[F : 2 * F].astype(bf), preferred_element_type=jnp.float32)
        + jnp.dot(h3_ref[...].astype(bf), L1_ref[2 * F : 3 * F].astype(bf), preferred_element_type=jnp.float32)
        + jnp.dot(hp.astype(bf), L1_ref[3 * F : 4 * F].astype(bf), preferred_element_type=jnp.float32)
        + b1_ref[...]
    )
    a = _leaky(a).astype(bf)
    b = _leaky(
        jnp.dot(a, L2_ref[...].astype(bf), preferred_element_type=jnp.float32)
        + b2_ref[...]
    ).astype(bf)
    o = jnp.dot(b, L3_ref[...].astype(bf), preferred_element_type=jnp.float32) + b3_ref[...]
    out_ref[...] = jax.nn.sigmoid(o)


def _mlp(batch2, h1, h2, h3, pool, L1, b1, L2, b2, L3, b3):
    H3, H2_ = 3 * F, 2 * F
    return pl.pallas_call(
        _mlp_body,
        grid=(NT,),
        in_specs=[
            _rows((RT, 1)),
            _rows((RT, F)),
            _rows((RT, F)),
            _rows((RT, F)),
            _full((G, F)),
            _full((4 * F, H3)),
            _full((1, H3)),
            _full((H3, H2_)),
            _full((1, H2_)),
            _full((H2_, 1)),
            _full((1, 1)),
        ],
        out_specs=_rows((RT, 1)),
        out_shape=jax.ShapeDtypeStruct((N, 1), jnp.float32),
    )(batch2, h1, h2, h3, pool, L1, b1, L2, b2, L3, b3)


def _leaky(v):
    return jnp.where(v > 0, v, 0.01 * v)


def kernel(x, edge_index, batch, Wl1, bl1, Wr1, Wl2, bl2, Wr2, Wl3, bl3, Wr3,
           L1, b1, L2, b2, L3, b3):
    src = edge_index[0]
    dst = edge_index[1]
    batch2 = batch.reshape(N, 1)

    zeros_f = jnp.zeros((NP, F), jnp.float32)
    eye = jnp.eye(F, dtype=jnp.float32)

    part1, deg_part = _segsum_deg(x, src, dst, zeros_f, eye)
    degp = deg_part.reshape(NC, NP, 1)
    h1, deg = _combine1(part1, x, degp, Wl1, bl1, Wr1)

    (part2,) = _segsum(h1, src, dst, zeros_f)
    h2 = _combine(part2, h1, deg, Wl2, bl2, Wr2)

    (part3,) = _segsum(h2, src, dst, zeros_f)
    h3, pool = _combine3_pool(part3, h2, deg, batch2, Wl3, bl3, Wr3)

    return _mlp(
        batch2, h1, h2, h3, pool,
        L1, b1.reshape(1, -1), L2, b2.reshape(1, -1), L3, b3.reshape(1, 1),
    )

# --- scband reference (transcript-rebuilt; emitter-appended) ---
"""Pipeline reference for scband-mf-76166950028628 (READ-ONLY COPY).

The authoritative reference and input builder live on the scoring server;
editing this copy changes nothing except your own understanding.
"""

import jax, jax.numpy as jnp
import numpy as np

IN_DIM = 128
HDIM = 128
MAX_DEG = 10
N = 10000
E = 320000
G = 256


def glorot(key, shape):
    fan_in, fan_out = shape[-2], shape[-1]
    lim = float(np.sqrt(6.0 / (fan_in + fan_out)))
    return jax.random.uniform(key, shape, jnp.float32, -lim, lim)


def setup_inputs(seed: int = 0) -> dict:
    key = jax.random.key(seed)
    ks = jax.random.split(key, 16)
    D = MAX_DEG + 1
    inp = {}
    inp["x"] = jax.random.normal(ks[0], (N, IN_DIM), jnp.float32)
    inp["edge_index"] = jax.random.randint(ks[1], (2, E), 0, N, dtype=jnp.int32)
    inp["batch"] = jnp.sort(jax.random.randint(ks[2], (N,), 0, G, dtype=jnp.int32))
    # MFConv per-degree weight banks: lins_l (bias) applied to aggregated neighbors,
    # lins_r (no bias) applied to root features.
    inp["Wl1"] = glorot(ks[3], (D, IN_DIM, HDIM))
    inp["bl1"] = jnp.zeros((D, HDIM), jnp.float32)
    inp["Wr1"] = glorot(ks[4], (D, IN_DIM, HDIM))
    inp["Wl2"] = glorot(ks[5], (D, HDIM, HDIM))
    inp["bl2"] = jnp.zeros((D, HDIM), jnp.float32)
    inp["Wr2"] = glorot(ks[6], (D, HDIM, HDIM))
    inp["Wl3"] = glorot(ks[7], (D, HDIM, HDIM))
    inp["bl3"] = jnp.zeros((D, HDIM), jnp.float32)
    inp["Wr3"] = glorot(ks[8], (D, HDIM, HDIM))
    inp["L1"] = glorot(ks[9], (HDIM * 4, HDIM * 3))
    inp["b1"] = jnp.zeros((HDIM * 3,), jnp.float32)
    inp["L2"] = glorot(ks[10], (HDIM * 3, HDIM * 2))
    inp["b2"] = jnp.zeros((HDIM * 2,), jnp.float32)
    inp["L3"] = glorot(ks[11], (HDIM * 2, 1))
    inp["b3"] = jnp.zeros((1,), jnp.float32)
    return inp


def _mfconv(x, src, dst, Wl, bl, Wr):
    n = x.shape[0]
    # message passing: sum x_j over incoming edges (source_to_target flow)
    h = jax.ops.segment_sum(x[src], dst, num_segments=n)
    deg = jax.ops.segment_sum(jnp.ones((src.shape[0],), jnp.float32), dst, num_segments=n)
    deg = jnp.minimum(deg.astype(jnp.int32), MAX_DEG)
    out = jnp.zeros((n, Wl.shape[-1]), jnp.float32)
    for d in range(MAX_DEG + 1):
        r = h @ Wl[d] + bl[d] + x @ Wr[d]
        out = out + jnp.where((deg == d)[:, None], r, 0.0)
    return out


def _leaky(v):
    return jnp.where(v > 0, v, 0.01 * v)


def reference(x, edge_index, batch, Wl1, bl1, Wr1, Wl2, bl2, Wr2, Wl3, bl3, Wr3, L1, b1, L2, b2, L3, b3):
    src, dst = edge_index[0], edge_index[1]
    h1 = _mfconv(x, src, dst, Wl1, bl1, Wr1)
    h2 = _mfconv(h1, src, dst, Wl2, bl2, Wr2)
    h3 = _mfconv(h2, src, dst, Wl3, bl3, Wr3)
    # global_add_pool
    h_pool = jax.ops.segment_sum(h3, batch, num_segments=G)
    # repeat_interleave(h_pool, counts) == gather by sorted batch ids
    h_pool_ = jnp.take(h_pool, batch, axis=0)
    h = jnp.concatenate([h1, h2, h3, h_pool_], axis=1)
    h = _leaky(h @ L1 + b1)
    h = _leaky(h @ L2 + b2)
    h = h @ L3 + b3
    return jax.nn.sigmoid(h)

if __name__ == "__main__":
    import jax
    _d = setup_inputs()
    print(jax.jit(kernel)(*tuple(_d.values())))

</pallas_src>

<mosaic_0001>
#map = affine_map<(d0, d1) -> (0, 0)>
#map1 = affine_map<(d0, d1) -> (0)>
#map2 = affine_map<(d0, d1) -> (0, 0, 0)>
module attributes {stable_mosaic.version = 14 : i64} {
  func.func @segsum(%arg0: i32, %arg1: i32, %arg2: memref<10000x128xf32, #tpu.memory_space<hbm>>, %arg3: memref<320000xi32, #tpu.memory_space<hbm>>, %arg4: memref<320000xi32, #tpu.memory_space<hbm>>, %arg5: memref<10240x128xf32, #tpu.memory_space<hbm>>, %arg6: memref<2x10240x128xf32, #tpu.memory_space<hbm>>, %arg7: memref<80xi32, #tpu.memory_space<vmem>>, %arg8: memref<80xi32, #tpu.memory_space<vmem>>, %arg9: memref<80xi32, #tpu.memory_space<vmem>>, %arg10: memref<80xi32, #tpu.memory_space<vmem>>, %arg11: memref<80xi32, #tpu.memory_space<vmem>>, %arg12: memref<80xi32, #tpu.memory_space<vmem>>, %arg13: memref<80xi32, #tpu.memory_space<vmem>>, %arg14: memref<80xi32, #tpu.memory_space<vmem>>, %arg15: memref<80x128xf32, #tpu.memory_space<vmem>>, %arg16: memref<80x128xf32, #tpu.memory_space<vmem>>, %arg17: memref<80x128xf32, #tpu.memory_space<vmem>>, %arg18: memref<80x128xf32, #tpu.memory_space<vmem>>, %arg19: memref<10240x128xf32, #tpu.memory_space<vmem_shared>>, %arg20: memref<!tpu.dma_semaphore, #tpu.memory_space<semaphore_mem>>, %arg21: memref<!tpu.dma_semaphore, #tpu.memory_space<semaphore_mem>>, %arg22: memref<!tpu.dma_semaphore, #tpu.memory_space<semaphore_mem>>, %arg23: memref<!tpu.dma_semaphore, #tpu.memory_space<semaphore_mem>>, %arg24: memref<!tpu.dma_semaphore, #tpu.memory_space<semaphore_mem>>) attributes {dimension_semantics = [#tpu.dimension_semantics<core_parallel>, #tpu.dimension_semantics<subcore_parallel>], iteration_bounds = array<i64: 2, 16>, scalar_prefetch = 0 : i64, scratch_operands = 18 : i64, tpu.core_type = #tpu.core_type<sc_vector_subcore>, window_params = [{transform_indices = #map}, {transform_indices = #map1}, {transform_indices = #map1}, {transform_indices = #map}, {transform_indices = #map2}]} {
    %mul3A = arith.constant 16 : i32
    %mul3A_0 = arith.muli %arg0, %mul3A : i32
    %add3A = arith.addi %mul3A_0, %arg1 : i32
    %mul3A_1 = arith.constant 640 : i32
    %mul3A_2 = arith.muli %arg1, %mul3A_1 : i32
    %mul3A_3 = arith.constant 640 : i32
    %mul3A_4 = arith.muli %arg1, %mul3A_3 : i32
    "tpu.region"() ({
      %run_scoped3A = tpu.sem_alloc : memref<!tpu.dma_semaphore, #tpu.memory_space<semaphore_mem>>
      %dma_start3A_43 = arith.constant 0 : i32
      %dma_start3A_44 = tpu.memref_slice %arg19[%mul3A_4, %dma_start3A_43] : memref<10240x128xf32, #tpu.memory_space<vmem_shared>> -> memref<640x128xf32, #tpu.memory_space<vmem_shared>>
      %dma_start3A_45 = arith.constant 0 : i32
      %dma_start3A_46 = tpu.memref_slice %arg5[%mul3A_2, %dma_start3A_45] : memref<10240x128xf32, #tpu.memory_space<hbm>> -> memref<640x128xf32, #tpu.memory_space<hbm>>
      tpu.enqueue_dma source(%dma_start3A_46 : memref<640x128xf32, #tpu.memory_space<hbm>>) target(%dma_start3A_44 : memref<640x128xf32, #tpu.memory_space<vmem_shared>>) target_semaphore(%run_scoped3A : memref<!tpu.dma_semaphore, #tpu.memory_space<semaphore_mem>>)
      %dma_wait3A_47 = arith.constant 0 : i32
      %dma_wait3A_48 = tpu.memref_slice %arg19[%mul3A_4, %dma_wait3A_47] : memref<10240x128xf32, #tpu.memory_space<vmem_shared>> -> memref<640x128xf32, #tpu.memory_space<vmem_shared>>
      %dma_wait3A_49 = arith.constant 0 : i32
      %dma_wait3A_50 = tpu.memref_slice %arg5[%mul3A_2, %dma_wait3A_49] : memref<10240x128xf32, #tpu.memory_space<hbm>> -> memref<640x128xf32, #tpu.memory_space<hbm>>
      tpu.wait_dma2 semaphore(%run_scoped3A : memref<!tpu.dma_semaphore, #tpu.memory_space<semaphore_mem>>) src(%dma_wait3A_50 : memref<640x128xf32, #tpu.memory_space<hbm>>) dst(%dma_wait3A_48 : memref<640x128xf32, #tpu.memory_space<vmem_shared>>)
      tpu.yield
    }) : () -> ()
    %barrier3A = arith.constant 0 : index
    tpu.barrier barrier_id(%barrier3A)
    %mul3A_5 = arith.constant 10000 : i32
    %mul3A_6 = arith.muli %add3A, %mul3A_5 : i32
    %scan3A = arith.constant 0 : i32
    %scan3A_7 = arith.constant 0 : i32
    %scan3A_8 = arith.constant 31 : i32
    %scan3A_9 = arith.addi %scan3A_7, %scan3A_8 : i32
    %scan3A_10 = arith.constant 1 : i32
    scf.for %scan3A_43 = %scan3A_7 to %scan3A_9 step %scan3A_10  : i32 {
      %mul3A_44 = arith.constant 320 : i32
      %mul3A_45 = arith.muli %scan3A_43, %mul3A_44 : i32
      %add3A_46 = arith.addi %mul3A_6, %mul3A_45 : i32
      %gt3A = arith.constant 0 : i32
      %gt3A_47 = arith.cmpi sgt, %scan3A_43, %gt3A : i32
      %convert_element_type3A = arith.extui %gt3A_47 : i1 to i32
      %cond3A = arith.constant 0 : i32
      %cond3A_48 = arith.cmpi ne, %convert_element_type3A, %cond3A : i32
      scf.if %cond3A_48 {
        %dma_wait3A_108 = arith.constant 0 : i32
        %dma_wait3A_109 = arith.constant 0 : i32
        %dma_wait3A_110 = tpu.memref_slice %arg19[%dma_wait3A_108, %dma_wait3A_109] : memref<10240x128xf32, #tpu.memory_space<vmem_shared>> -> memref<10240x128xf32, #tpu.memory_space<vmem_shared>>
        tpu.wait_indirect_dma semaphore(%arg24 : memref<!tpu.dma_semaphore, #tpu.memory_space<semaphore_mem>>) src(%arg15 : memref<80x128xf32, #tpu.memory_space<vmem>>) dst(%dma_wait3A_110 : memref<10240x128xf32, #tpu.memory_space<vmem_shared>>)
      } else {
      }
      %add3A_49 = arith.constant 0 : i32
      %add3A_50 = arith.addi %add3A_46, %add3A_49 : i32
      "tpu.region"() ({
        %run_scoped3A = tpu.sem_alloc : memref<!tpu.dma_semaphore, #tpu.memory_space<semaphore_mem>>
        %dma_start3A_108 = tpu.memref_slice %arg3[%add3A_50] : memref<320000xi32, #tpu.memory_space<hbm>> -> memref<80xi32, #tpu.memory_space<hbm>>
        %dma_start3A_109 = tpu.memref_slice %arg3[%add3A_50] : memref<320000xi32, #tpu.memory_space<hbm>> -> memref<80xi32, #tpu.memory_space<hbm>>
        tpu.enqueue_dma source(%dma_start3A_109 : memref<80xi32, #tpu.memory_space<hbm>>) target(%arg7 : memref<80xi32, #tpu.memory_space<vmem>>) target_semaphore(%run_scoped3A : memref<!tpu.dma_semaphore, #tpu.memory_space<semaphore_mem>>)
        %dma_wait3A_110 = tpu.memref_slice %arg3[%add3A_50] : memref<320000xi32, #tpu.memory_space<hbm>> -> memref<80xi32, #tpu.memory_space<hbm>>
        %dma_wait3A_111 = tpu.memref_slice %arg3[%add3A_50] : memref<320000xi32, #tpu.memory_space<hbm>> -> memref<80xi32, #tpu.memory_space<hbm>>
        tpu.wait_dma2 semaphore(%run_scoped3A : memref<!tpu.dma_semaphore, #tpu.memory_space<semaphore_mem>>) src(%dma_wait3A_111 : memref<80xi32, #tpu.memory_space<hbm>>) dst(%arg7 : memref<80xi32, #tpu.memory_space<vmem>>)
        tpu.yield
      }) : () -> ()
      "tpu.region"() ({
        %run_scoped3A = tpu.sem_alloc : memref<!tpu.dma_semaphore, #tpu.memory_space<semaphore_mem>>
        %dma_start3A_108 = tpu.memref_slice %arg4[%add3A_50] : memref<320000xi32, #tpu.memory_space<hbm>> -> memref<80xi32, #tpu.memory_space<hbm>>
        %dma_start3A_109 = tpu.memref_slice %arg4[%add3A_50] : memref<320000xi32, #tpu.memory_space<hbm>> -> memref<80xi32, #tpu.memory_space<hbm>>
        tpu.enqueue_dma source(%dma_start3A_109 : memref<80xi32, #tpu.memory_space<hbm>>) target(%arg11 : memref<80xi32, #tpu.memory_space<vmem>>) target_semaphore(%run_scoped3A : memref<!tpu.dma_semaphore, #tpu.memory_space<semaphore_mem>>)
        %dma_wait3A_110 = tpu.memref_slice %arg4[%add3A_50] : memref<320000xi32, #tpu.memory_space<hbm>> -> memref<80xi32, #tpu.memory_space<hbm>>
        %dma_wait3A_111 = tpu.memref_slice %arg4[%add3A_50] : memref<320000xi32, #tpu.memory_space<hbm>> -> memref<80xi32, #tpu.memory_space<hbm>>
        tpu.wait_dma2 semaphore(%run_scoped3A : memref<!tpu.dma_semaphore, #tpu.memory_space<semaphore_mem>>) src(%dma_wait3A_111 : memref<80xi32, #tpu.memory_space<hbm>>) dst(%arg11 : memref<80xi32, #tpu.memory_space<vmem>>)
        tpu.yield
      }) : () -> ()
      %dma_start3A_51 = arith.constant 0 : i32
      %dma_start3A_52 = arith.constant 0 : i32
      %dma_start3A_53 = tpu.memref_slice %arg2[%dma_start3A_51, %dma_start3A_52] : memref<10000x128xf32, #tpu.memory_space<hbm>> -> memref<10000x128xf32, #tpu.memory_space<hbm>>
      tpu.enqueue_indirect_dma source(%dma_start3A_53 : memref<10000x128xf32, #tpu.memory_space<hbm>>) target(%arg15 : memref<80x128xf32, #tpu.memory_space<vmem>>) offsets(%arg7 : memref<80xi32, #tpu.memory_space<vmem>>) semaphore(%arg20 : memref<!tpu.dma_semaphore, #tpu.memory_space<semaphore_mem>>)
      %gt3A_54 = arith.constant 0 : i32
      %gt3A_55 = arith.cmpi sgt, %scan3A_43, %gt3A_54 : i32
      %convert_element_type3A_56 = arith.extui %gt3A_55 : i1 to i32
      %cond3A_57 = arith.constant 0 : i32
      %cond3A_58 = arith.cmpi ne, %convert_element_type3A_56, %cond3A_57 : i32
      scf.if %cond3A_58 {
        %dma_wait3A_108 = arith.constant 0 : i32
        %dma_wait3A_109 = arith.constant 0 : i32
        %dma_wait3A_110 = tpu.memref_slice %arg19[%dma_wait3A_108, %dma_wait3A_109] : memref<10240x128xf32, #tpu.memory_space<vmem_shared>> -> memref<10240x128xf32, #tpu.memory_space<vmem_shared>>
        tpu.wait_indirect_dma semaphore(%arg24 : memref<!tpu.dma_semaphore, #tpu.memory_space<semaphore_mem>>) src(%arg16 : memref<80x128xf32, #tpu.memory_space<vmem>>) dst(%dma_wait3A_110 : memref<10240x128xf32, #tpu.memory_space<vmem_shared>>)
      } else {
      }
      %add3A_59 = arith.constant 80 : i32
      %add3A_60 = arith.addi %add3A_46, %add3A_59 : i32
      "tpu.region"() ({
        %run_scoped3A = tpu.sem_alloc : memref<!tpu.dma_semaphore, #tpu.memory_space<semaphore_mem>>
        %dma_start3A_108 = tpu.memref_slice %arg3[%add3A_60] : memref<320000xi32, #tpu.memory_space<hbm>> -> memref<80xi32, #tpu.memory_space<hbm>>
        %dma_start3A_109 = tpu.memref_slice %arg3[%add3A_60] : memref<320000xi32, #tpu.memory_space<hbm>> -> memref<80xi32, #tpu.memory_space<hbm>>
        tpu.enqueue_dma source(%dma_start3A_109 : memref<80xi32, #tpu.memory_space<hbm>>) target(%arg8 : memref<80xi32, #tpu.memory_space<vmem>>) target_semaphore(%run_scoped3A : memref<!tpu.dma_semaphore, #tpu.memory_space<semaphore_mem>>)
        %dma_wait3A_110 = tpu.memref_slice %arg3[%add3A_60] : memref<320000xi32, #tpu.memory_space<hbm>> -> memref<80xi32, #tpu.memory_space<hbm>>
        %dma_wait3A_111 = tpu.memref_slice %arg3[%add3A_60] : memref<320000xi32, #tpu.memory_space<hbm>> -> memref<80xi32, #tpu.memory_space<hbm>>
        tpu.wait_dma2 semaphore(%run_scoped3A : memref<!tpu.dma_semaphore, #tpu.memory_space<semaphore_mem>>) src(%dma_wait3A_111 : memref<80xi32, #tpu.memory_space<hbm>>) dst(%arg8 : memref<80xi32, #tpu.memory_space<vmem>>)
        tpu.yield
      }) : () -> ()
      "tpu.region"() ({
        %run_scoped3A = tpu.sem_alloc : memref<!tpu.dma_semaphore, #tpu.memory_space<semaphore_mem>>
        %dma_start3A_108 = tpu.memref_slice %arg4[%add3A_60] : memref<320000xi32, #tpu.memory_space<hbm>> -> memref<80xi32, #tpu.memory_space<hbm>>
        %dma_start3A_109 = tpu.memref_slice %arg4[%add3A_60] : memref<320000xi32, #tpu.memory_space<hbm>> -> memref<80xi32, #tpu.memory_space<hbm>>
        tpu.enqueue_dma source(%dma_start3A_109 : memref<80xi32, #tpu.memory_space<hbm>>) target(%arg12 : memref<80xi32, #tpu.memory_space<vmem>>) target_semaphore(%run_scoped3A : memref<!tpu.dma_semaphore, #tpu.memory_space<semaphore_mem>>)
        %dma_wait3A_110 = tpu.memref_slice %arg4[%add3A_60] : memref<320000xi32, #tpu.memory_space<hbm>> -> memref<80xi32, #tpu.memory_space<hbm>>
        %dma_wait3A_111 = tpu.memref_slice %arg4[%add3A_60] : memref<320000xi32, #tpu.memory_space<hbm>> -> memref<80xi32, #tpu.memory_space<hbm>>
        tpu.wait_dma2 semaphore(%run_scoped3A : memref<!tpu.dma_semaphore, #tpu.memory_space<semaphore_mem>>) src(%dma_wait3A_111 : memref<80xi32, #tpu.memory_space<hbm>>) dst(%arg12 : memref<80xi32, #tpu.memory_space<vmem>>)
        tpu.yield
      }) : () -> ()
      %dma_start3A_61 = arith.constant 0 : i32
      %dma_start3A_62 = arith.constant 0 : i32
      %dma_start3A_63 = tpu.memref_slice %arg2[%dma_start3A_61, %dma_start3A_62] : memref<10000x128xf32, #tpu.memory_space<hbm>> -> memref<10000x128xf32, #tpu.memory_space<hbm>>
      tpu.enqueue_indirect_dma source(%dma_start3A_63 : memref<10000x128xf32, #tpu.memory_space<hbm>>) target(%arg16 : memref<80x128xf32, #tpu.memory_space<vmem>>) offsets(%arg8 : memref<80xi32, #tpu.memory_space<vmem>>) semaphore(%arg21 : memref<!tpu.dma_semaphore, #tpu.memory_space<semaphore_mem>>)
      %gt3A_64 = arith.constant 0 : i32
      %gt3A_65 = arith.cmpi sgt, %scan3A_43, %gt3A_64 : i32
      %convert_element_type3A_66 = arith.extui %gt3A_65 : i1 to i32
      %cond3A_67 = arith.constant 0 : i32
      %cond3A_68 = arith.cmpi ne, %convert_element_type3A_66, %cond3A_67 : i32
      scf.if %cond3A_68 {
        %dma_wait3A_108 = arith.constant 0 : i32
        %dma_wait3A_109 = arith.constant 0 : i32
        %dma_wait3A_110 = tpu.memref_slice %arg19[%dma_wait3A_108, %dma_wait3A_109] : memref<10240x128xf32, #tpu.memory_space<vmem_shared>> -> memref<10240x128xf32, #tpu.memory_space<vmem_shared>>
        tpu.wait_indirect_dma semaphore(%arg24 : memref<!tpu.dma_semaphore, #tpu.memory_space<semaphore_mem>>) src(%arg17 : memref<80x128xf32, #tpu.memory_space<vmem>>) dst(%dma_wait3A_110 : memref<10240x128xf32, #tpu.memory_space<vmem_shared>>)
      } else {
      }
      %add3A_69 = arith.constant 160 : i32
      %add3A_70 = arith.addi %add3A_46, %add3A_69 : i32
      "tpu.region"() ({
        %run_scoped3A = tpu.sem_alloc : memref<!tpu.dma_semaphore, #tpu.memory_space<semaphore_mem>>
        %dma_start3A_108 = tpu.memref_slice %arg3[%add3A_70] : memref<320000xi32, #tpu.memory_space<hbm>> -> memref<80xi32, #tpu.memory_space<hbm>>
        %dma_start3A_109 = tpu.memref_slice %arg3[%add3A_70] : memref<320000xi32, #tpu.memory_space<hbm>> -> memref<80xi32, #tpu.memory_space<hbm>>
        tpu.enqueue_dma source(%dma_start3A_109 : memref<80xi32, #tpu.memory_space<hbm>>) target(%arg9 : memref<80xi32, #tpu.memory_space<vmem>>) target_semaphore(%run_scoped3A : memref<!tpu.dma_semaphore, #tpu.memory_space<semaphore_mem>>)
        %dma_wait3A_110 = tpu.memref_slice %arg3[%add3A_70] : memref<320000xi32, #tpu.memory_space<hbm>> -> memref<80xi32, #tpu.memory_space<hbm>>
        %dma_wait3A_111 = tpu.memref_slice %arg3[%add3A_70] : memref<320000xi32, #tpu.memory_space<hbm>> -> memref<80xi32, #tpu.memory_space<hbm>>
        tpu.wait_dma2 semaphore(%run_scoped3A : memref<!tpu.dma_semaphore, #tpu.memory_space<semaphore_mem>>) src(%dma_wait3A_111 : memref<80xi32, #tpu.memory_space<hbm>>) dst(%arg9 : memref<80xi32, #tpu.memory_space<vmem>>)
        tpu.yield
      }) : () -> ()
      "tpu.region"() ({
        %run_scoped3A = tpu.sem_alloc : memref<!tpu.dma_semaphore, #tpu.memory_space<semaphore_mem>>
        %dma_start3A_108 = tpu.memref_slice %arg4[%add3A_70] : memref<320000xi32, #tpu.memory_space<hbm>> -> memref<80xi32, #tpu.memory_space<hbm>>
        %dma_start3A_109 = tpu.memref_slice %arg4[%add3A_70] : memref<320000xi32, #tpu.memory_space<hbm>> -> memref<80xi32, #tpu.memory_space<hbm>>
        tpu.enqueue_dma source(%dma_start3A_109 : memref<80xi32, #tpu.memory_space<hbm>>) target(%arg13 : memref<80xi32, #tpu.memory_space<vmem>>) target_semaphore(%run_scoped3A : memref<!tpu.dma_semaphore, #tpu.memory_space<semaphore_mem>>)
        %dma_wait3A_110 = tpu.memref_slice %arg4[%add3A_70] : memref<320000xi32, #tpu.memory_space<hbm>> -> memref<80xi32, #tpu.memory_space<hbm>>
        %dma_wait3A_111 = tpu.memref_slice %arg4[%add3A_70] : memref<320000xi32, #tpu.memory_space<hbm>> -> memref<80xi32, #tpu.memory_space<hbm>>
        tpu.wait_dma2 semaphore(%run_scoped3A : memref<!tpu.dma_semaphore, #tpu.memory_space<semaphore_mem>>) src(%dma_wait3A_111 : memref<80xi32, #tpu.memory_space<hbm>>) dst(%arg13 : memref<80xi32, #tpu.memory_space<vmem>>)
        tpu.yield
      }) : () -> ()
      %dma_start3A_71 = arith.constant 0 : i32
      %dma_start3A_72 = arith.constant 0 : i32
      %dma_start3A_73 = tpu.memref_slice %arg2[%dma_start3A_71, %dma_start3A_72] : memref<10000x128xf32, #tpu.memory_space<hbm>> -> memref<10000x128xf32, #tpu.memory_space<hbm>>
      tpu.enqueue_indirect_dma source(%dma_start3A_73 : memref<10000x128xf32, #tpu.memory_space<hbm>>) target(%arg17 : memref<80x128xf32, #tpu.memory_space<vmem>>) offsets(%arg9 : memref<80xi32, #tpu.memory_space<vmem>>) semaphore(%arg22 : memref<!tpu.dma_semaphore, #tpu.memory_space<semaphore_mem>>)
      %gt3A_74 = arith.constant 0 : i32
      %gt3A_75 = arith.cmpi sgt, %scan3A_43, %gt3A_74 : i32
      %convert_element_type3A_76 = arith.extui %gt3A_75 : i1 to i32
      %cond3A_77 = arith.constant 0 : i32
      %cond3A_78 = arith.cmpi ne, %convert_element_type3A_76, %cond3A_77 : i32
      scf.if %cond3A_78 {
        %dma_wait3A_108 = arith.constant 0 : i32
        %dma_wait3A_109 = arith.constant 0 : i32
        %dma_wait3A_110 = tpu.memref_slice %arg19[%dma_wait3A_108, %dma_wait3A_109] : memref<10240x128xf32, #tpu.memory_space<vmem_shared>> -> memref<10240x128xf32, #tpu.memory_space<vmem_shared>>
        tpu.wait_indirect_dma semaphore(%arg24 : memref<!tpu.dma_semaphore, #tpu.memory_space<semaphore_mem>>) src(%arg18 : memref<80x128xf32, #tpu.memory_space<vmem>>) dst(%dma_wait3A_110 : memref<10240x128xf32, #tpu.memory_space<vmem_shared>>)
      } else {
      }
      %add3A_79 = arith.constant 240 : i32
      %add3A_80 = arith.addi %add3A_46, %add3A_79 : i32
      "tpu.region"() ({
        %run_scoped3A = tpu.sem_alloc : memref<!tpu.dma_semaphore, #tpu.memory_space<semaphore_mem>>
        %dma_start3A_108 = tpu.memref_slice %arg3[%add3A_80] : memref<320000xi32, #tpu.memory_space<hbm>> -> memref<80xi32, #tpu.memory_space<hbm>>
        %dma_start3A_109 = tpu.memref_slice %arg3[%add3A_80] : memref<320000xi32, #tpu.memory_space<hbm>> -> memref<80xi32, #tpu.memory_space<hbm>>
        tpu.enqueue_dma source(%dma_start3A_109 : memref<80xi32, #tpu.memory_space<hbm>>) target(%arg10 : memref<80xi32, #tpu.memory_space<vmem>>) target_semaphore(%run_scoped3A : memref<!tpu.dma_semaphore, #tpu.memory_space<semaphore_mem>>)
        %dma_wait3A_110 = tpu.memref_slice %arg3[%add3A_80] : memref<320000xi32, #tpu.memory_space<hbm>> -> memref<80xi32, #tpu.memory_space<hbm>>
        %dma_wait3A_111 = tpu.memref_slice %arg3[%add3A_80] : memref<320000xi32, #tpu.memory_space<hbm>> -> memref<80xi32, #tpu.memory_space<hbm>>
        tpu.wait_dma2 semaphore(%run_scoped3A : memref<!tpu.dma_semaphore, #tpu.memory_space<semaphore_mem>>) src(%dma_wait3A_111 : memref<80xi32, #tpu.memory_space<hbm>>) dst(%arg10 : memref<80xi32, #tpu.memory_space<vmem>>)
        tpu.yield
      }) : () -> ()
      "tpu.region"() ({
        %run_scoped3A = tpu.sem_alloc : memref<!tpu.dma_semaphore, #tpu.memory_space<semaphore_mem>>
        %dma_start3A_108 = tpu.memref_slice %arg4[%add3A_80] : memref<320000xi32, #tpu.memory_space<hbm>> -> memref<80xi32, #tpu.memory_space<hbm>>
        %dma_start3A_109 = tpu.memref_slice %arg4[%add3A_80] : memref<320000xi32, #tpu.memory_space<hbm>> -> memref<80xi32, #tpu.memory_space<hbm>>
        tpu.enqueue_dma source(%dma_start3A_109 : memref<80xi32, #tpu.memory_space<hbm>>) target(%arg14 : memref<80xi32, #tpu.memory_space<vmem>>) target_semaphore(%run_scoped3A : memref<!tpu.dma_semaphore, #tpu.memory_space<semaphore_mem>>)
        %dma_wait3A_110 = tpu.memref_slice %arg4[%add3A_80] : memref<320000xi32, #tpu.memory_space<hbm>> -> memref<80xi32, #tpu.memory_space<hbm>>
        %dma_wait3A_111 = tpu.memref_slice %arg4[%add3A_80] : memref<320000xi32, #tpu.memory_space<hbm>> -> memref<80xi32, #tpu.memory_space<hbm>>
        tpu.wait_dma2 semaphore(%run_scoped3A : memref<!tpu.dma_semaphore, #tpu.memory_space<semaphore_mem>>) src(%dma_wait3A_111 : memref<80xi32, #tpu.memory_space<hbm>>) dst(%arg14 : memref<80xi32, #tpu.memory_space<vmem>>)
        tpu.yield
      }) : () -> ()
      %dma_start3A_81 = arith.constant 0 : i32
      %dma_start3A_82 = arith.constant 0 : i32
      %dma_start3A_83 = tpu.memref_slice %arg2[%dma_start3A_81, %dma_start3A_82] : memref<10000x128xf32, #tpu.memory_space<hbm>> -> memref<10000x128xf32, #tpu.memory_space<hbm>>
      tpu.enqueue_indirect_dma source(%dma_start3A_83 : memref<10000x128xf32, #tpu.memory_space<hbm>>) target(%arg18 : memref<80x128xf32, #tpu.memory_space<vmem>>) offsets(%arg10 : memref<80xi32, #tpu.memory_space<vmem>>) semaphore(%arg23 : memref<!tpu.dma_semaphore, #tpu.memory_space<semaphore_mem>>)
      %dma_wait3A_84 = arith.constant 0 : i32
      %dma_wait3A_85 = arith.constant 0 : i32
      %dma_wait3A_86 = tpu.memref_slice %arg2[%dma_wait3A_84, %dma_wait3A_85] : memref<10000x128xf32, #tpu.memory_space<hbm>> -> memref<10000x128xf32, #tpu.memory_space<hbm>>
      tpu.wait_indirect_dma semaphore(%arg20 : memref<!tpu.dma_semaphore, #tpu.memory_space<semaphore_mem>>) src(%dma_wait3A_86 : memref<10000x128xf32, #tpu.memory_space<hbm>>) dst(%arg15 : memref<80x128xf32, #tpu.memory_space<vmem>>)
      %dma_start3A_87 = arith.constant 0 : i32
      %dma_start3A_88 = arith.constant 0 : i32
      %dma_start3A_89 = tpu.memref_slice %arg19[%dma_start3A_87, %dma_start3A_88] : memref<10240x128xf32, #tpu.memory_space<vmem_shared>> -> memref<10240x128xf32, #tpu.memory_space<vmem_shared>>
      tpu.enqueue_indirect_dma source(%arg15 : memref<80x128xf32, #tpu.memory_space<vmem>>) target(%dma_start3A_89 : memref<10240x128xf32, #tpu.memory_space<vmem_shared>>) offsets(%arg11 : memref<80xi32, #tpu.memory_space<vmem>>) semaphore(%arg24 : memref<!tpu.dma_semaphore, #tpu.memory_space<semaphore_mem>>) {add = true}
      %dma_wait3A_90 = arith.constant 0 : i32
      %dma_wait3A_91 = arith.constant 0 : i32
      %dma_wait3A_92 = tpu.memref_slice %arg2[%dma_wait3A_90, %dma_wait3A_91] : memref<10000x128xf32, #tpu.memory_space<hbm>> -> memref<10000x128xf32, #tpu.memory_space<hbm>>
      tpu.wait_indirect_dma semaphore(%arg21 : memref<!tpu.dma_semaphore, #tpu.memory_space<semaphore_mem>>) src(%dma_wait3A_92 : memref<10000x128xf32, #tpu.memory_space<hbm>>) dst(%arg16 : memref<80x128xf32, #tpu.memory_space<vmem>>)
      %dma_start3A_93 = arith.constant 0 : i32
      %dma_start3A_94 = arith.constant 0 : i32
      %dma_start3A_95 = tpu.memref_slice %arg19[%dma_start3A_93, %dma_start3A_94] : memref<10240x128xf32, #tpu.memory_space<vmem_shared>> -> memref<10240x128xf32, #tpu.memory_space<vmem_shared>>
      tpu.enqueue_indirect_dma source(%arg16 : memref<80x128xf32, #tpu.memory_space<vmem>>) target(%dma_start3A_95 : memref<10240x128xf32, #tpu.memory_space<vmem_shared>>) offsets(%arg12 : memref<80xi32, #tpu.memory_space<vmem>>) semaphore(%arg24 : memref<!tpu.dma_semaphore, #tpu.memory_space<semaphore_mem>>) {add = true}
      %dma_wait3A_96 = arith.constant 0 : i32
      %dma_wait3A_97 = arith.constant 0 : i32
      %dma_wait3A_98 = tpu.memref_slice %arg2[%dma_wait3A_96, %dma_wait3A_97] : memref<10000x128xf32, #tpu.memory_space<hbm>> -> memref<10000x128xf32, #tpu.memory_space<hbm>>
      tpu.wait_indirect_dma semaphore(%arg22 : memref<!tpu.dma_semaphore, #tpu.memory_space<semaphore_mem>>) src(%dma_wait3A_98 : memref<10000x128xf32, #tpu.memory_space<hbm>>) dst(%arg17 : memref<80x128xf32, #tpu.memory_space<vmem>>)
      %dma_start3A_99 = arith.constant 0 : i32
      %dma_start3A_100 = arith.constant 0 : i32
      %dma_start3A_101 = tpu.memref_slice %arg19[%dma_start3A_99, %dma_start3A_100] : memref<10240x128xf32, #tpu.memory_space<vmem_shared>> -> memref<10240x128xf32, #tpu.memory_space<vmem_shared>>
      tpu.enqueue_indirect_dma source(%arg17 : memref<80x128xf32, #tpu.memory_space<vmem>>) target(%dma_start3A_101 : memref<10240x128xf32, #tpu.memory_space<vmem_shared>>) offsets(%arg13 : memref<80xi32, #tpu.memory_space<vmem>>) semaphore(%arg24 : memref<!tpu.dma_semaphore, #tpu.memory_space<semaphore_mem>>) {add = true}
      %dma_wait3A_102 = arith.constant 0 : i32
      %dma_wait3A_103 = arith.constant 0 : i32
      %dma_wait3A_104 = tpu.memref_slice %arg2[%dma_wait3A_102, %dma_wait3A_103] : memref<10000x128xf32, #tpu.memory_space<hbm>> -> memref<10000x128xf32, #tpu.memory_space<hbm>>
      tpu.wait_indirect_dma semaphore(%arg23 : memref<!tpu.dma_semaphore, #tpu.memory_space<semaphore_mem>>) src(%dma_wait3A_104 : memref<10000x128xf32, #tpu.memory_space<hbm>>) dst(%arg18 : memref<80x128xf32, #tpu.memory_space<vmem>>)
      %dma_start3A_105 = arith.constant 0 : i32
      %dma_start3A_106 = arith.constant 0 : i32
      %dma_start3A_107 = tpu.memref_slice %arg19[%dma_start3A_105, %dma_start3A_106] : memref<10240x128xf32, #tpu.memory_space<vmem_shared>> -> memref<10240x128xf32, #tpu.memory_space<vmem_shared>>
      tpu.enqueue_indirect_dma source(%arg18 : memref<80x128xf32, #tpu.memory_space<vmem>>) target(%dma_start3A_107 : memref<10240x128xf32, #tpu.memory_space<vmem_shared>>) offsets(%arg14 : memref<80xi32, #tpu.memory_space<vmem>>) semaphore(%arg24 : memref<!tpu.dma_semaphore, #tpu.memory_space<semaphore_mem>>) {add = true}
    }
    %scan3A_11 = arith.constant 31 : i32
    %dma_wait3A = arith.constant 0 : i32
    %dma_wait3A_12 = arith.constant 0 : i32
    %dma_wait3A_13 = tpu.memref_slice %arg19[%dma_wait3A, %dma_wait3A_12] : memref<10240x128xf32, #tpu.memory_space<vmem_shared>> -> memref<10240x128xf32, #tpu.memory_space<vmem_shared>>
    tpu.wait_indirect_dma semaphore(%arg24 : memref<!tpu.dma_semaphore, #tpu.memory_space<semaphore_mem>>) src(%arg15 : memref<80x128xf32, #tpu.memory_space<vmem>>) dst(%dma_wait3A_13 : memref<10240x128xf32, #tpu.memory_space<vmem_shared>>)
    %dma_wait3A_14 = arith.constant 0 : i32
    %dma_wait3A_15 = arith.constant 0 : i32
    %dma_wait3A_16 = tpu.memref_slice %arg19[%dma_wait3A_14, %dma_wait3A_15] : memref<10240x128xf32, #tpu.memory_space<vmem_shared>> -> memref<10240x128xf32, #tpu.memory_space<vmem_shared>>
    tpu.wait_indirect_dma semaphore(%arg24 : memref<!tpu.dma_semaphore, #tpu.memory_space<semaphore_mem>>) src(%arg16 : memref<80x128xf32, #tpu.memory_space<vmem>>) dst(%dma_wait3A_16 : memref<10240x128xf32, #tpu.memory_space<vmem_shared>>)
    %dma_wait3A_17 = arith.constant 0 : i32
    %dma_wait3A_18 = arith.constant 0 : i32
    %dma_wait3A_19 = tpu.memref_slice %arg19[%dma_wait3A_17, %dma_wait3A_18] : memref<10240x128xf32, #tpu.memory_space<vmem_shared>> -> memref<10240x128xf32, #tpu.memory_space<vmem_shared>>
    tpu.wait_indirect_dma semaphore(%arg24 : memref<!tpu.dma_semaphore, #tpu.memory_space<semaphore_mem>>) src(%arg17 : memref<80x128xf32, #tpu.memory_space<vmem>>) dst(%dma_wait3A_19 : memref<10240x128xf32, #tpu.memory_space<vmem_shared>>)
    %dma_wait3A_20 = arith.constant 0 : i32
    %dma_wait3A_21 = arith.constant 0 : i32
    %dma_wait3A_22 = tpu.memref_slice %arg19[%dma_wait3A_20, %dma_wait3A_21] : memref<10240x128xf32, #tpu.memory_space<vmem_shared>> -> memref<10240x128xf32, #tpu.memory_space<vmem_shared>>
    tpu.wait_indirect_dma semaphore(%arg24 : memref<!tpu.dma_semaphore, #tpu.memory_space<semaphore_mem>>) src(%arg18 : memref<80x128xf32, #tpu.memory_space<vmem>>) dst(%dma_wait3A_22 : memref<10240x128xf32, #tpu.memory_space<vmem_shared>>)
    %add3A_23 = arith.constant 9920 : i32
    %add3A_24 = arith.addi %mul3A_6, %add3A_23 : i32
    %add3A_25 = arith.constant 0 : i32
    %add3A_26 = arith.addi %add3A_24, %add3A_25 : i32
    "tpu.region"() ({
      %run_scoped3A = tpu.sem_alloc : memref<!tpu.dma_semaphore, #tpu.memory_space<semaphore_mem>>
      %dma_start3A_43 = tpu.memref_slice %arg3[%add3A_26] : memref<320000xi32, #tpu.memory_space<hbm>> -> memref<80xi32, #tpu.memory_space<hbm>>
      %dma_start3A_44 = tpu.memref_slice %arg3[%add3A_26] : memref<320000xi32, #tpu.memory_space<hbm>> -> memref<80xi32, #tpu.memory_space<hbm>>
      tpu.enqueue_dma source(%dma_start3A_44 : memref<80xi32, #tpu.memory_space<hbm>>) target(%arg7 : memref<80xi32, #tpu.memory_space<vmem>>) target_semaphore(%run_scoped3A : memref<!tpu.dma_semaphore, #tpu.memory_space<semaphore_mem>>)
      %dma_wait3A_45 = tpu.memref_slice %arg3[%add3A_26] : memref<320000xi32, #tpu.memory_space<hbm>> -> memref<80xi32, #tpu.memory_space<hbm>>
      %dma_wait3A_46 = tpu.memref_slice %arg3[%add3A_26] : memref<320000xi32, #tpu.memory_space<hbm>> -> memref<80xi32, #tpu.memory_space<hbm>>
      tpu.wait_dma2 semaphore(%run_scoped3A : memref<!tpu.dma_semaphore, #tpu.memory_space<semaphore_mem>>) src(%dma_wait3A_46 : memref<80xi32, #tpu.memory_space<hbm>>) dst(%arg7 : memref<80xi32, #tpu.memory_space<vmem>>)
      tpu.yield
    }) : () -> ()
    "tpu.region"() ({
      %run_scoped3A = tpu.sem_alloc : memref<!tpu.dma_semaphore, #tpu.memory_space<semaphore_mem>>
      %dma_start3A_43 = tpu.memref_slice %arg4[%add3A_26] : memref<320000xi32, #tpu.memory_space<hbm>> -> memref<80xi32, #tpu.memory_space<hbm>>
      %dma_start3A_44 = tpu.memref_slice %arg4[%add3A_26] : memref<320000xi32, #tpu.memory_space<hbm>> -> memref<80xi32, #tpu.memory_space<hbm>>
      tpu.enqueue_dma source(%dma_start3A_44 : memref<80xi32, #tpu.memory_space<hbm>>) target(%arg11 : memref<80xi32, #tpu.memory_space<vmem>>) target_semaphore(%run_scoped3A : memref<!tpu.dma_semaphore, #tpu.memory_space<semaphore_mem>>)
      %dma_wait3A_45 = tpu.memref_slice %arg4[%add3A_26] : memref<320000xi32, #tpu.memory_space<hbm>> -> memref<80xi32, #tpu.memory_space<hbm>>
      %dma_wait3A_46 = tpu.memref_slice %arg4[%add3A_26] : memref<320000xi32, #tpu.memory_space<hbm>> -> memref<80xi32, #tpu.memory_space<hbm>>
      tpu.wait_dma2 semaphore(%run_scoped3A : memref<!tpu.dma_semaphore, #tpu.memory_space<semaphore_mem>>) src(%dma_wait3A_46 : memref<80xi32, #tpu.memory_space<hbm>>) dst(%arg11 : memref<80xi32, #tpu.memory_space<vmem>>)
      tpu.yield
    }) : () -> ()
    %dma_start3A = arith.constant 0 : i32
    %dma_start3A_27 = arith.constant 0 : i32
    %dma_start3A_28 = tpu.memref_slice %arg2[%dma_start3A, %dma_start3A_27] : memref<10000x128xf32, #tpu.memory_space<hbm>> -> memref<10000x128xf32, #tpu.memory_space<hbm>>
    tpu.enqueue_indirect_dma source(%dma_start3A_28 : memref<10000x128xf32, #tpu.memory_space<hbm>>) target(%arg15 : memref<80x128xf32, #tpu.memory_space<vmem>>) offsets(%arg7 : memref<80xi32, #tpu.memory_space<vmem>>) semaphore(%arg20 : memref<!tpu.dma_semaphore, #tpu.memory_space<semaphore_mem>>)
    %dma_wait3A_29 = arith.constant 0 : i32
    %dma_wait3A_30 = arith.constant 0 : i32
    %dma_wait3A_31 = tpu.memref_slice %arg2[%dma_wait3A_29, %dma_wait3A_30] : memref<10000x128xf32, #tpu.memory_space<hbm>> -> memref<10000x128xf32, #tpu.memory_space<hbm>>
    tpu.wait_indirect_dma semaphore(%arg20 : memref<!tpu.dma_semaphore, #tpu.memory_space<semaphore_mem>>) src(%dma_wait3A_31 : memref<10000x128xf32, #tpu.memory_space<hbm>>) dst(%arg15 : memref<80x128xf32, #tpu.memory_space<vmem>>)
    %dma_start3A_32 = arith.constant 0 : i32
    %dma_start3A_33 = arith.constant 0 : i32
    %dma_start3A_34 = tpu.memref_slice %arg19[%dma_start3A_32, %dma_start3A_33] : memref<10240x128xf32, #tpu.memory_space<vmem_shared>> -> memref<10240x128xf32, #tpu.memory_space<vmem_shared>>
    tpu.enqueue_indirect_dma source(%arg15 : memref<80x128xf32, #tpu.memory_space<vmem>>) target(%dma_start3A_34 : memref<10240x128xf32, #tpu.memory_space<vmem_shared>>) offsets(%arg11 : memref<80xi32, #tpu.memory_space<vmem>>) semaphore(%arg24 : memref<!tpu.dma_semaphore, #tpu.memory_space<semaphore_mem>>) {add = true}
    %dma_wait3A_35 = arith.constant 0 : i32
    %dma_wait3A_36 = arith.constant 0 : i32
    %dma_wait3A_37 = tpu.memref_slice %arg19[%dma_wait3A_35, %dma_wait3A_36] : memref<10240x128xf32, #tpu.memory_space<vmem_shared>> -> memref<10240x128xf32, #tpu.memory_space<vmem_shared>>
    tpu.wait_indirect_dma semaphore(%arg24 : memref<!tpu.dma_semaphore, #tpu.memory_space<semaphore_mem>>) src(%arg15 : memref<80x128xf32, #tpu.memory_space<vmem>>) dst(%dma_wait3A_37 : memref<10240x128xf32, #tpu.memory_space<vmem_shared>>)
    %barrier3A_38 = arith.constant 0 : index
    tpu.barrier barrier_id(%barrier3A_38)
    %mul3A_39 = arith.constant 640 : i32
    %mul3A_40 = arith.muli %arg1, %mul3A_39 : i32
    %mul3A_41 = arith.constant 640 : i32
    %mul3A_42 = arith.muli %arg1, %mul3A_41 : i32
    "tpu.region"() ({
      %run_scoped3A = tpu.sem_alloc : memref<!tpu.dma_semaphore, #tpu.memory_space<semaphore_mem>>
      %dma_start3A_43 = arith.constant 0 : i32
      %dma_start3A_44 = tpu.memref_slice %arg6[%arg0, %mul3A_42, %dma_start3A_43] : memref<2x10240x128xf32, #tpu.memory_space<hbm>> -> memref<1x640x128xf32, #tpu.memory_space<hbm>>
      %dma_start3A_45 = tpu.memref_squeeze %dma_start3A_44 : memref<1x640x128xf32, #tpu.memory_space<hbm>> -> memref<640x128xf32, #tpu.memory_space<hbm>>
      %dma_start3A_46 = arith.constant 0 : i32
      %dma_start3A_47 = tpu.memref_slice %arg19[%mul3A_40, %dma_start3A_46] : memref<10240x128xf32, #tpu.memory_space<vmem_shared>> -> memref<640x128xf32, #tpu.memory_space<vmem_shared>>
      tpu.enqueue_dma source(%dma_start3A_47 : memref<640x128xf32, #tpu.memory_space<vmem_shared>>) target(%dma_start3A_45 : memref<640x128xf32, #tpu.memory_space<hbm>>) target_semaphore(%run_scoped3A : memref<!tpu.dma_semaphore, #tpu.memory_space<semaphore_mem>>)
      %dma_wait3A_48 = arith.constant 0 : i32
      %dma_wait3A_49 = tpu.memref_slice %arg6[%arg0, %mul3A_42, %dma_wait3A_48] : memref<2x10240x128xf32, #tpu.memory_space<hbm>> -> memref<1x640x128xf32, #tpu.memory_space<hbm>>
      %dma_wait3A_50 = tpu.memref_squeeze %dma_wait3A_49 : memref<1x640x128xf32, #tpu.memory_space<hbm>> -> memref<640x128xf32, #tpu.memory_space<hbm>>
      %dma_wait3A_51 = arith.constant 0 : i32
      %dma_wait3A_52 = tpu.memref_slice %arg19[%mul3A_40, %dma_wait3A_51] : memref<10240x128xf32, #tpu.memory_space<vmem_shared>> -> memref<640x128xf32, #tpu.memory_space<vmem_shared>>
      tpu.wait_dma2 semaphore(%run_scoped3A : memref<!tpu.dma_semaphore, #tpu.memory_space<semaphore_mem>>) src(%dma_wait3A_52 : memref<640x128xf32, #tpu.memory_space<vmem_shared>>) dst(%dma_wait3A_50 : memref<640x128xf32, #tpu.memory_space<hbm>>)
      tpu.yield
    }) : () -> ()
    return
  }
}

#map = affine_map<(d0, d1) -> (0, 0)>
#map1 = affine_map<(d0, d1) -> (0)>
#map2 = affine_map<(d0, d1) -> (0, 0, 0)>
module attributes {stable_mosaic.version = 14 : i64} {
  func.func @segsum(%arg0: i32, %arg1: i32, %arg2: memref<10000x128xf32, #tpu.memory_space<hbm>>, %arg3: memref<320000xi32, #tpu.memory_space<hbm>>, %arg4: memref<320000xi32, #tpu.memory_space<hbm>>, %arg5: memref<10240x128xf32, #tpu.memory_space<hbm>>, %arg6: memref<128x128xf32, #tpu.memory_space<hbm>>, %arg7: memref<2x10240x128xf32, #tpu.memory_space<hbm>>, %arg8: memref<2x80x128xf32, #tpu.memory_space<hbm>>, %arg9: memref<80xi32, #tpu.memory_space<vmem>>, %arg10: memref<80xi32, #tpu.memory_space<vmem>>, %arg11: memref<80xi32, #tpu.memory_space<vmem>>, %arg12: memref<80xi32, #tpu.memory_space<vmem>>, %arg13: memref<80x128xf32, #tpu.memory_space<vmem>>, %arg14: memref<80x128xf32, #tpu.memory_space<vmem>>, %arg15: memref<10240x128xf32, #tpu.memory_space<vmem_shared>>, %arg16: memref<!tpu.dma_semaphore, #tpu.memory_space<semaphore_mem>>, %arg17: memref<!tpu.dma_semaphore, #tpu.memory_space<semaphore_mem>>, %arg18: memref<!tpu.dma_semaphore, #tpu.memory_space<semaphore_mem>>, %arg19: memref<80xi32, #tpu.memory_space<vmem>>, %arg20: memref<80xi32, #tpu.memory_space<vmem>>, %arg21: memref<80xi32, #tpu.memory_space<vmem>>, %arg22: memref<80xi32, #tpu.memory_space<vmem>>, %arg23: memref<80x128xf32, #tpu.memory_space<vmem>>, %arg24: memref<80x128xf32, #tpu.memory_space<vmem>>, %arg25: memref<80x128xf32, #tpu.memory_space<vmem_shared>>, %arg26: memref<!tpu.dma_semaphore, #tpu.memory_space<semaphore_mem>>, %arg27: memref<!tpu.dma_semaphore, #tpu.memory_space<semaphore_mem>>, %arg28: memref<!tpu.dma_semaphore, #tpu.memory_space<semaphore_mem>>) attributes {dimension_semantics = [#tpu.dimension_semantics<core_parallel>, #tpu.dimension_semantics<subcore_parallel>], iteration_bounds = array<i64: 2, 16>, scalar_prefetch = 0 : i64, scratch_operands = 20 : i64, tpu.core_type = #tpu.core_type<sc_vector_subcore>, window_params = [{transform_indices = #map}, {transform_indices = #map1}, {transform_indices = #map1}, {transform_indices = #map}, {transform_indices = #map}, {transform_indices = #map2}, {transform_indices = #map2}]} {
    %mul3A = arith.constant 16 : i32
    %mul3A_0 = arith.muli %arg0, %mul3A : i32
    %add3A = arith.addi %mul3A_0, %arg1 : i32
    %mul3A_1 = arith.constant 640 : i32
    %mul3A_2 = arith.muli %arg1, %mul3A_1 : i32
    %mul3A_3 = arith.constant 640 : i32
    %mul3A_4 = arith.muli %arg1, %mul3A_3 : i32
    "tpu.region"() ({
      %run_scoped3A = tpu.sem_alloc : memref<!tpu.dma_semaphore, #tpu.memory_space<semaphore_mem>>
      %dma_start3A_143 = arith.constant 0 : i32
      %dma_start3A_144 = tpu.memref_slice %arg15[%mul3A_4, %dma_start3A_143] : memref<10240x128xf32, #tpu.memory_space<vmem_shared>> -> memref<640x128xf32, #tpu.memory_space<vmem_shared>>
      %dma_start3A_145 = arith.constant 0 : i32
      %dma_start3A_146 = tpu.memref_slice %arg5[%mul3A_2, %dma_start3A_145] : memref<10240x128xf32, #tpu.memory_space<hbm>> -> memref<640x128xf32, #tpu.memory_space<hbm>>
      tpu.enqueue_dma source(%dma_start3A_146 : memref<640x128xf32, #tpu.memory_space<hbm>>) target(%dma_start3A_144 : memref<640x128xf32, #tpu.memory_space<vmem_shared>>) target_semaphore(%run_scoped3A : memref<!tpu.dma_semaphore, #tpu.memory_space<semaphore_mem>>)
      %dma_wait3A_147 = arith.constant 0 : i32
      %dma_wait3A_148 = tpu.memref_slice %arg15[%mul3A_4, %dma_wait3A_147] : memref<10240x128xf32, #tpu.memory_space<vmem_shared>> -> memref<640x128xf32, #tpu.memory_space<vmem_shared>>
      %dma_wait3A_149 = arith.constant 0 : i32
      %dma_wait3A_150 = tpu.memref_slice %arg5[%mul3A_2, %dma_wait3A_149] : memref<10240x128xf32, #tpu.memory_space<hbm>> -> memref<640x128xf32, #tpu.memory_space<hbm>>
      tpu.wait_dma2 semaphore(%run_scoped3A : memref<!tpu.dma_semaphore, #tpu.memory_space<semaphore_mem>>) src(%dma_wait3A_150 : memref<640x128xf32, #tpu.memory_space<hbm>>) dst(%dma_wait3A_148 : memref<640x128xf32, #tpu.memory_space<vmem_shared>>)
      tpu.yield
    }) : () -> ()
    %eq3A = arith.constant 0 : i32
    %eq3A_5 = arith.cmpi eq, %arg1, %eq3A : i32
    %convert_element_type3A = arith.extui %eq3A_5 : i1 to i32
    %cond3A = arith.constant 0 : i32
    %cond3A_6 = arith.cmpi ne, %convert_element_type3A, %cond3A : i32
    scf.if %cond3A_6 {
      "tpu.region"() ({
        %run_scoped3A = tpu.sem_alloc : memref<!tpu.dma_semaphore, #tpu.memory_space<semaphore_mem>>
        %dma_start3A_143 = arith.constant 0 : i32
        %dma_start3A_144 = arith.constant 0 : i32
        %dma_start3A_145 = tpu.memref_slice %arg5[%dma_start3A_143, %dma_start3A_144] : memref<10240x128xf32, #tpu.memory_space<hbm>> -> memref<80x128xf32, #tpu.memory_space<hbm>>
        tpu.enqueue_dma source(%dma_start3A_145 : memref<80x128xf32, #tpu.memory_space<hbm>>) target(%arg25 : memref<80x128xf32, #tpu.memory_space<vmem_shared>>) target_semaphore(%run_scoped3A : memref<!tpu.dma_semaphore, #tpu.memory_space<semaphore_mem>>)
        %dma_wait3A_146 = arith.constant 0 : i32
        %dma_wait3A_147 = arith.constant 0 : i32
        %dma_wait3A_148 = tpu.memref_slice %arg5[%dma_wait3A_146, %dma_wait3A_147] : memref<10240x128xf32, #tpu.memory_space<hbm>> -> memref<80x128xf32, #tpu.memory_space<hbm>>
        tpu.wait_dma2 semaphore(%run_scoped3A : memref<!tpu.dma_semaphore, #tpu.memory_space<semaphore_mem>>) src(%dma_wait3A_148 : memref<80x128xf32, #tpu.memory_space<hbm>>) dst(%arg25 : memref<80x128xf32, #tpu.memory_space<vmem_shared>>)
        tpu.yield
      }) : () -> ()
    } else {
    }
    %barrier3A = arith.constant 0 : index
    tpu.barrier barrier_id(%barrier3A)
    %mul3A_7 = arith.constant 10000 : i32
    %mul3A_8 = arith.muli %add3A, %mul3A_7 : i32
    %scan3A = arith.constant 0 : i32
    %scan3A_9 = arith.constant 0 : i32
    %scan3A_10 = arith.constant 62 : i32
    %scan3A_11 = arith.addi %scan3A_9, %scan3A_10 : i32
    %scan3A_12 = arith.constant 1 : i32
    scf.for %scan3A_143 = %scan3A_9 to %scan3A_11 step %scan3A_12  : i32 {
      %mul3A_144 = arith.constant 160 : i32
      %mul3A_145 = arith.muli %scan3A_143, %mul3A_144 : i32
      %add3A_146 = arith.addi %mul3A_8, %mul3A_145 : i32
      %gt3A = arith.constant 0 : i32
      %gt3A_147 = arith.cmpi sgt, %scan3A_143, %gt3A : i32
      %convert_element_type3A_148 = arith.extui %gt3A_147 : i1 to i32
      %cond3A_149 = arith.constant 0 : i32
      %cond3A_150 = arith.cmpi ne, %convert_element_type3A_148, %cond3A_149 : i32
      scf.if %cond3A_150 {
        %dma_wait3A_366 = arith.constant 0 : i32
        %dma_wait3A_367 = arith.constant 0 : i32
        %dma_wait3A_368 = tpu.memref_slice %arg15[%dma_wait3A_366, %dma_wait3A_367] : memref<10240x128xf32, #tpu.memory_space<vmem_shared>> -> memref<10240x128xf32, #tpu.memory_space<vmem_shared>>
        tpu.wait_indirect_dma semaphore(%arg18 : memref<!tpu.dma_semaphore, #tpu.memory_space<semaphore_mem>>) src(%arg13 : memref<80x128xf32, #tpu.memory_space<vmem>>) dst(%dma_wait3A_368 : memref<10240x128xf32, #tpu.memory_space<vmem_shared>>)
        %dma_wait3A_369 = arith.constant 0 : i32
        %dma_wait3A_370 = arith.constant 0 : i32
        %dma_wait3A_371 = tpu.memref_slice %arg25[%dma_wait3A_369, %dma_wait3A_370] : memref<80x128xf32, #tpu.memory_space<vmem_shared>> -> memref<80x128xf32, #tpu.memory_space<vmem_shared>>
        tpu.wait_indirect_dma semaphore(%arg28 : memref<!tpu.dma_semaphore, #tpu.memory_space<semaphore_mem>>) src(%arg23 : memref<80x128xf32, #tpu.memory_space<vmem>>) dst(%dma_wait3A_371 : memref<80x128xf32, #tpu.memory_space<vmem_shared>>)
      } else {
      }
      %add3A_151 = arith.constant 0 : i32
      %add3A_152 = arith.addi %add3A_146, %add3A_151 : i32
      "tpu.region"() ({
        %run_scoped3A = tpu.sem_alloc : memref<!tpu.dma_semaphore, #tpu.memory_space<semaphore_mem>>
        %dma_start3A_366 = tpu.memref_slice %arg3[%add3A_152] : memref<320000xi32, #tpu.memory_space<hbm>> -> memref<80xi32, #tpu.memory_space<hbm>>
        %dma_start3A_367 = tpu.memref_slice %arg3[%add3A_152] : memref<320000xi32, #tpu.memory_space<hbm>> -> memref<80xi32, #tpu.memory_space<hbm>>
        tpu.enqueue_dma source(%dma_start3A_367 : memref<80xi32, #tpu.memory_space<hbm>>) target(%arg9 : memref<80xi32, #tpu.memory_space<vmem>>) target_semaphore(%run_scoped3A : memref<!tpu.dma_semaphore, #tpu.memory_space<semaphore_mem>>)
        %dma_wait3A_368 = tpu.memref_slice %arg3[%add3A_152] : memref<320000xi32, #tpu.memory_space<hbm>> -> memref<80xi32, #tpu.memory_space<hbm>>
        %dma_wait3A_369 = tpu.memref_slice %arg3[%add3A_152] : memref<320000xi32, #tpu.memory_space<hbm>> -> memref<80xi32, #tpu.memory_space<hbm>>
        tpu.wait_dma2 semaphore(%run_scoped3A : memref<!tpu.dma_semaphore, #tpu.memory_space<semaphore_mem>>) src(%dma_wait3A_369 : memref<80xi32, #tpu.memory_space<hbm>>) dst(%arg9 : memref<80xi32, #tpu.memory_space<vmem>>)
        tpu.yield
      }) : () -> ()
      "tpu.region"() ({
        %run_scoped3A = tpu.sem_alloc : memref<!tpu.dma_semaphore, #tpu.memory_space<semaphore_mem>>
        %dma_start3A_366 = tpu.memref_slice %arg4[%add3A_152] : memref<320000xi32, #tpu.memory_space<hbm>> -> memref<80xi32, #tpu.memory_space<hbm>>
        %dma_start3A_367 = tpu.memref_slice %arg4[%add3A_152] : memref<320000xi32, #tpu.memory_space<hbm>> -> memref<80xi32, #tpu.memory_space<hbm>>
        tpu.enqueue_dma source(%dma_start3A_367 : memref<80xi32, #tpu.memory_space<hbm>>) target(%arg11 : memref<80xi32, #tpu.memory_space<vmem>>) target_semaphore(%run_scoped3A : memref<!tpu.dma_semaphore, #tpu.memory_space<semaphore_mem>>)
        %dma_wait3A_368 = tpu.memref_slice %arg4[%add3A_152] : memref<320000xi32, #tpu.memory_space<hbm>> -> memref<80xi32, #tpu.memory_space<hbm>>
        %dma_wait3A_369 = tpu.memref_slice %arg4[%add3A_152] : memref<320000xi32, #tpu.memory_space<hbm>> -> memref<80xi32, #tpu.memory_space<hbm>>
        tpu.wait_dma2 semaphore(%run_scoped3A : memref<!tpu.dma_semaphore, #tpu.memory_space<semaphore_mem>>) src(%dma_wait3A_369 : memref<80xi32, #tpu.memory_space<hbm>>) dst(%arg11 : memref<80xi32, #tpu.memory_space<vmem>>)
        tpu.yield
      }) : () -> ()
      %dma_start3A_153 = arith.constant 0 : i32
      %dma_start3A_154 = arith.constant 0 : i32
      %dma_start3A_155 = tpu.memref_slice %arg2[%dma_start3A_153, %dma_start3A_154] : memref<10000x128xf32, #tpu.memory_space<hbm>> -> memref<10000x128xf32, #tpu.memory_space<hbm>>
      tpu.enqueue_indirect_dma source(%dma_start3A_155 : memref<10000x128xf32, #tpu.memory_space<hbm>>) target(%arg13 : memref<80x128xf32, #tpu.memory_space<vmem>>) offsets(%arg9 : memref<80xi32, #tpu.memory_space<vmem>>) semaphore(%arg16 : memref<!tpu.dma_semaphore, #tpu.memory_space<semaphore_mem>>)
      %get3A_156 = arith.constant 0 : index
      %get3A_157 = tpu.vector_load %arg11[%get3A_156] {strides = array<i32>} : memref<80xi32, #tpu.memory_space<vmem>>, vector<16xi32>,
      %get3A_158 = vector.shape_cast %get3A_157 : vector<16xi32> to vector<16xi32>
      %shift_right_logical3A_159 = arith.constant 7 : i32
      %shift_right_logical3A_160 = vector.broadcast %shift_right_logical3A_159 : i32 to vector<16xi32>
      %shift_right_logical3A_161 = arith.shrui %get3A_158, %shift_right_logical3A_160 : vector<16xi32>
      %swap3A_162 = arith.constant 0 : index
      %swap3A_163 = tpu.vector_load %arg19[%swap3A_162] {strides = array<i32>} : memref<80xi32, #tpu.memory_space<vmem>>, vector<16xi32>,
      %swap3A_164 = vector.shape_cast %swap3A_163 : vector<16xi32> to vector<16xi32>
      %swap3A_165 = vector.shape_cast %shift_right_logical3A_161 : vector<16xi32> to vector<16xi32>
      tpu.vector_store %arg19[%swap3A_162], %swap3A_165 {strides = array<i32>} : memref<80xi32, #tpu.memory_space<vmem>>, vector<16xi32>,
      %and3A_166 = arith.constant 127 : i32
      %and3A_167 = vector.broadcast %and3A_166 : i32 to vector<16xi32>
      %and3A_168 = arith.andi %get3A_158, %and3A_167 : vector<16xi32>
      %swap3A_169 = arith.constant 0 : index
      %swap3A_170 = tpu.vector_load %arg21[%swap3A_169] {strides = array<i32>} : memref<80xi32, #tpu.memory_space<vmem>>, vector<16xi32>,
      %swap3A_171 = vector.shape_cast %swap3A_170 : vector<16xi32> to vector<16xi32>
      %swap3A_172 = vector.shape_cast %and3A_168 : vector<16xi32> to vector<16xi32>
      tpu.vector_store %arg21[%swap3A_169], %swap3A_172 {strides = array<i32>} : memref<80xi32, #tpu.memory_space<vmem>>, vector<16xi32>,
      %get3A_173 = arith.constant 16 : index
      %get3A_174 = tpu.vector_load %arg11[%get3A_173] {strides = array<i32>} : memref<80xi32, #tpu.memory_space<vmem>>, vector<16xi32>,
      %get3A_175 = vector.shape_cast %get3A_174 : vector<16xi32> to vector<16xi32>
      %shift_right_logical3A_176 = arith.constant 7 : i32
      %shift_right_logical3A_177 = vector.broadcast %shift_right_logical3A_176 : i32 to vector<16xi32>
      %shift_right_logical3A_178 = arith.shrui %get3A_175, %shift_right_logical3A_177 : vector<16xi32>
      %swap3A_179 = arith.constant 16 : index
      %swap3A_180 = tpu.vector_load %arg19[%swap3A_179] {strides = array<i32>} : memref<80xi32, #tpu.memory_space<vmem>>, vector<16xi32>,
      %swap3A_181 = vector.shape_cast %swap3A_180 : vector<16xi32> to vector<16xi32>
      %swap3A_182 = vector.shape_cast %shift_right_logical3A_178 : vector<16xi32> to vector<16xi32>
      tpu.vector_store %arg19[%swap3A_179], %swap3A_182 {strides = array<i32>} : memref<80xi32, #tpu.memory_space<vmem>>, vector<16xi32>,
      %and3A_183 = arith.constant 127 : i32
      %and3A_184 = vector.broadcast %and3A_183 : i32 to vector<16xi32>
      %and3A_185 = arith.andi %get3A_175, %and3A_184 : vector<16xi32>
      %swap3A_186 = arith.constant 16 : index
      %swap3A_187 = tpu.vector_load %arg21[%swap3A_186] {strides = array<i32>} : memref<80xi32, #tpu.memory_space<vmem>>, vector<16xi32>,
      %swap3A_188 = vector.shape_cast %swap3A_187 : vector<16xi32> to vector<16xi32>
      %swap3A_189 = vector.shape_cast %and3A_185 : vector<16xi32> to vector<16xi32>
      tpu.vector_store %arg21[%swap3A_186], %swap3A_189 {strides = array<i32>} : memref<80xi32, #tpu.memory_space<vmem>>, vector<16xi32>,
      %get3A_190 = arith.constant 32 : index
      %get3A_191 = tpu.vector_load %arg11[%get3A_190] {strides = array<i32>} : memref<80xi32, #tpu.memory_space<vmem>>, vector<16xi32>,
      %get3A_192 = vector.shape_cast %get3A_191 : vector<16xi32> to vector<16xi32>
      %shift_right_logical3A_193 = arith.constant 7 : i32
      %shift_right_logical3A_194 = vector.broadcast %shift_right_logical3A_193 : i32 to vector<16xi32>
      %shift_right_logical3A_195 = arith.shrui %get3A_192, %shift_right_logical3A_194 : vector<16xi32>
      %swap3A_196 = arith.constant 32 : index
      %swap3A_197 = tpu.vector_load %arg19[%swap3A_196] {strides = array<i32>} : memref<80xi32, #tpu.memory_space<vmem>>, vector<16xi32>,
      %swap3A_198 = vector.shape_cast %swap3A_197 : vector<16xi32> to vector<16xi32>
      %swap3A_199 = vector.shape_cast %shift_right_logical3A_195 : vector<16xi32> to vector<16xi32>
      tpu.vector_store %arg19[%swap3A_196], %swap3A_199 {strides = array<i32>} : memref<80xi32, #tpu.memory_space<vmem>>, vector<16xi32>,
      %and3A_200 = arith.constant 127 : i32
      %and3A_201 = vector.broadcast %and3A_200 : i32 to vector<16xi32>
      %and3A_202 = arith.andi %get3A_192, %and3A_201 : vector<16xi32>
      %swap3A_203 = arith.constant 32 : index
      %swap3A_204 = tpu.vector_load %arg21[%swap3A_203] {strides = array<i32>} : memref<80xi32, #tpu.memory_space<vmem>>, vector<16xi32>,
      %swap3A_205 = vector.shape_cast %swap3A_204 : vector<16xi32> to vector<16xi32>
      %swap3A_206 = vector.shape_cast %and3A_202 : vector<16xi32> to vector<16xi32>
      tpu.vector_store %arg21[%swap3A_203], %swap3A_206 {strides = array<i32>} : memref<80xi32, #tpu.memory_space<vmem>>, vector<16xi32>,
      %get3A_207 = arith.constant 48 : index
      %get3A_208 = tpu.vector_load %arg11[%get3A_207] {strides = array<i32>} : memref<80xi32, #tpu.memory_space<vmem>>, vector<16xi32>,
      %get3A_209 = vector.shape_cast %get3A_208 : vector<16xi32> to vector<16xi32>
      %shift_right_logical3A_210 = arith.constant 7 : i32
      %shift_right_logical3A_211 = vector.broadcast %shift_right_logical3A_210 : i32 to vector<16xi32>
      %shift_right_logical3A_212 = arith.shrui %get3A_209, %shift_right_logical3A_211 : vector<16xi32>
      %swap3A_213 = arith.constant 48 : index
      %swap3A_214 = tpu.vector_load %arg19[%swap3A_213] {strides = array<i32>} : memref<80xi32, #tpu.memory_space<vmem>>, vector<16xi32>,
      %swap3A_215 = vector.shape_cast %swap3A_214 : vector<16xi32> to vector<16xi32>
      %swap3A_216 = vector.shape_cast %shift_right_logical3A_212 : vector<16xi32> to vector<16xi32>
      tpu.vector_store %arg19[%swap3A_213], %swap3A_216 {strides = array<i32>} : memref<80xi32, #tpu.memory_space<vmem>>, vector<16xi32>,
      %and3A_217 = arith.constant 127 : i32
      %and3A_218 = vector.broadcast %and3A_217 : i32 to vector<16xi32>
      %and3A_219 = arith.andi %get3A_209, %and3A_218 : vector<16xi32>
      %swap3A_220 = arith.constant 48 : index
      %swap3A_221 = tpu.vector_load %arg21[%swap3A_220] {strides = array<i32>} : memref<80xi32, #tpu.memory_space<vmem>>, vector<16xi32>,
      %swap3A_222 = vector.shape_cast %swap3A_221 : vector<16xi32> to vector<16xi32>
      %swap3A_223 = vector.shape_cast %and3A_219 : vector<16xi32> to vector<16xi32>
      tpu.vector_store %arg21[%swap3A_220], %swap3A_223 {strides = array<i32>} : memref<80xi32, #tpu.memory_space<vmem>>, vector<16xi32>,
      %get3A_224 = arith.constant 64 : index
      %get3A_225 = tpu.vector_load %arg11[%get3A_224] {strides = array<i32>} : memref<80xi32, #tpu.memory_space<vmem>>, vector<16xi32>,
      %get3A_226 = vector.shape_cast %get3A_225 : vector<16xi32> to vector<16xi32>
      %shift_right_logical3A_227 = arith.constant 7 : i32
      %shift_right_logical3A_228 = vector.broadcast %shift_right_logical3A_227 : i32 to vector<16xi32>
      %shift_right_logical3A_229 = arith.shrui %get3A_226, %shift_right_logical3A_228 : vector<16xi32>
      %swap3A_230 = arith.constant 64 : index
      %swap3A_231 = tpu.vector_load %arg19[%swap3A_230] {strides = array<i32>} : memref<80xi32, #tpu.memory_space<vmem>>, vector<16xi32>,
      %swap3A_232 = vector.shape_cast %swap3A_231 : vector<16xi32> to vector<16xi32>
      %swap3A_233 = vector.shape_cast %shift_right_logical3A_229 : vector<16xi32> to vector<16xi32>
      tpu.vector_store %arg19[%swap3A_230], %swap3A_233 {strides = array<i32>} : memref<80xi32, #tpu.memory_space<vmem>>, vector<16xi32>,
      %and3A_234 = arith.constant 127 : i32
      %and3A_235 = vector.broadcast %and3A_234 : i32 to vector<16xi32>
      %and3A_236 = arith.andi %get3A_226, %and3A_235 : vector<16xi32>
      %swap3A_237 = arith.constant 64 : index
      %swap3A_238 = tpu.vector_load %arg21[%swap3A_237] {strides = array<i32>} : memref<80xi32, #tpu.memory_space<vmem>>, vector<16xi32>,
      %swap3A_239 = vector.shape_cast %swap3A_238 : vector<16xi32> to vector<16xi32>
      %swap3A_240 = vector.shape_cast %and3A_236 : vector<16xi32> to vector<16xi32>
      tpu.vector_store %arg21[%swap3A_237], %swap3A_240 {strides = array<i32>} : memref<80xi32, #tpu.memory_space<vmem>>, vector<16xi32>,
      %dma_start3A_241 = arith.constant 0 : i32
      %dma_start3A_242 = arith.constant 0 : i32
      %dma_start3A_243 = tpu.memref_slice %arg6[%dma_start3A_241, %dma_start3A_242] : memref<128x128xf32, #tpu.memory_space<hbm>> -> memref<128x128xf32, #tpu.memory_space<hbm>>
      tpu.enqueue_indirect_dma source(%dma_start3A_243 : memref<128x128xf32, #tpu.memory_space<hbm>>) target(%arg23 : memref<80x128xf32, #tpu.memory_space<vmem>>) offsets(%arg21 : memref<80xi32, #tpu.memory_space<vmem>>) semaphore(%arg26 : memref<!tpu.dma_semaphore, #tpu.memory_space<semaphore_mem>>)
      %gt3A_244 = arith.constant 0 : i32
      %gt3A_245 = arith.cmpi sgt, %scan3A_143, %gt3A_244 : i32
      %convert_element_type3A_246 = arith.extui %gt3A_245 : i1 to i32
      %cond3A_247 = arith.constant 0 : i32
      %cond3A_248 = arith.cmpi ne, %convert_element_type3A_246, %cond3A_247 : i32
      scf.if %cond3A_248 {
        %dma_wait3A_366 = arith.constant 0 : i32
        %dma_wait3A_367 = arith.constant 0 : i32
        %dma_wait3A_368 = tpu.memref_slice %arg15[%dma_wait3A_366, %dma_wait3A_367] : memref<10240x128xf32, #tpu.memory_space<vmem_shared>> -> memref<10240x128xf32, #tpu.memory_space<vmem_shared>>
        tpu.wait_indirect_dma semaphore(%arg18 : memref<!tpu.dma_semaphore, #tpu.memory_space<semaphore_mem>>) src(%arg14 : memref<80x128xf32, #tpu.memory_space<vmem>>) dst(%dma_wait3A_368 : memref<10240x128xf32, #tpu.memory_space<vmem_shared>>)
        %dma_wait3A_369 = arith.constant 0 : i32
        %dma_wait3A_370 = arith.constant 0 : i32
        %dma_wait3A_371 = tpu.memref_slice %arg25[%dma_wait3A_369, %dma_wait3A_370] : memref<80x128xf32, #tpu.memory_space<vmem_shared>> -> memref<80x128xf32, #tpu.memory_space<vmem_shared>>
        tpu.wait_indirect_dma semaphore(%arg28 : memref<!tpu.dma_semaphore, #tpu.memory_space<semaphore_mem>>) src(%arg24 : memref<80x128xf32, #tpu.memory_space<vmem>>) dst(%dma_wait3A_371 : memref<80x128xf32, #tpu.memory_space<vmem_shared>>)
      } else {
      }
      %add3A_249 = arith.constant 80 : i32
      %add3A_250 = arith.addi %add3A_146, %add3A_249 : i32
      "tpu.region"() ({
        %run_scoped3A = tpu.sem_alloc : memref<!tpu.dma_semaphore, #tpu.memory_space<semaphore_mem>>
        %dma_start3A_366 = tpu.memref_slice %arg3[%add3A_250] : memref<320000xi32, #tpu.memory_space<hbm>> -> memref<80xi32, #tpu.memory_space<hbm>>
        %dma_start3A_367 = tpu.memref_slice %arg3[%add3A_250] : memref<320000xi32, #tpu.memory_space<hbm>> -> memref<80xi32, #tpu.memory_space<hbm>>
        tpu.enqueue_dma source(%dma_start3A_367 : memref<80xi32, #tpu.memory_space<hbm>>) target(%arg10 : memref<80xi32, #tpu.memory_space<vmem>>) target_semaphore(%run_scoped3A : memref<!tpu.dma_semaphore, #tpu.memory_space<semaphore_mem>>)
        %dma_wait3A_368 = tpu.memref_slice %arg3[%add3A_250] : memref<320000xi32, #tpu.memory_space<hbm>> -> memref<80xi32, #tpu.memory_space<hbm>>
        %dma_wait3A_369 = tpu.memref_slice %arg3[%add3A_250] : memref<320000xi32, #tpu.memory_space<hbm>> -> memref<80xi32, #tpu.memory_space<hbm>>
        tpu.wait_dma2 semaphore(%run_scoped3A : memref<!tpu.dma_semaphore, #tpu.memory_space<semaphore_mem>>) src(%dma_wait3A_369 : memref<80xi32, #tpu.memory_space<hbm>>) dst(%arg10 : memref<80xi32, #tpu.memory_space<vmem>>)
        tpu.yield
      }) : () -> ()
      "tpu.region"() ({
        %run_scoped3A = tpu.sem_alloc : memref<!tpu.dma_semaphore, #tpu.memory_space<semaphore_mem>>
        %dma_start3A_366 = tpu.memref_slice %arg4[%add3A_250] : memref<320000xi32, #tpu.memory_space<hbm>> -> memref<80xi32, #tpu.memory_space<hbm>>
        %dma_start3A_367 = tpu.memref_slice %arg4[%add3A_250] : memref<320000xi32, #tpu.memory_space<hbm>> -> memref<80xi32, #tpu.memory_space<hbm>>
        tpu.enqueue_dma source(%dma_start3A_367 : memref<80xi32, #tpu.memory_space<hbm>>) target(%arg12 : memref<80xi32, #tpu.memory_space<vmem>>) target_semaphore(%run_scoped3A : memref<!tpu.dma_semaphore, #tpu.memory_space<semaphore_mem>>)
        %dma_wait3A_368 = tpu.memref_slice %arg4[%add3A_250] : memref<320000xi32, #tpu.memory_space<hbm>> -> memref<80xi32, #tpu.memory_space<hbm>>
        %dma_wait3A_369 = tpu.memref_slice %arg4[%add3A_250] : memref<320000xi32, #tpu.memory_space<hbm>> -> memref<80xi32, #tpu.memory_space<hbm>>
        tpu.wait_dma2 semaphore(%run_scoped3A : memref<!tpu.dma_semaphore, #tpu.memory_space<semaphore_mem>>) src(%dma_wait3A_369 : memref<80xi32, #tpu.memory_space<hbm>>) dst(%arg12 : memref<80xi32, #tpu.memory_space<vmem>>)
        tpu.yield
      }) : () -> ()
      %dma_start3A_251 = arith.constant 0 : i32
      %dma_start3A_252 = arith.constant 0 : i32
      %dma_start3A_253 = tpu.memref_slice %arg2[%dma_start3A_251, %dma_start3A_252] : memref<10000x128xf32, #tpu.memory_space<hbm>> -> memref<10000x128xf32, #tpu.memory_space<hbm>>
      tpu.enqueue_indirect_dma source(%dma_start3A_253 : memref<10000x128xf32, #tpu.memory_space<hbm>>) target(%arg14 : memref<80x128xf32, #tpu.memory_space<vmem>>) offsets(%arg10 : memref<80xi32, #tpu.memory_space<vmem>>) semaphore(%arg17 : memref<!tpu.dma_semaphore, #tpu.memory_space<semaphore_mem>>)
      %get3A_254 = arith.constant 0 : index
      %get3A_255 = tpu.vector_load %arg12[%get3A_254] {strides = array<i32>} : memref<80xi32, #tpu.memory_space<vmem>>, vector<16xi32>,
      %get3A_256 = vector.shape_cast %get3A_255 : vector<16xi32> to vector<16xi32>
      %shift_right_logical3A_257 = arith.constant 7 : i32
      %shift_right_logical3A_258 = vector.broadcast %shift_right_logical3A_257 : i32 to vector<16xi32>
      %shift_right_logical3A_259 = arith.shrui %get3A_256, %shift_right_logical3A_258 : vector<16xi32>
      %swap3A_260 = arith.constant 0 : index
      %swap3A_261 = tpu.vector_load %arg20[%swap3A_260] {strides = array<i32>} : memref<80xi32, #tpu.memory_space<vmem>>, vector<16xi32>,
      %swap3A_262 = vector.shape_cast %swap3A_261 : vector<16xi32> to vector<16xi32>
      %swap3A_263 = vector.shape_cast %shift_right_logical3A_259 : vector<16xi32> to vector<16xi32>
      tpu.vector_store %arg20[%swap3A_260], %swap3A_263 {strides = array<i32>} : memref<80xi32, #tpu.memory_space<vmem>>, vector<16xi32>,
      %and3A_264 = arith.constant 127 : i32
      %and3A_265 = vector.broadcast %and3A_264 : i32 to vector<16xi32>
      %and3A_266 = arith.andi %get3A_256, %and3A_265 : vector<16xi32>
      %swap3A_267 = arith.constant 0 : index
      %swap3A_268 = tpu.vector_load %arg22[%swap3A_267] {strides = array<i32>} : memref<80xi32, #tpu.memory_space<vmem>>, vector<16xi32>,
      %swap3A_269 = vector.shape_cast %swap3A_268 : vector<16xi32> to vector<16xi32>
      %swap3A_270 = vector.shape_cast %and3A_266 : vector<16xi32> to vector<16xi32>
      tpu.vector_store %arg22[%swap3A_267], %swap3A_270 {strides = array<i32>} : memref<80xi32, #tpu.memory_space<vmem>>, vector<16xi32>,
      %get3A_271 = arith.constant 16 : index
      %get3A_272 = tpu.vector_load %arg12[%get3A_271] {strides = array<i32>} : memref<80xi32, #tpu.memory_space<vmem>>, vector<16xi32>,
      %get3A_273 = vector.shape_cast %get3A_272 : vector<16xi32> to vector<16xi32>
      %shift_right_logical3A_274 = arith.constant 7 : i32
      %shift_right_logical3A_275 = vector.broadcast %shift_right_logical3A_274 : i32 to vector<16xi32>
      %shift_right_logical3A_276 = arith.shrui %get3A_273, %shift_right_logical3A_275 : vector<16xi32>
      %swap3A_277 = arith.constant 16 : index
      %swap3A_278 = tpu.vector_load %arg20[%swap3A_277] {strides = array<i32>} : memref<80xi32, #tpu.memory_space<vmem>>, vector<16xi32>,
      %swap3A_279 = vector.shape_cast %swap3A_278 : vector<16xi32> to vector<16xi32>
      %swap3A_280 = vector.shape_cast %shift_right_logical3A_276 : vector<16xi32> to vector<16xi32>
      tpu.vector_store %arg20[%swap3A_277], %swap3A_280 {strides = array<i32>} : memref<80xi32, #tpu.memory_space<vmem>>, vector<16xi32>,
      %and3A_281 = arith.constant 127 : i32
      %and3A_282 = vector.broadcast %and3A_281 : i32 to vector<16xi32>
      %and3A_283 = arith.andi %get3A_273, %and3A_282 : vector<16xi32>
      %swap3A_284 = arith.constant 16 : index
      %swap3A_285 = tpu.vector_load %arg22[%swap3A_284] {strides = array<i32>} : memref<80xi32, #tpu.memory_space<vmem>>, vector<16xi32>,
      %swap3A_286 = vector.shape_cast %swap3A_285 : vector<16xi32> to vector<16xi32>
      %swap3A_287 = vector.shape_cast %and3A_283 : vector<16xi32> to vector<16xi32>
      tpu.vector_store %arg22[%swap3A_284], %swap3A_287 {strides = array<i32>} : memref<80xi32, #tpu.memory_space<vmem>>, vector<16xi32>,
      %get3A_288 = arith.constant 32 : index
      %get3A_289 = tpu.vector_load %arg12[%get3A_288] {strides = array<i32>} : memref<80xi32, #tpu.memory_space<vmem>>, vector<16xi32>,
      %get3A_290 = vector.shape_cast %get3A_289 : vector<16xi32> to vector<16xi32>
      %shift_right_logical3A_291 = arith.constant 7 : i32
      %shift_right_logical3A_292 = vector.broadcast %shift_right_logical3A_291 : i32 to vector<16xi32>
      %shift_right_logical3A_293 = arith.shrui %get3A_290, %shift_right_logical3A_292 : vector<16xi32>
      %swap3A_294 = arith.constant 32 : index
      %swap3A_295 = tpu.vector_load %arg20[%swap3A_294] {strides = array<i32>} : memref<80xi32, #tpu.memory_space<vmem>>, vector<16xi32>,
      %swap3A_296 = vector.shape_cast %swap3A_295 : vector<16xi32> to vector<16xi32>
      %swap3A_297 = vector.shape_cast %shift_right_logical3A_293 : vector<16xi32> to vector<16xi32>
      tpu.vector_store %arg20[%swap3A_294], %swap3A_297 {strides = array<i32>} : memref<80xi32, #tpu.memory_space<vmem>>, vector<16xi32>,
      %and3A_298 = arith.constant 127 : i32
      %and3A_299 = vector.broadcast %and3A_298 : i32 to vector<16xi32>
      %and3A_300 = arith.andi %get3A_290, %and3A_299 : vector<16xi32>
      %swap3A_301 = arith.constant 32 : index
      %swap3A_302 = tpu.vector_load %arg22[%swap3A_301] {strides = array<i32>} : memref<80xi32, #tpu.memory_space<vmem>>, vector<16xi32>,
      %swap3A_303 = vector.shape_cast %swap3A_302 : vector<16xi32> to vector<16xi32>
      %swap3A_304 = vector.shape_cast %and3A_300 : vector<16xi32> to vector<16xi32>
      tpu.vector_store %arg22[%swap3A_301], %swap3A_304 {strides = array<i32>} : memref<80xi32, #tpu.memory_space<vmem>>, vector<16xi32>,
      %get3A_305 = arith.constant 48 : index
      %get3A_306 = tpu.vector_load %arg12[%get3A_305] {strides = array<i32>} : memref<80xi32, #tpu.memory_space<vmem>>, vector<16xi32>,
      %get3A_307 = vector.shape_cast %get3A_306 : vector<16xi32> to vector<16xi32>
      %shift_right_logical3A_308 = arith.constant 7 : i32
      %shift_right_logical3A_309 = vector.broadcast %shift_right_logical3A_308 : i32 to vector<16xi32>
      %shift_right_logical3A_310 = arith.shrui %get3A_307, %shift_right_logical3A_309 : vector<16xi32>
      %swap3A_311 = arith.constant 48 : index
      %swap3A_312 = tpu.vector_load %arg20[%swap3A_311] {strides = array<i32>} : memref<80xi32, #tpu.memory_space<vmem>>, vector<16xi32>,
      %swap3A_313 = vector.shape_cast %swap3A_312 : vector<16xi32> to vector<16xi32>
      %swap3A_314 = vector.shape_cast %shift_right_logical3A_310 : vector<16xi32> to vector<16xi32>
      tpu.vector_store %arg20[%swap3A_311], %swap3A_314 {strides = array<i32>} : memref<80xi32, #tpu.memory_space<vmem>>, vector<16xi32>,
      %and3A_315 = arith.constant 127 : i32
      %and3A_316 = vector.broadcast %and3A_315 : i32 to vector<16xi32>
      %and3A_317 = arith.andi %get3A_307, %and3A_316 : vector<16xi32>
      %swap3A_318 = arith.constant 48 : index
      %swap3A_319 = tpu.vector_load %arg22[%swap3A_318] {strides = array<i32>} : memref<80xi32, #tpu.memory_space<vmem>>, vector<16xi32>,
      %swap3A_320 = vector.shape_cast %swap3A_319 : vector<16xi32> to vector<16xi32>
      %swap3A_321 = vector.shape_cast %and3A_317 : vector<16xi32> to vector<16xi32>
      tpu.vector_store %arg22[%swap3A_318], %swap3A_321 {strides = array<i32>} : memref<80xi32, #tpu.memory_space<vmem>>, vector<16xi32>,
      %get3A_322 = arith.constant 64 : index
      %get3A_323 = tpu.vector_load %arg12[%get3A_322] {strides = array<i32>} : memref<80xi32, #tpu.memory_space<vmem>>, vector<16xi32>,
      %get3A_324 = vector.shape_cast %get3A_323 : vector<16xi32> to vector<16xi32>
      %shift_right_logical3A_325 = arith.constant 7 : i32
      %shift_right_logical3A_326 = vector.broadcast %shift_right_logical3A_325 : i32 to vector<16xi32>
      %shift_right_logical3A_327 = arith.shrui %get3A_324, %shift_right_logical3A_326 : vector<16xi32>
      %swap3A_328 = arith.constant 64 : index
      %swap3A_329 = tpu.vector_load %arg20[%swap3A_328] {strides = array<i32>} : memref<80xi32, #tpu.memory_space<vmem>>, vector<16xi32>,
      %swap3A_330 = vector.shape_cast %swap3A_329 : vector<16xi32> to vector<16xi32>
      %swap3A_331 = vector.shape_cast %shift_right_logical3A_327 : vector<16xi32> to vector<16xi32>
      tpu.vector_store %arg20[%swap3A_328], %swap3A_331 {strides = array<i32>} : memref<80xi32, #tpu.memory_space<vmem>>, vector<16xi32>,
      %and3A_332 = arith.constant 127 : i32
      %and3A_333 = vector.broadcast %and3A_332 : i32 to vector<16xi32>
      %and3A_334 = arith.andi %get3A_324, %and3A_333 : vector<16xi32>
      %swap3A_335 = arith.constant 64 : index
      %swap3A_336 = tpu.vector_load %arg22[%swap3A_335] {strides = array<i32>} : memref<80xi32, #tpu.memory_space<vmem>>, vector<16xi32>,
      %swap3A_337 = vector.shape_cast %swap3A_336 : vector<16xi32> to vector<16xi32>
      %swap3A_338 = vector.shape_cast %and3A_334 : vector<16xi32> to vector<16xi32>
      tpu.vector_store %arg22[%swap3A_335], %swap3A_338 {strides = array<i32>} : memref<80xi32, #tpu.memory_space<vmem>>, vector<16xi32>,
      %dma_start3A_339 = arith.constant 0 : i32
      %dma_start3A_340 = arith.constant 0 : i32
      %dma_start3A_341 = tpu.memref_slice %arg6[%dma_start3A_339, %dma_start3A_340] : memref<128x128xf32, #tpu.memory_space<hbm>> -> memref<128x128xf32, #tpu.memory_space<hbm>>
      tpu.enqueue_indirect_dma source(%dma_start3A_341 : memref<128x128xf32, #tpu.memory_space<hbm>>) target(%arg24 : memref<80x128xf32, #tpu.memory_space<vmem>>) offsets(%arg22 : memref<80xi32, #tpu.memory_space<vmem>>) semaphore(%arg27 : memref<!tpu.dma_semaphore, #tpu.memory_space<semaphore_mem>>)
      %dma_wait3A_342 = arith.constant 0 : i32
      %dma_wait3A_343 = arith.constant 0 : i32
      %dma_wait3A_344 = tpu.memref_slice %arg2[%dma_wait3A_342, %dma_wait3A_343] : memref<10000x128xf32, #tpu.memory_space<hbm>> -> memref<10000x128xf32, #tpu.memory_space<hbm>>
      tpu.wait_indirect_dma semaphore(%arg16 : memref<!tpu.dma_semaphore, #tpu.memory_space<semaphore_mem>>) src(%dma_wait3A_344 : memref<10000x128xf32, #tpu.memory_space<hbm>>) dst(%arg13 : memref<80x128xf32, #tpu.memory_space<vmem>>)
      %dma_start3A_345 = arith.constant 0 : i32
      %dma_start3A_346 = arith.constant 0 : i32
      %dma_start3A_347 = tpu.memref_slice %arg15[%dma_start3A_345, %dma_start3A_346] : memref<10240x128xf32, #tpu.memory_space<vmem_shared>> -> memref<10240x128xf32, #tpu.memory_space<vmem_shared>>
      tpu.enqueue_indirect_dma source(%arg13 : memref<80x128xf32, #tpu.memory_space<vmem>>) target(%dma_start3A_347 : memref<10240x128xf32, #tpu.memory_space<vmem_shared>>) offsets(%arg11 : memref<80xi32, #tpu.memory_space<vmem>>) semaphore(%arg18 : memref<!tpu.dma_semaphore, #tpu.memory_space<semaphore_mem>>) {add = true}
      %dma_wait3A_348 = arith.constant 0 : i32
      %dma_wait3A_349 = arith.constant 0 : i32
      %dma_wait3A_350 = tpu.memref_slice %arg6[%dma_wait3A_348, %dma_wait3A_349] : memref<128x128xf32, #tpu.memory_space<hbm>> -> memref<128x128xf32, #tpu.memory_space<hbm>>
      tpu.wait_indirect_dma semaphore(%arg26 : memref<!tpu.dma_semaphore, #tpu.memory_space<semaphore_mem>>) src(%dma_wait3A_350 : memref<128x128xf32, #tpu.memory_space<hbm>>) dst(%arg23 : memref<80x128xf32, #tpu.memory_space<vmem>>)
      %dma_start3A_351 = arith.constant 0 : i32
      %dma_start3A_352 = arith.constant 0 : i32
      %dma_start3A_353 = tpu.memref_slice %arg25[%dma_start3A_351, %dma_start3A_352] : memref<80x128xf32, #tpu.memory_space<vmem_shared>> -> memref<80x128xf32, #tpu.memory_space<vmem_shared>>
      tpu.enqueue_indirect_dma source(%arg23 : memref<80x128xf32, #tpu.memory_space<vmem>>) target(%dma_start3A_353 : memref<80x128xf32, #tpu.memory_space<vmem_shared>>) offsets(%arg19 : memref<80xi32, #tpu.memory_space<vmem>>) semaphore(%arg28 : memref<!tpu.dma_semaphore, #tpu.memory_space<semaphore_mem>>) {add = true}
      %dma_wait3A_354 = arith.constant 0 : i32
      %dma_wait3A_355 = arith.constant 0 : i32
      %dma_wait3A_356 = tpu.memref_slice %arg2[%dma_wait3A_354, %dma_wait3A_355] : memref<10000x128xf32, #tpu.memory_space<hbm>> -> memref<10000x128xf32, #tpu.memory_space<hbm>>
      tpu.wait_indirect_dma semaphore(%arg17 : memref<!tpu.dma_semaphore, #tpu.memory_space<semaphore_mem>>) src(%dma_wait3A_356 : memref<10000x128xf32, #tpu.memory_space<hbm>>) dst(%arg14 : memref<80x128xf32, #tpu.memory_space<vmem>>)
      %dma_start3A_357 = arith.constant 0 : i32
      %dma_start3A_358 = arith.constant 0 : i32
      %dma_start3A_359 = tpu.memref_slice %arg15[%dma_start3A_357, %dma_start3A_358] : memref<10240x128xf32, #tpu.memory_space<vmem_shared>> -> memref<10240x128xf32, #tpu.memory_space<vmem_shared>>
      tpu.enqueue_indirect_dma source(%arg14 : memref<80x128xf32, #tpu.memory_space<vmem>>) target(%dma_start3A_359 : memref<10240x128xf32, #tpu.memory_space<vmem_shared>>) offsets(%arg12 : memref<80xi32, #tpu.memory_space<vmem>>) semaphore(%arg18 : memref<!tpu.dma_semaphore, #tpu.memory_space<semaphore_mem>>) {add = true}
      %dma_wait3A_360 = arith.constant 0 : i32
      %dma_wait3A_361 = arith.constant 0 : i32
      %dma_wait3A_362 = tpu.memref_slice %arg6[%dma_wait3A_360, %dma_wait3A_361] : memref<128x128xf32, #tpu.memory_space<hbm>> -> memref<128x128xf32, #tpu.memory_space<hbm>>
      tpu.wait_indirect_dma semaphore(%arg27 : memref<!tpu.dma_semaphore, #tpu.memory_space<semaphore_mem>>) src(%dma_wait3A_362 : memref<128x128xf32, #tpu.memory_space<hbm>>) dst(%arg24 : memref<80x128xf32, #tpu.memory_space<vmem>>)
      %dma_start3A_363 = arith.constant 0 : i32
      %dma_start3A_364 = arith.constant 0 : i32
      %dma_start3A_365 = tpu.memref_slice %arg25[%dma_start3A_363, %dma_start3A_364] : memref<80x128xf32, #tpu.memory_space<vmem_shared>> -> memref<80x128xf32, #tpu.memory_space<vmem_shared>>
      tpu.enqueue_indirect_dma source(%arg24 : memref<80x128xf32, #tpu.memory_space<vmem>>) target(%dma_start3A_365 : memref<80x128xf32, #tpu.memory_space<vmem_shared>>) offsets(%arg20 : memref<80xi32, #tpu.memory_space<vmem>>) semaphore(%arg28 : memref<!tpu.dma_semaphore, #tpu.memory_space<semaphore_mem>>) {add = true}
    }
    %scan3A_13 = arith.constant 62 : i32
    %dma_wait3A = arith.constant 0 : i32
    %dma_wait3A_14 = arith.constant 0 : i32
    %dma_wait3A_15 = tpu.memref_slice %arg15[%dma_wait3A, %dma_wait3A_14] : memref<10240x128xf32, #tpu.memory_space<vmem_shared>> -> memref<10240x128xf32, #tpu.memory_space<vmem_shared>>
    tpu.wait_indirect_dma semaphore(%arg18 : memref<!tpu.dma_semaphore, #tpu.memory_space<semaphore_mem>>) src(%arg13 : memref<80x128xf32, #tpu.memory_space<vmem>>) dst(%dma_wait3A_15 : memref<10240x128xf32, #tpu.memory_space<vmem_shared>>)
    %dma_wait3A_16 = arith.constant 0 : i32
    %dma_wait3A_17 = arith.constant 0 : i32
    %dma_wait3A_18 = tpu.memref_slice %arg25[%dma_wait3A_16, %dma_wait3A_17] : memref<80x128xf32, #tpu.memory_space<vmem_shared>> -> memref<80x128xf32, #tpu.memory_space<vmem_shared>>
    tpu.wait_indirect_dma semaphore(%arg28 : memref<!tpu.dma_semaphore, #tpu.memory_space<semaphore_mem>>) src(%arg23 : memref<80x128xf32, #tpu.memory_space<vmem>>) dst(%dma_wait3A_18 : memref<80x128xf32, #tpu.memory_space<vmem_shared>>)
    %dma_wait3A_19 = arith.constant 0 : i32
    %dma_wait3A_20 = arith.constant 0 : i32
    %dma_wait3A_21 = tpu.memref_slice %arg15[%dma_wait3A_19, %dma_wait3A_20] : memref<10240x128xf32, #tpu.memory_space<vmem_shared>> -> memref<10240x128xf32, #tpu.memory_space<vmem_shared>>
    tpu.wait_indirect_dma semaphore(%arg18 : memref<!tpu.dma_semaphore, #tpu.memory_space<semaphore_mem>>) src(%arg14 : memref<80x128xf32, #tpu.memory_space<vmem>>) dst(%dma_wait3A_21 : memref<10240x128xf32, #tpu.memory_space<vmem_shared>>)
    %dma_wait3A_22 = arith.constant 0 : i32
    %dma_wait3A_23 = arith.constant 0 : i32
    %dma_wait3A_24 = tpu.memref_slice %arg25[%dma_wait3A_22, %dma_wait3A_23] : memref<80x128xf32, #tpu.memory_space<vmem_shared>> -> memref<80x128xf32, #tpu.memory_space<vmem_shared>>
    tpu.wait_indirect_dma semaphore(%arg28 : memref<!tpu.dma_semaphore, #tpu.memory_space<semaphore_mem>>) src(%arg24 : memref<80x128xf32, #tpu.memory_space<vmem>>) dst(%dma_wait3A_24 : memref<80x128xf32, #tpu.memory_space<vmem_shared>>)
    %add3A_25 = arith.constant 9920 : i32
    %add3A_26 = arith.addi %mul3A_8, %add3A_25 : i32
    %add3A_27 = arith.constant 0 : i32
    %add3A_28 = arith.addi %add3A_26, %add3A_27 : i32
    "tpu.region"() ({
      %run_scoped3A = tpu.sem_alloc : memref<!tpu.dma_semaphore, #tpu.memory_space<semaphore_mem>>
      %dma_start3A_143 = tpu.memref_slice %arg3[%add3A_28] : memref<320000xi32, #tpu.memory_space<hbm>> -> memref<80xi32, #tpu.memory_space<hbm>>
      %dma_start3A_144 = tpu.memref_slice %arg3[%add3A_28] : memref<320000xi32, #tpu.memory_space<hbm>> -> memref<80xi32, #tpu.memory_space<hbm>>
      tpu.enqueue_dma source(%dma_start3A_144 : memref<80xi32, #tpu.memory_space<hbm>>) target(%arg9 : memref<80xi32, #tpu.memory_space<vmem>>) target_semaphore(%run_scoped3A : memref<!tpu.dma_semaphore, #tpu.memory_space<semaphore_mem>>)
      %dma_wait3A_145 = tpu.memref_slice %arg3[%add3A_28] : memref<320000xi32, #tpu.memory_space<hbm>> -> memref<80xi32, #tpu.memory_space<hbm>>
      %dma_wait3A_146 = tpu.memref_slice %arg3[%add3A_28] : memref<320000xi32, #tpu.memory_space<hbm>> -> memref<80xi32, #tpu.memory_space<hbm>>
      tpu.wait_dma2 semaphore(%run_scoped3A : memref<!tpu.dma_semaphore, #tpu.memory_space<semaphore_mem>>) src(%dma_wait3A_146 : memref<80xi32, #tpu.memory_space<hbm>>) dst(%arg9 : memref<80xi32, #tpu.memory_space<vmem>>)
      tpu.yield
    }) : () -> ()
    "tpu.region"() ({
      %run_scoped3A = tpu.sem_alloc : memref<!tpu.dma_semaphore, #tpu.memory_space<semaphore_mem>>
      %dma_start3A_143 = tpu.memref_slice %arg4[%add3A_28] : memref<320000xi32, #tpu.memory_space<hbm>> -> memref<80xi32, #tpu.memory_space<hbm>>
      %dma_start3A_144 = tpu.memref_slice %arg4[%add3A_28] : memref<320000xi32, #tpu.memory_space<hbm>> -> memref<80xi32, #tpu.memory_space<hbm>>
      tpu.enqueue_dma source(%dma_start3A_144 : memref<80xi32, #tpu.memory_space<hbm>>) target(%arg11 : memref<80xi32, #tpu.memory_space<vmem>>) target_semaphore(%run_scoped3A : memref<!tpu.dma_semaphore, #tpu.memory_space<semaphore_mem>>)
      %dma_wait3A_145 = tpu.memref_slice %arg4[%add3A_28] : memref<320000xi32, #tpu.memory_space<hbm>> -> memref<80xi32, #tpu.memory_space<hbm>>
      %dma_wait3A_146 = tpu.memref_slice %arg4[%add3A_28] : memref<320000xi32, #tpu.memory_space<hbm>> -> memref<80xi32, #tpu.memory_space<hbm>>
      tpu.wait_dma2 semaphore(%run_scoped3A : memref<!tpu.dma_semaphore, #tpu.memory_space<semaphore_mem>>) src(%dma_wait3A_146 : memref<80xi32, #tpu.memory_space<hbm>>) dst(%arg11 : memref<80xi32, #tpu.memory_space<vmem>>)
      tpu.yield
    }) : () -> ()
    %dma_start3A = arith.constant 0 : i32
    %dma_start3A_29 = arith.constant 0 : i32
    %dma_start3A_30 = tpu.memref_slice %arg2[%dma_start3A, %dma_start3A_29] : memref<10000x128xf32, #tpu.memory_space<hbm>> -> memref<10000x128xf32, #tpu.memory_space<hbm>>
    tpu.enqueue_indirect_dma source(%dma_start3A_30 : memref<10000x128xf32, #tpu.memory_space<hbm>>) target(%arg13 : memref<80x128xf32, #tpu.memory_space<vmem>>) offsets(%arg9 : memref<80xi32, #tpu.memory_space<vmem>>) semaphore(%arg16 : memref<!tpu.dma_semaphore, #tpu.memory_space<semaphore_mem>>)
    %get3A = arith.constant 0 : index
    %get3A_31 = tpu.vector_load %arg11[%get3A] {strides = array<i32>} : memref<80xi32, #tpu.memory_space<vmem>>, vector<16xi32>,
    %get3A_32 = vector.shape_cast %get3A_31 : vector<16xi32> to vector<16xi32>
    %shift_right_logical3A = arith.constant 7 : i32
    %shift_right_logical3A_33 = vector.broadcast %shift_right_logical3A : i32 to vector<16xi32>
    %shift_right_logical3A_34 = arith.shrui %get3A_32, %shift_right_logical3A_33 : vector<16xi32>
    %swap3A = arith.constant 0 : index
    %swap3A_35 = tpu.vector_load %arg19[%swap3A] {strides = array<i32>} : memref<80xi32, #tpu.memory_space<vmem>>, vector<16xi32>,
    %swap3A_36 = vector.shape_cast %swap3A_35 : vector<16xi32> to vector<16xi32>
    %swap3A_37 = vector.shape_cast %shift_right_logical3A_34 : vector<16xi32> to vector<16xi32>
    tpu.vector_store %arg19[%swap3A], %swap3A_37 {strides = array<i32>} : memref<80xi32, #tpu.memory_space<vmem>>, vector<16xi32>,
    %and3A = arith.constant 127 : i32
    %and3A_38 = vector.broadcast %and3A : i32 to vector<16xi32>
    %and3A_39 = arith.andi %get3A_32, %and3A_38 : vector<16xi32>
    %swap3A_40 = arith.constant 0 : index
    %swap3A_41 = tpu.vector_load %arg21[%swap3A_40] {strides = array<i32>} : memref<80xi32, #tpu.memory_space<vmem>>, vector<16xi32>,
    %swap3A_42 = vector.shape_cast %swap3A_41 : vector<16xi32> to vector<16xi32>
    %swap3A_43 = vector.shape_cast %and3A_39 : vector<16xi32> to vector<16xi32>
    tpu.vector_store %arg21[%swap3A_40], %swap3A_43 {strides = array<i32>} : memref<80xi32, #tpu.memory_space<vmem>>, vector<16xi32>,
    %get3A_44 = arith.constant 16 : index
    %get3A_45 = tpu.vector_load %arg11[%get3A_44] {strides = array<i32>} : memref<80xi32, #tpu.memory_space<vmem>>, vector<16xi32>,
    %get3A_46 = vector.shape_cast %get3A_45 : vector<16xi32> to vector<16xi32>
    %shift_right_logical3A_47 = arith.constant 7 : i32
    %shift_right_logical3A_48 = vector.broadcast %shift_right_logical3A_47 : i32 to vector<16xi32>
    %shift_right_logical3A_49 = arith.shrui %get3A_46, %shift_right_logical3A_48 : vector<16xi32>
    %swap3A_50 = arith.constant 16 : index
    %swap3A_51 = tpu.vector_load %arg19[%swap3A_50] {strides = array<i32>} : memref<80xi32, #tpu.memory_space<vmem>>, vector<16xi32>,
    %swap3A_52 = vector.shape_cast %swap3A_51 : vector<16xi32> to vector<16xi32>
    %swap3A_53 = vector.shape_cast %shift_right_logical3A_49 : vector<16xi32> to vector<16xi32>
    tpu.vector_store %arg19[%swap3A_50], %swap3A_53 {strides = array<i32>} : memref<80xi32, #tpu.memory_space<vmem>>, vector<16xi32>,
    %and3A_54 = arith.constant 127 : i32
    %and3A_55 = vector.broadcast %and3A_54 : i32 to vector<16xi32>
    %and3A_56 = arith.andi %get3A_46, %and3A_55 : vector<16xi32>
    %swap3A_57 = arith.constant 16 : index
    %swap3A_58 = tpu.vector_load %arg21[%swap3A_57] {strides = array<i32>} : memref<80xi32, #tpu.memory_space<vmem>>, vector<16xi32>,
    %swap3A_59 = vector.shape_cast %swap3A_58 : vector<16xi32> to vector<16xi32>
    %swap3A_60 = vector.shape_cast %and3A_56 : vector<16xi32> to vector<16xi32>
    tpu.vector_store %arg21[%swap3A_57], %swap3A_60 {strides = array<i32>} : memref<80xi32, #tpu.memory_space<vmem>>, vector<16xi32>,
    %get3A_61 = arith.constant 32 : index
    %get3A_62 = tpu.vector_load %arg11[%get3A_61] {strides = array<i32>} : memref<80xi32, #tpu.memory_space<vmem>>, vector<16xi32>,
    %get3A_63 = vector.shape_cast %get3A_62 : vector<16xi32> to vector<16xi32>
    %shift_right_logical3A_64 = arith.constant 7 : i32
    %shift_right_logical3A_65 = vector.broadcast %shift_right_logical3A_64 : i32 to vector<16xi32>
    %shift_right_logical3A_66 = arith.shrui %get3A_63, %shift_right_logical3A_65 : vector<16xi32>
    %swap3A_67 = arith.constant 32 : index
    %swap3A_68 = tpu.vector_load %arg19[%swap3A_67] {strides = array<i32>} : memref<80xi32, #tpu.memory_space<vmem>>, vector<16xi32>,
    %swap3A_69 = vector.shape_cast %swap3A_68 : vector<16xi32> to vector<16xi32>
    %swap3A_70 = vector.shape_cast %shift_right_logical3A_66 : vector<16xi32> to vector<16xi32>
    tpu.vector_store %arg19[%swap3A_67], %swap3A_70 {strides = array<i32>} : memref<80xi32, #tpu.memory_space<vmem>>, vector<16xi32>,
    %and3A_71 = arith.constant 127 : i32
    %and3A_72 = vector.broadcast %and3A_71 : i32 to vector<16xi32>
    %and3A_73 = arith.andi %get3A_63, %and3A_72 : vector<16xi32>
    %swap3A_74 = arith.constant 32 : index
    %swap3A_75 = tpu.vector_load %arg21[%swap3A_74] {strides = array<i32>} : memref<80xi32, #tpu.memory_space<vmem>>, vector<16xi32>,
    %swap3A_76 = vector.shape_cast %swap3A_75 : vector<16xi32> to vector<16xi32>
    %swap3A_77 = vector.shape_cast %and3A_73 : vector<16xi32> to vector<16xi32>
    tpu.vector_store %arg21[%swap3A_74], %swap3A_77 {strides = array<i32>} : memref<80xi32, #tpu.memory_space<vmem>>, vector<16xi32>,
    %get3A_78 = arith.constant 48 : index
    %get3A_79 = tpu.vector_load %arg11[%get3A_78] {strides = array<i32>} : memref<80xi32, #tpu.memory_space<vmem>>, vector<16xi32>,
    %get3A_80 = vector.shape_cast %get3A_79 : vector<16xi32> to vector<16xi32>
    %shift_right_logical3A_81 = arith.constant 7 : i32
    %shift_right_logical3A_82 = vector.broadcast %shift_right_logical3A_81 : i32 to vector<16xi32>
    %shift_right_logical3A_83 = arith.shrui %get3A_80, %shift_right_logical3A_82 : vector<16xi32>
    %swap3A_84 = arith.constant 48 : index
    %swap3A_85 = tpu.vector_load %arg19[%swap3A_84] {strides = array<i32>} : memref<80xi32, #tpu.memory_space<vmem>>, vector<16xi32>,
    %swap3A_86 = vector.shape_cast %swap3A_85 : vector<16xi32> to vector<16xi32>
    %swap3A_87 = vector.shape_cast %shift_right_logical3A_83 : vector<16xi32> to vector<16xi32>
    tpu.vector_store %arg19[%swap3A_84], %swap3A_87 {strides = array<i32>} : memref<80xi32, #tpu.memory_space<vmem>>, vector<16xi32>,
    %and3A_88 = arith.constant 127 : i32
    %and3A_89 = vector.broadcast %and3A_88 : i32 to vector<16xi32>
    %and3A_90 = arith.andi %get3A_80, %and3A_89 : vector<16xi32>
    %swap3A_91 = arith.constant 48 : index
    %swap3A_92 = tpu.vector_load %arg21[%swap3A_91] {strides = array<i32>} : memref<80xi32, #tpu.memory_space<vmem>>, vector<16xi32>,
    %swap3A_93 = vector.shape_cast %swap3A_92 : vector<16xi32> to vector<16xi32>
    %swap3A_94 = vector.shape_cast %and3A_90 : vector<16xi32> to vector<16xi32>
    tpu.vector_store %arg21[%swap3A_91], %swap3A_94 {strides = array<i32>} : memref<80xi32, #tpu.memory_space<vmem>>, vector<16xi32>,
    %get3A_95 = arith.constant 64 : index
    %get3A_96 = tpu.vector_load %arg11[%get3A_95] {strides = array<i32>} : memref<80xi32, #tpu.memory_space<vmem>>, vector<16xi32>,
    %get3A_97 = vector.shape_cast %get3A_96 : vector<16xi32> to vector<16xi32>
    %shift_right_logical3A_98 = arith.constant 7 : i32
    %shift_right_logical3A_99 = vector.broadcast %shift_right_logical3A_98 : i32 to vector<16xi32>
    %shift_right_logical3A_100 = arith.shrui %get3A_97, %shift_right_logical3A_99 : vector<16xi32>
    %swap3A_101 = arith.constant 64 : index
    %swap3A_102 = tpu.vector_load %arg19[%swap3A_101] {strides = array<i32>} : memref<80xi32, #tpu.memory_space<vmem>>, vector<16xi32>,
    %swap3A_103 = vector.shape_cast %swap3A_102 : vector<16xi32> to vector<16xi32>
    %swap3A_104 = vector.shape_cast %shift_right_logical3A_100 : vector<16xi32> to vector<16xi32>
    tpu.vector_store %arg19[%swap3A_101], %swap3A_104 {strides = array<i32>} : memref<80xi32, #tpu.memory_space<vmem>>, vector<16xi32>,
    %and3A_105 = arith.constant 127 : i32
    %and3A_106 = vector.broadcast %and3A_105 : i32 to vector<16xi32>
    %and3A_107 = arith.andi %get3A_97, %and3A_106 : vector<16xi32>
    %swap3A_108 = arith.constant 64 : index
    %swap3A_109 = tpu.vector_load %arg21[%swap3A_108] {strides = array<i32>} : memref<80xi32, #tpu.memory_space<vmem>>, vector<16xi32>,
    %swap3A_110 = vector.shape_cast %swap3A_109 : vector<16xi32> to vector<16xi32>
    %swap3A_111 = vector.shape_cast %and3A_107 : vector<16xi32> to vector<16xi32>
    tpu.vector_store %arg21[%swap3A_108], %swap3A_111 {strides = array<i32>} : memref<80xi32, #tpu.memory_space<vmem>>, vector<16xi32>,
    %dma_start3A_112 = arith.constant 0 : i32
    %dma_start3A_113 = arith.constant 0 : i32
    %dma_start3A_114 = tpu.memref_slice %arg6[%dma_start3A_112, %dma_start3A_113] : memref<128x128xf32, #tpu.memory_space<hbm>> -> memref<128x128xf32, #tpu.memory_space<hbm>>
    tpu.enqueue_indirect_dma source(%dma_start3A_114 : memref<128x128xf32, #tpu.memory_space<hbm>>) target(%arg23 : memref<80x128xf32, #tpu.memory_space<vmem>>) offsets(%arg21 : memref<80xi32, #tpu.memory_space<vmem>>) semaphore(%arg26 : memref<!tpu.dma_semaphore, #tpu.memory_space<semaphore_mem>>)
    %dma_wait3A_115 = arith.constant 0 : i32
    %dma_wait3A_116 = arith.constant 0 : i32
    %dma_wait3A_117 = tpu.memref_slice %arg2[%dma_wait3A_115, %dma_wait3A_116] : memref<10000x128xf32, #tpu.memory_space<hbm>> -> memref<10000x128xf32, #tpu.memory_space<hbm>>
    tpu.wait_indirect_dma semaphore(%arg16 : memref<!tpu.dma_semaphore, #tpu.memory_space<semaphore_mem>>) src(%dma_wait3A_117 : memref<10000x128xf32, #tpu.memory_space<hbm>>) dst(%arg13 : memref<80x128xf32, #tpu.memory_space<vmem>>)
    %dma_start3A_118 = arith.constant 0 : i32
    %dma_start3A_119 = arith.constant 0 : i32
    %dma_start3A_120 = tpu.memref_slice %arg15[%dma_start3A_118, %dma_start3A_119] : memref<10240x128xf32, #tpu.memory_space<vmem_shared>> -> memref<10240x128xf32, #tpu.memory_space<vmem_shared>>
    tpu.enqueue_indirect_dma source(%arg13 : memref<80x128xf32, #tpu.memory_space<vmem>>) target(%dma_start3A_120 : memref<10240x128xf32, #tpu.memory_space<vmem_shared>>) offsets(%arg11 : memref<80xi32, #tpu.memory_space<vmem>>) semaphore(%arg18 : memref<!tpu.dma_semaphore, #tpu.memory_space<semaphore_mem>>) {add = true}
    %dma_wait3A_121 = arith.constant 0 : i32
    %dma_wait3A_122 = arith.constant 0 : i32
    %dma_wait3A_123 = tpu.memref_slice %arg6[%dma_wait3A_121, %dma_wait3A_122] : memref<128x128xf32, #tpu.memory_space<hbm>> -> memref<128x128xf32, #tpu.memory_space<hbm>>
    tpu.wait_indirect_dma semaphore(%arg26 : memref<!tpu.dma_semaphore, #tpu.memory_space<semaphore_mem>>) src(%dma_wait3A_123 : memref<128x128xf32, #tpu.memory_space<hbm>>) dst(%arg23 : memref<80x128xf32, #tpu.memory_space<vmem>>)
    %dma_start3A_124 = arith.constant 0 : i32
    %dma_start3A_125 = arith.constant 0 : i32
    %dma_start3A_126 = tpu.memref_slice %arg25[%dma_start3A_124, %dma_start3A_125] : memref<80x128xf32, #tpu.memory_space<vmem_shared>> -> memref<80x128xf32, #tpu.memory_space<vmem_shared>>
    tpu.enqueue_indirect_dma source(%arg23 : memref<80x128xf32, #tpu.memory_space<vmem>>) target(%dma_start3A_126 : memref<80x128xf32, #tpu.memory_space<vmem_shared>>) offsets(%arg19 : memref<80xi32, #tpu.memory_space<vmem>>) semaphore(%arg28 : memref<!tpu.dma_semaphore, #tpu.memory_space<semaphore_mem>>) {add = true}
    %dma_wait3A_127 = arith.constant 0 : i32
    %dma_wait3A_128 = arith.constant 0 : i32
    %dma_wait3A_129 = tpu.memref_slice %arg15[%dma_wait3A_127, %dma_wait3A_128] : memref<10240x128xf32, #tpu.memory_space<vmem_shared>> -> memref<10240x128xf32, #tpu.memory_space<vmem_shared>>
    tpu.wait_indirect_dma semaphore(%arg18 : memref<!tpu.dma_semaphore, #tpu.memory_space<semaphore_mem>>) src(%arg13 : memref<80x128xf32, #tpu.memory_space<vmem>>) dst(%dma_wait3A_129 : memref<10240x128xf32, #tpu.memory_space<vmem_shared>>)
    %dma_wait3A_130 = arith.constant 0 : i32
    %dma_wait3A_131 = arith.constant 0 : i32
    %dma_wait3A_132 = tpu.memref_slice %arg25[%dma_wait3A_130, %dma_wait3A_131] : memref<80x128xf32, #tpu.memory_space<vmem_shared>> -> memref<80x128xf32, #tpu.memory_space<vmem_shared>>
    tpu.wait_indirect_dma semaphore(%arg28 : memref<!tpu.dma_semaphore, #tpu.memory_space<semaphore_mem>>) src(%arg23 : memref<80x128xf32, #tpu.memory_space<vmem>>) dst(%dma_wait3A_132 : memref<80x128xf32, #tpu.memory_space<vmem_shared>>)
    %barrier3A_133 = arith.constant 0 : index
    tpu.barrier barrier_id(%barrier3A_133)
    %mul3A_134 = arith.constant 640 : i32
    %mul3A_135 = arith.muli %arg1, %mul3A_134 : i32
    %mul3A_136 = arith.constant 640 : i32
    %mul3A_137 = arith.muli %arg1, %mul3A_136 : i32
    "tpu.region"() ({
      %run_scoped3A = tpu.sem_alloc : memref<!tpu.dma_semaphore, #tpu.memory_space<semaphore_mem>>
      %dma_start3A_143 = arith.constant 0 : i32
      %dma_start3A_144 = tpu.memref_slice %arg7[%arg0, %mul3A_137, %dma_start3A_143] : memref<2x10240x128xf32, #tpu.memory_space<hbm>> -> memref<1x640x128xf32, #tpu.memory_space<hbm>>
      %dma_start3A_145 = tpu.memref_squeeze %dma_start3A_144 : memref<1x640x128xf32, #tpu.memory_space<hbm>> -> memref<640x128xf32, #tpu.memory_space<hbm>>
      %dma_start3A_146 = arith.constant 0 : i32
      %dma_start3A_147 = tpu.memref_slice %arg15[%mul3A_135, %dma_start3A_146] : memref<10240x128xf32, #tpu.memory_space<vmem_shared>> -> memref<640x128xf32, #tpu.memory_space<vmem_shared>>
      tpu.enqueue_dma source(%dma_start3A_147 : memref<640x128xf32, #tpu.memory_space<vmem_shared>>) target(%dma_start3A_145 : memref<640x128xf32, #tpu.memory_space<hbm>>) target_semaphore(%run_scoped3A : memref<!tpu.dma_semaphore, #tpu.memory_space<semaphore_mem>>)
      %dma_wait3A_148 = arith.constant 0 : i32
      %dma_wait3A_149 = tpu.memref_slice %arg7[%arg0, %mul3A_137, %dma_wait3A_148] : memref<2x10240x128xf32, #tpu.memory_space<hbm>> -> memref<1x640x128xf32, #tpu.memory_space<hbm>>
      %dma_wait3A_150 = tpu.memref_squeeze %dma_wait3A_149 : memref<1x640x128xf32, #tpu.memory_space<hbm>> -> memref<640x128xf32, #tpu.memory_space<hbm>>
      %dma_wait3A_151 = arith.constant 0 : i32
      %dma_wait3A_152 = tpu.memref_slice %arg15[%mul3A_135, %dma_wait3A_151] : memref<10240x128xf32, #tpu.memory_space<vmem_shared>> -> memref<640x128xf32, #tpu.memory_space<vmem_shared>>
      tpu.wait_dma2 semaphore(%run_scoped3A : memref<!tpu.dma_semaphore, #tpu.memory_space<semaphore_mem>>) src(%dma_wait3A_152 : memref<640x128xf32, #tpu.memory_space<vmem_shared>>) dst(%dma_wait3A_150 : memref<640x128xf32, #tpu.memory_space<hbm>>)
      tpu.yield
    }) : () -> ()
    %eq3A_138 = arith.constant 0 : i32
    %eq3A_139 = arith.cmpi eq, %arg1, %eq3A_138 : i32
    %convert_element_type3A_140 = arith.extui %eq3A_139 : i1 to i32
    %cond3A_141 = arith.constant 0 : i32
    %cond3A_142 = arith.cmpi ne, %convert_element_type3A_140, %cond3A_141 : i32
    scf.if %cond3A_142 {
      "tpu.region"() ({
        %run_scoped3A = tpu.sem_alloc : memref<!tpu.dma_semaphore, #tpu.memory_space<semaphore_mem>>
        %dma_start3A_143 = arith.constant 0 : i32
        %dma_start3A_144 = arith.constant 0 : i32
        %dma_start3A_145 = tpu.memref_slice %arg8[%arg0, %dma_start3A_143, %dma_start3A_144] : memref<2x80x128xf32, #tpu.memory_space<hbm>> -> memref<1x80x128xf32, #tpu.memory_space<hbm>>
        %dma_start3A_146 = tpu.memref_squeeze %dma_start3A_145 : memref<1x80x128xf32, #tpu.memory_space<hbm>> -> memref<80x128xf32, #tpu.memory_space<hbm>>
        tpu.enqueue_dma source(%arg25 : memref<80x128xf32, #tpu.memory_space<vmem_shared>>) target(%dma_start3A_146 : memref<80x128xf32, #tpu.memory_space<hbm>>) target_semaphore(%run_scoped3A : memref<!tpu.dma_semaphore, #tpu.memory_space<semaphore_mem>>)
        %dma_wait3A_147 = arith.constant 0 : i32
        %dma_wait3A_148 = arith.constant 0 : i32
        %dma_wait3A_149 = tpu.memref_slice %arg8[%arg0, %dma_wait3A_147, %dma_wait3A_148] : memref<2x80x128xf32, #tpu.memory_space<hbm>> -> memref<1x80x128xf32, #tpu.memory_space<hbm>>
        %dma_wait3A_150 = tpu.memref_squeeze %dma_wait3A_149 : memref<1x80x128xf32, #tpu.memory_space<hbm>> -> memref<80x128xf32, #tpu.memory_space<hbm>>
        tpu.wait_dma2 semaphore(%run_scoped3A : memref<!tpu.dma_semaphore, #tpu.memory_space<semaphore_mem>>) src(%arg25 : memref<80x128xf32, #tpu.memory_space<vmem_shared>>) dst(%dma_wait3A_150 : memref<80x128xf32, #tpu.memory_space<hbm>>)
        tpu.yield
      }) : () -> ()
    } else {
    }
    return
  }
}

#map = affine_map<(d0, d1) -> (0, 0)>
#map1 = affine_map<(d0, d1) -> (0)>
#map2 = affine_map<(d0, d1) -> (0, 0, 0)>
module attributes {stable_mosaic.version = 14 : i64} {
  func.func @segsum(%arg0: i32, %arg1: i32, %arg2: memref<10000x128xf32, #tpu.memory_space<hbm>>, %arg3: memref<320000xi32, #tpu.memory_space<hbm>>, %arg4: memref<320000xi32, #tpu.memory_space<hbm>>, %arg5: memref<10240x128xf32, #tpu.memory_space<hbm>>, %arg6: memref<2x10240x128xf32, #tpu.memory_space<hbm>>, %arg7: memref<80xi32, #tpu.memory_space<vmem>>, %arg8: memref<80xi32, #tpu.memory_space<vmem>>, %arg9: memref<80xi32, #tpu.memory_space<vmem>>, %arg10: memref<80xi32, #tpu.memory_space<vmem>>, %arg11: memref<80xi32, #tpu.memory_space<vmem>>, %arg12: memref<80xi32, #tpu.memory_space<vmem>>, %arg13: memref<80xi32, #tpu.memory_space<vmem>>, %arg14: memref<80xi32, #tpu.memory_space<vmem>>, %arg15: memref<80x128xf32, #tpu.memory_space<vmem>>, %arg16: memref<80x128xf32, #tpu.memory_space<vmem>>, %arg17: memref<80x128xf32, #tpu.memory_space<vmem>>, %arg18: memref<80x128xf32, #tpu.memory_space<vmem>>, %arg19: memref<10240x128xf32, #tpu.memory_space<vmem_shared>>, %arg20: memref<!tpu.dma_semaphore, #tpu.memory_space<semaphore_mem>>, %arg21: memref<!tpu.dma_semaphore, #tpu.memory_space<semaphore_mem>>, %arg22: memref<!tpu.dma_semaphore, #tpu.memory_space<semaphore_mem>>, %arg23: memref<!tpu.dma_semaphore, #tpu.memory_space<semaphore_mem>>, %arg24: memref<!tpu.dma_semaphore, #tpu.memory_space<semaphore_mem>>) attributes {dimension_semantics = [#tpu.dimension_semantics<core_parallel>, #tpu.dimension_semantics<subcore_parallel>], iteration_bounds = array<i64: 2, 16>, scalar_prefetch = 0 : i64, scratch_operands = 18 : i64, tpu.core_type = #tpu.core_type<sc_vector_subcore>, window_params = [{transform_indices = #map}, {transform_indices = #map1}, {transform_indices = #map1}, {transform_indices = #map}, {transform_indices = #map2}]} {
    %mul3A = arith.constant 16 : i32
    %mul3A_0 = arith.muli %arg0, %mul3A : i32
    %add3A = arith.addi %mul3A_0, %arg1 : i32
    %mul3A_1 = arith.constant 640 : i32
    %mul3A_2 = arith.muli %arg1, %mul3A_1 : i32
    %mul3A_3 = arith.constant 640 : i32
    %mul3A_4 = arith.muli %arg1, %mul3A_3 : i32
    "tpu.region"() ({
      %run_scoped3A = tpu.sem_alloc : memref<!tpu.dma_semaphore, #tpu.memory_space<semaphore_mem>>
      %dma_start3A_43 = arith.constant 0 : i32
      %dma_start3A_44 = tpu.memref_slice %arg19[%mul3A_4, %dma_start3A_43] : memref<10240x128xf32, #tpu.memory_space<vmem_shared>> -> memref<640x128xf32, #tpu.memory_space<vmem_shared>>
      %dma_start3A_45 = arith.constant 0 : i32
      %dma_start3A_46 = tpu.memref_slice %arg5[%mul3A_2, %dma_start3A_45] : memref<10240x128xf32, #tpu.memory_space<hbm>> -> memref<640x128xf32, #tpu.memory_space<hbm>>
      tpu.enqueue_dma source(%dma_start3A_46 : memref<640x128xf32, #tpu.memory_space<hbm>>) target(%dma_start3A_44 : memref<640x128xf32, #tpu.memory_space<vmem_shared>>) target_semaphore(%run_scoped3A : memref<!tpu.dma_semaphore, #tpu.memory_space<semaphore_mem>>)
      %dma_wait3A_47 = arith.constant 0 : i32
      %dma_wait3A_48 = tpu.memref_slice %arg19[%mul3A_4, %dma_wait3A_47] : memref<10240x128xf32, #tpu.memory_space<vmem_shared>> -> memref<640x128xf32, #tpu.memory_space<vmem_shared>>
      %dma_wait3A_49 = arith.constant 0 : i32
      %dma_wait3A_50 = tpu.memref_slice %arg5[%mul3A_2, %dma_wait3A_49] : memref<10240x128xf32, #tpu.memory_space<hbm>> -> memref<640x128xf32, #tpu.memory_space<hbm>>
      tpu.wait_dma2 semaphore(%run_scoped3A : memref<!tpu.dma_semaphore, #tpu.memory_space<semaphore_mem>>) src(%dma_wait3A_50 : memref<640x128xf32, #tpu.memory_space<hbm>>) dst(%dma_wait3A_48 : memref<640x128xf32, #tpu.memory_space<vmem_shared>>)
      tpu.yield
    }) : () -> ()
    %barrier3A = arith.constant 0 : index
    tpu.barrier barrier_id(%barrier3A)
    %mul3A_5 = arith.constant 10000 : i32
    %mul3A_6 = arith.muli %add3A, %mul3A_5 : i32
    %scan3A = arith.constant 0 : i32
    %scan3A_7 = arith.constant 0 : i32
    %scan3A_8 = arith.constant 31 : i32
    %scan3A_9 = arith.addi %scan3A_7, %scan3A_8 : i32
    %scan3A_10 = arith.constant 1 : i32
    scf.for %scan3A_43 = %scan3A_7 to %scan3A_9 step %scan3A_10  : i32 {
      %mul3A_44 = arith.constant 320 : i32
      %mul3A_45 = arith.muli %scan3A_43, %mul3A_44 : i32
      %add3A_46 = arith.addi %mul3A_6, %mul3A_45 : i32
      %gt3A = arith.constant 0 : i32
      %gt3A_47 = arith.cmpi sgt, %scan3A_43, %gt3A : i32
      %convert_element_type3A = arith.extui %gt3A_47 : i1 to i32
      %cond3A = arith.constant 0 : i32
      %cond3A_48 = arith.cmpi ne, %convert_element_type3A, %cond3A : i32
      scf.if %cond3A_48 {
        %dma_wait3A_108 = arith.constant 0 : i32
        %dma_wait3A_109 = arith.constant 0 : i32
        %dma_wait3A_110 = tpu.memref_slice %arg19[%dma_wait3A_108, %dma_wait3A_109] : memref<10240x128xf32, #tpu.memory_space<vmem_shared>> -> memref<10240x128xf32, #tpu.memory_space<vmem_shared>>
        tpu.wait_indirect_dma semaphore(%arg24 : memref<!tpu.dma_semaphore, #tpu.memory_space<semaphore_mem>>) src(%arg15 : memref<80x128xf32, #tpu.memory_space<vmem>>) dst(%dma_wait3A_110 : memref<10240x128xf32, #tpu.memory_space<vmem_shared>>)
      } else {
      }
      %add3A_49 = arith.constant 0 : i32
      %add3A_50 = arith.addi %add3A_46, %add3A_49 : i32
      "tpu.region"() ({
        %run_scoped3A = tpu.sem_alloc : memref<!tpu.dma_semaphore, #tpu.memory_space<semaphore_mem>>
        %dma_start3A_108 = tpu.memref_slice %arg3[%add3A_50] : memref<320000xi32, #tpu.memory_space<hbm>> -> memref<80xi32, #tpu.memory_space<hbm>>
        %dma_start3A_109 = tpu.memref_slice %arg3[%add3A_50] : memref<320000xi32, #tpu.memory_space<hbm>> -> memref<80xi32, #tpu.memory_space<hbm>>
        tpu.enqueue_dma source(%dma_start3A_109 : memref<80xi32, #tpu.memory_space<hbm>>) target(%arg7 : memref<80xi32, #tpu.memory_space<vmem>>) target_semaphore(%run_scoped3A : memref<!tpu.dma_semaphore, #tpu.memory_space<semaphore_mem>>)
        %dma_wait3A_110 = tpu.memref_slice %arg3[%add3A_50] : memref<320000xi32, #tpu.memory_space<hbm>> -> memref<80xi32, #tpu.memory_space<hbm>>
        %dma_wait3A_111 = tpu.memref_slice %arg3[%add3A_50] : memref<320000xi32, #tpu.memory_space<hbm>> -> memref<80xi32, #tpu.memory_space<hbm>>
        tpu.wait_dma2 semaphore(%run_scoped3A : memref<!tpu.dma_semaphore, #tpu.memory_space<semaphore_mem>>) src(%dma_wait3A_111 : memref<80xi32, #tpu.memory_space<hbm>>) dst(%arg7 : memref<80xi32, #tpu.memory_space<vmem>>)
        tpu.yield
      }) : () -> ()
      "tpu.region"() ({
        %run_scoped3A = tpu.sem_alloc : memref<!tpu.dma_semaphore, #tpu.memory_space<semaphore_mem>>
        %dma_start3A_108 = tpu.memref_slice %arg4[%add3A_50] : memref<320000xi32, #tpu.memory_space<hbm>> -> memref<80xi32, #tpu.memory_space<hbm>>
        %dma_start3A_109 = tpu.memref_slice %arg4[%add3A_50] : memref<320000xi32, #tpu.memory_space<hbm>> -> memref<80xi32, #tpu.memory_space<hbm>>
        tpu.enqueue_dma source(%dma_start3A_109 : memref<80xi32, #tpu.memory_space<hbm>>) target(%arg11 : memref<80xi32, #tpu.memory_space<vmem>>) target_semaphore(%run_scoped3A : memref<!tpu.dma_semaphore, #tpu.memory_space<semaphore_mem>>)
        %dma_wait3A_110 = tpu.memref_slice %arg4[%add3A_50] : memref<320000xi32, #tpu.memory_space<hbm>> -> memref<80xi32, #tpu.memory_space<hbm>>
        %dma_wait3A_111 = tpu.memref_slice %arg4[%add3A_50] : memref<320000xi32, #tpu.memory_space<hbm>> -> memref<80xi32, #tpu.memory_space<hbm>>
        tpu.wait_dma2 semaphore(%run_scoped3A : memref<!tpu.dma_semaphore, #tpu.memory_space<semaphore_mem>>) src(%dma_wait3A_111 : memref<80xi32, #tpu.memory_space<hbm>>) dst(%arg11 : memref<80xi32, #tpu.memory_space<vmem>>)
        tpu.yield
      }) : () -> ()
      %dma_start3A_51 = arith.constant 0 : i32
      %dma_start3A_52 = arith.constant 0 : i32
      %dma_start3A_53 = tpu.memref_slice %arg2[%dma_start3A_51, %dma_start3A_52] : memref<10000x128xf32, #tpu.memory_space<hbm>> -> memref<10000x128xf32, #tpu.memory_space<hbm>>
      tpu.enqueue_indirect_dma source(%dma_start3A_53 : memref<10000x128xf32, #tpu.memory_space<hbm>>) target(%arg15 : memref<80x128xf32, #tpu.memory_space<vmem>>) offsets(%arg7 : memref<80xi32, #tpu.memory_space<vmem>>) semaphore(%arg20 : memref<!tpu.dma_semaphore, #tpu.memory_space<semaphore_mem>>)
      %gt3A_54 = arith.constant 0 : i32
      %gt3A_55 = arith.cmpi sgt, %scan3A_43, %gt3A_54 : i32
      %convert_element_type3A_56 = arith.extui %gt3A_55 : i1 to i32
      %cond3A_57 = arith.constant 0 : i32
      %cond3A_58 = arith.cmpi ne, %convert_element_type3A_56, %cond3A_57 : i32
      scf.if %cond3A_58 {
        %dma_wait3A_108 = arith.constant 0 : i32
        %dma_wait3A_109 = arith.constant 0 : i32
        %dma_wait3A_110 = tpu.memref_slice %arg19[%dma_wait3A_108, %dma_wait3A_109] : memref<10240x128xf32, #tpu.memory_space<vmem_shared>> -> memref<10240x128xf32, #tpu.memory_space<vmem_shared>>
        tpu.wait_indirect_dma semaphore(%arg24 : memref<!tpu.dma_semaphore, #tpu.memory_space<semaphore_mem>>) src(%arg16 : memref<80x128xf32, #tpu.memory_space<vmem>>) dst(%dma_wait3A_110 : memref<10240x128xf32, #tpu.memory_space<vmem_shared>>)
      } else {
      }
      %add3A_59 = arith.constant 80 : i32
      %add3A_60 = arith.addi %add3A_46, %add3A_59 : i32
      "tpu.region"() ({
        %run_scoped3A = tpu.sem_alloc : memref<!tpu.dma_semaphore, #tpu.memory_space<semaphore_mem>>
        %dma_start3A_108 = tpu.memref_slice %arg3[%add3A_60] : memref<320000xi32, #tpu.memory_space<hbm>> -> memref<80xi32, #tpu.memory_space<hbm>>
        %dma_start3A_109 = tpu.memref_slice %arg3[%add3A_60] : memref<320000xi32, #tpu.memory_space<hbm>> -> memref<80xi32, #tpu.memory_space<hbm>>
        tpu.enqueue_dma source(%dma_start3A_109 : memref<80xi32, #tpu.memory_space<hbm>>) target(%arg8 : memref<80xi32, #tpu.memory_space<vmem>>) target_semaphore(%run_scoped3A : memref<!tpu.dma_semaphore, #tpu.memory_space<semaphore_mem>>)
        %dma_wait3A_110 = tpu.memref_slice %arg3[%add3A_60] : memref<320000xi32, #tpu.memory_space<hbm>> -> memref<80xi32, #tpu.memory_space<hbm>>
        %dma_wait3A_111 = tpu.memref_slice %arg3[%add3A_60] : memref<320000xi32, #tpu.memory_space<hbm>> -> memref<80xi32, #tpu.memory_space<hbm>>
        tpu.wait_dma2 semaphore(%run_scoped3A : memref<!tpu.dma_semaphore, #tpu.memory_space<semaphore_mem>>) src(%dma_wait3A_111 : memref<80xi32, #tpu.memory_space<hbm>>) dst(%arg8 : memref<80xi32, #tpu.memory_space<vmem>>)
        tpu.yield
      }) : () -> ()
      "tpu.region"() ({
        %run_scoped3A = tpu.sem_alloc : memref<!tpu.dma_semaphore, #tpu.memory_space<semaphore_mem>>
        %dma_start3A_108 = tpu.memref_slice %arg4[%add3A_60] : memref<320000xi32, #tpu.memory_space<hbm>> -> memref<80xi32, #tpu.memory_space<hbm>>
        %dma_start3A_109 = tpu.memref_slice %arg4[%add3A_60] : memref<320000xi32, #tpu.memory_space<hbm>> -> memref<80xi32, #tpu.memory_space<hbm>>
        tpu.enqueue_dma source(%dma_start3A_109 : memref<80xi32, #tpu.memory_space<hbm>>) target(%arg12 : memref<80xi32, #tpu.memory_space<vmem>>) target_semaphore(%run_scoped3A : memref<!tpu.dma_semaphore, #tpu.memory_space<semaphore_mem>>)
        %dma_wait3A_110 = tpu.memref_slice %arg4[%add3A_60] : memref<320000xi32, #tpu.memory_space<hbm>> -> memref<80xi32, #tpu.memory_space<hbm>>
        %dma_wait3A_111 = tpu.memref_slice %arg4[%add3A_60] : memref<320000xi32, #tpu.memory_space<hbm>> -> memref<80xi32, #tpu.memory_space<hbm>>
        tpu.wait_dma2 semaphore(%run_scoped3A : memref<!tpu.dma_semaphore, #tpu.memory_space<semaphore_mem>>) src(%dma_wait3A_111 : memref<80xi32, #tpu.memory_space<hbm>>) dst(%arg12 : memref<80xi32, #tpu.memory_space<vmem>>)
        tpu.yield
      }) : () -> ()
      %dma_start3A_61 = arith.constant 0 : i32
      %dma_start3A_62 = arith.constant 0 : i32
      %dma_start3A_63 = tpu.memref_slice %arg2[%dma_start3A_61, %dma_start3A_62] : memref<10000x128xf32, #tpu.memory_space<hbm>> -> memref<10000x128xf32, #tpu.memory_space<hbm>>
      tpu.enqueue_indirect_dma source(%dma_start3A_63 : memref<10000x128xf32, #tpu.memory_space<hbm>>) target(%arg16 : memref<80x128xf32, #tpu.memory_space<vmem>>) offsets(%arg8 : memref<80xi32, #tpu.memory_space<vmem>>) semaphore(%arg21 : memref<!tpu.dma_semaphore, #tpu.memory_space<semaphore_mem>>)
      %gt3A_64 = arith.constant 0 : i32
      %gt3A_65 = arith.cmpi sgt, %scan3A_43, %gt3A_64 : i32
      %convert_element_type3A_66 = arith.extui %gt3A_65 : i1 to i32
      %cond3A_67 = arith.constant 0 : i32
      %cond3A_68 = arith.cmpi ne, %convert_element_type3A_66, %cond3A_67 : i32
      scf.if %cond3A_68 {
        %dma_wait3A_108 = arith.constant 0 : i32
        %dma_wait3A_109 = arith.constant 0 : i32
        %dma_wait3A_110 = tpu.memref_slice %arg19[%dma_wait3A_108, %dma_wait3A_109] : memref<10240x128xf32, #tpu.memory_space<vmem_shared>> -> memref<10240x128xf32, #tpu.memory_space<vmem_shared>>
        tpu.wait_indirect_dma semaphore(%arg24 : memref<!tpu.dma_semaphore, #tpu.memory_space<semaphore_mem>>) src(%arg17 : memref<80x128xf32, #tpu.memory_space<vmem>>) dst(%dma_wait3A_110 : memref<10240x128xf32, #tpu.memory_space<vmem_shared>>)
      } else {
      }
      %add3A_69 = arith.constant 160 : i32
      %add3A_70 = arith.addi %add3A_46, %add3A_69 : i32
      "tpu.region"() ({
        %run_scoped3A = tpu.sem_alloc : memref<!tpu.dma_semaphore, #tpu.memory_space<semaphore_mem>>
        %dma_start3A_108 = tpu.memref_slice %arg3[%add3A_70] : memref<320000xi32, #tpu.memory_space<hbm>> -> memref<80xi32, #tpu.memory_space<hbm>>
        %dma_start3A_109 = tpu.memref_slice %arg3[%add3A_70] : memref<320000xi32, #tpu.memory_space<hbm>> -> memref<80xi32, #tpu.memory_space<hbm>>
        tpu.enqueue_dma source(%dma_start3A_109 : memref<80xi32, #tpu.memory_space<hbm>>) target(%arg9 : memref<80xi32, #tpu.memory_space<vmem>>) target_semaphore(%run_scoped3A : memref<!tpu.dma_semaphore, #tpu.memory_space<semaphore_mem>>)
        %dma_wait3A_110 = tpu.memref_slice %arg3[%add3A_70] : memref<320000xi32, #tpu.memory_space<hbm>> -> memref<80xi32, #tpu.memory_space<hbm>>
        %dma_wait3A_111 = tpu.memref_slice %arg3[%add3A_70] : memref<320000xi32, #tpu.memory_space<hbm>> -> memref<80xi32, #tpu.memory_space<hbm>>
        tpu.wait_dma2 semaphore(%run_scoped3A : memref<!tpu.dma_semaphore, #tpu.memory_space<semaphore_mem>>) src(%dma_wait3A_111 : memref<80xi32, #tpu.memory_space<hbm>>) dst(%arg9 : memref<80xi32, #tpu.memory_space<vmem>>)
        tpu.yield
      }) : () -> ()
      "tpu.region"() ({
        %run_scoped3A = tpu.sem_alloc : memref<!tpu.dma_semaphore, #tpu.memory_space<semaphore_mem>>
        %dma_start3A_108 = tpu.memref_slice %arg4[%add3A_70] : memref<320000xi32, #tpu.memory_space<hbm>> -> memref<80xi32, #tpu.memory_space<hbm>>
        %dma_start3A_109 = tpu.memref_slice %arg4[%add3A_70] : memref<320000xi32, #tpu.memory_space<hbm>> -> memref<80xi32, #tpu.memory_space<hbm>>
        tpu.enqueue_dma source(%dma_start3A_109 : memref<80xi32, #tpu.memory_space<hbm>>) target(%arg13 : memref<80xi32, #tpu.memory_space<vmem>>) target_semaphore(%run_scoped3A : memref<!tpu.dma_semaphore, #tpu.memory_space<semaphore_mem>>)
        %dma_wait3A_110 = tpu.memref_slice %arg4[%add3A_70] : memref<320000xi32, #tpu.memory_space<hbm>> -> memref<80xi32, #tpu.memory_space<hbm>>
        %dma_wait3A_111 = tpu.memref_slice %arg4[%add3A_70] : memref<320000xi32, #tpu.memory_space<hbm>> -> memref<80xi32, #tpu.memory_space<hbm>>
        tpu.wait_dma2 semaphore(%run_scoped3A : memref<!tpu.dma_semaphore, #tpu.memory_space<semaphore_mem>>) src(%dma_wait3A_111 : memref<80xi32, #tpu.memory_space<hbm>>) dst(%arg13 : memref<80xi32, #tpu.memory_space<vmem>>)
        tpu.yield
      }) : () -> ()
      %dma_start3A_71 = arith.constant 0 : i32
      %dma_start3A_72 = arith.constant 0 : i32
      %dma_start3A_73 = tpu.memref_slice %arg2[%dma_start3A_71, %dma_start3A_72] : memref<10000x128xf32, #tpu.memory_space<hbm>> -> memref<10000x128xf32, #tpu.memory_space<hbm>>
      tpu.enqueue_indirect_dma source(%dma_start3A_73 : memref<10000x128xf32, #tpu.memory_space<hbm>>) target(%arg17 : memref<80x128xf32, #tpu.memory_space<vmem>>) offsets(%arg9 : memref<80xi32, #tpu.memory_space<vmem>>) semaphore(%arg22 : memref<!tpu.dma_semaphore, #tpu.memory_space<semaphore_mem>>)
      %gt3A_74 = arith.constant 0 : i32
      %gt3A_75 = arith.cmpi sgt, %scan3A_43, %gt3A_74 : i32
      %convert_element_type3A_76 = arith.extui %gt3A_75 : i1 to i32
      %cond3A_77 = arith.constant 0 : i32
      %cond3A_78 = arith.cmpi ne, %convert_element_type3A_76, %cond3A_77 : i32
      scf.if %cond3A_78 {
        %dma_wait3A_108 = arith.constant 0 : i32
        %dma_wait3A_109 = arith.constant 0 : i32
        %dma_wait3A_110 = tpu.memref_slice %arg19[%dma_wait3A_108, %dma_wait3A_109] : memref<10240x128xf32, #tpu.memory_space<vmem_shared>> -> memref<10240x128xf32, #tpu.memory_space<vmem_shared>>
        tpu.wait_indirect_dma semaphore(%arg24 : memref<!tpu.dma_semaphore, #tpu.memory_space<semaphore_mem>>) src(%arg18 : memref<80x128xf32, #tpu.memory_space<vmem>>) dst(%dma_wait3A_110 : memref<10240x128xf32, #tpu.memory_space<vmem_shared>>)
      } else {
      }
      %add3A_79 = arith.constant 240 : i32
      %add3A_80 = arith.addi %add3A_46, %add3A_79 : i32
      "tpu.region"() ({
        %run_scoped3A = tpu.sem_alloc : memref<!tpu.dma_semaphore, #tpu.memory_space<semaphore_mem>>
        %dma_start3A_108 = tpu.memref_slice %arg3[%add3A_80] : memref<320000xi32, #tpu.memory_space<hbm>> -> memref<80xi32, #tpu.memory_space<hbm>>
        %dma_start3A_109 = tpu.memref_slice %arg3[%add3A_80] : memref<320000xi32, #tpu.memory_space<hbm>> -> memref<80xi32, #tpu.memory_space<hbm>>
        tpu.enqueue_dma source(%dma_start3A_109 : memref<80xi32, #tpu.memory_space<hbm>>) target(%arg10 : memref<80xi32, #tpu.memory_space<vmem>>) target_semaphore(%run_scoped3A : memref<!tpu.dma_semaphore, #tpu.memory_space<semaphore_mem>>)
        %dma_wait3A_110 = tpu.memref_slice %arg3[%add3A_80] : memref<320000xi32, #tpu.memory_space<hbm>> -> memref<80xi32, #tpu.memory_space<hbm>>
        %dma_wait3A_111 = tpu.memref_slice %arg3[%add3A_80] : memref<320000xi32, #tpu.memory_space<hbm>> -> memref<80xi32, #tpu.memory_space<hbm>>
        tpu.wait_dma2 semaphore(%run_scoped3A : memref<!tpu.dma_semaphore, #tpu.memory_space<semaphore_mem>>) src(%dma_wait3A_111 : memref<80xi32, #tpu.memory_space<hbm>>) dst(%arg10 : memref<80xi32, #tpu.memory_space<vmem>>)
        tpu.yield
      }) : () -> ()
      "tpu.region"() ({
        %run_scoped3A = tpu.sem_alloc : memref<!tpu.dma_semaphore, #tpu.memory_space<semaphore_mem>>
        %dma_start3A_108 = tpu.memref_slice %arg4[%add3A_80] : memref<320000xi32, #tpu.memory_space<hbm>> -> memref<80xi32, #tpu.memory_space<hbm>>
        %dma_start3A_109 = tpu.memref_slice %arg4[%add3A_80] : memref<320000xi32, #tpu.memory_space<hbm>> -> memref<80xi32, #tpu.memory_space<hbm>>
        tpu.enqueue_dma source(%dma_start3A_109 : memref<80xi32, #tpu.memory_space<hbm>>) target(%arg14 : memref<80xi32, #tpu.memory_space<vmem>>) target_semaphore(%run_scoped3A : memref<!tpu.dma_semaphore, #tpu.memory_space<semaphore_mem>>)
        %dma_wait3A_110 = tpu.memref_slice %arg4[%add3A_80] : memref<320000xi32, #tpu.memory_space<hbm>> -> memref<80xi32, #tpu.memory_space<hbm>>
        %dma_wait3A_111 = tpu.memref_slice %arg4[%add3A_80] : memref<320000xi32, #tpu.memory_space<hbm>> -> memref<80xi32, #tpu.memory_space<hbm>>
        tpu.wait_dma2 semaphore(%run_scoped3A : memref<!tpu.dma_semaphore, #tpu.memory_space<semaphore_mem>>) src(%dma_wait3A_111 : memref<80xi32, #tpu.memory_space<hbm>>) dst(%arg14 : memref<80xi32, #tpu.memory_space<vmem>>)
        tpu.yield
      }) : () -> ()
      %dma_start3A_81 = arith.constant 0 : i32
      %dma_start3A_82 = arith.constant 0 : i32
      %dma_start3A_83 = tpu.memref_slice %arg2[%dma_start3A_81, %dma_start3A_82] : memref<10000x128xf32, #tpu.memory_space<hbm>> -> memref<10000x128xf32, #tpu.memory_space<hbm>>
      tpu.enqueue_indirect_dma source(%dma_start3A_83 : memref<10000x128xf32, #tpu.memory_space<hbm>>) target(%arg18 : memref<80x128xf32, #tpu.memory_space<vmem>>) offsets(%arg10 : memref<80xi32, #tpu.memory_space<vmem>>) semaphore(%arg23 : memref<!tpu.dma_semaphore, #tpu.memory_space<semaphore_mem>>)
      %dma_wait3A_84 = arith.constant 0 : i32
      %dma_wait3A_85 = arith.constant 0 : i32
      %dma_wait3A_86 = tpu.memref_slice %arg2[%dma_wait3A_84, %dma_wait3A_85] : memref<10000x128xf32, #tpu.memory_space<hbm>> -> memref<10000x128xf32, #tpu.memory_space<hbm>>
      tpu.wait_indirect_dma semaphore(%arg20 : memref<!tpu.dma_semaphore, #tpu.memory_space<semaphore_mem>>) src(%dma_wait3A_86 : memref<10000x128xf32, #tpu.memory_space<hbm>>) dst(%arg15 : memref<80x128xf32, #tpu.memory_space<vmem>>)
      %dma_start3A_87 = arith.constant 0 : i32
      %dma_start3A_88 = arith.constant 0 : i32
      %dma_start3A_89 = tpu.memref_slice %arg19[%dma_start3A_87, %dma_start3A_88] : memref<10240x128xf32, #tpu.memory_space<vmem_shared>> -> memref<10240x128xf32, #tpu.memory_space<vmem_shared>>
      tpu.enqueue_indirect_dma source(%arg15 : memref<80x128xf32, #tpu.memory_space<vmem>>) target(%dma_start3A_89 : memref<10240x128xf32, #tpu.memory_space<vmem_shared>>) offsets(%arg11 : memref<80xi32, #tpu.memory_space<vmem>>) semaphore(%arg24 : memref<!tpu.dma_semaphore, #tpu.memory_space<semaphore_mem>>) {add = true}
      %dma_wait3A_90 = arith.constant 0 : i32
      %dma_wait3A_91 = arith.constant 0 : i32
      %dma_wait3A_92 = tpu.memref_slice %arg2[%dma_wait3A_90, %dma_wait3A_91] : memref<10000x128xf32, #tpu.memory_space<hbm>> -> memref<10000x128xf32, #tpu.memory_space<hbm>>
      tpu.wait_indirect_dma semaphore(%arg21 : memref<!tpu.dma_semaphore, #tpu.memory_space<semaphore_mem>>) src(%dma_wait3A_92 : memref<10000x128xf32, #tpu.memory_space<hbm>>) dst(%arg16 : memref<80x128xf32, #tpu.memory_space<vmem>>)
      %dma_start3A_93 = arith.constant 0 : i32
      %dma_start3A_94 = arith.constant 0 : i32
      %dma_start3A_95 = tpu.memref_slice %arg19[%dma_start3A_93, %dma_start3A_94] : memref<10240x128xf32, #tpu.memory_space<vmem_shared>> -> memref<10240x128xf32, #tpu.memory_space<vmem_shared>>
      tpu.enqueue_indirect_dma source(%arg16 : memref<80x128xf32, #tpu.memory_space<vmem>>) target(%dma_start3A_95 : memref<10240x128xf32, #tpu.memory_space<vmem_shared>>) offsets(%arg12 : memref<80xi32, #tpu.memory_space<vmem>>) semaphore(%arg24 : memref<!tpu.dma_semaphore, #tpu.memory_space<semaphore_mem>>) {add = true}
      %dma_wait3A_96 = arith.constant 0 : i32
      %dma_wait3A_97 = arith.constant 0 : i32
      %dma_wait3A_98 = tpu.memref_slice %arg2[%dma_wait3A_96, %dma_wait3A_97] : memref<10000x128xf32, #tpu.memory_space<hbm>> -> memref<10000x128xf32, #tpu.memory_space<hbm>>
      tpu.wait_indirect_dma semaphore(%arg22 : memref<!tpu.dma_semaphore, #tpu.memory_space<semaphore_mem>>) src(%dma_wait3A_98 : memref<10000x128xf32, #tpu.memory_space<hbm>>) dst(%arg17 : memref<80x128xf32, #tpu.memory_space<vmem>>)
      %dma_start3A_99 = arith.constant 0 : i32
      %dma_start3A_100 = arith.constant 0 : i32
      %dma_start3A_101 = tpu.memref_slice %arg19[%dma_start3A_99, %dma_start3A_100] : memref<10240x128xf32, #tpu.memory_space<vmem_shared>> -> memref<10240x128xf32, #tpu.memory_space<vmem_shared>>
      tpu.enqueue_indirect_dma source(%arg17 : memref<80x128xf32, #tpu.memory_space<vmem>>) target(%dma_start3A_101 : memref<10240x128xf32, #tpu.memory_space<vmem_shared>>) offsets(%arg13 : memref<80xi32, #tpu.memory_space<vmem>>) semaphore(%arg24 : memref<!tpu.dma_semaphore, #tpu.memory_space<semaphore_mem>>) {add = true}
      %dma_wait3A_102 = arith.constant 0 : i32
      %dma_wait3A_103 = arith.constant 0 : i32
      %dma_wait3A_104 = tpu.memref_slice %arg2[%dma_wait3A_102, %dma_wait3A_103] : memref<10000x128xf32, #tpu.memory_space<hbm>> -> memref<10000x128xf32, #tpu.memory_space<hbm>>
      tpu.wait_indirect_dma semaphore(%arg23 : memref<!tpu.dma_semaphore, #tpu.memory_space<semaphore_mem>>) src(%dma_wait3A_104 : memref<10000x128xf32, #tpu.memory_space<hbm>>) dst(%arg18 : memref<80x128xf32, #tpu.memory_space<vmem>>)
      %dma_start3A_105 = arith.constant 0 : i32
      %dma_start3A_106 = arith.constant 0 : i32
      %dma_start3A_107 = tpu.memref_slice %arg19[%dma_start3A_105, %dma_start3A_106] : memref<10240x128xf32, #tpu.memory_space<vmem_shared>> -> memref<10240x128xf32, #tpu.memory_space<vmem_shared>>
      tpu.enqueue_indirect_dma source(%arg18 : memref<80x128xf32, #tpu.memory_space<vmem>>) target(%dma_start3A_107 : memref<10240x128xf32, #tpu.memory_space<vmem_shared>>) offsets(%arg14 : memref<80xi32, #tpu.memory_space<vmem>>) semaphore(%arg24 : memref<!tpu.dma_semaphore, #tpu.memory_space<semaphore_mem>>) {add = true}
    }
    %scan3A_11 = arith.constant 31 : i32
    %dma_wait3A = arith.constant 0 : i32
    %dma_wait3A_12 = arith.constant 0 : i32
    %dma_wait3A_13 = tpu.memref_slice %arg19[%dma_wait3A, %dma_wait3A_12] : memref<10240x128xf32, #tpu.memory_space<vmem_shared>> -> memref<10240x128xf32, #tpu.memory_space<vmem_shared>>
    tpu.wait_indirect_dma semaphore(%arg24 : memref<!tpu.dma_semaphore, #tpu.memory_space<semaphore_mem>>) src(%arg15 : memref<80x128xf32, #tpu.memory_space<vmem>>) dst(%dma_wait3A_13 : memref<10240x128xf32, #tpu.memory_space<vmem_shared>>)
    %dma_wait3A_14 = arith.constant 0 : i32
    %dma_wait3A_15 = arith.constant 0 : i32
    %dma_wait3A_16 = tpu.memref_slice %arg19[%dma_wait3A_14, %dma_wait3A_15] : memref<10240x128xf32, #tpu.memory_space<vmem_shared>> -> memref<10240x128xf32, #tpu.memory_space<vmem_shared>>
    tpu.wait_indirect_dma semaphore(%arg24 : memref<!tpu.dma_semaphore, #tpu.memory_space<semaphore_mem>>) src(%arg16 : memref<80x128xf32, #tpu.memory_space<vmem>>) dst(%dma_wait3A_16 : memref<10240x128xf32, #tpu.memory_space<vmem_shared>>)
    %dma_wait3A_17 = arith.constant 0 : i32
    %dma_wait3A_18 = arith.constant 0 : i32
    %dma_wait3A_19 = tpu.memref_slice %arg19[%dma_wait3A_17, %dma_wait3A_18] : memref<10240x128xf32, #tpu.memory_space<vmem_shared>> -> memref<10240x128xf32, #tpu.memory_space<vmem_shared>>
    tpu.wait_indirect_dma semaphore(%arg24 : memref<!tpu.dma_semaphore, #tpu.memory_space<semaphore_mem>>) src(%arg17 : memref<80x128xf32, #tpu.memory_space<vmem>>) dst(%dma_wait3A_19 : memref<10240x128xf32, #tpu.memory_space<vmem_shared>>)
    %dma_wait3A_20 = arith.constant 0 : i32
    %dma_wait3A_21 = arith.constant 0 : i32
    %dma_wait3A_22 = tpu.memref_slice %arg19[%dma_wait3A_20, %dma_wait3A_21] : memref<10240x128xf32, #tpu.memory_space<vmem_shared>> -> memref<10240x128xf32, #tpu.memory_space<vmem_shared>>
    tpu.wait_indirect_dma semaphore(%arg24 : memref<!tpu.dma_semaphore, #tpu.memory_space<semaphore_mem>>) src(%arg18 : memref<80x128xf32, #tpu.memory_space<vmem>>) dst(%dma_wait3A_22 : memref<10240x128xf32, #tpu.memory_space<vmem_shared>>)
    %add3A_23 = arith.constant 9920 : i32
    %add3A_24 = arith.addi %mul3A_6, %add3A_23 : i32
    %add3A_25 = arith.constant 0 : i32
    %add3A_26 = arith.addi %add3A_24, %add3A_25 : i32
    "tpu.region"() ({
      %run_scoped3A = tpu.sem_alloc : memref<!tpu.dma_semaphore, #tpu.memory_space<semaphore_mem>>
      %dma_start3A_43 = tpu.memref_slice %arg3[%add3A_26] : memref<320000xi32, #tpu.memory_space<hbm>> -> memref<80xi32, #tpu.memory_space<hbm>>
      %dma_start3A_44 = tpu.memref_slice %arg3[%add3A_26] : memref<320000xi32, #tpu.memory_space<hbm>> -> memref<80xi32, #tpu.memory_space<hbm>>
      tpu.enqueue_dma source(%dma_start3A_44 : memref<80xi32, #tpu.memory_space<hbm>>) target(%arg7 : memref<80xi32, #tpu.memory_space<vmem>>) target_semaphore(%run_scoped3A : memref<!tpu.dma_semaphore, #tpu.memory_space<semaphore_mem>>)
      %dma_wait3A_45 = tpu.memref_slice %arg3[%add3A_26] : memref<320000xi32, #tpu.memory_space<hbm>> -> memref<80xi32, #tpu.memory_space<hbm>>
      %dma_wait3A_46 = tpu.memref_slice %arg3[%add3A_26] : memref<320000xi32, #tpu.memory_space<hbm>> -> memref<80xi32, #tpu.memory_space<hbm>>
      tpu.wait_dma2 semaphore(%run_scoped3A : memref<!tpu.dma_semaphore, #tpu.memory_space<semaphore_mem>>) src(%dma_wait3A_46 : memref<80xi32, #tpu.memory_space<hbm>>) dst(%arg7 : memref<80xi32, #tpu.memory_space<vmem>>)
      tpu.yield
    }) : () -> ()
    "tpu.region"() ({
      %run_scoped3A = tpu.sem_alloc : memref<!tpu.dma_semaphore, #tpu.memory_space<semaphore_mem>>
      %dma_start3A_43 = tpu.memref_slice %arg4[%add3A_26] : memref<320000xi32, #tpu.memory_space<hbm>> -> memref<80xi32, #tpu.memory_space<hbm>>
      %dma_start3A_44 = tpu.memref_slice %arg4[%add3A_26] : memref<320000xi32, #tpu.memory_space<hbm>> -> memref<80xi32, #tpu.memory_space<hbm>>
      tpu.enqueue_dma source(%dma_start3A_44 : memref<80xi32, #tpu.memory_space<hbm>>) target(%arg11 : memref<80xi32, #tpu.memory_space<vmem>>) target_semaphore(%run_scoped3A : memref<!tpu.dma_semaphore, #tpu.memory_space<semaphore_mem>>)
      %dma_wait3A_45 = tpu.memref_slice %arg4[%add3A_26] : memref<320000xi32, #tpu.memory_space<hbm>> -> memref<80xi32, #tpu.memory_space<hbm>>
      %dma_wait3A_46 = tpu.memref_slice %arg4[%add3A_26] : memref<320000xi32, #tpu.memory_space<hbm>> -> memref<80xi32, #tpu.memory_space<hbm>>
      tpu.wait_dma2 semaphore(%run_scoped3A : memref<!tpu.dma_semaphore, #tpu.memory_space<semaphore_mem>>) src(%dma_wait3A_46 : memref<80xi32, #tpu.memory_space<hbm>>) dst(%arg11 : memref<80xi32, #tpu.memory_space<vmem>>)
      tpu.yield
    }) : () -> ()
    %dma_start3A = arith.constant 0 : i32
    %dma_start3A_27 = arith.constant 0 : i32
    %dma_start3A_28 = tpu.memref_slice %arg2[%dma_start3A, %dma_start3A_27] : memref<10000x128xf32, #tpu.memory_space<hbm>> -> memref<10000x128xf32, #tpu.memory_space<hbm>>
    tpu.enqueue_indirect_dma source(%dma_start3A_28 : memref<10000x128xf32, #tpu.memory_space<hbm>>) target(%arg15 : memref<80x128xf32, #tpu.memory_space<vmem>>) offsets(%arg7 : memref<80xi32, #tpu.memory_space<vmem>>) semaphore(%arg20 : memref<!tpu.dma_semaphore, #tpu.memory_space<semaphore_mem>>)
    %dma_wait3A_29 = arith.constant 0 : i32
    %dma_wait3A_30 = arith.constant 0 : i32
    %dma_wait3A_31 = tpu.memref_slice %arg2[%dma_wait3A_29, %dma_wait3A_30] : memref<10000x128xf32, #tpu.memory_space<hbm>> -> memref<10000x128xf32, #tpu.memory_space<hbm>>
    tpu.wait_indirect_dma semaphore(%arg20 : memref<!tpu.dma_semaphore, #tpu.memory_space<semaphore_mem>>) src(%dma_wait3A_31 : memref<10000x128xf32, #tpu.memory_space<hbm>>) dst(%arg15 : memref<80x128xf32, #tpu.memory_space<vmem>>)
    %dma_start3A_32 = arith.constant 0 : i32
    %dma_start3A_33 = arith.constant 0 : i32
    %dma_start3A_34 = tpu.memref_slice %arg19[%dma_start3A_32, %dma_start3A_33] : memref<10240x128xf32, #tpu.memory_space<vmem_shared>> -> memref<10240x128xf32, #tpu.memory_space<vmem_shared>>
    tpu.enqueue_indirect_dma source(%arg15 : memref<80x128xf32, #tpu.memory_space<vmem>>) target(%dma_start3A_34 : memref<10240x128xf32, #tpu.memory_space<vmem_shared>>) offsets(%arg11 : memref<80xi32, #tpu.memory_space<vmem>>) semaphore(%arg24 : memref<!tpu.dma_semaphore, #tpu.memory_space<semaphore_mem>>) {add = true}
    %dma_wait3A_35 = arith.constant 0 : i32
    %dma_wait3A_36 = arith.constant 0 : i32
    %dma_wait3A_37 = tpu.memref_slice %arg19[%dma_wait3A_35, %dma_wait3A_36] : memref<10240x128xf32, #tpu.memory_space<vmem_shared>> -> memref<10240x128xf32, #tpu.memory_space<vmem_shared>>
    tpu.wait_indirect_dma semaphore(%arg24 : memref<!tpu.dma_semaphore, #tpu.memory_space<semaphore_mem>>) src(%arg15 : memref<80x128xf32, #tpu.memory_space<vmem>>) dst(%dma_wait3A_37 : memref<10240x128xf32, #tpu.memory_space<vmem_shared>>)
    %barrier3A_38 = arith.constant 0 : index
    tpu.barrier barrier_id(%barrier3A_38)
    %mul3A_39 = arith.constant 640 : i32
    %mul3A_40 = arith.muli %arg1, %mul3A_39 : i32
    %mul3A_41 = arith.constant 640 : i32
    %mul3A_42 = arith.muli %arg1, %mul3A_41 : i32
    "tpu.region"() ({
      %run_scoped3A = tpu.sem_alloc : memref<!tpu.dma_semaphore, #tpu.memory_space<semaphore_mem>>
      %dma_start3A_43 = arith.constant 0 : i32
      %dma_start3A_44 = tpu.memref_slice %arg6[%arg0, %mul3A_42, %dma_start3A_43] : memref<2x10240x128xf32, #tpu.memory_space<hbm>> -> memref<1x640x128xf32, #tpu.memory_space<hbm>>
      %dma_start3A_45 = tpu.memref_squeeze %dma_start3A_44 : memref<1x640x128xf32, #tpu.memory_space<hbm>> -> memref<640x128xf32, #tpu.memory_space<hbm>>
      %dma_start3A_46 = arith.constant 0 : i32
      %dma_start3A_47 = tpu.memref_slice %arg19[%mul3A_40, %dma_start3A_46] : memref<10240x128xf32, #tpu.memory_space<vmem_shared>> -> memref<640x128xf32, #tpu.memory_space<vmem_shared>>
      tpu.enqueue_dma source(%dma_start3A_47 : memref<640x128xf32, #tpu.memory_space<vmem_shared>>) target(%dma_start3A_45 : memref<640x128xf32, #tpu.memory_space<hbm>>) target_semaphore(%run_scoped3A : memref<!tpu.dma_semaphore, #tpu.memory_space<semaphore_mem>>)
      %dma_wait3A_48 = arith.constant 0 : i32
      %dma_wait3A_49 = tpu.memref_slice %arg6[%arg0, %mul3A_42, %dma_wait3A_48] : memref<2x10240x128xf32, #tpu.memory_space<hbm>> -> memref<1x640x128xf32, #tpu.memory_space<hbm>>
      %dma_wait3A_50 = tpu.memref_squeeze %dma_wait3A_49 : memref<1x640x128xf32, #tpu.memory_space<hbm>> -> memref<640x128xf32, #tpu.memory_space<hbm>>
      %dma_wait3A_51 = arith.constant 0 : i32
      %dma_wait3A_52 = tpu.memref_slice %arg19[%mul3A_40, %dma_wait3A_51] : memref<10240x128xf32, #tpu.memory_space<vmem_shared>> -> memref<640x128xf32, #tpu.memory_space<vmem_shared>>
      tpu.wait_dma2 semaphore(%run_scoped3A : memref<!tpu.dma_semaphore, #tpu.memory_space<semaphore_mem>>) src(%dma_wait3A_52 : memref<640x128xf32, #tpu.memory_space<vmem_shared>>) dst(%dma_wait3A_50 : memref<640x128xf32, #tpu.memory_space<hbm>>)
      tpu.yield
    }) : () -> ()
    return
  }
}

module attributes {stable_mosaic.version = 14 : i64} {
  func.func @_combine1_body(%arg0: i32, %arg1: memref<2x1000x128xf32, #tpu.memory_space<vmem>>, %arg2: memref<1000x128xf32, #tpu.memory_space<vmem>>, %arg3: memref<2x1000x1xf32, #tpu.memory_space<vmem>>, %arg4: memref<11x128x128xf32, #tpu.memory_space<vmem>>, %arg5: memref<11x128xf32, #tpu.memory_space<vmem>>, %arg6: memref<11x128x128xf32, #tpu.memory_space<vmem>>, %arg7: memref<1000x128xf32, #tpu.memory_space<vmem>>, %arg8: memref<1000x1xi32, #tpu.memory_space<vmem>>) attributes {dimension_semantics = [#tpu.dimension_semantics<arbitrary>], iteration_bounds = array<i64: 10>, scalar_prefetch = 0 : i64, scratch_operands = 0 : i64, tpu.core_type = #tpu.core_type<tc>, window_params = [{transform_indices = @transform_0, window_bounds = array<i64: 2, 1000, 128>}, {transform_indices = @transform_1, window_bounds = array<i64: 1000, 128>}, {transform_indices = @transform_2, window_bounds = array<i64: 2, 1000, 1>}, {pipeline_mode = #tpu.pipeline_mode<synchronous>, transform_indices = @transform_3, window_bounds = array<i64: 11, 128, 128>}, {pipeline_mode = #tpu.pipeline_mode<synchronous>, transform_indices = @transform_4, window_bounds = array<i64: 11, 128>}, {pipeline_mode = #tpu.pipeline_mode<synchronous>, transform_indices = @transform_5, window_bounds = array<i64: 11, 128, 128>}, {transform_indices = @transform_6, window_bounds = array<i64: 1000, 128>}, {transform_indices = @transform_7, window_bounds = array<i64: 1000, 1>}]} {
    %get3A = arith.constant 0 : index
    %get3A_0 = arith.constant 0 : index
    %get3A_1 = arith.constant 0 : index
    %get3A_2 = vector.load %arg1[%get3A, %get3A_0, %get3A_1] : memref<2x1000x128xf32, #tpu.memory_space<vmem>>, vector<1x1000x128xf32>
    %get3A_3 = vector.shape_cast %get3A_2 : vector<1x1000x128xf32> to vector<1000x128xf32>
    %get3A_4 = arith.constant 1 : index
    %get3A_5 = arith.constant 0 : index
    %get3A_6 = arith.constant 0 : index
    %get3A_7 = vector.load %arg1[%get3A_4, %get3A_5, %get3A_6] : memref<2x1000x128xf32, #tpu.memory_space<vmem>>, vector<1x1000x128xf32>
    %get3A_8 = vector.shape_cast %get3A_7 : vector<1x1000x128xf32> to vector<1000x128xf32>
    %add3A = arith.addf %get3A_3, %get3A_8 : vector<1000x128xf32>
    %get3A_9 = arith.constant 0 : index
    %get3A_10 = arith.constant 0 : index
    %get3A_11 = vector.load %arg2[%get3A_9, %get3A_10] : memref<1000x128xf32, #tpu.memory_space<vmem>>, vector<1000x128xf32>
    %get3A_12 = arith.constant 0 : index
    %get3A_13 = arith.constant 0 : index
    %get3A_14 = arith.constant 0 : index
    %get3A_15 = vector.load %arg3[%get3A_12, %get3A_13, %get3A_14] : memref<2x1000x1xf32, #tpu.memory_space<vmem>>, vector<1x1000x1xf32>
    %get3A_16 = vector.shape_cast %get3A_15 : vector<1x1000x1xf32> to vector<1000x1xf32>
    %get3A_17 = arith.constant 1 : index
    %get3A_18 = arith.constant 0 : index
    %get3A_19 = arith.constant 0 : index
    %get3A_20 = vector.load %arg3[%get3A_17, %get3A_18, %get3A_19] : memref<2x1000x1xf32, #tpu.memory_space<vmem>>, vector<1x1000x1xf32>
    %get3A_21 = vector.shape_cast %get3A_20 : vector<1x1000x1xf32> to vector<1000x1xf32>
    %add3A_22 = arith.addf %get3A_16, %get3A_21 : vector<1000x1xf32>
    %convert_element_type3A = arith.fptosi %add3A_22 : vector<1000x1xf32> to vector<1000x1xi32>
    %min3A = arith.constant 10 : i32
    %min3A_23 = vector.broadcast %min3A : i32 to vector<1000x1xi32>
    %min3A_24 = arith.minsi %convert_element_type3A, %min3A_23 : vector<1000x1xi32>
    %swap3A = arith.constant 0 : index
    %swap3A_25 = arith.constant 0 : index
    %swap3A_26 = vector.load %arg8[%swap3A, %swap3A_25] : memref<1000x1xi32, #tpu.memory_space<vmem>>, vector<1000x1xi32>
    tpu.vector_store %arg8[%swap3A, %swap3A_25], %min3A_24 {strides = array<i32>} : memref<1000x1xi32, #tpu.memory_space<vmem>>, vector<1000x1xi32>,
    %convert_element_type3A_27 = arith.truncf %add3A : vector<1000x128xf32> to vector<1000x128xbf16>
    %convert_element_type3A_28 = arith.truncf %get3A_11 : vector<1000x128xf32> to vector<1000x128xbf16>
    %broadcast_in_dim3A = arith.constant 0.000000e+00 : f32
    %broadcast_in_dim3A_29 = vector.broadcast %broadcast_in_dim3A : f32 to vector<1000x128xf32>
    %swap3A_30 = arith.constant 0 : index
    %swap3A_31 = arith.constant 0 : index
    %swap3A_32 = vector.load %arg7[%swap3A_30, %swap3A_31] : memref<1000x128xf32, #tpu.memory_space<vmem>>, vector<1000x128xf32>
    tpu.vector_store %arg7[%swap3A_30, %swap3A_31], %broadcast_in_dim3A_29 {strides = array<i32>} : memref<1000x128xf32, #tpu.memory_space<vmem>>, vector<1000x128xf32>,
    %eq3A = arith.constant 0 : i32
    %eq3A_33 = vector.broadcast %eq3A : i32 to vector<1000x1xi32>
    %eq3A_34 = arith.cmpi eq, %min3A_24, %eq3A_33 : vector<1000x1xi32>
    %reduce_or3A = arith.constant 1.000000e+00 : f32
    %reduce_or3A_35 = arith.constant 0.000000e+00 : f32
    %reduce_or3A_36 = vector.broadcast %reduce_or3A : f32 to vector<1000x1xf32>
    %reduce_or3A_37 = vector.broadcast %reduce_or3A_35 : f32 to vector<1000x1xf32>
    %reduce_or3A_38 = arith.select %eq3A_34, %reduce_or3A_36, %reduce_or3A_37 : vector<1000x1xi1>, vector<1000x1xf32>
    %reduce_or3A_39 = vector.shape_cast %reduce_or3A_38 : vector<1000x1xf32> to vector<1x1000x1xf32>
    %reduce_or3A_40 = arith.constant dense<0xFF800000> : vector<1xf32>
    %reduce_or3A_41 = vector.multi_reduction <maximumf>, %reduce_or3A_39, %reduce_or3A_40 [1, 2] : vector<1x1000x1xf32> to vector<1xf32>
    %reduce_or3A_42 = vector.shape_cast %reduce_or3A_41 : vector<1xf32> to vector<1x1x1xf32>
    %reduce_or3A_43 = vector.extract %reduce_or3A_42[0, 0, 0] : f32 from vector<1x1x1xf32>
    %reduce_or3A_44 = arith.constant 0.000000e+00 : f32
    %reduce_or3A_45 = arith.cmpf ogt, %reduce_or3A_43, %reduce_or3A_44 : f32
    %convert_element_type3A_46 = arith.extui %reduce_or3A_45 : i1 to i32
    %cond3A = arith.constant 0 : i32
    %cond3A_47 = arith.cmpi ne, %convert_element_type3A_46, %cond3A : i32
    scf.if %cond3A_47 {
      %get3A_228 = arith.constant 0 : index
      %get3A_229 = arith.constant 0 : index
      %get3A_230 = arith.constant 0 : index
      %get3A_231 = vector.load %arg4[%get3A_228, %get3A_229, %get3A_230] : memref<11x128x128xf32, #tpu.memory_space<vmem>>, vector<1x128x128xf32>
      %get3A_232 = vector.shape_cast %get3A_231 : vector<1x128x128xf32> to vector<128x128xf32>
      %convert_element_type3A_233 = arith.truncf %get3A_232 : vector<128x128xf32> to vector<128x128xbf16>
      %dot_general3A = arith.constant dense<0.000000e+00> : vector<1000x128xf32>
      %dot_general3A_234 = tpu.matmul %convert_element_type3A_27, %convert_element_type3A_233, %dot_general3A {dimension_numbers = #tpu.dot_dimension_numbers<[1], [0], [0], [1], [0, 0, 1, 1], [], []>, transpose_lhs_hint = false} : vector<1000x128xbf16>, vector<128x128xbf16>, vector<1000x128xf32> -> vector<1000x128xf32>
      %get3A_235 = arith.constant 0 : index
      %get3A_236 = arith.constant 0 : index
      %get3A_237 = arith.constant 0 : index
      %get3A_238 = vector.load %arg6[%get3A_235, %get3A_236, %get3A_237] : memref<11x128x128xf32, #tpu.memory_space<vmem>>, vector<1x128x128xf32>
      %get3A_239 = vector.shape_cast %get3A_238 : vector<1x128x128xf32> to vector<128x128xf32>
      %convert_element_type3A_240 = arith.truncf %get3A_239 : vector<128x128xf32> to vector<128x128xbf16>
      %dot_general3A_241 = arith.constant dense<0.000000e+00> : vector<1000x128xf32>
      %dot_general3A_242 = tpu.matmul %convert_element_type3A_28, %convert_element_type3A_240, %dot_general3A_241 {dimension_numbers = #tpu.dot_dimension_numbers<[1], [0], [0], [1], [0, 0, 1, 1], [], []>, transpose_lhs_hint = false} : vector<1000x128xbf16>, vector<128x128xbf16>, vector<1000x128xf32> -> vector<1000x128xf32>
      %add3A_243 = arith.addf %dot_general3A_234, %dot_general3A_242 : vector<1000x128xf32>
      %get3A_244 = arith.constant 0 : index
      %get3A_245 = arith.constant 0 : index
      %get3A_246 = vector.load %arg5[%get3A_244, %get3A_245] : memref<11x128xf32, #tpu.memory_space<vmem>>, vector<1x128xf32>
      %get3A_247 = vector.shape_cast %get3A_246 : vector<1x128xf32> to vector<128xf32>
      %broadcast_in_dim3A_248 = vector.shape_cast %get3A_247 : vector<128xf32> to vector<1x128xf32>
      %add3A_249 = vector.broadcast %broadcast_in_dim3A_248 : vector<1x128xf32> to vector<1000x128xf32>
      %add3A_250 = arith.addf %add3A_243, %add3A_249 : vector<1000x128xf32>
      %get3A_251 = arith.constant 0 : index
      %get3A_252 = arith.constant 0 : index
      %get3A_253 = vector.load %arg7[%get3A_251, %get3A_252] : memref<1000x128xf32, #tpu.memory_space<vmem>>, vector<1000x128xf32>
      %jit3A = arith.constant 0.000000e+00 : f32
      %broadcast_in_dim3A_254 = vector.shape_cast %eq3A_34 : vector<1000x1xi1> to vector<1000x1xi1>
      %broadcast_in_dim3A_255 = vector.broadcast %broadcast_in_dim3A_254 : vector<1000x1xi1> to vector<1000x128xi1>
      %broadcast_in_dim3A_256 = vector.broadcast %jit3A : f32 to vector<1000x128xf32>
      %select_n3A = arith.select %broadcast_in_dim3A_255, %add3A_250, %broadcast_in_dim3A_256 : vector<1000x128xi1>, vector<1000x128xf32>
      %add3A_257 = arith.addf %get3A_253, %select_n3A : vector<1000x128xf32>
      %swap3A_258 = arith.constant 0 : index
      %swap3A_259 = arith.constant 0 : index
      %swap3A_260 = vector.load %arg7[%swap3A_258, %swap3A_259] : memref<1000x128xf32, #tpu.memory_space<vmem>>, vector<1000x128xf32>
      tpu.vector_store %arg7[%swap3A_258, %swap3A_259], %add3A_257 {strides = array<i32>} : memref<1000x128xf32, #tpu.memory_space<vmem>>, vector<1000x128xf32>,
    } else {
    }
    %eq3A_48 = arith.constant 1 : i32
    %eq3A_49 = vector.broadcast %eq3A_48 : i32 to vector<1000x1xi32>
    %eq3A_50 = arith.cmpi eq, %min3A_24, %eq3A_49 : vector<1000x1xi32>
    %reduce_or3A_51 = arith.constant 1.000000e+00 : f32
    %reduce_or3A_52 = arith.constant 0.000000e+00 : f32
    %reduce_or3A_53 = vector.broadcast %reduce_or3A_51 : f32 to vector<1000x1xf32>
    %reduce_or3A_54 = vector.broadcast %reduce_or3A_52 : f32 to vector<1000x1xf32>
    %reduce_or3A_55 = arith.select %eq3A_50, %reduce_or3A_53, %reduce_or3A_54 : vector<1000x1xi1>, vector<1000x1xf32>
    %reduce_or3A_56 = vector.shape_cast %reduce_or3A_55 : vector<1000x1xf32> to vector<1x1000x1xf32>
    %reduce_or3A_57 = arith.constant dense<0xFF800000> : vector<1xf32>
    %reduce_or3A_58 = vector.multi_reduction <maximumf>, %reduce_or3A_56, %reduce_or3A_57 [1, 2] : vector<1x1000x1xf32> to vector<1xf32>
    %reduce_or3A_59 = vector.shape_cast %reduce_or3A_58 : vector<1xf32> to vector<1x1x1xf32>
    %reduce_or3A_60 = vector.extract %reduce_or3A_59[0, 0, 0] : f32 from vector<1x1x1xf32>
    %reduce_or3A_61 = arith.constant 0.000000e+00 : f32
    %reduce_or3A_62 = arith.cmpf ogt, %reduce_or3A_60, %reduce_or3A_61 : f32
    %convert_element_type3A_63 = arith.extui %reduce_or3A_62 : i1 to i32
    %cond3A_64 = arith.constant 0 : i32
    %cond3A_65 = arith.cmpi ne, %convert_element_type3A_63, %cond3A_64 : i32
    scf.if %cond3A_65 {
      %get3A_228 = arith.constant 1 : index
      %get3A_229 = arith.constant 0 : index
      %get3A_230 = arith.constant 0 : index
      %get3A_231 = vector.load %arg4[%get3A_228, %get3A_229, %get3A_230] : memref<11x128x128xf32, #tpu.memory_space<vmem>>, vector<1x128x128xf32>
      %get3A_232 = vector.shape_cast %get3A_231 : vector<1x128x128xf32> to vector<128x128xf32>
      %convert_element_type3A_233 = arith.truncf %get3A_232 : vector<128x128xf32> to vector<128x128xbf16>
      %dot_general3A = arith.constant dense<0.000000e+00> : vector<1000x128xf32>
      %dot_general3A_234 = tpu.matmul %convert_element_type3A_27, %convert_element_type3A_233, %dot_general3A {dimension_numbers = #tpu.dot_dimension_numbers<[1], [0], [0], [1], [0, 0, 1, 1], [], []>, transpose_lhs_hint = false} : vector<1000x128xbf16>, vector<128x128xbf16>, vector<1000x128xf32> -> vector<1000x128xf32>
      %get3A_235 = arith.constant 1 : index
      %get3A_236 = arith.constant 0 : index
      %get3A_237 = arith.constant 0 : index
      %get3A_238 = vector.load %arg6[%get3A_235, %get3A_236, %get3A_237] : memref<11x128x128xf32, #tpu.memory_space<vmem>>, vector<1x128x128xf32>
      %get3A_239 = vector.shape_cast %get3A_238 : vector<1x128x128xf32> to vector<128x128xf32>
      %convert_element_type3A_240 = arith.truncf %get3A_239 : vector<128x128xf32> to vector<128x128xbf16>
      %dot_general3A_241 = arith.constant dense<0.000000e+00> : vector<1000x128xf32>
      %dot_general3A_242 = tpu.matmul %convert_element_type3A_28, %convert_element_type3A_240, %dot_general3A_241 {dimension_numbers = #tpu.dot_dimension_numbers<[1], [0], [0], [1], [0, 0, 1, 1], [], []>, transpose_lhs_hint = false} : vector<1000x128xbf16>, vector<128x128xbf16>, vector<1000x128xf32> -> vector<1000x128xf32>
      %add3A_243 = arith.addf %dot_general3A_234, %dot_general3A_242 : vector<1000x128xf32>
      %get3A_244 = arith.constant 1 : index
      %get3A_245 = arith.constant 0 : index
      %get3A_246 = vector.load %arg5[%get3A_244, %get3A_245] : memref<11x128xf32, #tpu.memory_space<vmem>>, vector<1x128xf32>
      %get3A_247 = vector.shape_cast %get3A_246 : vector<1x128xf32> to vector<128xf32>
      %broadcast_in_dim3A_248 = vector.shape_cast %get3A_247 : vector<128xf32> to vector<1x128xf32>
      %add3A_249 = vector.broadcast %broadcast_in_dim3A_248 : vector<1x128xf32> to vector<1000x128xf32>
      %add3A_250 = arith.addf %add3A_243, %add3A_249 : vector<1000x128xf32>
      %get3A_251 = arith.constant 0 : index
      %get3A_252 = arith.constant 0 : index
      %get3A_253 = vector.load %arg7[%get3A_251, %get3A_252] : memref<1000x128xf32, #tpu.memory_space<vmem>>, vector<1000x128xf32>
      %jit3A = arith.constant 0.000000e+00 : f32
      %broadcast_in_dim3A_254 = vector.shape_cast %eq3A_50 : vector<1000x1xi1> to vector<1000x1xi1>
      %broadcast_in_dim3A_255 = vector.broadcast %broadcast_in_dim3A_254 : vector<1000x1xi1> to vector<1000x128xi1>
      %broadcast_in_dim3A_256 = vector.broadcast %jit3A : f32 to vector<1000x128xf32>
      %select_n3A = arith.select %broadcast_in_dim3A_255, %add3A_250, %broadcast_in_dim3A_256 : vector<1000x128xi1>, vector<1000x128xf32>
      %add3A_257 = arith.addf %get3A_253, %select_n3A : vector<1000x128xf32>
      %swap3A_258 = arith.constant 0 : index
      %swap3A_259 = arith.constant 0 : index
      %swap3A_260 = vector.load %arg7[%swap3A_258, %swap3A_259] : memref<1000x128xf32, #tpu.memory_space<vmem>>, vector<1000x128xf32>
      tpu.vector_store %arg7[%swap3A_258, %swap3A_259], %add3A_257 {strides = array<i32>} : memref<1000x128xf32, #tpu.memory_space<vmem>>, vector<1000x128xf32>,
    } else {
    }
    %eq3A_66 = arith.constant 2 : i32
    %eq3A_67 = vector.broadcast %eq3A_66 : i32 to vector<1000x1xi32>
    %eq3A_68 = arith.cmpi eq, %min3A_24, %eq3A_67 : vector<1000x1xi32>
    %reduce_or3A_69 = arith.constant 1.000000e+00 : f32
    %reduce_or3A_70 = arith.constant 0.000000e+00 : f32
    %reduce_or3A_71 = vector.broadcast %reduce_or3A_69 : f32 to vector<1000x1xf32>
    %reduce_or3A_72 = vector.broadcast %reduce_or3A_70 : f32 to vector<1000x1xf32>
    %reduce_or3A_73 = arith.select %eq3A_68, %reduce_or3A_71, %reduce_or3A_72 : vector<1000x1xi1>, vector<1000x1xf32>
    %reduce_or3A_74 = vector.shape_cast %reduce_or3A_73 : vector<1000x1xf32> to vector<1x1000x1xf32>
    %reduce_or3A_75 = arith.constant dense<0xFF800000> : vector<1xf32>
    %reduce_or3A_76 = vector.multi_reduction <maximumf>, %reduce_or3A_74, %reduce_or3A_75 [1, 2] : vector<1x1000x1xf32> to vector<1xf32>
    %reduce_or3A_77 = vector.shape_cast %reduce_or3A_76 : vector<1xf32> to vector<1x1x1xf32>
    %reduce_or3A_78 = vector.extract %reduce_or3A_77[0, 0, 0] : f32 from vector<1x1x1xf32>
    %reduce_or3A_79 = arith.constant 0.000000e+00 : f32
    %reduce_or3A_80 = arith.cmpf ogt, %reduce_or3A_78, %reduce_or3A_79 : f32
    %convert_element_type3A_81 = arith.extui %reduce_or3A_80 : i1 to i32
    %cond3A_82 = arith.constant 0 : i32
    %cond3A_83 = arith.cmpi ne, %convert_element_type3A_81, %cond3A_82 : i32
    scf.if %cond3A_83 {
      %get3A_228 = arith.constant 2 : index
      %get3A_229 = arith.constant 0 : index
      %get3A_230 = arith.constant 0 : index
      %get3A_231 = vector.load %arg4[%get3A_228, %get3A_229, %get3A_230] : memref<11x128x128xf32, #tpu.memory_space<vmem>>, vector<1x128x128xf32>
      %get3A_232 = vector.shape_cast %get3A_231 : vector<1x128x128xf32> to vector<128x128xf32>
      %convert_element_type3A_233 = arith.truncf %get3A_232 : vector<128x128xf32> to vector<128x128xbf16>
      %dot_general3A = arith.constant dense<0.000000e+00> : vector<1000x128xf32>
      %dot_general3A_234 = tpu.matmul %convert_element_type3A_27, %convert_element_type3A_233, %dot_general3A {dimension_numbers = #tpu.dot_dimension_numbers<[1], [0], [0], [1], [0, 0, 1, 1], [], []>, transpose_lhs_hint = false} : vector<1000x128xbf16>, vector<128x128xbf16>, vector<1000x128xf32> -> vector<1000x128xf32>
      %get3A_235 = arith.constant 2 : index
      %get3A_236 = arith.constant 0 : index
      %get3A_237 = arith.constant 0 : index
      %get3A_238 = vector.load %arg6[%get3A_235, %get3A_236, %get3A_237] : memref<11x128x128xf32, #tpu.memory_space<vmem>>, vector<1x128x128xf32>
      %get3A_239 = vector.shape_cast %get3A_238 : vector<1x128x128xf32> to vector<128x128xf32>
      %convert_element_type3A_240 = arith.truncf %get3A_239 : vector<128x128xf32> to vector<128x128xbf16>
      %dot_general3A_241 = arith.constant dense<0.000000e+00> : vector<1000x128xf32>
      %dot_general3A_242 = tpu.matmul %convert_element_type3A_28, %convert_element_type3A_240, %dot_general3A_241 {dimension_numbers = #tpu.dot_dimension_numbers<[1], [0], [0], [1], [0, 0, 1, 1], [], []>, transpose_lhs_hint = false} : vector<1000x128xbf16>, vector<128x128xbf16>, vector<1000x128xf32> -> vector<1000x128xf32>
      %add3A_243 = arith.addf %dot_general3A_234, %dot_general3A_242 : vector<1000x128xf32>
      %get3A_244 = arith.constant 2 : index
      %get3A_245 = arith.constant 0 : index
      %get3A_246 = vector.load %arg5[%get3A_244, %get3A_245] : memref<11x128xf32, #tpu.memory_space<vmem>>, vector<1x128xf32>
      %get3A_247 = vector.shape_cast %get3A_246 : vector<1x128xf32> to vector<128xf32>
      %broadcast_in_dim3A_248 = vector.shape_cast %get3A_247 : vector<128xf32> to vector<1x128xf32>
      %add3A_249 = vector.broadcast %broadcast_in_dim3A_248 : vector<1x128xf32> to vector<1000x128xf32>
      %add3A_250 = arith.addf %add3A_243, %add3A_249 : vector<1000x128xf32>
      %get3A_251 = arith.constant 0 : index
      %get3A_252 = arith.constant 0 : index
      %get3A_253 = vector.load %arg7[%get3A_251, %get3A_252] : memref<1000x128xf32, #tpu.memory_space<vmem>>, vector<1000x128xf32>
      %jit3A = arith.constant 0.000000e+00 : f32
      %broadcast_in_dim3A_254 = vector.shape_cast %eq3A_68 : vector<1000x1xi1> to vector<1000x1xi1>
      %broadcast_in_dim3A_255 = vector.broadcast %broadcast_in_dim3A_254 : vector<1000x1xi1> to vector<1000x128xi1>
      %broadcast_in_dim3A_256 = vector.broadcast %jit3A : f32 to vector<1000x128xf32>
      %select_n3A = arith.select %broadcast_in_dim3A_255, %add3A_250, %broadcast_in_dim3A_256 : vector<1000x128xi1>, vector<1000x128xf32>
      %add3A_257 = arith.addf %get3A_253, %select_n3A : vector<1000x128xf32>
      %swap3A_258 = arith.constant 0 : index
      %swap3A_259 = arith.constant 0 : index
      %swap3A_260 = vector.load %arg7[%swap3A_258, %swap3A_259] : memref<1000x128xf32, #tpu.memory_space<vmem>>, vector<1000x128xf32>
      tpu.vector_store %arg7[%swap3A_258, %swap3A_259], %add3A_257 {strides = array<i32>} : memref<1000x128xf32, #tpu.memory_space<vmem>>, vector<1000x128xf32>,
    } else {
    }
    %eq3A_84 = arith.constant 3 : i32
    %eq3A_85 = vector.broadcast %eq3A_84 : i32 to vector<1000x1xi32>
    %eq3A_86 = arith.cmpi eq, %min3A_24, %eq3A_85 : vector<1000x1xi32>
    %reduce_or3A_87 = arith.constant 1.000000e+00 : f32
    %reduce_or3A_88 = arith.constant 0.000000e+00 : f32
    %reduce_or3A_89 = vector.broadcast %reduce_or3A_87 : f32 to vector<1000x1xf32>
    %reduce_or3A_90 = vector.broadcast %reduce_or3A_88 : f32 to vector<1000x1xf32>
    %reduce_or3A_91 = arith.select %eq3A_86, %reduce_or3A_89, %reduce_or3A_90 : vector<1000x1xi1>, vector<1000x1xf32>
    %reduce_or3A_92 = vector.shape_cast %reduce_or3A_91 : vector<1000x1xf32> to vector<1x1000x1xf32>
    %reduce_or3A_93 = arith.constant dense<0xFF800000> : vector<1xf32>
    %reduce_or3A_94 = vector.multi_reduction <maximumf>, %reduce_or3A_92, %reduce_or3A_93 [1, 2] : vector<1x1000x1xf32> to vector<1xf32>
    %reduce_or3A_95 = vector.shape_cast %reduce_or3A_94 : vector<1xf32> to vector<1x1x1xf32>
    %reduce_or3A_96 = vector.extract %reduce_or3A_95[0, 0, 0] : f32 from vector<1x1x1xf32>
    %reduce_or3A_97 = arith.constant 0.000000e+00 : f32
    %reduce_or3A_98 = arith.cmpf ogt, %reduce_or3A_96, %reduce_or3A_97 : f32
    %convert_element_type3A_99 = arith.extui %reduce_or3A_98 : i1 to i32
    %cond3A_100 = arith.constant 0 : i32
    %cond3A_101 = arith.cmpi ne, %convert_element_type3A_99, %cond3A_100 : i32
    scf.if %cond3A_101 {
      %get3A_228 = arith.constant 3 : index
      %get3A_229 = arith.constant 0 : index
      %get3A_230 = arith.constant 0 : index
      %get3A_231 = vector.load %arg4[%get3A_228, %get3A_229, %get3A_230] : memref<11x128x128xf32, #tpu.memory_space<vmem>>, vector<1x128x128xf32>
      %get3A_232 = vector.shape_cast %get3A_231 : vector<1x128x128xf32> to vector<128x128xf32>
      %convert_element_type3A_233 = arith.truncf %get3A_232 : vector<128x128xf32> to vector<128x128xbf16>
      %dot_general3A = arith.constant dense<0.000000e+00> : vector<1000x128xf32>
      %dot_general3A_234 = tpu.matmul %convert_element_type3A_27, %convert_element_type3A_233, %dot_general3A {dimension_numbers = #tpu.dot_dimension_numbers<[1], [0], [0], [1], [0, 0, 1, 1], [], []>, transpose_lhs_hint = false} : vector<1000x128xbf16>, vector<128x128xbf16>, vector<1000x128xf32> -> vector<1000x128xf32>
      %get3A_235 = arith.constant 3 : index
      %get3A_236 = arith.constant 0 : index
      %get3A_237 = arith.constant 0 : index
      %get3A_238 = vector.load %arg6[%get3A_235, %get3A_236, %get3A_237] : memref<11x128x128xf32, #tpu.memory_space<vmem>>, vector<1x128x128xf32>
      %get3A_239 = vector.shape_cast %get3A_238 : vector<1x128x128xf32> to vector<128x128xf32>
      %convert_element_type3A_240 = arith.truncf %get3A_239 : vector<128x128xf32> to vector<128x128xbf16>
      %dot_general3A_241 = arith.constant dense<0.000000e+00> : vector<1000x128xf32>
      %dot_general3A_242 = tpu.matmul %convert_element_type3A_28, %convert_element_type3A_240, %dot_general3A_241 {dimension_numbers = #tpu.dot_dimension_numbers<[1], [0], [0], [1], [0, 0, 1, 1], [], []>, transpose_lhs_hint = false} : vector<1000x128xbf16>, vector<128x128xbf16>, vector<1000x128xf32> -> vector<1000x128xf32>
      %add3A_243 = arith.addf %dot_general3A_234, %dot_general3A_242 : vector<1000x128xf32>
      %get3A_244 = arith.constant 3 : index
      %get3A_245 = arith.constant 0 : index
      %get3A_246 = vector.load %arg5[%get3A_244, %get3A_245] : memref<11x128xf32, #tpu.memory_space<vmem>>, vector<1x128xf32>
      %get3A_247 = vector.shape_cast %get3A_246 : vector<1x128xf32> to vector<128xf32>
      %broadcast_in_dim3A_248 = vector.shape_cast %get3A_247 : vector<128xf32> to vector<1x128xf32>
      %add3A_249 = vector.broadcast %broadcast_in_dim3A_248 : vector<1x128xf32> to vector<1000x128xf32>
      %add3A_250 = arith.addf %add3A_243, %add3A_249 : vector<1000x128xf32>
      %get3A_251 = arith.constant 0 : index
      %get3A_252 = arith.constant 0 : index
      %get3A_253 = vector.load %arg7[%get3A_251, %get3A_252] : memref<1000x128xf32, #tpu.memory_space<vmem>>, vector<1000x128xf32>
      %jit3A = arith.constant 0.000000e+00 : f32
      %broadcast_in_dim3A_254 = vector.shape_cast %eq3A_86 : vector<1000x1xi1> to vector<1000x1xi1>
      %broadcast_in_dim3A_255 = vector.broadcast %broadcast_in_dim3A_254 : vector<1000x1xi1> to vector<1000x128xi1>
      %broadcast_in_dim3A_256 = vector.broadcast %jit3A : f32 to vector<1000x128xf32>
      %select_n3A = arith.select %broadcast_in_dim3A_255, %add3A_250, %broadcast_in_dim3A_256 : vector<1000x128xi1>, vector<1000x128xf32>
      %add3A_257 = arith.addf %get3A_253, %select_n3A : vector<1000x128xf32>
      %swap3A_258 = arith.constant 0 : index
      %swap3A_259 = arith.constant 0 : index
      %swap3A_260 = vector.load %arg7[%swap3A_258, %swap3A_259] : memref<1000x128xf32, #tpu.memory_space<vmem>>, vector<1000x128xf32>
      tpu.vector_store %arg7[%swap3A_258, %swap3A_259], %add3A_257 {strides = array<i32>} : memref<1000x128xf32, #tpu.memory_space<vmem>>, vector<1000x128xf32>,
    } else {
    }
    %eq3A_102 = arith.constant 4 : i32
    %eq3A_103 = vector.broadcast %eq3A_102 : i32 to vector<1000x1xi32>
    %eq3A_104 = arith.cmpi eq, %min3A_24, %eq3A_103 : vector<1000x1xi32>
    %reduce_or3A_105 = arith.constant 1.000000e+00 : f32
    %reduce_or3A_106 = arith.constant 0.000000e+00 : f32
    %reduce_or3A_107 = vector.broadcast %reduce_or3A_105 : f32 to vector<1000x1xf32>
    %reduce_or3A_108 = vector.broadcast %reduce_or3A_106 : f32 to vector<1000x1xf32>
    %reduce_or3A_109 = arith.select %eq3A_104, %reduce_or3A_107, %reduce_or3A_108 : vector<1000x1xi1>, vector<1000x1xf32>
    %reduce_or3A_110 = vector.shape_cast %reduce_or3A_109 : vector<1000x1xf32> to vector<1x1000x1xf32>
    %reduce_or3A_111 = arith.constant dense<0xFF800000> : vector<1xf32>
    %reduce_or3A_112 = vector.multi_reduction <maximumf>, %reduce_or3A_110, %reduce_or3A_111 [1, 2] : vector<1x1000x1xf32> to vector<1xf32>
    %reduce_or3A_113 = vector.shape_cast %reduce_or3A_112 : vector<1xf32> to vector<1x1x1xf32>
    %reduce_or3A_114 = vector.extract %reduce_or3A_113[0, 0, 0] : f32 from vector<1x1x1xf32>
    %reduce_or3A_115 = arith.constant 0.000000e+00 : f32
    %reduce_or3A_116 = arith.cmpf ogt, %reduce_or3A_114, %reduce_or3A_115 : f32
    %convert_element_type3A_117 = arith.extui %reduce_or3A_116 : i1 to i32
    %cond3A_118 = arith.constant 0 : i32
    %cond3A_119 = arith.cmpi ne, %convert_element_type3A_117, %cond3A_118 : i32
    scf.if %cond3A_119 {
      %get3A_228 = arith.constant 4 : index
      %get3A_229 = arith.constant 0 : index
      %get3A_230 = arith.constant 0 : index
      %get3A_231 = vector.load %arg4[%get3A_228, %get3A_229, %get3A_230] : memref<11x128x128xf32, #tpu.memory_space<vmem>>, vector<1x128x128xf32>
      %get3A_232 = vector.shape_cast %get3A_231 : vector<1x128x128xf32> to vector<128x128xf32>
      %convert_element_type3A_233 = arith.truncf %get3A_232 : vector<128x128xf32> to vector<128x128xbf16>
      %dot_general3A = arith.constant dense<0.000000e+00> : vector<1000x128xf32>
      %dot_general3A_234 = tpu.matmul %convert_element_type3A_27, %convert_element_type3A_233, %dot_general3A {dimension_numbers = #tpu.dot_dimension_numbers<[1], [0], [0], [1], [0, 0, 1, 1], [], []>, transpose_lhs_hint = false} : vector<1000x128xbf16>, vector<128x128xbf16>, vector<1000x128xf32> -> vector<1000x128xf32>
      %get3A_235 = arith.constant 4 : index
      %get3A_236 = arith.constant 0 : index
      %get3A_237 = arith.constant 0 : index
      %get3A_238 = vector.load %arg6[%get3A_235, %get3A_236, %get3A_237] : memref<11x128x128xf32, #tpu.memory_space<vmem>>, vector<1x128x128xf32>
      %get3A_239 = vector.shape_cast %get3A_238 : vector<1x128x128xf32> to vector<128x128xf32>
      %convert_element_type3A_240 = arith.truncf %get3A_239 : vector<128x128xf32> to vector<128x128xbf16>
      %dot_general3A_241 = arith.constant dense<0.000000e+00> : vector<1000x128xf32>
      %dot_general3A_242 = tpu.matmul %convert_element_type3A_28, %convert_element_type3A_240, %dot_general3A_241 {dimension_numbers = #tpu.dot_dimension_numbers<[1], [0], [0], [1], [0, 0, 1, 1], [], []>, transpose_lhs_hint = false} : vector<1000x128xbf16>, vector<128x128xbf16>, vector<1000x128xf32> -> vector<1000x128xf32>
      %add3A_243 = arith.addf %dot_general3A_234, %dot_general3A_242 : vector<1000x128xf32>
      %get3A_244 = arith.constant 4 : index
      %get3A_245 = arith.constant 0 : index
      %get3A_246 = vector.load %arg5[%get3A_244, %get3A_245] : memref<11x128xf32, #tpu.memory_space<vmem>>, vector<1x128xf32>
      %get3A_247 = vector.shape_cast %get3A_246 : vector<1x128xf32> to vector<128xf32>
      %broadcast_in_dim3A_248 = vector.shape_cast %get3A_247 : vector<128xf32> to vector<1x128xf32>
      %add3A_249 = vector.broadcast %broadcast_in_dim3A_248 : vector<1x128xf32> to vector<1000x128xf32>
      %add3A_250 = arith.addf %add3A_243, %add3A_249 : vector<1000x128xf32>
      %get3A_251 = arith.constant 0 : index
      %get3A_252 = arith.constant 0 : index
      %get3A_253 = vector.load %arg7[%get3A_251, %get3A_252] : memref<1000x128xf32, #tpu.memory_space<vmem>>, vector<1000x128xf32>
      %jit3A = arith.constant 0.000000e+00 : f32
      %broadcast_in_dim3A_254 = vector.shape_cast %eq3A_104 : vector<1000x1xi1> to vector<1000x1xi1>
      %broadcast_in_dim3A_255 = vector.broadcast %broadcast_in_dim3A_254 : vector<1000x1xi1> to vector<1000x128xi1>
      %broadcast_in_dim3A_256 = vector.broadcast %jit3A : f32 to vector<1000x128xf32>
      %select_n3A = arith.select %broadcast_in_dim3A_255, %add3A_250, %broadcast_in_dim3A_256 : vector<1000x128xi1>, vector<1000x128xf32>
      %add3A_257 = arith.addf %get3A_253, %select_n3A : vector<1000x128xf32>
      %swap3A_258 = arith.constant 0 : index
      %swap3A_259 = arith.constant 0 : index
      %swap3A_260 = vector.load %arg7[%swap3A_258, %swap3A_259] : memref<1000x128xf32, #tpu.memory_space<vmem>>, vector<1000x128xf32>
      tpu.vector_store %arg7[%swap3A_258, %swap3A_259], %add3A_257 {strides = array<i32>} : memref<1000x128xf32, #tpu.memory_space<vmem>>, vector<1000x128xf32>,
    } else {
    }
    %eq3A_120 = arith.constant 5 : i32
    %eq3A_121 = vector.broadcast %eq3A_120 : i32 to vector<1000x1xi32>
    %eq3A_122 = arith.cmpi eq, %min3A_24, %eq3A_121 : vector<1000x1xi32>
    %reduce_or3A_123 = arith.constant 1.000000e+00 : f32
    %reduce_or3A_124 = arith.constant 0.000000e+00 : f32
    %reduce_or3A_125 = vector.broadcast %reduce_or3A_123 : f32 to vector<1000x1xf32>
    %reduce_or3A_126 = vector.broadcast %reduce_or3A_124 : f32 to vector<1000x1xf32>
    %reduce_or3A_127 = arith.select %eq3A_122, %reduce_or3A_125, %reduce_or3A_126 : vector<1000x1xi1>, vector<1000x1xf32>
    %reduce_or3A_128 = vector.shape_cast %reduce_or3A_127 : vector<1000x1xf32> to vector<1x1000x1xf32>
    %reduce_or3A_129 = arith.constant dense<0xFF800000> : vector<1xf32>
    %reduce_or3A_130 = vector.multi_reduction <maximumf>, %reduce_or3A_128, %reduce_or3A_129 [1, 2] : vector<1x1000x1xf32> to vector<1xf32>
    %reduce_or3A_131 = vector.shape_cast %reduce_or3A_130 : vector<1xf32> to vector<1x1x1xf32>
    %reduce_or3A_132 = vector.extract %reduce_or3A_131[0, 0, 0] : f32 from vector<1x1x1xf32>
    %reduce_or3A_133 = arith.constant 0.000000e+00 : f32
    %reduce_or3A_134 = arith.cmpf ogt, %reduce_or3A_132, %reduce_or3A_133 : f32
    %convert_element_type3A_135 = arith.extui %reduce_or3A_134 : i1 to i32
    %cond3A_136 = arith.constant 0 : i32
    %cond3A_137 = arith.cmpi ne, %convert_element_type3A_135, %cond3A_136 : i32
    scf.if %cond3A_137 {
      %get3A_228 = arith.constant 5 : index
      %get3A_229 = arith.constant 0 : index
      %get3A_230 = arith.constant 0 : index
      %get3A_231 = vector.load %arg4[%get3A_228, %get3A_229, %get3A_230] : memref<11x128x128xf32, #tpu.memory_space<vmem>>, vector<1x128x128xf32>
      %get3A_232 = vector.shape_cast %get3A_231 : vector<1x128x128xf32> to vector<128x128xf32>
      %convert_element_type3A_233 = arith.truncf %get3A_232 : vector<128x128xf32> to vector<128x128xbf16>
      %dot_general3A = arith.constant dense<0.000000e+00> : vector<1000x128xf32>
      %dot_general3A_234 = tpu.matmul %convert_element_type3A_27, %convert_element_type3A_233, %dot_general3A {dimension_numbers = #tpu.dot_dimension_numbers<[1], [0], [0], [1], [0, 0, 1, 1], [], []>, transpose_lhs_hint = false} : vector<1000x128xbf16>, vector<128x128xbf16>, vector<1000x128xf32> -> vector<1000x128xf32>
      %get3A_235 = arith.constant 5 : index
      %get3A_236 = arith.constant 0 : index
      %get3A_237 = arith.constant 0 : index
      %get3A_238 = vector.load %arg6[%get3A_235, %get3A_236, %get3A_237] : memref<11x128x128xf32, #tpu.memory_space<vmem>>, vector<1x128x128xf32>
      %get3A_239 = vector.shape_cast %get3A_238 : vector<1x128x128xf32> to vector<128x128xf32>
      %convert_element_type3A_240 = arith.truncf %get3A_239 : vector<128x128xf32> to vector<128x128xbf16>
      %dot_general3A_241 = arith.constant dense<0.000000e+00> : vector<1000x128xf32>
      %dot_general3A_242 = tpu.matmul %convert_element_type3A_28, %convert_element_type3A_240, %dot_general3A_241 {dimension_numbers = #tpu.dot_dimension_numbers<[1], [0], [0], [1], [0, 0, 1, 1], [], []>, transpose_lhs_hint = false} : vector<1000x128xbf16>, vector<128x128xbf16>, vector<1000x128xf32> -> vector<1000x128xf32>
      %add3A_243 = arith.addf %dot_general3A_234, %dot_general3A_242 : vector<1000x128xf32>
      %get3A_244 = arith.constant 5 : index
      %get3A_245 = arith.constant 0 : index
      %get3A_246 = vector.load %arg5[%get3A_244, %get3A_245] : memref<11x128xf32, #tpu.memory_space<vmem>>, vector<1x128xf32>
      %get3A_247 = vector.shape_cast %get3A_246 : vector<1x128xf32> to vector<128xf32>
      %broadcast_in_dim3A_248 = vector.shape_cast %get3A_247 : vector<128xf32> to vector<1x128xf32>
      %add3A_249 = vector.broadcast %broadcast_in_dim3A_248 : vector<1x128xf32> to vector<1000x128xf32>
      %add3A_250 = arith.addf %add3A_243, %add3A_249 : vector<1000x128xf32>
      %get3A_251 = arith.constant 0 : index
      %get3A_252 = arith.constant 0 : index
      %get3A_253 = vector.load %arg7[%get3A_251, %get3A_252] : memref<1000x128xf32, #tpu.memory_space<vmem>>, vector<1000x128xf32>
      %jit3A = arith.constant 0.000000e+00 : f32
      %broadcast_in_dim3A_254 = vector.shape_cast %eq3A_122 : vector<1000x1xi1> to vector<1000x1xi1>
      %broadcast_in_dim3A_255 = vector.broadcast %broadcast_in_dim3A_254 : vector<1000x1xi1> to vector<1000x128xi1>
      %broadcast_in_dim3A_256 = vector.broadcast %jit3A : f32 to vector<1000x128xf32>
      %select_n3A = arith.select %broadcast_in_dim3A_255, %add3A_250, %broadcast_in_dim3A_256 : vector<1000x128xi1>, vector<1000x128xf32>
      %add3A_257 = arith.addf %get3A_253, %select_n3A : vector<1000x128xf32>
      %swap3A_258 = arith.constant 0 : index
      %swap3A_259 = arith.constant 0 : index
      %swap3A_260 = vector.load %arg7[%swap3A_258, %swap3A_259] : memref<1000x128xf32, #tpu.memory_space<vmem>>, vector<1000x128xf32>
      tpu.vector_store %arg7[%swap3A_258, %swap3A_259], %add3A_257 {strides = array<i32>} : memref<1000x128xf32, #tpu.memory_space<vmem>>, vector<1000x128xf32>,
    } else {
    }
    %eq3A_138 = arith.constant 6 : i32
    %eq3A_139 = vector.broadcast %eq3A_138 : i32 to vector<1000x1xi32>
    %eq3A_140 = arith.cmpi eq, %min3A_24, %eq3A_139 : vector<1000x1xi32>
    %reduce_or3A_141 = arith.constant 1.000000e+00 : f32
    %reduce_or3A_142 = arith.constant 0.000000e+00 : f32
    %reduce_or3A_143 = vector.broadcast %reduce_or3A_141 : f32 to vector<1000x1xf32>
    %reduce_or3A_144 = vector.broadcast %reduce_or3A_142 : f32 to vector<1000x1xf32>
    %reduce_or3A_145 = arith.select %eq3A_140, %reduce_or3A_143, %reduce_or3A_144 : vector<1000x1xi1>, vector<1000x1xf32>
    %reduce_or3A_146 = vector.shape_cast %reduce_or3A_145 : vector<1000x1xf32> to vector<1x1000x1xf32>
    %reduce_or3A_147 = arith.constant dense<0xFF800000> : vector<1xf32>
    %reduce_or3A_148 = vector.multi_reduction <maximumf>, %reduce_or3A_146, %reduce_or3A_147 [1, 2] : vector<1x1000x1xf32> to vector<1xf32>
    %reduce_or3A_149 = vector.shape_cast %reduce_or3A_148 : vector<1xf32> to vector<1x1x1xf32>
    %reduce_or3A_150 = vector.extract %reduce_or3A_149[0, 0, 0] : f32 from vector<1x1x1xf32>
    %reduce_or3A_151 = arith.constant 0.000000e+00 : f32
    %reduce_or3A_152 = arith.cmpf ogt, %reduce_or3A_150, %reduce_or3A_151 : f32
    %convert_element_type3A_153 = arith.extui %reduce_or3A_152 : i1 to i32
    %cond3A_154 = arith.constant 0 : i32
    %cond3A_155 = arith.cmpi ne, %convert_element_type3A_153, %cond3A_154 : i32
    scf.if %cond3A_155 {
      %get3A_228 = arith.constant 6 : index
      %get3A_229 = arith.constant 0 : index
      %get3A_230 = arith.constant 0 : index
      %get3A_231 = vector.load %arg4[%get3A_228, %get3A_229, %get3A_230] : memref<11x128x128xf32, #tpu.memory_space<vmem>>, vector<1x128x128xf32>
      %get3A_232 = vector.shape_cast %get3A_231 : vector<1x128x128xf32> to vector<128x128xf32>
      %convert_element_type3A_233 = arith.truncf %get3A_232 : vector<128x128xf32> to vector<128x128xbf16>
      %dot_general3A = arith.constant dense<0.000000e+00> : vector<1000x128xf32>
      %dot_general3A_234 = tpu.matmul %convert_element_type3A_27, %convert_element_type3A_233, %dot_general3A {dimension_numbers = #tpu.dot_dimension_numbers<[1], [0], [0], [1], [0, 0, 1, 1], [], []>, transpose_lhs_hint = false} : vector<1000x128xbf16>, vector<128x128xbf16>, vector<1000x128xf32> -> vector<1000x128xf32>
      %get3A_235 = arith.constant 6 : index
      %get3A_236 = arith.constant 0 : index
      %get3A_237 = arith.constant 0 : index
      %get3A_238 = vector.load %arg6[%get3A_235, %get3A_236, %get3A_237] : memref<11x128x128xf32, #tpu.memory_space<vmem>>, vector<1x128x128xf32>
      %get3A_239 = vector.shape_cast %get3A_238 : vector<1x128x128xf32> to vector<128x128xf32>
      %convert_element_type3A_240 = arith.truncf %get3A_239 : vector<128x128xf32> to vector<128x128xbf16>
      %dot_general3A_241 = arith.constant dense<0.000000e+00> : vector<1000x128xf32>
      %dot_general3A_242 = tpu.matmul %convert_element_type3A_28, %convert_element_type3A_240, %dot_general3A_241 {dimension_numbers = #tpu.dot_dimension_numbers<[1], [0], [0], [1], [0, 0, 1, 1], [], []>, transpose_lhs_hint = false} : vector<1000x128xbf16>, vector<128x128xbf16>, vector<1000x128xf32> -> vector<1000x128xf32>
      %add3A_243 = arith.addf %dot_general3A_234, %dot_general3A_242 : vector<1000x128xf32>
      %get3A_244 = arith.constant 6 : index
      %get3A_245 = arith.constant 0 : index
      %get3A_246 = vector.load %arg5[%get3A_244, %get3A_245] : memref<11x128xf32, #tpu.memory_space<vmem>>, vector<1x128xf32>
      %get3A_247 = vector.shape_cast %get3A_246 : vector<1x128xf32> to vector<128xf32>
      %broadcast_in_dim3A_248 = vector.shape_cast %get3A_247 : vector<128xf32> to vector<1x128xf32>
      %add3A_249 = vector.broadcast %broadcast_in_dim3A_248 : vector<1x128xf32> to vector<1000x128xf32>
      %add3A_250 = arith.addf %add3A_243, %add3A_249 : vector<1000x128xf32>
      %get3A_251 = arith.constant 0 : index
      %get3A_252 = arith.constant 0 : index
      %get3A_253 = vector.load %arg7[%get3A_251, %get3A_252] : memref<1000x128xf32, #tpu.memory_space<vmem>>, vector<1000x128xf32>
      %jit3A = arith.constant 0.000000e+00 : f32
      %broadcast_in_dim3A_254 = vector.shape_cast %eq3A_140 : vector<1000x1xi1> to vector<1000x1xi1>
      %broadcast_in_dim3A_255 = vector.broadcast %broadcast_in_dim3A_254 : vector<1000x1xi1> to vector<1000x128xi1>
      %broadcast_in_dim3A_256 = vector.broadcast %jit3A : f32 to vector<1000x128xf32>
      %select_n3A = arith.select %broadcast_in_dim3A_255, %add3A_250, %broadcast_in_dim3A_256 : vector<1000x128xi1>, vector<1000x128xf32>
      %add3A_257 = arith.addf %get3A_253, %select_n3A : vector<1000x128xf32>
      %swap3A_258 = arith.constant 0 : index
      %swap3A_259 = arith.constant 0 : index
      %swap3A_260 = vector.load %arg7[%swap3A_258, %swap3A_259] : memref<1000x128xf32, #tpu.memory_space<vmem>>, vector<1000x128xf32>
      tpu.vector_store %arg7[%swap3A_258, %swap3A_259], %add3A_257 {strides = array<i32>} : memref<1000x128xf32, #tpu.memory_space<vmem>>, vector<1000x128xf32>,
    } else {
    }
    %eq3A_156 = arith.constant 7 : i32
    %eq3A_157 = vector.broadcast %eq3A_156 : i32 to vector<1000x1xi32>
    %eq3A_158 = arith.cmpi eq, %min3A_24, %eq3A_157 : vector<1000x1xi32>
    %reduce_or3A_159 = arith.constant 1.000000e+00 : f32
    %reduce_or3A_160 = arith.constant 0.000000e+00 : f32
    %reduce_or3A_161 = vector.broadcast %reduce_or3A_159 : f32 to vector<1000x1xf32>
    %reduce_or3A_162 = vector.broadcast %reduce_or3A_160 : f32 to vector<1000x1xf32>
    %reduce_or3A_163 = arith.select %eq3A_158, %reduce_or3A_161, %reduce_or3A_162 : vector<1000x1xi1>, vector<1000x1xf32>
    %reduce_or3A_164 = vector.shape_cast %reduce_or3A_163 : vector<1000x1xf32> to vector<1x1000x1xf32>
    %reduce_or3A_165 = arith.constant dense<0xFF800000> : vector<1xf32>
    %reduce_or3A_166 = vector.multi_reduction <maximumf>, %reduce_or3A_164, %reduce_or3A_165 [1, 2] : vector<1x1000x1xf32> to vector<1xf32>
    %reduce_or3A_167 = vector.shape_cast %reduce_or3A_166 : vector<1xf32> to vector<1x1x1xf32>
    %reduce_or3A_168 = vector.extract %reduce_or3A_167[0, 0, 0] : f32 from vector<1x1x1xf32>
    %reduce_or3A_169 = arith.constant 0.000000e+00 : f32
    %reduce_or3A_170 = arith.cmpf ogt, %reduce_or3A_168, %reduce_or3A_169 : f32
    %convert_element_type3A_171 = arith.extui %reduce_or3A_170 : i1 to i32
    %cond3A_172 = arith.constant 0 : i32
    %cond3A_173 = arith.cmpi ne, %convert_element_type3A_171, %cond3A_172 : i32
    scf.if %cond3A_173 {
      %get3A_228 = arith.constant 7 : index
      %get3A_229 = arith.constant 0 : index
      %get3A_230 = arith.constant 0 : index
      %get3A_231 = vector.load %arg4[%get3A_228, %get3A_229, %get3A_230] : memref<11x128x128xf32, #tpu.memory_space<vmem>>, vector<1x128x128xf32>
      %get3A_232 = vector.shape_cast %get3A_231 : vector<1x128x128xf32> to vector<128x128xf32>
      %convert_element_type3A_233 = arith.truncf %get3A_232 : vector<128x128xf32> to vector<128x128xbf16>
      %dot_general3A = arith.constant dense<0.000000e+00> : vector<1000x128xf32>
      %dot_general3A_234 = tpu.matmul %convert_element_type3A_27, %convert_element_type3A_233, %dot_general3A {dimension_numbers = #tpu.dot_dimension_numbers<[1], [0], [0], [1], [0, 0, 1, 1], [], []>, transpose_lhs_hint = false} : vector<1000x128xbf16>, vector<128x128xbf16>, vector<1000x128xf32> -> vector<1000x128xf32>
      %get3A_235 = arith.constant 7 : index
      %get3A_236 = arith.constant 0 : index
      %get3A_237 = arith.constant 0 : index
      %get3A_238 = vector.load %arg6[%get3A_235, %get3A_236, %get3A_237] : memref<11x128x128xf32, #tpu.memory_space<vmem>>, vector<1x128x128xf32>
      %get3A_239 = vector.shape_cast %get3A_238 : vector<1x128x128xf32> to vector<128x128xf32>
      %convert_element_type3A_240 = arith.truncf %get3A_239 : vector<128x128xf32> to vector<128x128xbf16>
      %dot_general3A_241 = arith.constant dense<0.000000e+00> : vector<1000x128xf32>
      %dot_general3A_242 = tpu.matmul %convert_element_type3A_28, %convert_element_type3A_240, %dot_general3A_241 {dimension_numbers = #tpu.dot_dimension_numbers<[1], [0], [0], [1], [0, 0, 1, 1], [], []>, transpose_lhs_hint = false} : vector<1000x128xbf16>, vector<128x128xbf16>, vector<1000x128xf32> -> vector<1000x128xf32>
      %add3A_243 = arith.addf %dot_general3A_234, %dot_general3A_242 : vector<1000x128xf32>
      %get3A_244 = arith.constant 7 : index
      %get3A_245 = arith.constant 0 : index
      %get3A_246 = vector.load %arg5[%get3A_244, %get3A_245] : memref<11x128xf32, #tpu.memory_space<vmem>>, vector<1x128xf32>
      %get3A_247 = vector.shape_cast %get3A_246 : vector<1x128xf32> to vector<128xf32>
      %broadcast_in_dim3A_248 = vector.shape_cast %get3A_247 : vector<128xf32> to vector<1x128xf32>
      %add3A_249 = vector.broadcast %broadcast_in_dim3A_248 : vector<1x128xf32> to vector<1000x128xf32>
      %add3A_250 = arith.addf %add3A_243, %add3A_249 : vector<1000x128xf32>
      %get3A_251 = arith.constant 0 : index
      %get3A_252 = arith.constant 0 : index
      %get3A_253 = vector.load %arg7[%get3A_251, %get3A_252] : memref<1000x128xf32, #tpu.memory_space<vmem>>, vector<1000x128xf32>
      %jit3A = arith.constant 0.000000e+00 : f32
      %broadcast_in_dim3A_254 = vector.shape_cast %eq3A_158 : vector<1000x1xi1> to vector<1000x1xi1>
      %broadcast_in_dim3A_255 = vector.broadcast %broadcast_in_dim3A_254 : vector<1000x1xi1> to vector<1000x128xi1>
      %broadcast_in_dim3A_256 = vector.broadcast %jit3A : f32 to vector<1000x128xf32>
      %select_n3A = arith.select %broadcast_in_dim3A_255, %add3A_250, %broadcast_in_dim3A_256 : vector<1000x128xi1>, vector<1000x128xf32>
      %add3A_257 = arith.addf %get3A_253, %select_n3A : vector<1000x128xf32>
      %swap3A_258 = arith.constant 0 : index
      %swap3A_259 = arith.constant 0 : index
      %swap3A_260 = vector.load %arg7[%swap3A_258, %swap3A_259] : memref<1000x128xf32, #tpu.memory_space<vmem>>, vector<1000x128xf32>
      tpu.vector_store %arg7[%swap3A_258, %swap3A_259], %add3A_257 {strides = array<i32>} : memref<1000x128xf32, #tpu.memory_space<vmem>>, vector<1000x128xf32>,
    } else {
    }
    %eq3A_174 = arith.constant 8 : i32
    %eq3A_175 = vector.broadcast %eq3A_174 : i32 to vector<1000x1xi32>
    %eq3A_176 = arith.cmpi eq, %min3A_24, %eq3A_175 : vector<1000x1xi32>
    %reduce_or3A_177 = arith.constant 1.000000e+00 : f32
    %reduce_or3A_178 = arith.constant 0.000000e+00 : f32
    %reduce_or3A_179 = vector.broadcast %reduce_or3A_177 : f32 to vector<1000x1xf32>
    %reduce_or3A_180 = vector.broadcast %reduce_or3A_178 : f32 to vector<1000x1xf32>
    %reduce_or3A_181 = arith.select %eq3A_176, %reduce_or3A_179, %reduce_or3A_180 : vector<1000x1xi1>, vector<1000x1xf32>
    %reduce_or3A_182 = vector.shape_cast %reduce_or3A_181 : vector<1000x1xf32> to vector<1x1000x1xf32>
    %reduce_or3A_183 = arith.constant dense<0xFF800000> : vector<1xf32>
    %reduce_or3A_184 = vector.multi_reduction <maximumf>, %reduce_or3A_182, %reduce_or3A_183 [1, 2] : vector<1x1000x1xf32> to vector<1xf32>
    %reduce_or3A_185 = vector.shape_cast %reduce_or3A_184 : vector<1xf32> to vector<1x1x1xf32>
    %reduce_or3A_186 = vector.extract %reduce_or3A_185[0, 0, 0] : f32 from vector<1x1x1xf32>
    %reduce_or3A_187 = arith.constant 0.000000e+00 : f32
    %reduce_or3A_188 = arith.cmpf ogt, %reduce_or3A_186, %reduce_or3A_187 : f32
    %convert_element_type3A_189 = arith.extui %reduce_or3A_188 : i1 to i32
    %cond3A_190 = arith.constant 0 : i32
    %cond3A_191 = arith.cmpi ne, %convert_element_type3A_189, %cond3A_190 : i32
    scf.if %cond3A_191 {
      %get3A_228 = arith.constant 8 : index
      %get3A_229 = arith.constant 0 : index
      %get3A_230 = arith.constant 0 : index
      %get3A_231 = vector.load %arg4[%get3A_228, %get3A_229, %get3A_230] : memref<11x128x128xf32, #tpu.memory_space<vmem>>, vector<1x128x128xf32>
      %get3A_232 = vector.shape_cast %get3A_231 : vector<1x128x128xf32> to vector<128x128xf32>
      %convert_element_type3A_233 = arith.truncf %get3A_232 : vector<128x128xf32> to vector<128x128xbf16>
      %dot_general3A = arith.constant dense<0.000000e+00> : vector<1000x128xf32>
      %dot_general3A_234 = tpu.matmul %convert_element_type3A_27, %convert_element_type3A_233, %dot_general3A {dimension_numbers = #tpu.dot_dimension_numbers<[1], [0], [0], [1], [0, 0, 1, 1], [], []>, transpose_lhs_hint = false} : vector<1000x128xbf16>, vector<128x128xbf16>, vector<1000x128xf32> -> vector<1000x128xf32>
      %get3A_235 = arith.constant 8 : index
      %get3A_236 = arith.constant 0 : index
      %get3A_237 = arith.constant 0 : index
      %get3A_238 = vector.load %arg6[%get3A_235, %get3A_236, %get3A_237] : memref<11x128x128xf32, #tpu.memory_space<vmem>>, vector<1x128x128xf32>
      %get3A_239 = vector.shape_cast %get3A_238 : vector<1x128x128xf32> to vector<128x128xf32>
      %convert_element_type3A_240 = arith.truncf %get3A_239 : vector<128x128xf32> to vector<128x128xbf16>
      %dot_general3A_241 = arith.constant dense<0.000000e+00> : vector<1000x128xf32>
      %dot_general3A_242 = tpu.matmul %convert_element_type3A_28, %convert_element_type3A_240, %dot_general3A_241 {dimension_numbers = #tpu.dot_dimension_numbers<[1], [0], [0], [1], [0, 0, 1, 1], [], []>, transpose_lhs_hint = false} : vector<1000x128xbf16>, vector<128x128xbf16>, vector<1000x128xf32> -> vector<1000x128xf32>
      %add3A_243 = arith.addf %dot_general3A_234, %dot_general3A_242 : vector<1000x128xf32>
      %get3A_244 = arith.constant 8 : index
      %get3A_245 = arith.constant 0 : index
      %get3A_246 = vector.load %arg5[%get3A_244, %get3A_245] : memref<11x128xf32, #tpu.memory_space<vmem>>, vector<1x128xf32>
      %get3A_247 = vector.shape_cast %get3A_246 : vector<1x128xf32> to vector<128xf32>
      %broadcast_in_dim3A_248 = vector.shape_cast %get3A_247 : vector<128xf32> to vector<1x128xf32>
      %add3A_249 = vector.broadcast %broadcast_in_dim3A_248 : vector<1x128xf32> to vector<1000x128xf32>
      %add3A_250 = arith.addf %add3A_243, %add3A_249 : vector<1000x128xf32>
      %get3A_251 = arith.constant 0 : index
      %get3A_252 = arith.constant 0 : index
      %get3A_253 = vector.load %arg7[%get3A_251, %get3A_252] : memref<1000x128xf32, #tpu.memory_space<vmem>>, vector<1000x128xf32>
      %jit3A = arith.constant 0.000000e+00 : f32
      %broadcast_in_dim3A_254 = vector.shape_cast %eq3A_176 : vector<1000x1xi1> to vector<1000x1xi1>
      %broadcast_in_dim3A_255 = vector.broadcast %broadcast_in_dim3A_254 : vector<1000x1xi1> to vector<1000x128xi1>
      %broadcast_in_dim3A_256 = vector.broadcast %jit3A : f32 to vector<1000x128xf32>
      %select_n3A = arith.select %broadcast_in_dim3A_255, %add3A_250, %broadcast_in_dim3A_256 : vector<1000x128xi1>, vector<1000x128xf32>
      %add3A_257 = arith.addf %get3A_253, %select_n3A : vector<1000x128xf32>
      %swap3A_258 = arith.constant 0 : index
      %swap3A_259 = arith.constant 0 : index
      %swap3A_260 = vector.load %arg7[%swap3A_258, %swap3A_259] : memref<1000x128xf32, #tpu.memory_space<vmem>>, vector<1000x128xf32>
      tpu.vector_store %arg7[%swap3A_258, %swap3A_259], %add3A_257 {strides = array<i32>} : memref<1000x128xf32, #tpu.memory_space<vmem>>, vector<1000x128xf32>,
    } else {
    }
    %eq3A_192 = arith.constant 9 : i32
    %eq3A_193 = vector.broadcast %eq3A_192 : i32 to vector<1000x1xi32>
    %eq3A_194 = arith.cmpi eq, %min3A_24, %eq3A_193 : vector<1000x1xi32>
    %reduce_or3A_195 = arith.constant 1.000000e+00 : f32
    %reduce_or3A_196 = arith.constant 0.000000e+00 : f32
    %reduce_or3A_197 = vector.broadcast %reduce_or3A_195 : f32 to vector<1000x1xf32>
    %reduce_or3A_198 = vector.broadcast %reduce_or3A_196 : f32 to vector<1000x1xf32>
    %reduce_or3A_199 = arith.select %eq3A_194, %reduce_or3A_197, %reduce_or3A_198 : vector<1000x1xi1>, vector<1000x1xf32>
    %reduce_or3A_200 = vector.shape_cast %reduce_or3A_199 : vector<1000x1xf32> to vector<1x1000x1xf32>
    %reduce_or3A_201 = arith.constant dense<0xFF800000> : vector<1xf32>
    %reduce_or3A_202 = vector.multi_reduction <maximumf>, %reduce_or3A_200, %reduce_or3A_201 [1, 2] : vector<1x1000x1xf32> to vector<1xf32>
    %reduce_or3A_203 = vector.shape_cast %reduce_or3A_202 : vector<1xf32> to vector<1x1x1xf32>
    %reduce_or3A_204 = vector.extract %reduce_or3A_203[0, 0, 0] : f32 from vector<1x1x1xf32>
    %reduce_or3A_205 = arith.constant 0.000000e+00 : f32
    %reduce_or3A_206 = arith.cmpf ogt, %reduce_or3A_204, %reduce_or3A_205 : f32
    %convert_element_type3A_207 = arith.extui %reduce_or3A_206 : i1 to i32
    %cond3A_208 = arith.constant 0 : i32
    %cond3A_209 = arith.cmpi ne, %convert_element_type3A_207, %cond3A_208 : i32
    scf.if %cond3A_209 {
      %get3A_228 = arith.constant 9 : index
      %get3A_229 = arith.constant 0 : index
      %get3A_230 = arith.constant 0 : index
      %get3A_231 = vector.load %arg4[%get3A_228, %get3A_229, %get3A_230] : memref<11x128x128xf32, #tpu.memory_space<vmem>>, vector<1x128x128xf32>
      %get3A_232 = vector.shape_cast %get3A_231 : vector<1x128x128xf32> to vector<128x128xf32>
      %convert_element_type3A_233 = arith.truncf %get3A_232 : vector<128x128xf32> to vector<128x128xbf16>
      %dot_general3A = arith.constant dense<0.000000e+00> : vector<1000x128xf32>
      %dot_general3A_234 = tpu.matmul %convert_element_type3A_27, %convert_element_type3A_233, %dot_general3A {dimension_numbers = #tpu.dot_dimension_numbers<[1], [0], [0], [1], [0, 0, 1, 1], [], []>, transpose_lhs_hint = false} : vector<1000x128xbf16>, vector<128x128xbf16>, vector<1000x128xf32> -> vector<1000x128xf32>
      %get3A_235 = arith.constant 9 : index
      %get3A_236 = arith.constant 0 : index
      %get3A_237 = arith.constant 0 : index
      %get3A_238 = vector.load %arg6[%get3A_235, %get3A_236, %get3A_237] : memref<11x128x128xf32, #tpu.memory_space<vmem>>, vector<1x128x128xf32>
      %get3A_239 = vector.shape_cast %get3A_238 : vector<1x128x128xf32> to vector<128x128xf32>
      %convert_element_type3A_240 = arith.truncf %get3A_239 : vector<128x128xf32> to vector<128x128xbf16>
      %dot_general3A_241 = arith.constant dense<0.000000e+00> : vector<1000x128xf32>
      %dot_general3A_242 = tpu.matmul %convert_element_type3A_28, %convert_element_type3A_240, %dot_general3A_241 {dimension_numbers = #tpu.dot_dimension_numbers<[1], [0], [0], [1], [0, 0, 1, 1], [], []>, transpose_lhs_hint = false} : vector<1000x128xbf16>, vector<128x128xbf16>, vector<1000x128xf32> -> vector<1000x128xf32>
      %add3A_243 = arith.addf %dot_general3A_234, %dot_general3A_242 : vector<1000x128xf32>
      %get3A_244 = arith.constant 9 : index
      %get3A_245 = arith.constant 0 : index
      %get3A_246 = vector.load %arg5[%get3A_244, %get3A_245] : memref<11x128xf32, #tpu.memory_space<vmem>>, vector<1x128xf32>
      %get3A_247 = vector.shape_cast %get3A_246 : vector<1x128xf32> to vector<128xf32>
      %broadcast_in_dim3A_248 = vector.shape_cast %get3A_247 : vector<128xf32> to vector<1x128xf32>
      %add3A_249 = vector.broadcast %broadcast_in_dim3A_248 : vector<1x128xf32> to vector<1000x128xf32>
      %add3A_250 = arith.addf %add3A_243, %add3A_249 : vector<1000x128xf32>
      %get3A_251 = arith.constant 0 : index
      %get3A_252 = arith.constant 0 : index
      %get3A_253 = vector.load %arg7[%get3A_251, %get3A_252] : memref<1000x128xf32, #tpu.memory_space<vmem>>, vector<1000x128xf32>
      %jit3A = arith.constant 0.000000e+00 : f32
      %broadcast_in_dim3A_254 = vector.shape_cast %eq3A_194 : vector<1000x1xi1> to vector<1000x1xi1>
      %broadcast_in_dim3A_255 = vector.broadcast %broadcast_in_dim3A_254 : vector<1000x1xi1> to vector<1000x128xi1>
      %broadcast_in_dim3A_256 = vector.broadcast %jit3A : f32 to vector<1000x128xf32>
      %select_n3A = arith.select %broadcast_in_dim3A_255, %add3A_250, %broadcast_in_dim3A_256 : vector<1000x128xi1>, vector<1000x128xf32>
      %add3A_257 = arith.addf %get3A_253, %select_n3A : vector<1000x128xf32>
      %swap3A_258 = arith.constant 0 : index
      %swap3A_259 = arith.constant 0 : index
      %swap3A_260 = vector.load %arg7[%swap3A_258, %swap3A_259] : memref<1000x128xf32, #tpu.memory_space<vmem>>, vector<1000x128xf32>
      tpu.vector_store %arg7[%swap3A_258, %swap3A_259], %add3A_257 {strides = array<i32>} : memref<1000x128xf32, #tpu.memory_space<vmem>>, vector<1000x128xf32>,
    } else {
    }
    %eq3A_210 = arith.constant 10 : i32
    %eq3A_211 = vector.broadcast %eq3A_210 : i32 to vector<1000x1xi32>
    %eq3A_212 = arith.cmpi eq, %min3A_24, %eq3A_211 : vector<1000x1xi32>
    %reduce_or3A_213 = arith.constant 1.000000e+00 : f32
    %reduce_or3A_214 = arith.constant 0.000000e+00 : f32
    %reduce_or3A_215 = vector.broadcast %reduce_or3A_213 : f32 to vector<1000x1xf32>
    %reduce_or3A_216 = vector.broadcast %reduce_or3A_214 : f32 to vector<1000x1xf32>
    %reduce_or3A_217 = arith.select %eq3A_212, %reduce_or3A_215, %reduce_or3A_216 : vector<1000x1xi1>, vector<1000x1xf32>
    %reduce_or3A_218 = vector.shape_cast %reduce_or3A_217 : vector<1000x1xf32> to vector<1x1000x1xf32>
    %reduce_or3A_219 = arith.constant dense<0xFF800000> : vector<1xf32>
    %reduce_or3A_220 = vector.multi_reduction <maximumf>, %reduce_or3A_218, %reduce_or3A_219 [1, 2] : vector<1x1000x1xf32> to vector<1xf32>
    %reduce_or3A_221 = vector.shape_cast %reduce_or3A_220 : vector<1xf32> to vector<1x1x1xf32>
    %reduce_or3A_222 = vector.extract %reduce_or3A_221[0, 0, 0] : f32 from vector<1x1x1xf32>
    %reduce_or3A_223 = arith.constant 0.000000e+00 : f32
    %reduce_or3A_224 = arith.cmpf ogt, %reduce_or3A_222, %reduce_or3A_223 : f32
    %convert_element_type3A_225 = arith.extui %reduce_or3A_224 : i1 to i32
    %cond3A_226 = arith.constant 0 : i32
    %cond3A_227 = arith.cmpi ne, %convert_element_type3A_225, %cond3A_226 : i32
    scf.if %cond3A_227 {
      %get3A_228 = arith.constant 10 : index
      %get3A_229 = arith.constant 0 : index
      %get3A_230 = arith.constant 0 : index
      %get3A_231 = vector.load %arg4[%get3A_228, %get3A_229, %get3A_230] : memref<11x128x128xf32, #tpu.memory_space<vmem>>, vector<1x128x128xf32>
      %get3A_232 = vector.shape_cast %get3A_231 : vector<1x128x128xf32> to vector<128x128xf32>
      %convert_element_type3A_233 = arith.truncf %get3A_232 : vector<128x128xf32> to vector<128x128xbf16>
      %dot_general3A = arith.constant dense<0.000000e+00> : vector<1000x128xf32>
      %dot_general3A_234 = tpu.matmul %convert_element_type3A_27, %convert_element_type3A_233, %dot_general3A {dimension_numbers = #tpu.dot_dimension_numbers<[1], [0], [0], [1], [0, 0, 1, 1], [], []>, transpose_lhs_hint = false} : vector<1000x128xbf16>, vector<128x128xbf16>, vector<1000x128xf32> -> vector<1000x128xf32>
      %get3A_235 = arith.constant 10 : index
      %get3A_236 = arith.constant 0 : index
      %get3A_237 = arith.constant 0 : index
      %get3A_238 = vector.load %arg6[%get3A_235, %get3A_236, %get3A_237] : memref<11x128x128xf32, #tpu.memory_space<vmem>>, vector<1x128x128xf32>
      %get3A_239 = vector.shape_cast %get3A_238 : vector<1x128x128xf32> to vector<128x128xf32>
      %convert_element_type3A_240 = arith.truncf %get3A_239 : vector<128x128xf32> to vector<128x128xbf16>
      %dot_general3A_241 = arith.constant dense<0.000000e+00> : vector<1000x128xf32>
      %dot_general3A_242 = tpu.matmul %convert_element_type3A_28, %convert_element_type3A_240, %dot_general3A_241 {dimension_numbers = #tpu.dot_dimension_numbers<[1], [0], [0], [1], [0, 0, 1, 1], [], []>, transpose_lhs_hint = false} : vector<1000x128xbf16>, vector<128x128xbf16>, vector<1000x128xf32> -> vector<1000x128xf32>
      %add3A_243 = arith.addf %dot_general3A_234, %dot_general3A_242 : vector<1000x128xf32>
      %get3A_244 = arith.constant 10 : index
      %get3A_245 = arith.constant 0 : index
      %get3A_246 = vector.load %arg5[%get3A_244, %get3A_245] : memref<11x128xf32, #tpu.memory_space<vmem>>, vector<1x128xf32>
      %get3A_247 = vector.shape_cast %get3A_246 : vector<1x128xf32> to vector<128xf32>
      %broadcast_in_dim3A_248 = vector.shape_cast %get3A_247 : vector<128xf32> to vector<1x128xf32>
      %add3A_249 = vector.broadcast %broadcast_in_dim3A_248 : vector<1x128xf32> to vector<1000x128xf32>
      %add3A_250 = arith.addf %add3A_243, %add3A_249 : vector<1000x128xf32>
      %get3A_251 = arith.constant 0 : index
      %get3A_252 = arith.constant 0 : index
      %get3A_253 = vector.load %arg7[%get3A_251, %get3A_252] : memref<1000x128xf32, #tpu.memory_space<vmem>>, vector<1000x128xf32>
      %jit3A = arith.constant 0.000000e+00 : f32
      %broadcast_in_dim3A_254 = vector.shape_cast %eq3A_212 : vector<1000x1xi1> to vector<1000x1xi1>
      %broadcast_in_dim3A_255 = vector.broadcast %broadcast_in_dim3A_254 : vector<1000x1xi1> to vector<1000x128xi1>
      %broadcast_in_dim3A_256 = vector.broadcast %jit3A : f32 to vector<1000x128xf32>
      %select_n3A = arith.select %broadcast_in_dim3A_255, %add3A_250, %broadcast_in_dim3A_256 : vector<1000x128xi1>, vector<1000x128xf32>
      %add3A_257 = arith.addf %get3A_253, %select_n3A : vector<1000x128xf32>
      %swap3A_258 = arith.constant 0 : index
      %swap3A_259 = arith.constant 0 : index
      %swap3A_260 = vector.load %arg7[%swap3A_258, %swap3A_259] : memref<1000x128xf32, #tpu.memory_space<vmem>>, vector<1000x128xf32>
      tpu.vector_store %arg7[%swap3A_258, %swap3A_259], %add3A_257 {strides = array<i32>} : memref<1000x128xf32, #tpu.memory_space<vmem>>, vector<1000x128xf32>,
    } else {
    }
    return
  }
  func.func @transform_0(%arg0: i32) -> (i32, i32, i32) {
    %c0_i32 = arith.constant 0 : i32
    %c0_i32_0 = arith.constant 0 : i32
    %c0_i32_1 = arith.constant 0 : i32
    return %c0_i32, %arg0, %c0_i32_0 : i32, i32, i32
  }
  func.func @transform_1(%arg0: i32) -> (i32, i32) {
    %c0_i32 = arith.constant 0 : i32
    %c0_i32_0 = arith.constant 0 : i32
    return %arg0, %c0_i32 : i32, i32
  }
  func.func @transform_2(%arg0: i32) -> (i32, i32, i32) {
    %c0_i32 = arith.constant 0 : i32
    %c0_i32_0 = arith.constant 0 : i32
    %c0_i32_1 = arith.constant 0 : i32
    return %c0_i32, %arg0, %c0_i32_0 : i32, i32, i32
  }
  func.func @transform_3(%arg0: i32) -> (i32, i32, i32) {
    %c0_i32 = arith.constant 0 : i32
    %c0_i32_0 = arith.constant 0 : i32
    %c0_i32_1 = arith.constant 0 : i32
    %c0_i32_2 = arith.constant 0 : i32
    return %c0_i32, %c0_i32_0, %c0_i32_1 : i32, i32, i32
  }
  func.func @transform_4(%arg0: i32) -> (i32, i32) {
    %c0_i32 = arith.constant 0 : i32
    %c0_i32_0 = arith.constant 0 : i32
    %c0_i32_1 = arith.constant 0 : i32
    return %c0_i32, %c0_i32_0 : i32, i32
  }
  func.func @transform_5(%arg0: i32) -> (i32, i32, i32) {
    %c0_i32 = arith.constant 0 : i32
    %c0_i32_0 = arith.constant 0 : i32
    %c0_i32_1 = arith.constant 0 : i32
    %c0_i32_2 = arith.constant 0 : i32
    return %c0_i32, %c0_i32_0, %c0_i32_1 : i32, i32, i32
  }
  func.func @transform_6(%arg0: i32) -> (i32, i32) {
    %c0_i32 = arith.constant 0 : i32
    %c0_i32_0 = arith.constant 0 : i32
    return %arg0, %c0_i32 : i32, i32
  }
  func.func @transform_7(%arg0: i32) -> (i32, i32) {
    %c0_i32 = arith.constant 0 : i32
    %c0_i32_0 = arith.constant 0 : i32
    return %arg0, %c0_i32 : i32, i32
  }
}

module attributes {stable_mosaic.version = 14 : i64} {
  func.func @_combine_body(%arg0: i32, %arg1: memref<2x1000x128xf32, #tpu.memory_space<vmem>>, %arg2: memref<1000x128xf32, #tpu.memory_space<vmem>>, %arg3: memref<1000x1xi32, #tpu.memory_space<vmem>>, %arg4: memref<11x128x128xf32, #tpu.memory_space<vmem>>, %arg5: memref<11x128xf32, #tpu.memory_space<vmem>>, %arg6: memref<11x128x128xf32, #tpu.memory_space<vmem>>, %arg7: memref<1000x128xf32, #tpu.memory_space<vmem>>) attributes {dimension_semantics = [#tpu.dimension_semantics<arbitrary>], iteration_bounds = array<i64: 10>, scalar_prefetch = 0 : i64, scratch_operands = 0 : i64, tpu.core_type = #tpu.core_type<tc>, window_params = [{transform_indices = @transform_0, window_bounds = array<i64: 2, 1000, 128>}, {transform_indices = @transform_1, window_bounds = array<i64: 1000, 128>}, {transform_indices = @transform_2, window_bounds = array<i64: 1000, 1>}, {pipeline_mode = #tpu.pipeline_mode<synchronous>, transform_indices = @transform_3, window_bounds = array<i64: 11, 128, 128>}, {pipeline_mode = #tpu.pipeline_mode<synchronous>, transform_indices = @transform_4, window_bounds = array<i64: 11, 128>}, {pipeline_mode = #tpu.pipeline_mode<synchronous>, transform_indices = @transform_5, window_bounds = array<i64: 11, 128, 128>}, {transform_indices = @transform_6, window_bounds = array<i64: 1000, 128>}]} {
    %get3A = arith.constant 0 : index
    %get3A_0 = arith.constant 0 : index
    %get3A_1 = arith.constant 0 : index
    %get3A_2 = vector.load %arg1[%get3A, %get3A_0, %get3A_1] : memref<2x1000x128xf32, #tpu.memory_space<vmem>>, vector<1x1000x128xf32>
    %get3A_3 = vector.shape_cast %get3A_2 : vector<1x1000x128xf32> to vector<1000x128xf32>
    %get3A_4 = arith.constant 1 : index
    %get3A_5 = arith.constant 0 : index
    %get3A_6 = arith.constant 0 : index
    %get3A_7 = vector.load %arg1[%get3A_4, %get3A_5, %get3A_6] : memref<2x1000x128xf32, #tpu.memory_space<vmem>>, vector<1x1000x128xf32>
    %get3A_8 = vector.shape_cast %get3A_7 : vector<1x1000x128xf32> to vector<1000x128xf32>
    %add3A = arith.addf %get3A_3, %get3A_8 : vector<1000x128xf32>
    %get3A_9 = arith.constant 0 : index
    %get3A_10 = arith.constant 0 : index
    %get3A_11 = vector.load %arg2[%get3A_9, %get3A_10] : memref<1000x128xf32, #tpu.memory_space<vmem>>, vector<1000x128xf32>
    %get3A_12 = arith.constant 0 : index
    %get3A_13 = arith.constant 0 : index
    %get3A_14 = vector.load %arg3[%get3A_12, %get3A_13] : memref<1000x1xi32, #tpu.memory_space<vmem>>, vector<1000x1xi32>
    %convert_element_type3A = arith.truncf %add3A : vector<1000x128xf32> to vector<1000x128xbf16>
    %convert_element_type3A_15 = arith.truncf %get3A_11 : vector<1000x128xf32> to vector<1000x128xbf16>
    %broadcast_in_dim3A = arith.constant 0.000000e+00 : f32
    %broadcast_in_dim3A_16 = vector.broadcast %broadcast_in_dim3A : f32 to vector<1000x128xf32>
    %swap3A = arith.constant 0 : index
    %swap3A_17 = arith.constant 0 : index
    %swap3A_18 = vector.load %arg7[%swap3A, %swap3A_17] : memref<1000x128xf32, #tpu.memory_space<vmem>>, vector<1000x128xf32>
    tpu.vector_store %arg7[%swap3A, %swap3A_17], %broadcast_in_dim3A_16 {strides = array<i32>} : memref<1000x128xf32, #tpu.memory_space<vmem>>, vector<1000x128xf32>,
    %eq3A = arith.constant 0 : i32
    %eq3A_19 = vector.broadcast %eq3A : i32 to vector<1000x1xi32>
    %eq3A_20 = arith.cmpi eq, %get3A_14, %eq3A_19 : vector<1000x1xi32>
    %reduce_or3A = arith.constant 1.000000e+00 : f32
    %reduce_or3A_21 = arith.constant 0.000000e+00 : f32
    %reduce_or3A_22 = vector.broadcast %reduce_or3A : f32 to vector<1000x1xf32>
    %reduce_or3A_23 = vector.broadcast %reduce_or3A_21 : f32 to vector<1000x1xf32>
    %reduce_or3A_24 = arith.select %eq3A_20, %reduce_or3A_22, %reduce_or3A_23 : vector<1000x1xi1>, vector<1000x1xf32>
    %reduce_or3A_25 = vector.shape_cast %reduce_or3A_24 : vector<1000x1xf32> to vector<1x1000x1xf32>
    %reduce_or3A_26 = arith.constant dense<0xFF800000> : vector<1xf32>
    %reduce_or3A_27 = vector.multi_reduction <maximumf>, %reduce_or3A_25, %reduce_or3A_26 [1, 2] : vector<1x1000x1xf32> to vector<1xf32>
    %reduce_or3A_28 = vector.shape_cast %reduce_or3A_27 : vector<1xf32> to vector<1x1x1xf32>
    %reduce_or3A_29 = vector.extract %reduce_or3A_28[0, 0, 0] : f32 from vector<1x1x1xf32>
    %reduce_or3A_30 = arith.constant 0.000000e+00 : f32
    %reduce_or3A_31 = arith.cmpf ogt, %reduce_or3A_29, %reduce_or3A_30 : f32
    %convert_element_type3A_32 = arith.extui %reduce_or3A_31 : i1 to i32
    %cond3A = arith.constant 0 : i32
    %cond3A_33 = arith.cmpi ne, %convert_element_type3A_32, %cond3A : i32
    scf.if %cond3A_33 {
      %get3A_214 = arith.constant 0 : index
      %get3A_215 = arith.constant 0 : index
      %get3A_216 = arith.constant 0 : index
      %get3A_217 = vector.load %arg4[%get3A_214, %get3A_215, %get3A_216] : memref<11x128x128xf32, #tpu.memory_space<vmem>>, vector<1x128x128xf32>
      %get3A_218 = vector.shape_cast %get3A_217 : vector<1x128x128xf32> to vector<128x128xf32>
      %convert_element_type3A_219 = arith.truncf %get3A_218 : vector<128x128xf32> to vector<128x128xbf16>
      %dot_general3A = arith.constant dense<0.000000e+00> : vector<1000x128xf32>
      %dot_general3A_220 = tpu.matmul %convert_element_type3A, %convert_element_type3A_219, %dot_general3A {dimension_numbers = #tpu.dot_dimension_numbers<[1], [0], [0], [1], [0, 0, 1, 1], [], []>, transpose_lhs_hint = false} : vector<1000x128xbf16>, vector<128x128xbf16>, vector<1000x128xf32> -> vector<1000x128xf32>
      %get3A_221 = arith.constant 0 : index
      %get3A_222 = arith.constant 0 : index
      %get3A_223 = arith.constant 0 : index
      %get3A_224 = vector.load %arg6[%get3A_221, %get3A_222, %get3A_223] : memref<11x128x128xf32, #tpu.memory_space<vmem>>, vector<1x128x128xf32>
      %get3A_225 = vector.shape_cast %get3A_224 : vector<1x128x128xf32> to vector<128x128xf32>
      %convert_element_type3A_226 = arith.truncf %get3A_225 : vector<128x128xf32> to vector<128x128xbf16>
      %dot_general3A_227 = arith.constant dense<0.000000e+00> : vector<1000x128xf32>
      %dot_general3A_228 = tpu.matmul %convert_element_type3A_15, %convert_element_type3A_226, %dot_general3A_227 {dimension_numbers = #tpu.dot_dimension_numbers<[1], [0], [0], [1], [0, 0, 1, 1], [], []>, transpose_lhs_hint = false} : vector<1000x128xbf16>, vector<128x128xbf16>, vector<1000x128xf32> -> vector<1000x128xf32>
      %add3A_229 = arith.addf %dot_general3A_220, %dot_general3A_228 : vector<1000x128xf32>
      %get3A_230 = arith.constant 0 : index
      %get3A_231 = arith.constant 0 : index
      %get3A_232 = vector.load %arg5[%get3A_230, %get3A_231] : memref<11x128xf32, #tpu.memory_space<vmem>>, vector<1x128xf32>
      %get3A_233 = vector.shape_cast %get3A_232 : vector<1x128xf32> to vector<128xf32>
      %broadcast_in_dim3A_234 = vector.shape_cast %get3A_233 : vector<128xf32> to vector<1x128xf32>
      %add3A_235 = vector.broadcast %broadcast_in_dim3A_234 : vector<1x128xf32> to vector<1000x128xf32>
      %add3A_236 = arith.addf %add3A_229, %add3A_235 : vector<1000x128xf32>
      %get3A_237 = arith.constant 0 : index
      %get3A_238 = arith.constant 0 : index
      %get3A_239 = vector.load %arg7[%get3A_237, %get3A_238] : memref<1000x128xf32, #tpu.memory_space<vmem>>, vector<1000x128xf32>
      %jit3A = arith.constant 0.000000e+00 : f32
      %broadcast_in_dim3A_240 = vector.shape_cast %eq3A_20 : vector<1000x1xi1> to vector<1000x1xi1>
      %broadcast_in_dim3A_241 = vector.broadcast %broadcast_in_dim3A_240 : vector<1000x1xi1> to vector<1000x128xi1>
      %broadcast_in_dim3A_242 = vector.broadcast %jit3A : f32 to vector<1000x128xf32>
      %select_n3A = arith.select %broadcast_in_dim3A_241, %add3A_236, %broadcast_in_dim3A_242 : vector<1000x128xi1>, vector<1000x128xf32>
      %add3A_243 = arith.addf %get3A_239, %select_n3A : vector<1000x128xf32>
      %swap3A_244 = arith.constant 0 : index
      %swap3A_245 = arith.constant 0 : index
      %swap3A_246 = vector.load %arg7[%swap3A_244, %swap3A_245] : memref<1000x128xf32, #tpu.memory_space<vmem>>, vector<1000x128xf32>
      tpu.vector_store %arg7[%swap3A_244, %swap3A_245], %add3A_243 {strides = array<i32>} : memref<1000x128xf32, #tpu.memory_space<vmem>>, vector<1000x128xf32>,
    } else {
    }
    %eq3A_34 = arith.constant 1 : i32
    %eq3A_35 = vector.broadcast %eq3A_34 : i32 to vector<1000x1xi32>
    %eq3A_36 = arith.cmpi eq, %get3A_14, %eq3A_35 : vector<1000x1xi32>
    %reduce_or3A_37 = arith.constant 1.000000e+00 : f32
    %reduce_or3A_38 = arith.constant 0.000000e+00 : f32
    %reduce_or3A_39 = vector.broadcast %reduce_or3A_37 : f32 to vector<1000x1xf32>
    %reduce_or3A_40 = vector.broadcast %reduce_or3A_38 : f32 to vector<1000x1xf32>
    %reduce_or3A_41 = arith.select %eq3A_36, %reduce_or3A_39, %reduce_or3A_40 : vector<1000x1xi1>, vector<1000x1xf32>
    %reduce_or3A_42 = vector.shape_cast %reduce_or3A_41 : vector<1000x1xf32> to vector<1x1000x1xf32>
    %reduce_or3A_43 = arith.constant dense<0xFF800000> : vector<1xf32>
    %reduce_or3A_44 = vector.multi_reduction <maximumf>, %reduce_or3A_42, %reduce_or3A_43 [1, 2] : vector<1x1000x1xf32> to vector<1xf32>
    %reduce_or3A_45 = vector.shape_cast %reduce_or3A_44 : vector<1xf32> to vector<1x1x1xf32>
    %reduce_or3A_46 = vector.extract %reduce_or3A_45[0, 0, 0] : f32 from vector<1x1x1xf32>
    %reduce_or3A_47 = arith.constant 0.000000e+00 : f32
    %reduce_or3A_48 = arith.cmpf ogt, %reduce_or3A_46, %reduce_or3A_47 : f32
    %convert_element_type3A_49 = arith.extui %reduce_or3A_48 : i1 to i32
    %cond3A_50 = arith.constant 0 : i32
    %cond3A_51 = arith.cmpi ne, %convert_element_type3A_49, %cond3A_50 : i32
    scf.if %cond3A_51 {
      %get3A_214 = arith.constant 1 : index
      %get3A_215 = arith.constant 0 : index
      %get3A_216 = arith.constant 0 : index
      %get3A_217 = vector.load %arg4[%get3A_214, %get3A_215, %get3A_216] : memref<11x128x128xf32, #tpu.memory_space<vmem>>, vector<1x128x128xf32>
      %get3A_218 = vector.shape_cast %get3A_217 : vector<1x128x128xf32> to vector<128x128xf32>
      %convert_element_type3A_219 = arith.truncf %get3A_218 : vector<128x128xf32> to vector<128x128xbf16>
      %dot_general3A = arith.constant dense<0.000000e+00> : vector<1000x128xf32>
      %dot_general3A_220 = tpu.matmul %convert_element_type3A, %convert_element_type3A_219, %dot_general3A {dimension_numbers = #tpu.dot_dimension_numbers<[1], [0], [0], [1], [0, 0, 1, 1], [], []>, transpose_lhs_hint = false} : vector<1000x128xbf16>, vector<128x128xbf16>, vector<1000x128xf32> -> vector<1000x128xf32>
      %get3A_221 = arith.constant 1 : index
      %get3A_222 = arith.constant 0 : index
      %get3A_223 = arith.constant 0 : index
      %get3A_224 = vector.load %arg6[%get3A_221, %get3A_222, %get3A_223] : memref<11x128x128xf32, #tpu.memory_space<vmem>>, vector<1x128x128xf32>
      %get3A_225 = vector.shape_cast %get3A_224 : vector<1x128x128xf32> to vector<128x128xf32>
      %convert_element_type3A_226 = arith.truncf %get3A_225 : vector<128x128xf32> to vector<128x128xbf16>
      %dot_general3A_227 = arith.constant dense<0.000000e+00> : vector<1000x128xf32>
      %dot_general3A_228 = tpu.matmul %convert_element_type3A_15, %convert_element_type3A_226, %dot_general3A_227 {dimension_numbers = #tpu.dot_dimension_numbers<[1], [0], [0], [1], [0, 0, 1, 1], [], []>, transpose_lhs_hint = false} : vector<1000x128xbf16>, vector<128x128xbf16>, vector<1000x128xf32> -> vector<1000x128xf32>
      %add3A_229 = arith.addf %dot_general3A_220, %dot_general3A_228 : vector<1000x128xf32>
      %get3A_230 = arith.constant 1 : index
      %get3A_231 = arith.constant 0 : index
      %get3A_232 = vector.load %arg5[%get3A_230, %get3A_231] : memref<11x128xf32, #tpu.memory_space<vmem>>, vector<1x128xf32>
      %get3A_233 = vector.shape_cast %get3A_232 : vector<1x128xf32> to vector<128xf32>
      %broadcast_in_dim3A_234 = vector.shape_cast %get3A_233 : vector<128xf32> to vector<1x128xf32>
      %add3A_235 = vector.broadcast %broadcast_in_dim3A_234 : vector<1x128xf32> to vector<1000x128xf32>
      %add3A_236 = arith.addf %add3A_229, %add3A_235 : vector<1000x128xf32>
      %get3A_237 = arith.constant 0 : index
      %get3A_238 = arith.constant 0 : index
      %get3A_239 = vector.load %arg7[%get3A_237, %get3A_238] : memref<1000x128xf32, #tpu.memory_space<vmem>>, vector<1000x128xf32>
      %jit3A = arith.constant 0.000000e+00 : f32
      %broadcast_in_dim3A_240 = vector.shape_cast %eq3A_36 : vector<1000x1xi1> to vector<1000x1xi1>
      %broadcast_in_dim3A_241 = vector.broadcast %broadcast_in_dim3A_240 : vector<1000x1xi1> to vector<1000x128xi1>
      %broadcast_in_dim3A_242 = vector.broadcast %jit3A : f32 to vector<1000x128xf32>
      %select_n3A = arith.select %broadcast_in_dim3A_241, %add3A_236, %broadcast_in_dim3A_242 : vector<1000x128xi1>, vector<1000x128xf32>
      %add3A_243 = arith.addf %get3A_239, %select_n3A : vector<1000x128xf32>
      %swap3A_244 = arith.constant 0 : index
      %swap3A_245 = arith.constant 0 : index
      %swap3A_246 = vector.load %arg7[%swap3A_244, %swap3A_245] : memref<1000x128xf32, #tpu.memory_space<vmem>>, vector<1000x128xf32>
      tpu.vector_store %arg7[%swap3A_244, %swap3A_245], %add3A_243 {strides = array<i32>} : memref<1000x128xf32, #tpu.memory_space<vmem>>, vector<1000x128xf32>,
    } else {
    }
    %eq3A_52 = arith.constant 2 : i32
    %eq3A_53 = vector.broadcast %eq3A_52 : i32 to vector<1000x1xi32>
    %eq3A_54 = arith.cmpi eq, %get3A_14, %eq3A_53 : vector<1000x1xi32>
    %reduce_or3A_55 = arith.constant 1.000000e+00 : f32
    %reduce_or3A_56 = arith.constant 0.000000e+00 : f32
    %reduce_or3A_57 = vector.broadcast %reduce_or3A_55 : f32 to vector<1000x1xf32>
    %reduce_or3A_58 = vector.broadcast %reduce_or3A_56 : f32 to vector<1000x1xf32>
    %reduce_or3A_59 = arith.select %eq3A_54, %reduce_or3A_57, %reduce_or3A_58 : vector<1000x1xi1>, vector<1000x1xf32>
    %reduce_or3A_60 = vector.shape_cast %reduce_or3A_59 : vector<1000x1xf32> to vector<1x1000x1xf32>
    %reduce_or3A_61 = arith.constant dense<0xFF800000> : vector<1xf32>
    %reduce_or3A_62 = vector.multi_reduction <maximumf>, %reduce_or3A_60, %reduce_or3A_61 [1, 2] : vector<1x1000x1xf32> to vector<1xf32>
    %reduce_or3A_63 = vector.shape_cast %reduce_or3A_62 : vector<1xf32> to vector<1x1x1xf32>
    %reduce_or3A_64 = vector.extract %reduce_or3A_63[0, 0, 0] : f32 from vector<1x1x1xf32>
    %reduce_or3A_65 = arith.constant 0.000000e+00 : f32
    %reduce_or3A_66 = arith.cmpf ogt, %reduce_or3A_64, %reduce_or3A_65 : f32
    %convert_element_type3A_67 = arith.extui %reduce_or3A_66 : i1 to i32
    %cond3A_68 = arith.constant 0 : i32
    %cond3A_69 = arith.cmpi ne, %convert_element_type3A_67, %cond3A_68 : i32
    scf.if %cond3A_69 {
      %get3A_214 = arith.constant 2 : index
      %get3A_215 = arith.constant 0 : index
      %get3A_216 = arith.constant 0 : index
      %get3A_217 = vector.load %arg4[%get3A_214, %get3A_215, %get3A_216] : memref<11x128x128xf32, #tpu.memory_space<vmem>>, vector<1x128x128xf32>
      %get3A_218 = vector.shape_cast %get3A_217 : vector<1x128x128xf32> to vector<128x128xf32>
      %convert_element_type3A_219 = arith.truncf %get3A_218 : vector<128x128xf32> to vector<128x128xbf16>
      %dot_general3A = arith.constant dense<0.000000e+00> : vector<1000x128xf32>
      %dot_general3A_220 = tpu.matmul %convert_element_type3A, %convert_element_type3A_219, %dot_general3A {dimension_numbers = #tpu.dot_dimension_numbers<[1], [0], [0], [1], [0, 0, 1, 1], [], []>, transpose_lhs_hint = false} : vector<1000x128xbf16>, vector<128x128xbf16>, vector<1000x128xf32> -> vector<1000x128xf32>
      %get3A_221 = arith.constant 2 : index
      %get3A_222 = arith.constant 0 : index
      %get3A_223 = arith.constant 0 : index
      %get3A_224 = vector.load %arg6[%get3A_221, %get3A_222, %get3A_223] : memref<11x128x128xf32, #tpu.memory_space<vmem>>, vector<1x128x128xf32>
      %get3A_225 = vector.shape_cast %get3A_224 : vector<1x128x128xf32> to vector<128x128xf32>
      %convert_element_type3A_226 = arith.truncf %get3A_225 : vector<128x128xf32> to vector<128x128xbf16>
      %dot_general3A_227 = arith.constant dense<0.000000e+00> : vector<1000x128xf32>
      %dot_general3A_228 = tpu.matmul %convert_element_type3A_15, %convert_element_type3A_226, %dot_general3A_227 {dimension_numbers = #tpu.dot_dimension_numbers<[1], [0], [0], [1], [0, 0, 1, 1], [], []>, transpose_lhs_hint = false} : vector<1000x128xbf16>, vector<128x128xbf16>, vector<1000x128xf32> -> vector<1000x128xf32>
      %add3A_229 = arith.addf %dot_general3A_220, %dot_general3A_228 : vector<1000x128xf32>
      %get3A_230 = arith.constant 2 : index
      %get3A_231 = arith.constant 0 : index
      %get3A_232 = vector.load %arg5[%get3A_230, %get3A_231] : memref<11x128xf32, #tpu.memory_space<vmem>>, vector<1x128xf32>
      %get3A_233 = vector.shape_cast %get3A_232 : vector<1x128xf32> to vector<128xf32>
      %broadcast_in_dim3A_234 = vector.shape_cast %get3A_233 : vector<128xf32> to vector<1x128xf32>
      %add3A_235 = vector.broadcast %broadcast_in_dim3A_234 : vector<1x128xf32> to vector<1000x128xf32>
      %add3A_236 = arith.addf %add3A_229, %add3A_235 : vector<1000x128xf32>
      %get3A_237 = arith.constant 0 : index
      %get3A_238 = arith.constant 0 : index
      %get3A_239 = vector.load %arg7[%get3A_237, %get3A_238] : memref<1000x128xf32, #tpu.memory_space<vmem>>, vector<1000x128xf32>
      %jit3A = arith.constant 0.000000e+00 : f32
      %broadcast_in_dim3A_240 = vector.shape_cast %eq3A_54 : vector<1000x1xi1> to vector<1000x1xi1>
      %broadcast_in_dim3A_241 = vector.broadcast %broadcast_in_dim3A_240 : vector<1000x1xi1> to vector<1000x128xi1>
      %broadcast_in_dim3A_242 = vector.broadcast %jit3A : f32 to vector<1000x128xf32>
      %select_n3A = arith.select %broadcast_in_dim3A_241, %add3A_236, %broadcast_in_dim3A_242 : vector<1000x128xi1>, vector<1000x128xf32>
      %add3A_243 = arith.addf %get3A_239, %select_n3A : vector<1000x128xf32>
      %swap3A_244 = arith.constant 0 : index
      %swap3A_245 = arith.constant 0 : index
      %swap3A_246 = vector.load %arg7[%swap3A_244, %swap3A_245] : memref<1000x128xf32, #tpu.memory_space<vmem>>, vector<1000x128xf32>
      tpu.vector_store %arg7[%swap3A_244, %swap3A_245], %add3A_243 {strides = array<i32>} : memref<1000x128xf32, #tpu.memory_space<vmem>>, vector<1000x128xf32>,
    } else {
    }
    %eq3A_70 = arith.constant 3 : i32
    %eq3A_71 = vector.broadcast %eq3A_70 : i32 to vector<1000x1xi32>
    %eq3A_72 = arith.cmpi eq, %get3A_14, %eq3A_71 : vector<1000x1xi32>
    %reduce_or3A_73 = arith.constant 1.000000e+00 : f32
    %reduce_or3A_74 = arith.constant 0.000000e+00 : f32
    %reduce_or3A_75 = vector.broadcast %reduce_or3A_73 : f32 to vector<1000x1xf32>
    %reduce_or3A_76 = vector.broadcast %reduce_or3A_74 : f32 to vector<1000x1xf32>
    %reduce_or3A_77 = arith.select %eq3A_72, %reduce_or3A_75, %reduce_or3A_76 : vector<1000x1xi1>, vector<1000x1xf32>
    %reduce_or3A_78 = vector.shape_cast %reduce_or3A_77 : vector<1000x1xf32> to vector<1x1000x1xf32>
    %reduce_or3A_79 = arith.constant dense<0xFF800000> : vector<1xf32>
    %reduce_or3A_80 = vector.multi_reduction <maximumf>, %reduce_or3A_78, %reduce_or3A_79 [1, 2] : vector<1x1000x1xf32> to vector<1xf32>
    %reduce_or3A_81 = vector.shape_cast %reduce_or3A_80 : vector<1xf32> to vector<1x1x1xf32>
    %reduce_or3A_82 = vector.extract %reduce_or3A_81[0, 0, 0] : f32 from vector<1x1x1xf32>
    %reduce_or3A_83 = arith.constant 0.000000e+00 : f32
    %reduce_or3A_84 = arith.cmpf ogt, %reduce_or3A_82, %reduce_or3A_83 : f32
    %convert_element_type3A_85 = arith.extui %reduce_or3A_84 : i1 to i32
    %cond3A_86 = arith.constant 0 : i32
    %cond3A_87 = arith.cmpi ne, %convert_element_type3A_85, %cond3A_86 : i32
    scf.if %cond3A_87 {
      %get3A_214 = arith.constant 3 : index
      %get3A_215 = arith.constant 0 : index
      %get3A_216 = arith.constant 0 : index
      %get3A_217 = vector.load %arg4[%get3A_214, %get3A_215, %get3A_216] : memref<11x128x128xf32, #tpu.memory_space<vmem>>, vector<1x128x128xf32>
      %get3A_218 = vector.shape_cast %get3A_217 : vector<1x128x128xf32> to vector<128x128xf32>
      %convert_element_type3A_219 = arith.truncf %get3A_218 : vector<128x128xf32> to vector<128x128xbf16>
      %dot_general3A = arith.constant dense<0.000000e+00> : vector<1000x128xf32>
      %dot_general3A_220 = tpu.matmul %convert_element_type3A, %convert_element_type3A_219, %dot_general3A {dimension_numbers = #tpu.dot_dimension_numbers<[1], [0], [0], [1], [0, 0, 1, 1], [], []>, transpose_lhs_hint = false} : vector<1000x128xbf16>, vector<128x128xbf16>, vector<1000x128xf32> -> vector<1000x128xf32>
      %get3A_221 = arith.constant 3 : index
      %get3A_222 = arith.constant 0 : index
      %get3A_223 = arith.constant 0 : index
      %get3A_224 = vector.load %arg6[%get3A_221, %get3A_222, %get3A_223] : memref<11x128x128xf32, #tpu.memory_space<vmem>>, vector<1x128x128xf32>
      %get3A_225 = vector.shape_cast %get3A_224 : vector<1x128x128xf32> to vector<128x128xf32>
      %convert_element_type3A_226 = arith.truncf %get3A_225 : vector<128x128xf32> to vector<128x128xbf16>
      %dot_general3A_227 = arith.constant dense<0.000000e+00> : vector<1000x128xf32>
      %dot_general3A_228 = tpu.matmul %convert_element_type3A_15, %convert_element_type3A_226, %dot_general3A_227 {dimension_numbers = #tpu.dot_dimension_numbers<[1], [0], [0], [1], [0, 0, 1, 1], [], []>, transpose_lhs_hint = false} : vector<1000x128xbf16>, vector<128x128xbf16>, vector<1000x128xf32> -> vector<1000x128xf32>
      %add3A_229 = arith.addf %dot_general3A_220, %dot_general3A_228 : vector<1000x128xf32>
      %get3A_230 = arith.constant 3 : index
      %get3A_231 = arith.constant 0 : index
      %get3A_232 = vector.load %arg5[%get3A_230, %get3A_231] : memref<11x128xf32, #tpu.memory_space<vmem>>, vector<1x128xf32>
      %get3A_233 = vector.shape_cast %get3A_232 : vector<1x128xf32> to vector<128xf32>
      %broadcast_in_dim3A_234 = vector.shape_cast %get3A_233 : vector<128xf32> to vector<1x128xf32>
      %add3A_235 = vector.broadcast %broadcast_in_dim3A_234 : vector<1x128xf32> to vector<1000x128xf32>
      %add3A_236 = arith.addf %add3A_229, %add3A_235 : vector<1000x128xf32>
      %get3A_237 = arith.constant 0 : index
      %get3A_238 = arith.constant 0 : index
      %get3A_239 = vector.load %arg7[%get3A_237, %get3A_238] : memref<1000x128xf32, #tpu.memory_space<vmem>>, vector<1000x128xf32>
      %jit3A = arith.constant 0.000000e+00 : f32
      %broadcast_in_dim3A_240 = vector.shape_cast %eq3A_72 : vector<1000x1xi1> to vector<1000x1xi1>
      %broadcast_in_dim3A_241 = vector.broadcast %broadcast_in_dim3A_240 : vector<1000x1xi1> to vector<1000x128xi1>
      %broadcast_in_dim3A_242 = vector.broadcast %jit3A : f32 to vector<1000x128xf32>
      %select_n3A = arith.select %broadcast_in_dim3A_241, %add3A_236, %broadcast_in_dim3A_242 : vector<1000x128xi1>, vector<1000x128xf32>
      %add3A_243 = arith.addf %get3A_239, %select_n3A : vector<1000x128xf32>
      %swap3A_244 = arith.constant 0 : index
      %swap3A_245 = arith.constant 0 : index
      %swap3A_246 = vector.load %arg7[%swap3A_244, %swap3A_245] : memref<1000x128xf32, #tpu.memory_space<vmem>>, vector<1000x128xf32>
      tpu.vector_store %arg7[%swap3A_244, %swap3A_245], %add3A_243 {strides = array<i32>} : memref<1000x128xf32, #tpu.memory_space<vmem>>, vector<1000x128xf32>,
    } else {
    }
    %eq3A_88 = arith.constant 4 : i32
    %eq3A_89 = vector.broadcast %eq3A_88 : i32 to vector<1000x1xi32>
    %eq3A_90 = arith.cmpi eq, %get3A_14, %eq3A_89 : vector<1000x1xi32>
    %reduce_or3A_91 = arith.constant 1.000000e+00 : f32
    %reduce_or3A_92 = arith.constant 0.000000e+00 : f32
    %reduce_or3A_93 = vector.broadcast %reduce_or3A_91 : f32 to vector<1000x1xf32>
    %reduce_or3A_94 = vector.broadcast %reduce_or3A_92 : f32 to vector<1000x1xf32>
    %reduce_or3A_95 = arith.select %eq3A_90, %reduce_or3A_93, %reduce_or3A_94 : vector<1000x1xi1>, vector<1000x1xf32>
    %reduce_or3A_96 = vector.shape_cast %reduce_or3A_95 : vector<1000x1xf32> to vector<1x1000x1xf32>
    %reduce_or3A_97 = arith.constant dense<0xFF800000> : vector<1xf32>
    %reduce_or3A_98 = vector.multi_reduction <maximumf>, %reduce_or3A_96, %reduce_or3A_97 [1, 2] : vector<1x1000x1xf32> to vector<1xf32>
    %reduce_or3A_99 = vector.shape_cast %reduce_or3A_98 : vector<1xf32> to vector<1x1x1xf32>
    %reduce_or3A_100 = vector.extract %reduce_or3A_99[0, 0, 0] : f32 from vector<1x1x1xf32>
    %reduce_or3A_101 = arith.constant 0.000000e+00 : f32
    %reduce_or3A_102 = arith.cmpf ogt, %reduce_or3A_100, %reduce_or3A_101 : f32
    %convert_element_type3A_103 = arith.extui %reduce_or3A_102 : i1 to i32
    %cond3A_104 = arith.constant 0 : i32
    %cond3A_105 = arith.cmpi ne, %convert_element_type3A_103, %cond3A_104 : i32
    scf.if %cond3A_105 {
      %get3A_214 = arith.constant 4 : index
      %get3A_215 = arith.constant 0 : index
      %get3A_216 = arith.constant 0 : index
      %get3A_217 = vector.load %arg4[%get3A_214, %get3A_215, %get3A_216] : memref<11x128x128xf32, #tpu.memory_space<vmem>>, vector<1x128x128xf32>
      %get3A_218 = vector.shape_cast %get3A_217 : vector<1x128x128xf32> to vector<128x128xf32>
      %convert_element_type3A_219 = arith.truncf %get3A_218 : vector<128x128xf32> to vector<128x128xbf16>
      %dot_general3A = arith.constant dense<0.000000e+00> : vector<1000x128xf32>
      %dot_general3A_220 = tpu.matmul %convert_element_type3A, %convert_element_type3A_219, %dot_general3A {dimension_numbers = #tpu.dot_dimension_numbers<[1], [0], [0], [1], [0, 0, 1, 1], [], []>, transpose_lhs_hint = false} : vector<1000x128xbf16>, vector<128x128xbf16>, vector<1000x128xf32> -> vector<1000x128xf32>
      %get3A_221 = arith.constant 4 : index
      %get3A_222 = arith.constant 0 : index
      %get3A_223 = arith.constant 0 : index
      %get3A_224 = vector.load %arg6[%get3A_221, %get3A_222, %get3A_223] : memref<11x128x128xf32, #tpu.memory_space<vmem>>, vector<1x128x128xf32>
      %get3A_225 = vector.shape_cast %get3A_224 : vector<1x128x128xf32> to vector<128x128xf32>
      %convert_element_type3A_226 = arith.truncf %get3A_225 : vector<128x128xf32> to vector<128x128xbf16>
      %dot_general3A_227 = arith.constant dense<0.000000e+00> : vector<1000x128xf32>
      %dot_general3A_228 = tpu.matmul %convert_element_type3A_15, %convert_element_type3A_226, %dot_general3A_227 {dimension_numbers = #tpu.dot_dimension_numbers<[1], [0], [0], [1], [0, 0, 1, 1], [], []>, transpose_lhs_hint = false} : vector<1000x128xbf16>, vector<128x128xbf16>, vector<1000x128xf32> -> vector<1000x128xf32>
      %add3A_229 = arith.addf %dot_general3A_220, %dot_general3A_228 : vector<1000x128xf32>
      %get3A_230 = arith.constant 4 : index
      %get3A_231 = arith.constant 0 : index
      %get3A_232 = vector.load %arg5[%get3A_230, %get3A_231] : memref<11x128xf32, #tpu.memory_space<vmem>>, vector<1x128xf32>
      %get3A_233 = vector.shape_cast %get3A_232 : vector<1x128xf32> to vector<128xf32>
      %broadcast_in_dim3A_234 = vector.shape_cast %get3A_233 : vector<128xf32> to vector<1x128xf32>
      %add3A_235 = vector.broadcast %broadcast_in_dim3A_234 : vector<1x128xf32> to vector<1000x128xf32>
      %add3A_236 = arith.addf %add3A_229, %add3A_235 : vector<1000x128xf32>
      %get3A_237 = arith.constant 0 : index
      %get3A_238 = arith.constant 0 : index
      %get3A_239 = vector.load %arg7[%get3A_237, %get3A_238] : memref<1000x128xf32, #tpu.memory_space<vmem>>, vector<1000x128xf32>
      %jit3A = arith.constant 0.000000e+00 : f32
      %broadcast_in_dim3A_240 = vector.shape_cast %eq3A_90 : vector<1000x1xi1> to vector<1000x1xi1>
      %broadcast_in_dim3A_241 = vector.broadcast %broadcast_in_dim3A_240 : vector<1000x1xi1> to vector<1000x128xi1>
      %broadcast_in_dim3A_242 = vector.broadcast %jit3A : f32 to vector<1000x128xf32>
      %select_n3A = arith.select %broadcast_in_dim3A_241, %add3A_236, %broadcast_in_dim3A_242 : vector<1000x128xi1>, vector<1000x128xf32>
      %add3A_243 = arith.addf %get3A_239, %select_n3A : vector<1000x128xf32>
      %swap3A_244 = arith.constant 0 : index
      %swap3A_245 = arith.constant 0 : index
      %swap3A_246 = vector.load %arg7[%swap3A_244, %swap3A_245] : memref<1000x128xf32, #tpu.memory_space<vmem>>, vector<1000x128xf32>
      tpu.vector_store %arg7[%swap3A_244, %swap3A_245], %add3A_243 {strides = array<i32>} : memref<1000x128xf32, #tpu.memory_space<vmem>>, vector<1000x128xf32>,
    } else {
    }
    %eq3A_106 = arith.constant 5 : i32
    %eq3A_107 = vector.broadcast %eq3A_106 : i32 to vector<1000x1xi32>
    %eq3A_108 = arith.cmpi eq, %get3A_14, %eq3A_107 : vector<1000x1xi32>
    %reduce_or3A_109 = arith.constant 1.000000e+00 : f32
    %reduce_or3A_110 = arith.constant 0.000000e+00 : f32
    %reduce_or3A_111 = vector.broadcast %reduce_or3A_109 : f32 to vector<1000x1xf32>
    %reduce_or3A_112 = vector.broadcast %reduce_or3A_110 : f32 to vector<1000x1xf32>
    %reduce_or3A_113 = arith.select %eq3A_108, %reduce_or3A_111, %reduce_or3A_112 : vector<1000x1xi1>, vector<1000x1xf32>
    %reduce_or3A_114 = vector.shape_cast %reduce_or3A_113 : vector<1000x1xf32> to vector<1x1000x1xf32>
    %reduce_or3A_115 = arith.constant dense<0xFF800000> : vector<1xf32>
    %reduce_or3A_116 = vector.multi_reduction <maximumf>, %reduce_or3A_114, %reduce_or3A_115 [1, 2] : vector<1x1000x1xf32> to vector<1xf32>
    %reduce_or3A_117 = vector.shape_cast %reduce_or3A_116 : vector<1xf32> to vector<1x1x1xf32>
    %reduce_or3A_118 = vector.extract %reduce_or3A_117[0, 0, 0] : f32 from vector<1x1x1xf32>
    %reduce_or3A_119 = arith.constant 0.000000e+00 : f32
    %reduce_or3A_120 = arith.cmpf ogt, %reduce_or3A_118, %reduce_or3A_119 : f32
    %convert_element_type3A_121 = arith.extui %reduce_or3A_120 : i1 to i32
    %cond3A_122 = arith.constant 0 : i32
    %cond3A_123 = arith.cmpi ne, %convert_element_type3A_121, %cond3A_122 : i32
    scf.if %cond3A_123 {
      %get3A_214 = arith.constant 5 : index
      %get3A_215 = arith.constant 0 : index
      %get3A_216 = arith.constant 0 : index
      %get3A_217 = vector.load %arg4[%get3A_214, %get3A_215, %get3A_216] : memref<11x128x128xf32, #tpu.memory_space<vmem>>, vector<1x128x128xf32>
      %get3A_218 = vector.shape_cast %get3A_217 : vector<1x128x128xf32> to vector<128x128xf32>
      %convert_element_type3A_219 = arith.truncf %get3A_218 : vector<128x128xf32> to vector<128x128xbf16>
      %dot_general3A = arith.constant dense<0.000000e+00> : vector<1000x128xf32>
      %dot_general3A_220 = tpu.matmul %convert_element_type3A, %convert_element_type3A_219, %dot_general3A {dimension_numbers = #tpu.dot_dimension_numbers<[1], [0], [0], [1], [0, 0, 1, 1], [], []>, transpose_lhs_hint = false} : vector<1000x128xbf16>, vector<128x128xbf16>, vector<1000x128xf32> -> vector<1000x128xf32>
      %get3A_221 = arith.constant 5 : index
      %get3A_222 = arith.constant 0 : index
      %get3A_223 = arith.constant 0 : index
      %get3A_224 = vector.load %arg6[%get3A_221, %get3A_222, %get3A_223] : memref<11x128x128xf32, #tpu.memory_space<vmem>>, vector<1x128x128xf32>
      %get3A_225 = vector.shape_cast %get3A_224 : vector<1x128x128xf32> to vector<128x128xf32>
      %convert_element_type3A_226 = arith.truncf %get3A_225 : vector<128x128xf32> to vector<128x128xbf16>
      %dot_general3A_227 = arith.constant dense<0.000000e+00> : vector<1000x128xf32>
      %dot_general3A_228 = tpu.matmul %convert_element_type3A_15, %convert_element_type3A_226, %dot_general3A_227 {dimension_numbers = #tpu.dot_dimension_numbers<[1], [0], [0], [1], [0, 0, 1, 1], [], []>, transpose_lhs_hint = false} : vector<1000x128xbf16>, vector<128x128xbf16>, vector<1000x128xf32> -> vector<1000x128xf32>
      %add3A_229 = arith.addf %dot_general3A_220, %dot_general3A_228 : vector<1000x128xf32>
      %get3A_230 = arith.constant 5 : index
      %get3A_231 = arith.constant 0 : index
      %get3A_232 = vector.load %arg5[%get3A_230, %get3A_231] : memref<11x128xf32, #tpu.memory_space<vmem>>, vector<1x128xf32>
      %get3A_233 = vector.shape_cast %get3A_232 : vector<1x128xf32> to vector<128xf32>
      %broadcast_in_dim3A_234 = vector.shape_cast %get3A_233 : vector<128xf32> to vector<1x128xf32>
      %add3A_235 = vector.broadcast %broadcast_in_dim3A_234 : vector<1x128xf32> to vector<1000x128xf32>
      %add3A_236 = arith.addf %add3A_229, %add3A_235 : vector<1000x128xf32>
      %get3A_237 = arith.constant 0 : index
      %get3A_238 = arith.constant 0 : index
      %get3A_239 = vector.load %arg7[%get3A_237, %get3A_238] : memref<1000x128xf32, #tpu.memory_space<vmem>>, vector<1000x128xf32>
      %jit3A = arith.constant 0.000000e+00 : f32
      %broadcast_in_dim3A_240 = vector.shape_cast %eq3A_108 : vector<1000x1xi1> to vector<1000x1xi1>
      %broadcast_in_dim3A_241 = vector.broadcast %broadcast_in_dim3A_240 : vector<1000x1xi1> to vector<1000x128xi1>
      %broadcast_in_dim3A_242 = vector.broadcast %jit3A : f32 to vector<1000x128xf32>
      %select_n3A = arith.select %broadcast_in_dim3A_241, %add3A_236, %broadcast_in_dim3A_242 : vector<1000x128xi1>, vector<1000x128xf32>
      %add3A_243 = arith.addf %get3A_239, %select_n3A : vector<1000x128xf32>
      %swap3A_244 = arith.constant 0 : index
      %swap3A_245 = arith.constant 0 : index
      %swap3A_246 = vector.load %arg7[%swap3A_244, %swap3A_245] : memref<1000x128xf32, #tpu.memory_space<vmem>>, vector<1000x128xf32>
      tpu.vector_store %arg7[%swap3A_244, %swap3A_245], %add3A_243 {strides = array<i32>} : memref<1000x128xf32, #tpu.memory_space<vmem>>, vector<1000x128xf32>,
    } else {
    }
    %eq3A_124 = arith.constant 6 : i32
    %eq3A_125 = vector.broadcast %eq3A_124 : i32 to vector<1000x1xi32>
    %eq3A_126 = arith.cmpi eq, %get3A_14, %eq3A_125 : vector<1000x1xi32>
    %reduce_or3A_127 = arith.constant 1.000000e+00 : f32
    %reduce_or3A_128 = arith.constant 0.000000e+00 : f32
    %reduce_or3A_129 = vector.broadcast %reduce_or3A_127 : f32 to vector<1000x1xf32>
    %reduce_or3A_130 = vector.broadcast %reduce_or3A_128 : f32 to vector<1000x1xf32>
    %reduce_or3A_131 = arith.select %eq3A_126, %reduce_or3A_129, %reduce_or3A_130 : vector<1000x1xi1>, vector<1000x1xf32>
    %reduce_or3A_132 = vector.shape_cast %reduce_or3A_131 : vector<1000x1xf32> to vector<1x1000x1xf32>
    %reduce_or3A_133 = arith.constant dense<0xFF800000> : vector<1xf32>
    %reduce_or3A_134 = vector.multi_reduction <maximumf>, %reduce_or3A_132, %reduce_or3A_133 [1, 2] : vector<1x1000x1xf32> to vector<1xf32>
    %reduce_or3A_135 = vector.shape_cast %reduce_or3A_134 : vector<1xf32> to vector<1x1x1xf32>
    %reduce_or3A_136 = vector.extract %reduce_or3A_135[0, 0, 0] : f32 from vector<1x1x1xf32>
    %reduce_or3A_137 = arith.constant 0.000000e+00 : f32
    %reduce_or3A_138 = arith.cmpf ogt, %reduce_or3A_136, %reduce_or3A_137 : f32
    %convert_element_type3A_139 = arith.extui %reduce_or3A_138 : i1 to i32
    %cond3A_140 = arith.constant 0 : i32
    %cond3A_141 = arith.cmpi ne, %convert_element_type3A_139, %cond3A_140 : i32
    scf.if %cond3A_141 {
      %get3A_214 = arith.constant 6 : index
      %get3A_215 = arith.constant 0 : index
      %get3A_216 = arith.constant 0 : index
      %get3A_217 = vector.load %arg4[%get3A_214, %get3A_215, %get3A_216] : memref<11x128x128xf32, #tpu.memory_space<vmem>>, vector<1x128x128xf32>
      %get3A_218 = vector.shape_cast %get3A_217 : vector<1x128x128xf32> to vector<128x128xf32>
      %convert_element_type3A_219 = arith.truncf %get3A_218 : vector<128x128xf32> to vector<128x128xbf16>
      %dot_general3A = arith.constant dense<0.000000e+00> : vector<1000x128xf32>
      %dot_general3A_220 = tpu.matmul %convert_element_type3A, %convert_element_type3A_219, %dot_general3A {dimension_numbers = #tpu.dot_dimension_numbers<[1], [0], [0], [1], [0, 0, 1, 1], [], []>, transpose_lhs_hint = false} : vector<1000x128xbf16>, vector<128x128xbf16>, vector<1000x128xf32> -> vector<1000x128xf32>
      %get3A_221 = arith.constant 6 : index
      %get3A_222 = arith.constant 0 : index
      %get3A_223 = arith.constant 0 : index
      %get3A_224 = vector.load %arg6[%get3A_221, %get3A_222, %get3A_223] : memref<11x128x128xf32, #tpu.memory_space<vmem>>, vector<1x128x128xf32>
      %get3A_225 = vector.shape_cast %get3A_224 : vector<1x128x128xf32> to vector<128x128xf32>
      %convert_element_type3A_226 = arith.truncf %get3A_225 : vector<128x128xf32> to vector<128x128xbf16>
      %dot_general3A_227 = arith.constant dense<0.000000e+00> : vector<1000x128xf32>
      %dot_general3A_228 = tpu.matmul %convert_element_type3A_15, %convert_element_type3A_226, %dot_general3A_227 {dimension_numbers = #tpu.dot_dimension_numbers<[1], [0], [0], [1], [0, 0, 1, 1], [], []>, transpose_lhs_hint = false} : vector<1000x128xbf16>, vector<128x128xbf16>, vector<1000x128xf32> -> vector<1000x128xf32>
      %add3A_229 = arith.addf %dot_general3A_220, %dot_general3A_228 : vector<1000x128xf32>
      %get3A_230 = arith.constant 6 : index
      %get3A_231 = arith.constant 0 : index
      %get3A_232 = vector.load %arg5[%get3A_230, %get3A_231] : memref<11x128xf32, #tpu.memory_space<vmem>>, vector<1x128xf32>
      %get3A_233 = vector.shape_cast %get3A_232 : vector<1x128xf32> to vector<128xf32>
      %broadcast_in_dim3A_234 = vector.shape_cast %get3A_233 : vector<128xf32> to vector<1x128xf32>
      %add3A_235 = vector.broadcast %broadcast_in_dim3A_234 : vector<1x128xf32> to vector<1000x128xf32>
      %add3A_236 = arith.addf %add3A_229, %add3A_235 : vector<1000x128xf32>
      %get3A_237 = arith.constant 0 : index
      %get3A_238 = arith.constant 0 : index
      %get3A_239 = vector.load %arg7[%get3A_237, %get3A_238] : memref<1000x128xf32, #tpu.memory_space<vmem>>, vector<1000x128xf32>
      %jit3A = arith.constant 0.000000e+00 : f32
      %broadcast_in_dim3A_240 = vector.shape_cast %eq3A_126 : vector<1000x1xi1> to vector<1000x1xi1>
      %broadcast_in_dim3A_241 = vector.broadcast %broadcast_in_dim3A_240 : vector<1000x1xi1> to vector<1000x128xi1>
      %broadcast_in_dim3A_242 = vector.broadcast %jit3A : f32 to vector<1000x128xf32>
      %select_n3A = arith.select %broadcast_in_dim3A_241, %add3A_236, %broadcast_in_dim3A_242 : vector<1000x128xi1>, vector<1000x128xf32>
      %add3A_243 = arith.addf %get3A_239, %select_n3A : vector<1000x128xf32>
      %swap3A_244 = arith.constant 0 : index
      %swap3A_245 = arith.constant 0 : index
      %swap3A_246 = vector.load %arg7[%swap3A_244, %swap3A_245] : memref<1000x128xf32, #tpu.memory_space<vmem>>, vector<1000x128xf32>
      tpu.vector_store %arg7[%swap3A_244, %swap3A_245], %add3A_243 {strides = array<i32>} : memref<1000x128xf32, #tpu.memory_space<vmem>>, vector<1000x128xf32>,
    } else {
    }
    %eq3A_142 = arith.constant 7 : i32
    %eq3A_143 = vector.broadcast %eq3A_142 : i32 to vector<1000x1xi32>
    %eq3A_144 = arith.cmpi eq, %get3A_14, %eq3A_143 : vector<1000x1xi32>
    %reduce_or3A_145 = arith.constant 1.000000e+00 : f32
    %reduce_or3A_146 = arith.constant 0.000000e+00 : f32
    %reduce_or3A_147 = vector.broadcast %reduce_or3A_145 : f32 to vector<1000x1xf32>
    %reduce_or3A_148 = vector.broadcast %reduce_or3A_146 : f32 to vector<1000x1xf32>
    %reduce_or3A_149 = arith.select %eq3A_144, %reduce_or3A_147, %reduce_or3A_148 : vector<1000x1xi1>, vector<1000x1xf32>
    %reduce_or3A_150 = vector.shape_cast %reduce_or3A_149 : vector<1000x1xf32> to vector<1x1000x1xf32>
    %reduce_or3A_151 = arith.constant dense<0xFF800000> : vector<1xf32>
    %reduce_or3A_152 = vector.multi_reduction <maximumf>, %reduce_or3A_150, %reduce_or3A_151 [1, 2] : vector<1x1000x1xf32> to vector<1xf32>
    %reduce_or3A_153 = vector.shape_cast %reduce_or3A_152 : vector<1xf32> to vector<1x1x1xf32>
    %reduce_or3A_154 = vector.extract %reduce_or3A_153[0, 0, 0] : f32 from vector<1x1x1xf32>
    %reduce_or3A_155 = arith.constant 0.000000e+00 : f32
    %reduce_or3A_156 = arith.cmpf ogt, %reduce_or3A_154, %reduce_or3A_155 : f32
    %convert_element_type3A_157 = arith.extui %reduce_or3A_156 : i1 to i32
    %cond3A_158 = arith.constant 0 : i32
    %cond3A_159 = arith.cmpi ne, %convert_element_type3A_157, %cond3A_158 : i32
    scf.if %cond3A_159 {
      %get3A_214 = arith.constant 7 : index
      %get3A_215 = arith.constant 0 : index
      %get3A_216 = arith.constant 0 : index
      %get3A_217 = vector.load %arg4[%get3A_214, %get3A_215, %get3A_216] : memref<11x128x128xf32, #tpu.memory_space<vmem>>, vector<1x128x128xf32>
      %get3A_218 = vector.shape_cast %get3A_217 : vector<1x128x128xf32> to vector<128x128xf32>
      %convert_element_type3A_219 = arith.truncf %get3A_218 : vector<128x128xf32> to vector<128x128xbf16>
      %dot_general3A = arith.constant dense<0.000000e+00> : vector<1000x128xf32>
      %dot_general3A_220 = tpu.matmul %convert_element_type3A, %convert_element_type3A_219, %dot_general3A {dimension_numbers = #tpu.dot_dimension_numbers<[1], [0], [0], [1], [0, 0, 1, 1], [], []>, transpose_lhs_hint = false} : vector<1000x128xbf16>, vector<128x128xbf16>, vector<1000x128xf32> -> vector<1000x128xf32>
      %get3A_221 = arith.constant 7 : index
      %get3A_222 = arith.constant 0 : index
      %get3A_223 = arith.constant 0 : index
      %get3A_224 = vector.load %arg6[%get3A_221, %get3A_222, %get3A_223] : memref<11x128x128xf32, #tpu.memory_space<vmem>>, vector<1x128x128xf32>
      %get3A_225 = vector.shape_cast %get3A_224 : vector<1x128x128xf32> to vector<128x128xf32>
      %convert_element_type3A_226 = arith.truncf %get3A_225 : vector<128x128xf32> to vector<128x128xbf16>
      %dot_general3A_227 = arith.constant dense<0.000000e+00> : vector<1000x128xf32>
      %dot_general3A_228 = tpu.matmul %convert_element_type3A_15, %convert_element_type3A_226, %dot_general3A_227 {dimension_numbers = #tpu.dot_dimension_numbers<[1], [0], [0], [1], [0, 0, 1, 1], [], []>, transpose_lhs_hint = false} : vector<1000x128xbf16>, vector<128x128xbf16>, vector<1000x128xf32> -> vector<1000x128xf32>
      %add3A_229 = arith.addf %dot_general3A_220, %dot_general3A_228 : vector<1000x128xf32>
      %get3A_230 = arith.constant 7 : index
      %get3A_231 = arith.constant 0 : index
      %get3A_232 = vector.load %arg5[%get3A_230, %get3A_231] : memref<11x128xf32, #tpu.memory_space<vmem>>, vector<1x128xf32>
      %get3A_233 = vector.shape_cast %get3A_232 : vector<1x128xf32> to vector<128xf32>
      %broadcast_in_dim3A_234 = vector.shape_cast %get3A_233 : vector<128xf32> to vector<1x128xf32>
      %add3A_235 = vector.broadcast %broadcast_in_dim3A_234 : vector<1x128xf32> to vector<1000x128xf32>
      %add3A_236 = arith.addf %add3A_229, %add3A_235 : vector<1000x128xf32>
      %get3A_237 = arith.constant 0 : index
      %get3A_238 = arith.constant 0 : index
      %get3A_239 = vector.load %arg7[%get3A_237, %get3A_238] : memref<1000x128xf32, #tpu.memory_space<vmem>>, vector<1000x128xf32>
      %jit3A = arith.constant 0.000000e+00 : f32
      %broadcast_in_dim3A_240 = vector.shape_cast %eq3A_144 : vector<1000x1xi1> to vector<1000x1xi1>
      %broadcast_in_dim3A_241 = vector.broadcast %broadcast_in_dim3A_240 : vector<1000x1xi1> to vector<1000x128xi1>
      %broadcast_in_dim3A_242 = vector.broadcast %jit3A : f32 to vector<1000x128xf32>
      %select_n3A = arith.select %broadcast_in_dim3A_241, %add3A_236, %broadcast_in_dim3A_242 : vector<1000x128xi1>, vector<1000x128xf32>
      %add3A_243 = arith.addf %get3A_239, %select_n3A : vector<1000x128xf32>
      %swap3A_244 = arith.constant 0 : index
      %swap3A_245 = arith.constant 0 : index
      %swap3A_246 = vector.load %arg7[%swap3A_244, %swap3A_245] : memref<1000x128xf32, #tpu.memory_space<vmem>>, vector<1000x128xf32>
      tpu.vector_store %arg7[%swap3A_244, %swap3A_245], %add3A_243 {strides = array<i32>} : memref<1000x128xf32, #tpu.memory_space<vmem>>, vector<1000x128xf32>,
    } else {
    }
    %eq3A_160 = arith.constant 8 : i32
    %eq3A_161 = vector.broadcast %eq3A_160 : i32 to vector<1000x1xi32>
    %eq3A_162 = arith.cmpi eq, %get3A_14, %eq3A_161 : vector<1000x1xi32>
    %reduce_or3A_163 = arith.constant 1.000000e+00 : f32
    %reduce_or3A_164 = arith.constant 0.000000e+00 : f32
    %reduce_or3A_165 = vector.broadcast %reduce_or3A_163 : f32 to vector<1000x1xf32>
    %reduce_or3A_166 = vector.broadcast %reduce_or3A_164 : f32 to vector<1000x1xf32>
    %reduce_or3A_167 = arith.select %eq3A_162, %reduce_or3A_165, %reduce_or3A_166 : vector<1000x1xi1>, vector<1000x1xf32>
    %reduce_or3A_168 = vector.shape_cast %reduce_or3A_167 : vector<1000x1xf32> to vector<1x1000x1xf32>
    %reduce_or3A_169 = arith.constant dense<0xFF800000> : vector<1xf32>
    %reduce_or3A_170 = vector.multi_reduction <maximumf>, %reduce_or3A_168, %reduce_or3A_169 [1, 2] : vector<1x1000x1xf32> to vector<1xf32>
    %reduce_or3A_171 = vector.shape_cast %reduce_or3A_170 : vector<1xf32> to vector<1x1x1xf32>
    %reduce_or3A_172 = vector.extract %reduce_or3A_171[0, 0, 0] : f32 from vector<1x1x1xf32>
    %reduce_or3A_173 = arith.constant 0.000000e+00 : f32
    %reduce_or3A_174 = arith.cmpf ogt, %reduce_or3A_172, %reduce_or3A_173 : f32
    %convert_element_type3A_175 = arith.extui %reduce_or3A_174 : i1 to i32
    %cond3A_176 = arith.constant 0 : i32
    %cond3A_177 = arith.cmpi ne, %convert_element_type3A_175, %cond3A_176 : i32
    scf.if %cond3A_177 {
      %get3A_214 = arith.constant 8 : index
      %get3A_215 = arith.constant 0 : index
      %get3A_216 = arith.constant 0 : index
      %get3A_217 = vector.load %arg4[%get3A_214, %get3A_215, %get3A_216] : memref<11x128x128xf32, #tpu.memory_space<vmem>>, vector<1x128x128xf32>
      %get3A_218 = vector.shape_cast %get3A_217 : vector<1x128x128xf32> to vector<128x128xf32>
      %convert_element_type3A_219 = arith.truncf %get3A_218 : vector<128x128xf32> to vector<128x128xbf16>
      %dot_general3A = arith.constant dense<0.000000e+00> : vector<1000x128xf32>
      %dot_general3A_220 = tpu.matmul %convert_element_type3A, %convert_element_type3A_219, %dot_general3A {dimension_numbers = #tpu.dot_dimension_numbers<[1], [0], [0], [1], [0, 0, 1, 1], [], []>, transpose_lhs_hint = false} : vector<1000x128xbf16>, vector<128x128xbf16>, vector<1000x128xf32> -> vector<1000x128xf32>
      %get3A_221 = arith.constant 8 : index
      %get3A_222 = arith.constant 0 : index
      %get3A_223 = arith.constant 0 : index
      %get3A_224 = vector.load %arg6[%get3A_221, %get3A_222, %get3A_223] : memref<11x128x128xf32, #tpu.memory_space<vmem>>, vector<1x128x128xf32>
      %get3A_225 = vector.shape_cast %get3A_224 : vector<1x128x128xf32> to vector<128x128xf32>
      %convert_element_type3A_226 = arith.truncf %get3A_225 : vector<128x128xf32> to vector<128x128xbf16>
      %dot_general3A_227 = arith.constant dense<0.000000e+00> : vector<1000x128xf32>
      %dot_general3A_228 = tpu.matmul %convert_element_type3A_15, %convert_element_type3A_226, %dot_general3A_227 {dimension_numbers = #tpu.dot_dimension_numbers<[1], [0], [0], [1], [0, 0, 1, 1], [], []>, transpose_lhs_hint = false} : vector<1000x128xbf16>, vector<128x128xbf16>, vector<1000x128xf32> -> vector<1000x128xf32>
      %add3A_229 = arith.addf %dot_general3A_220, %dot_general3A_228 : vector<1000x128xf32>
      %get3A_230 = arith.constant 8 : index
      %get3A_231 = arith.constant 0 : index
      %get3A_232 = vector.load %arg5[%get3A_230, %get3A_231] : memref<11x128xf32, #tpu.memory_space<vmem>>, vector<1x128xf32>
      %get3A_233 = vector.shape_cast %get3A_232 : vector<1x128xf32> to vector<128xf32>
      %broadcast_in_dim3A_234 = vector.shape_cast %get3A_233 : vector<128xf32> to vector<1x128xf32>
      %add3A_235 = vector.broadcast %broadcast_in_dim3A_234 : vector<1x128xf32> to vector<1000x128xf32>
      %add3A_236 = arith.addf %add3A_229, %add3A_235 : vector<1000x128xf32>
      %get3A_237 = arith.constant 0 : index
      %get3A_238 = arith.constant 0 : index
      %get3A_239 = vector.load %arg7[%get3A_237, %get3A_238] : memref<1000x128xf32, #tpu.memory_space<vmem>>, vector<1000x128xf32>
      %jit3A = arith.constant 0.000000e+00 : f32
      %broadcast_in_dim3A_240 = vector.shape_cast %eq3A_162 : vector<1000x1xi1> to vector<1000x1xi1>
      %broadcast_in_dim3A_241 = vector.broadcast %broadcast_in_dim3A_240 : vector<1000x1xi1> to vector<1000x128xi1>
      %broadcast_in_dim3A_242 = vector.broadcast %jit3A : f32 to vector<1000x128xf32>
      %select_n3A = arith.select %broadcast_in_dim3A_241, %add3A_236, %broadcast_in_dim3A_242 : vector<1000x128xi1>, vector<1000x128xf32>
      %add3A_243 = arith.addf %get3A_239, %select_n3A : vector<1000x128xf32>
      %swap3A_244 = arith.constant 0 : index
      %swap3A_245 = arith.constant 0 : index
      %swap3A_246 = vector.load %arg7[%swap3A_244, %swap3A_245] : memref<1000x128xf32, #tpu.memory_space<vmem>>, vector<1000x128xf32>
      tpu.vector_store %arg7[%swap3A_244, %swap3A_245], %add3A_243 {strides = array<i32>} : memref<1000x128xf32, #tpu.memory_space<vmem>>, vector<1000x128xf32>,
    } else {
    }
    %eq3A_178 = arith.constant 9 : i32
    %eq3A_179 = vector.broadcast %eq3A_178 : i32 to vector<1000x1xi32>
    %eq3A_180 = arith.cmpi eq, %get3A_14, %eq3A_179 : vector<1000x1xi32>
    %reduce_or3A_181 = arith.constant 1.000000e+00 : f32
    %reduce_or3A_182 = arith.constant 0.000000e+00 : f32
    %reduce_or3A_183 = vector.broadcast %reduce_or3A_181 : f32 to vector<1000x1xf32>
    %reduce_or3A_184 = vector.broadcast %reduce_or3A_182 : f32 to vector<1000x1xf32>
    %reduce_or3A_185 = arith.select %eq3A_180, %reduce_or3A_183, %reduce_or3A_184 : vector<1000x1xi1>, vector<1000x1xf32>
    %reduce_or3A_186 = vector.shape_cast %reduce_or3A_185 : vector<1000x1xf32> to vector<1x1000x1xf32>
    %reduce_or3A_187 = arith.constant dense<0xFF800000> : vector<1xf32>
    %reduce_or3A_188 = vector.multi_reduction <maximumf>, %reduce_or3A_186, %reduce_or3A_187 [1, 2] : vector<1x1000x1xf32> to vector<1xf32>
    %reduce_or3A_189 = vector.shape_cast %reduce_or3A_188 : vector<1xf32> to vector<1x1x1xf32>
    %reduce_or3A_190 = vector.extract %reduce_or3A_189[0, 0, 0] : f32 from vector<1x1x1xf32>
    %reduce_or3A_191 = arith.constant 0.000000e+00 : f32
    %reduce_or3A_192 = arith.cmpf ogt, %reduce_or3A_190, %reduce_or3A_191 : f32
    %convert_element_type3A_193 = arith.extui %reduce_or3A_192 : i1 to i32
    %cond3A_194 = arith.constant 0 : i32
    %cond3A_195 = arith.cmpi ne, %convert_element_type3A_193, %cond3A_194 : i32
    scf.if %cond3A_195 {
      %get3A_214 = arith.constant 9 : index
      %get3A_215 = arith.constant 0 : index
      %get3A_216 = arith.constant 0 : index
      %get3A_217 = vector.load %arg4[%get3A_214, %get3A_215, %get3A_216] : memref<11x128x128xf32, #tpu.memory_space<vmem>>, vector<1x128x128xf32>
      %get3A_218 = vector.shape_cast %get3A_217 : vector<1x128x128xf32> to vector<128x128xf32>
      %convert_element_type3A_219 = arith.truncf %get3A_218 : vector<128x128xf32> to vector<128x128xbf16>
      %dot_general3A = arith.constant dense<0.000000e+00> : vector<1000x128xf32>
      %dot_general3A_220 = tpu.matmul %convert_element_type3A, %convert_element_type3A_219, %dot_general3A {dimension_numbers = #tpu.dot_dimension_numbers<[1], [0], [0], [1], [0, 0, 1, 1], [], []>, transpose_lhs_hint = false} : vector<1000x128xbf16>, vector<128x128xbf16>, vector<1000x128xf32> -> vector<1000x128xf32>
      %get3A_221 = arith.constant 9 : index
      %get3A_222 = arith.constant 0 : index
      %get3A_223 = arith.constant 0 : index
      %get3A_224 = vector.load %arg6[%get3A_221, %get3A_222, %get3A_223] : memref<11x128x128xf32, #tpu.memory_space<vmem>>, vector<1x128x128xf32>
      %get3A_225 = vector.shape_cast %get3A_224 : vector<1x128x128xf32> to vector<128x128xf32>
      %convert_element_type3A_226 = arith.truncf %get3A_225 : vector<128x128xf32> to vector<128x128xbf16>
      %dot_general3A_227 = arith.constant dense<0.000000e+00> : vector<1000x128xf32>
      %dot_general3A_228 = tpu.matmul %convert_element_type3A_15, %convert_element_type3A_226, %dot_general3A_227 {dimension_numbers = #tpu.dot_dimension_numbers<[1], [0], [0], [1], [0, 0, 1, 1], [], []>, transpose_lhs_hint = false} : vector<1000x128xbf16>, vector<128x128xbf16>, vector<1000x128xf32> -> vector<1000x128xf32>
      %add3A_229 = arith.addf %dot_general3A_220, %dot_general3A_228 : vector<1000x128xf32>
      %get3A_230 = arith.constant 9 : index
      %get3A_231 = arith.constant 0 : index
      %get3A_232 = vector.load %arg5[%get3A_230, %get3A_231] : memref<11x128xf32, #tpu.memory_space<vmem>>, vector<1x128xf32>
      %get3A_233 = vector.shape_cast %get3A_232 : vector<1x128xf32> to vector<128xf32>
      %broadcast_in_dim3A_234 = vector.shape_cast %get3A_233 : vector<128xf32> to vector<1x128xf32>
      %add3A_235 = vector.broadcast %broadcast_in_dim3A_234 : vector<1x128xf32> to vector<1000x128xf32>
      %add3A_236 = arith.addf %add3A_229, %add3A_235 : vector<1000x128xf32>
      %get3A_237 = arith.constant 0 : index
      %get3A_238 = arith.constant 0 : index
      %get3A_239 = vector.load %arg7[%get3A_237, %get3A_238] : memref<1000x128xf32, #tpu.memory_space<vmem>>, vector<1000x128xf32>
      %jit3A = arith.constant 0.000000e+00 : f32
      %broadcast_in_dim3A_240 = vector.shape_cast %eq3A_180 : vector<1000x1xi1> to vector<1000x1xi1>
      %broadcast_in_dim3A_241 = vector.broadcast %broadcast_in_dim3A_240 : vector<1000x1xi1> to vector<1000x128xi1>
      %broadcast_in_dim3A_242 = vector.broadcast %jit3A : f32 to vector<1000x128xf32>
      %select_n3A = arith.select %broadcast_in_dim3A_241, %add3A_236, %broadcast_in_dim3A_242 : vector<1000x128xi1>, vector<1000x128xf32>
      %add3A_243 = arith.addf %get3A_239, %select_n3A : vector<1000x128xf32>
      %swap3A_244 = arith.constant 0 : index
      %swap3A_245 = arith.constant 0 : index
      %swap3A_246 = vector.load %arg7[%swap3A_244, %swap3A_245] : memref<1000x128xf32, #tpu.memory_space<vmem>>, vector<1000x128xf32>
      tpu.vector_store %arg7[%swap3A_244, %swap3A_245], %add3A_243 {strides = array<i32>} : memref<1000x128xf32, #tpu.memory_space<vmem>>, vector<1000x128xf32>,
    } else {
    }
    %eq3A_196 = arith.constant 10 : i32
    %eq3A_197 = vector.broadcast %eq3A_196 : i32 to vector<1000x1xi32>
    %eq3A_198 = arith.cmpi eq, %get3A_14, %eq3A_197 : vector<1000x1xi32>
    %reduce_or3A_199 = arith.constant 1.000000e+00 : f32
    %reduce_or3A_200 = arith.constant 0.000000e+00 : f32
    %reduce_or3A_201 = vector.broadcast %reduce_or3A_199 : f32 to vector<1000x1xf32>
    %reduce_or3A_202 = vector.broadcast %reduce_or3A_200 : f32 to vector<1000x1xf32>
    %reduce_or3A_203 = arith.select %eq3A_198, %reduce_or3A_201, %reduce_or3A_202 : vector<1000x1xi1>, vector<1000x1xf32>
    %reduce_or3A_204 = vector.shape_cast %reduce_or3A_203 : vector<1000x1xf32> to vector<1x1000x1xf32>
    %reduce_or3A_205 = arith.constant dense<0xFF800000> : vector<1xf32>
    %reduce_or3A_206 = vector.multi_reduction <maximumf>, %reduce_or3A_204, %reduce_or3A_205 [1, 2] : vector<1x1000x1xf32> to vector<1xf32>
    %reduce_or3A_207 = vector.shape_cast %reduce_or3A_206 : vector<1xf32> to vector<1x1x1xf32>
    %reduce_or3A_208 = vector.extract %reduce_or3A_207[0, 0, 0] : f32 from vector<1x1x1xf32>
    %reduce_or3A_209 = arith.constant 0.000000e+00 : f32
    %reduce_or3A_210 = arith.cmpf ogt, %reduce_or3A_208, %reduce_or3A_209 : f32
    %convert_element_type3A_211 = arith.extui %reduce_or3A_210 : i1 to i32
    %cond3A_212 = arith.constant 0 : i32
    %cond3A_213 = arith.cmpi ne, %convert_element_type3A_211, %cond3A_212 : i32
    scf.if %cond3A_213 {
      %get3A_214 = arith.constant 10 : index
      %get3A_215 = arith.constant 0 : index
      %get3A_216 = arith.constant 0 : index
      %get3A_217 = vector.load %arg4[%get3A_214, %get3A_215, %get3A_216] : memref<11x128x128xf32, #tpu.memory_space<vmem>>, vector<1x128x128xf32>
      %get3A_218 = vector.shape_cast %get3A_217 : vector<1x128x128xf32> to vector<128x128xf32>
      %convert_element_type3A_219 = arith.truncf %get3A_218 : vector<128x128xf32> to vector<128x128xbf16>
      %dot_general3A = arith.constant dense<0.000000e+00> : vector<1000x128xf32>
      %dot_general3A_220 = tpu.matmul %convert_element_type3A, %convert_element_type3A_219, %dot_general3A {dimension_numbers = #tpu.dot_dimension_numbers<[1], [0], [0], [1], [0, 0, 1, 1], [], []>, transpose_lhs_hint = false} : vector<1000x128xbf16>, vector<128x128xbf16>, vector<1000x128xf32> -> vector<1000x128xf32>
      %get3A_221 = arith.constant 10 : index
      %get3A_222 = arith.constant 0 : index
      %get3A_223 = arith.constant 0 : index
      %get3A_224 = vector.load %arg6[%get3A_221, %get3A_222, %get3A_223] : memref<11x128x128xf32, #tpu.memory_space<vmem>>, vector<1x128x128xf32>
      %get3A_225 = vector.shape_cast %get3A_224 : vector<1x128x128xf32> to vector<128x128xf32>
      %convert_element_type3A_226 = arith.truncf %get3A_225 : vector<128x128xf32> to vector<128x128xbf16>
      %dot_general3A_227 = arith.constant dense<0.000000e+00> : vector<1000x128xf32>
      %dot_general3A_228 = tpu.matmul %convert_element_type3A_15, %convert_element_type3A_226, %dot_general3A_227 {dimension_numbers = #tpu.dot_dimension_numbers<[1], [0], [0], [1], [0, 0, 1, 1], [], []>, transpose_lhs_hint = false} : vector<1000x128xbf16>, vector<128x128xbf16>, vector<1000x128xf32> -> vector<1000x128xf32>
      %add3A_229 = arith.addf %dot_general3A_220, %dot_general3A_228 : vector<1000x128xf32>
      %get3A_230 = arith.constant 10 : index
      %get3A_231 = arith.constant 0 : index
      %get3A_232 = vector.load %arg5[%get3A_230, %get3A_231] : memref<11x128xf32, #tpu.memory_space<vmem>>, vector<1x128xf32>
      %get3A_233 = vector.shape_cast %get3A_232 : vector<1x128xf32> to vector<128xf32>
      %broadcast_in_dim3A_234 = vector.shape_cast %get3A_233 : vector<128xf32> to vector<1x128xf32>
      %add3A_235 = vector.broadcast %broadcast_in_dim3A_234 : vector<1x128xf32> to vector<1000x128xf32>
      %add3A_236 = arith.addf %add3A_229, %add3A_235 : vector<1000x128xf32>
      %get3A_237 = arith.constant 0 : index
      %get3A_238 = arith.constant 0 : index
      %get3A_239 = vector.load %arg7[%get3A_237, %get3A_238] : memref<1000x128xf32, #tpu.memory_space<vmem>>, vector<1000x128xf32>
      %jit3A = arith.constant 0.000000e+00 : f32
      %broadcast_in_dim3A_240 = vector.shape_cast %eq3A_198 : vector<1000x1xi1> to vector<1000x1xi1>
      %broadcast_in_dim3A_241 = vector.broadcast %broadcast_in_dim3A_240 : vector<1000x1xi1> to vector<1000x128xi1>
      %broadcast_in_dim3A_242 = vector.broadcast %jit3A : f32 to vector<1000x128xf32>
      %select_n3A = arith.select %broadcast_in_dim3A_241, %add3A_236, %broadcast_in_dim3A_242 : vector<1000x128xi1>, vector<1000x128xf32>
      %add3A_243 = arith.addf %get3A_239, %select_n3A : vector<1000x128xf32>
      %swap3A_244 = arith.constant 0 : index
      %swap3A_245 = arith.constant 0 : index
      %swap3A_246 = vector.load %arg7[%swap3A_244, %swap3A_245] : memref<1000x128xf32, #tpu.memory_space<vmem>>, vector<1000x128xf32>
      tpu.vector_store %arg7[%swap3A_244, %swap3A_245], %add3A_243 {strides = array<i32>} : memref<1000x128xf32, #tpu.memory_space<vmem>>, vector<1000x128xf32>,
    } else {
    }
    return
  }
  func.func @transform_0(%arg0: i32) -> (i32, i32, i32) {
    %c0_i32 = arith.constant 0 : i32
    %c0_i32_0 = arith.constant 0 : i32
    %c0_i32_1 = arith.constant 0 : i32
    return %c0_i32, %arg0, %c0_i32_0 : i32, i32, i32
  }
  func.func @transform_1(%arg0: i32) -> (i32, i32) {
    %c0_i32 = arith.constant 0 : i32
    %c0_i32_0 = arith.constant 0 : i32
    return %arg0, %c0_i32 : i32, i32
  }
  func.func @transform_2(%arg0: i32) -> (i32, i32) {
    %c0_i32 = arith.constant 0 : i32
    %c0_i32_0 = arith.constant 0 : i32
    return %arg0, %c0_i32 : i32, i32
  }
  func.func @transform_3(%arg0: i32) -> (i32, i32, i32) {
    %c0_i32 = arith.constant 0 : i32
    %c0_i32_0 = arith.constant 0 : i32
    %c0_i32_1 = arith.constant 0 : i32
    %c0_i32_2 = arith.constant 0 : i32
    return %c0_i32, %c0_i32_0, %c0_i32_1 : i32, i32, i32
  }
  func.func @transform_4(%arg0: i32) -> (i32, i32) {
    %c0_i32 = arith.constant 0 : i32
    %c0_i32_0 = arith.constant 0 : i32
    %c0_i32_1 = arith.constant 0 : i32
    return %c0_i32, %c0_i32_0 : i32, i32
  }
  func.func @transform_5(%arg0: i32) -> (i32, i32, i32) {
    %c0_i32 = arith.constant 0 : i32
    %c0_i32_0 = arith.constant 0 : i32
    %c0_i32_1 = arith.constant 0 : i32
    %c0_i32_2 = arith.constant 0 : i32
    return %c0_i32, %c0_i32_0, %c0_i32_1 : i32, i32, i32
  }
  func.func @transform_6(%arg0: i32) -> (i32, i32) {
    %c0_i32 = arith.constant 0 : i32
    %c0_i32_0 = arith.constant 0 : i32
    return %arg0, %c0_i32 : i32, i32
  }
}

module attributes {stable_mosaic.version = 14 : i64} {
  func.func @_combine3_body(%arg0: i32, %arg1: memref<2x1000x128xf32, #tpu.memory_space<vmem>>, %arg2: memref<1000x128xf32, #tpu.memory_space<vmem>>, %arg3: memref<1000x1xi32, #tpu.memory_space<vmem>>, %arg4: memref<1000x1xi32, #tpu.memory_space<vmem>>, %arg5: memref<11x128x128xf32, #tpu.memory_space<vmem>>, %arg6: memref<11x128xf32, #tpu.memory_space<vmem>>, %arg7: memref<11x128x128xf32, #tpu.memory_space<vmem>>, %arg8: memref<1000x128xf32, #tpu.memory_space<vmem>>, %arg9: memref<256x128xf32, #tpu.memory_space<vmem>>) attributes {dimension_semantics = [#tpu.dimension_semantics<arbitrary>], iteration_bounds = array<i64: 10>, scalar_prefetch = 0 : i64, scratch_operands = 0 : i64, tpu.core_type = #tpu.core_type<tc>, window_params = [{transform_indices = @transform_0, window_bounds = array<i64: 2, 1000, 128>}, {transform_indices = @transform_1, window_bounds = array<i64: 1000, 128>}, {transform_indices = @transform_2, window_bounds = array<i64: 1000, 1>}, {transform_indices = @transform_3, window_bounds = array<i64: 1000, 1>}, {pipeline_mode = #tpu.pipeline_mode<synchronous>, transform_indices = @transform_4, window_bounds = array<i64: 11, 128, 128>}, {pipeline_mode = #tpu.pipeline_mode<synchronous>, transform_indices = @transform_5, window_bounds = array<i64: 11, 128>}, {pipeline_mode = #tpu.pipeline_mode<synchronous>, transform_indices = @transform_6, window_bounds = array<i64: 11, 128, 128>}, {transform_indices = @transform_7, window_bounds = array<i64: 1000, 128>}, {pipeline_mode = #tpu.pipeline_mode<synchronous>, transform_indices = @transform_8, window_bounds = array<i64: 256, 128>}]} {
    %get3A = arith.constant 0 : index
    %get3A_0 = arith.constant 0 : index
    %get3A_1 = arith.constant 0 : index
    %get3A_2 = vector.load %arg1[%get3A, %get3A_0, %get3A_1] : memref<2x1000x128xf32, #tpu.memory_space<vmem>>, vector<1x1000x128xf32>
    %get3A_3 = vector.shape_cast %get3A_2 : vector<1x1000x128xf32> to vector<1000x128xf32>
    %get3A_4 = arith.constant 1 : index
    %get3A_5 = arith.constant 0 : index
    %get3A_6 = arith.constant 0 : index
    %get3A_7 = vector.load %arg1[%get3A_4, %get3A_5, %get3A_6] : memref<2x1000x128xf32, #tpu.memory_space<vmem>>, vector<1x1000x128xf32>
    %get3A_8 = vector.shape_cast %get3A_7 : vector<1x1000x128xf32> to vector<1000x128xf32>
    %add3A = arith.addf %get3A_3, %get3A_8 : vector<1000x128xf32>
    %get3A_9 = arith.constant 0 : index
    %get3A_10 = arith.constant 0 : index
    %get3A_11 = vector.load %arg2[%get3A_9, %get3A_10] : memref<1000x128xf32, #tpu.memory_space<vmem>>, vector<1000x128xf32>
    %get3A_12 = arith.constant 0 : index
    %get3A_13 = arith.constant 0 : index
    %get3A_14 = vector.load %arg3[%get3A_12, %get3A_13] : memref<1000x1xi32, #tpu.memory_space<vmem>>, vector<1000x1xi32>
    %convert_element_type3A = arith.truncf %add3A : vector<1000x128xf32> to vector<1000x128xbf16>
    %convert_element_type3A_15 = arith.truncf %get3A_11 : vector<1000x128xf32> to vector<1000x128xbf16>
    %broadcast_in_dim3A = arith.constant 0.000000e+00 : f32
    %broadcast_in_dim3A_16 = vector.broadcast %broadcast_in_dim3A : f32 to vector<1000x128xf32>
    %swap3A = arith.constant 0 : index
    %swap3A_17 = arith.constant 0 : index
    %swap3A_18 = vector.load %arg8[%swap3A, %swap3A_17] : memref<1000x128xf32, #tpu.memory_space<vmem>>, vector<1000x128xf32>
    tpu.vector_store %arg8[%swap3A, %swap3A_17], %broadcast_in_dim3A_16 {strides = array<i32>} : memref<1000x128xf32, #tpu.memory_space<vmem>>, vector<1000x128xf32>,
    %eq3A = arith.constant 0 : i32
    %eq3A_19 = vector.broadcast %eq3A : i32 to vector<1000x1xi32>
    %eq3A_20 = arith.cmpi eq, %get3A_14, %eq3A_19 : vector<1000x1xi32>
    %reduce_or3A = arith.constant 1.000000e+00 : f32
    %reduce_or3A_21 = arith.constant 0.000000e+00 : f32
    %reduce_or3A_22 = vector.broadcast %reduce_or3A : f32 to vector<1000x1xf32>
    %reduce_or3A_23 = vector.broadcast %reduce_or3A_21 : f32 to vector<1000x1xf32>
    %reduce_or3A_24 = arith.select %eq3A_20, %reduce_or3A_22, %reduce_or3A_23 : vector<1000x1xi1>, vector<1000x1xf32>
    %reduce_or3A_25 = vector.shape_cast %reduce_or3A_24 : vector<1000x1xf32> to vector<1x1000x1xf32>
    %reduce_or3A_26 = arith.constant dense<0xFF800000> : vector<1xf32>
    %reduce_or3A_27 = vector.multi_reduction <maximumf>, %reduce_or3A_25, %reduce_or3A_26 [1, 2] : vector<1x1000x1xf32> to vector<1xf32>
    %reduce_or3A_28 = vector.shape_cast %reduce_or3A_27 : vector<1xf32> to vector<1x1x1xf32>
    %reduce_or3A_29 = vector.extract %reduce_or3A_28[0, 0, 0] : f32 from vector<1x1x1xf32>
    %reduce_or3A_30 = arith.constant 0.000000e+00 : f32
    %reduce_or3A_31 = arith.cmpf ogt, %reduce_or3A_29, %reduce_or3A_30 : f32
    %convert_element_type3A_32 = arith.extui %reduce_or3A_31 : i1 to i32
    %cond3A = arith.constant 0 : i32
    %cond3A_33 = arith.cmpi ne, %convert_element_type3A_32, %cond3A : i32
    scf.if %cond3A_33 {
      %get3A_237 = arith.constant 0 : index
      %get3A_238 = arith.constant 0 : index
      %get3A_239 = arith.constant 0 : index
      %get3A_240 = vector.load %arg5[%get3A_237, %get3A_238, %get3A_239] : memref<11x128x128xf32, #tpu.memory_space<vmem>>, vector<1x128x128xf32>
      %get3A_241 = vector.shape_cast %get3A_240 : vector<1x128x128xf32> to vector<128x128xf32>
      %convert_element_type3A_242 = arith.truncf %get3A_241 : vector<128x128xf32> to vector<128x128xbf16>
      %dot_general3A_243 = arith.constant dense<0.000000e+00> : vector<1000x128xf32>
      %dot_general3A_244 = tpu.matmul %convert_element_type3A, %convert_element_type3A_242, %dot_general3A_243 {dimension_numbers = #tpu.dot_dimension_numbers<[1], [0], [0], [1], [0, 0, 1, 1], [], []>, transpose_lhs_hint = false} : vector<1000x128xbf16>, vector<128x128xbf16>, vector<1000x128xf32> -> vector<1000x128xf32>
      %get3A_245 = arith.constant 0 : index
      %get3A_246 = arith.constant 0 : index
      %get3A_247 = arith.constant 0 : index
      %get3A_248 = vector.load %arg7[%get3A_245, %get3A_246, %get3A_247] : memref<11x128x128xf32, #tpu.memory_space<vmem>>, vector<1x128x128xf32>
      %get3A_249 = vector.shape_cast %get3A_248 : vector<1x128x128xf32> to vector<128x128xf32>
      %convert_element_type3A_250 = arith.truncf %get3A_249 : vector<128x128xf32> to vector<128x128xbf16>
      %dot_general3A_251 = arith.constant dense<0.000000e+00> : vector<1000x128xf32>
      %dot_general3A_252 = tpu.matmul %convert_element_type3A_15, %convert_element_type3A_250, %dot_general3A_251 {dimension_numbers = #tpu.dot_dimension_numbers<[1], [0], [0], [1], [0, 0, 1, 1], [], []>, transpose_lhs_hint = false} : vector<1000x128xbf16>, vector<128x128xbf16>, vector<1000x128xf32> -> vector<1000x128xf32>
      %add3A_253 = arith.addf %dot_general3A_244, %dot_general3A_252 : vector<1000x128xf32>
      %get3A_254 = arith.constant 0 : index
      %get3A_255 = arith.constant 0 : index
      %get3A_256 = vector.load %arg6[%get3A_254, %get3A_255] : memref<11x128xf32, #tpu.memory_space<vmem>>, vector<1x128xf32>
      %get3A_257 = vector.shape_cast %get3A_256 : vector<1x128xf32> to vector<128xf32>
      %broadcast_in_dim3A_258 = vector.shape_cast %get3A_257 : vector<128xf32> to vector<1x128xf32>
      %add3A_259 = vector.broadcast %broadcast_in_dim3A_258 : vector<1x128xf32> to vector<1000x128xf32>
      %add3A_260 = arith.addf %add3A_253, %add3A_259 : vector<1000x128xf32>
      %get3A_261 = arith.constant 0 : index
      %get3A_262 = arith.constant 0 : index
      %get3A_263 = vector.load %arg8[%get3A_261, %get3A_262] : memref<1000x128xf32, #tpu.memory_space<vmem>>, vector<1000x128xf32>
      %jit3A = arith.constant 0.000000e+00 : f32
      %broadcast_in_dim3A_264 = vector.shape_cast %eq3A_20 : vector<1000x1xi1> to vector<1000x1xi1>
      %broadcast_in_dim3A_265 = vector.broadcast %broadcast_in_dim3A_264 : vector<1000x1xi1> to vector<1000x128xi1>
      %broadcast_in_dim3A_266 = vector.broadcast %jit3A : f32 to vector<1000x128xf32>
      %select_n3A = arith.select %broadcast_in_dim3A_265, %add3A_260, %broadcast_in_dim3A_266 : vector<1000x128xi1>, vector<1000x128xf32>
      %add3A_267 = arith.addf %get3A_263, %select_n3A : vector<1000x128xf32>
      %swap3A_268 = arith.constant 0 : index
      %swap3A_269 = arith.constant 0 : index
      %swap3A_270 = vector.load %arg8[%swap3A_268, %swap3A_269] : memref<1000x128xf32, #tpu.memory_space<vmem>>, vector<1000x128xf32>
      tpu.vector_store %arg8[%swap3A_268, %swap3A_269], %add3A_267 {strides = array<i32>} : memref<1000x128xf32, #tpu.memory_space<vmem>>, vector<1000x128xf32>,
    } else {
    }
    %eq3A_34 = arith.constant 1 : i32
    %eq3A_35 = vector.broadcast %eq3A_34 : i32 to vector<1000x1xi32>
    %eq3A_36 = arith.cmpi eq, %get3A_14, %eq3A_35 : vector<1000x1xi32>
    %reduce_or3A_37 = arith.constant 1.000000e+00 : f32
    %reduce_or3A_38 = arith.constant 0.000000e+00 : f32
    %reduce_or3A_39 = vector.broadcast %reduce_or3A_37 : f32 to vector<1000x1xf32>
    %reduce_or3A_40 = vector.broadcast %reduce_or3A_38 : f32 to vector<1000x1xf32>
    %reduce_or3A_41 = arith.select %eq3A_36, %reduce_or3A_39, %reduce_or3A_40 : vector<1000x1xi1>, vector<1000x1xf32>
    %reduce_or3A_42 = vector.shape_cast %reduce_or3A_41 : vector<1000x1xf32> to vector<1x1000x1xf32>
    %reduce_or3A_43 = arith.constant dense<0xFF800000> : vector<1xf32>
    %reduce_or3A_44 = vector.multi_reduction <maximumf>, %reduce_or3A_42, %reduce_or3A_43 [1, 2] : vector<1x1000x1xf32> to vector<1xf32>
    %reduce_or3A_45 = vector.shape_cast %reduce_or3A_44 : vector<1xf32> to vector<1x1x1xf32>
    %reduce_or3A_46 = vector.extract %reduce_or3A_45[0, 0, 0] : f32 from vector<1x1x1xf32>
    %reduce_or3A_47 = arith.constant 0.000000e+00 : f32
    %reduce_or3A_48 = arith.cmpf ogt, %reduce_or3A_46, %reduce_or3A_47 : f32
    %convert_element_type3A_49 = arith.extui %reduce_or3A_48 : i1 to i32
    %cond3A_50 = arith.constant 0 : i32
    %cond3A_51 = arith.cmpi ne, %convert_element_type3A_49, %cond3A_50 : i32
    scf.if %cond3A_51 {
      %get3A_237 = arith.constant 1 : index
      %get3A_238 = arith.constant 0 : index
      %get3A_239 = arith.constant 0 : index
      %get3A_240 = vector.load %arg5[%get3A_237, %get3A_238, %get3A_239] : memref<11x128x128xf32, #tpu.memory_space<vmem>>, vector<1x128x128xf32>
      %get3A_241 = vector.shape_cast %get3A_240 : vector<1x128x128xf32> to vector<128x128xf32>
      %convert_element_type3A_242 = arith.truncf %get3A_241 : vector<128x128xf32> to vector<128x128xbf16>
      %dot_general3A_243 = arith.constant dense<0.000000e+00> : vector<1000x128xf32>
      %dot_general3A_244 = tpu.matmul %convert_element_type3A, %convert_element_type3A_242, %dot_general3A_243 {dimension_numbers = #tpu.dot_dimension_numbers<[1], [0], [0], [1], [0, 0, 1, 1], [], []>, transpose_lhs_hint = false} : vector<1000x128xbf16>, vector<128x128xbf16>, vector<1000x128xf32> -> vector<1000x128xf32>
      %get3A_245 = arith.constant 1 : index
      %get3A_246 = arith.constant 0 : index
      %get3A_247 = arith.constant 0 : index
      %get3A_248 = vector.load %arg7[%get3A_245, %get3A_246, %get3A_247] : memref<11x128x128xf32, #tpu.memory_space<vmem>>, vector<1x128x128xf32>
      %get3A_249 = vector.shape_cast %get3A_248 : vector<1x128x128xf32> to vector<128x128xf32>
      %convert_element_type3A_250 = arith.truncf %get3A_249 : vector<128x128xf32> to vector<128x128xbf16>
      %dot_general3A_251 = arith.constant dense<0.000000e+00> : vector<1000x128xf32>
      %dot_general3A_252 = tpu.matmul %convert_element_type3A_15, %convert_element_type3A_250, %dot_general3A_251 {dimension_numbers = #tpu.dot_dimension_numbers<[1], [0], [0], [1], [0, 0, 1, 1], [], []>, transpose_lhs_hint = false} : vector<1000x128xbf16>, vector<128x128xbf16>, vector<1000x128xf32> -> vector<1000x128xf32>
      %add3A_253 = arith.addf %dot_general3A_244, %dot_general3A_252 : vector<1000x128xf32>
      %get3A_254 = arith.constant 1 : index
      %get3A_255 = arith.constant 0 : index
      %get3A_256 = vector.load %arg6[%get3A_254, %get3A_255] : memref<11x128xf32, #tpu.memory_space<vmem>>, vector<1x128xf32>
      %get3A_257 = vector.shape_cast %get3A_256 : vector<1x128xf32> to vector<128xf32>
      %broadcast_in_dim3A_258 = vector.shape_cast %get3A_257 : vector<128xf32> to vector<1x128xf32>
      %add3A_259 = vector.broadcast %broadcast_in_dim3A_258 : vector<1x128xf32> to vector<1000x128xf32>
      %add3A_260 = arith.addf %add3A_253, %add3A_259 : vector<1000x128xf32>
      %get3A_261 = arith.constant 0 : index
      %get3A_262 = arith.constant 0 : index
      %get3A_263 = vector.load %arg8[%get3A_261, %get3A_262] : memref<1000x128xf32, #tpu.memory_space<vmem>>, vector<1000x128xf32>
      %jit3A = arith.constant 0.000000e+00 : f32
      %broadcast_in_dim3A_264 = vector.shape_cast %eq3A_36 : vector<1000x1xi1> to vector<1000x1xi1>
      %broadcast_in_dim3A_265 = vector.broadcast %broadcast_in_dim3A_264 : vector<1000x1xi1> to vector<1000x128xi1>
      %broadcast_in_dim3A_266 = vector.broadcast %jit3A : f32 to vector<1000x128xf32>
      %select_n3A = arith.select %broadcast_in_dim3A_265, %add3A_260, %broadcast_in_dim3A_266 : vector<1000x128xi1>, vector<1000x128xf32>
      %add3A_267 = arith.addf %get3A_263, %select_n3A : vector<1000x128xf32>
      %swap3A_268 = arith.constant 0 : index
      %swap3A_269 = arith.constant 0 : index
      %swap3A_270 = vector.load %arg8[%swap3A_268, %swap3A_269] : memref<1000x128xf32, #tpu.memory_space<vmem>>, vector<1000x128xf32>
      tpu.vector_store %arg8[%swap3A_268, %swap3A_269], %add3A_267 {strides = array<i32>} : memref<1000x128xf32, #tpu.memory_space<vmem>>, vector<1000x128xf32>,
    } else {
    }
    %eq3A_52 = arith.constant 2 : i32
    %eq3A_53 = vector.broadcast %eq3A_52 : i32 to vector<1000x1xi32>
    %eq3A_54 = arith.cmpi eq, %get3A_14, %eq3A_53 : vector<1000x1xi32>
    %reduce_or3A_55 = arith.constant 1.000000e+00 : f32
    %reduce_or3A_56 = arith.constant 0.000000e+00 : f32
    %reduce_or3A_57 = vector.broadcast %reduce_or3A_55 : f32 to vector<1000x1xf32>
    %reduce_or3A_58 = vector.broadcast %reduce_or3A_56 : f32 to vector<1000x1xf32>
    %reduce_or3A_59 = arith.select %eq3A_54, %reduce_or3A_57, %reduce_or3A_58 : vector<1000x1xi1>, vector<1000x1xf32>
    %reduce_or3A_60 = vector.shape_cast %reduce_or3A_59 : vector<1000x1xf32> to vector<1x1000x1xf32>
    %reduce_or3A_61 = arith.constant dense<0xFF800000> : vector<1xf32>
    %reduce_or3A_62 = vector.multi_reduction <maximumf>, %reduce_or3A_60, %reduce_or3A_61 [1, 2] : vector<1x1000x1xf32> to vector<1xf32>
    %reduce_or3A_63 = vector.shape_cast %reduce_or3A_62 : vector<1xf32> to vector<1x1x1xf32>
    %reduce_or3A_64 = vector.extract %reduce_or3A_63[0, 0, 0] : f32 from vector<1x1x1xf32>
    %reduce_or3A_65 = arith.constant 0.000000e+00 : f32
    %reduce_or3A_66 = arith.cmpf ogt, %reduce_or3A_64, %reduce_or3A_65 : f32
    %convert_element_type3A_67 = arith.extui %reduce_or3A_66 : i1 to i32
    %cond3A_68 = arith.constant 0 : i32
    %cond3A_69 = arith.cmpi ne, %convert_element_type3A_67, %cond3A_68 : i32
    scf.if %cond3A_69 {
      %get3A_237 = arith.constant 2 : index
      %get3A_238 = arith.constant 0 : index
      %get3A_239 = arith.constant 0 : index
      %get3A_240 = vector.load %arg5[%get3A_237, %get3A_238, %get3A_239] : memref<11x128x128xf32, #tpu.memory_space<vmem>>, vector<1x128x128xf32>
      %get3A_241 = vector.shape_cast %get3A_240 : vector<1x128x128xf32> to vector<128x128xf32>
      %convert_element_type3A_242 = arith.truncf %get3A_241 : vector<128x128xf32> to vector<128x128xbf16>
      %dot_general3A_243 = arith.constant dense<0.000000e+00> : vector<1000x128xf32>
      %dot_general3A_244 = tpu.matmul %convert_element_type3A, %convert_element_type3A_242, %dot_general3A_243 {dimension_numbers = #tpu.dot_dimension_numbers<[1], [0], [0], [1], [0, 0, 1, 1], [], []>, transpose_lhs_hint = false} : vector<1000x128xbf16>, vector<128x128xbf16>, vector<1000x128xf32> -> vector<1000x128xf32>
      %get3A_245 = arith.constant 2 : index
      %get3A_246 = arith.constant 0 : index
      %get3A_247 = arith.constant 0 : index
      %get3A_248 = vector.load %arg7[%get3A_245, %get3A_246, %get3A_247] : memref<11x128x128xf32, #tpu.memory_space<vmem>>, vector<1x128x128xf32>
      %get3A_249 = vector.shape_cast %get3A_248 : vector<1x128x128xf32> to vector<128x128xf32>
      %convert_element_type3A_250 = arith.truncf %get3A_249 : vector<128x128xf32> to vector<128x128xbf16>
      %dot_general3A_251 = arith.constant dense<0.000000e+00> : vector<1000x128xf32>
      %dot_general3A_252 = tpu.matmul %convert_element_type3A_15, %convert_element_type3A_250, %dot_general3A_251 {dimension_numbers = #tpu.dot_dimension_numbers<[1], [0], [0], [1], [0, 0, 1, 1], [], []>, transpose_lhs_hint = false} : vector<1000x128xbf16>, vector<128x128xbf16>, vector<1000x128xf32> -> vector<1000x128xf32>
      %add3A_253 = arith.addf %dot_general3A_244, %dot_general3A_252 : vector<1000x128xf32>
      %get3A_254 = arith.constant 2 : index
      %get3A_255 = arith.constant 0 : index
      %get3A_256 = vector.load %arg6[%get3A_254, %get3A_255] : memref<11x128xf32, #tpu.memory_space<vmem>>, vector<1x128xf32>
      %get3A_257 = vector.shape_cast %get3A_256 : vector<1x128xf32> to vector<128xf32>
      %broadcast_in_dim3A_258 = vector.shape_cast %get3A_257 : vector<128xf32> to vector<1x128xf32>
      %add3A_259 = vector.broadcast %broadcast_in_dim3A_258 : vector<1x128xf32> to vector<1000x128xf32>
      %add3A_260 = arith.addf %add3A_253, %add3A_259 : vector<1000x128xf32>
      %get3A_261 = arith.constant 0 : index
      %get3A_262 = arith.constant 0 : index
      %get3A_263 = vector.load %arg8[%get3A_261, %get3A_262] : memref<1000x128xf32, #tpu.memory_space<vmem>>, vector<1000x128xf32>
      %jit3A = arith.constant 0.000000e+00 : f32
      %broadcast_in_dim3A_264 = vector.shape_cast %eq3A_54 : vector<1000x1xi1> to vector<1000x1xi1>
      %broadcast_in_dim3A_265 = vector.broadcast %broadcast_in_dim3A_264 : vector<1000x1xi1> to vector<1000x128xi1>
      %broadcast_in_dim3A_266 = vector.broadcast %jit3A : f32 to vector<1000x128xf32>
      %select_n3A = arith.select %broadcast_in_dim3A_265, %add3A_260, %broadcast_in_dim3A_266 : vector<1000x128xi1>, vector<1000x128xf32>
      %add3A_267 = arith.addf %get3A_263, %select_n3A : vector<1000x128xf32>
      %swap3A_268 = arith.constant 0 : index
      %swap3A_269 = arith.constant 0 : index
      %swap3A_270 = vector.load %arg8[%swap3A_268, %swap3A_269] : memref<1000x128xf32, #tpu.memory_space<vmem>>, vector<1000x128xf32>
      tpu.vector_store %arg8[%swap3A_268, %swap3A_269], %add3A_267 {strides = array<i32>} : memref<1000x128xf32, #tpu.memory_space<vmem>>, vector<1000x128xf32>,
    } else {
    }
    %eq3A_70 = arith.constant 3 : i32
    %eq3A_71 = vector.broadcast %eq3A_70 : i32 to vector<1000x1xi32>
    %eq3A_72 = arith.cmpi eq, %get3A_14, %eq3A_71 : vector<1000x1xi32>
    %reduce_or3A_73 = arith.constant 1.000000e+00 : f32
    %reduce_or3A_74 = arith.constant 0.000000e+00 : f32
    %reduce_or3A_75 = vector.broadcast %reduce_or3A_73 : f32 to vector<1000x1xf32>
    %reduce_or3A_76 = vector.broadcast %reduce_or3A_74 : f32 to vector<1000x1xf32>
    %reduce_or3A_77 = arith.select %eq3A_72, %reduce_or3A_75, %reduce_or3A_76 : vector<1000x1xi1>, vector<1000x1xf32>
    %reduce_or3A_78 = vector.shape_cast %reduce_or3A_77 : vector<1000x1xf32> to vector<1x1000x1xf32>
    %reduce_or3A_79 = arith.constant dense<0xFF800000> : vector<1xf32>
    %reduce_or3A_80 = vector.multi_reduction <maximumf>, %reduce_or3A_78, %reduce_or3A_79 [1, 2] : vector<1x1000x1xf32> to vector<1xf32>
    %reduce_or3A_81 = vector.shape_cast %reduce_or3A_80 : vector<1xf32> to vector<1x1x1xf32>
    %reduce_or3A_82 = vector.extract %reduce_or3A_81[0, 0, 0] : f32 from vector<1x1x1xf32>
    %reduce_or3A_83 = arith.constant 0.000000e+00 : f32
    %reduce_or3A_84 = arith.cmpf ogt, %reduce_or3A_82, %reduce_or3A_83 : f32
    %convert_element_type3A_85 = arith.extui %reduce_or3A_84 : i1 to i32
    %cond3A_86 = arith.constant 0 : i32
    %cond3A_87 = arith.cmpi ne, %convert_element_type3A_85, %cond3A_86 : i32
    scf.if %cond3A_87 {
      %get3A_237 = arith.constant 3 : index
      %get3A_238 = arith.constant 0 : index
      %get3A_239 = arith.constant 0 : index
      %get3A_240 = vector.load %arg5[%get3A_237, %get3A_238, %get3A_239] : memref<11x128x128xf32, #tpu.memory_space<vmem>>, vector<1x128x128xf32>
      %get3A_241 = vector.shape_cast %get3A_240 : vector<1x128x128xf32> to vector<128x128xf32>
      %convert_element_type3A_242 = arith.truncf %get3A_241 : vector<128x128xf32> to vector<128x128xbf16>
      %dot_general3A_243 = arith.constant dense<0.000000e+00> : vector<1000x128xf32>
      %dot_general3A_244 = tpu.matmul %convert_element_type3A, %convert_element_type3A_242, %dot_general3A_243 {dimension_numbers = #tpu.dot_dimension_numbers<[1], [0], [0], [1], [0, 0, 1, 1], [], []>, transpose_lhs_hint = false} : vector<1000x128xbf16>, vector<128x128xbf16>, vector<1000x128xf32> -> vector<1000x128xf32>
      %get3A_245 = arith.constant 3 : index
      %get3A_246 = arith.constant 0 : index
      %get3A_247 = arith.constant 0 : index
      %get3A_248 = vector.load %arg7[%get3A_245, %get3A_246, %get3A_247] : memref<11x128x128xf32, #tpu.memory_space<vmem>>, vector<1x128x128xf32>
      %get3A_249 = vector.shape_cast %get3A_248 : vector<1x128x128xf32> to vector<128x128xf32>
      %convert_element_type3A_250 = arith.truncf %get3A_249 : vector<128x128xf32> to vector<128x128xbf16>
      %dot_general3A_251 = arith.constant dense<0.000000e+00> : vector<1000x128xf32>
      %dot_general3A_252 = tpu.matmul %convert_element_type3A_15, %convert_element_type3A_250, %dot_general3A_251 {dimension_numbers = #tpu.dot_dimension_numbers<[1], [0], [0], [1], [0, 0, 1, 1], [], []>, transpose_lhs_hint = false} : vector<1000x128xbf16>, vector<128x128xbf16>, vector<1000x128xf32> -> vector<1000x128xf32>
      %add3A_253 = arith.addf %dot_general3A_244, %dot_general3A_252 : vector<1000x128xf32>
      %get3A_254 = arith.constant 3 : index
      %get3A_255 = arith.constant 0 : index
      %get3A_256 = vector.load %arg6[%get3A_254, %get3A_255] : memref<11x128xf32, #tpu.memory_space<vmem>>, vector<1x128xf32>
      %get3A_257 = vector.shape_cast %get3A_256 : vector<1x128xf32> to vector<128xf32>
      %broadcast_in_dim3A_258 = vector.shape_cast %get3A_257 : vector<128xf32> to vector<1x128xf32>
      %add3A_259 = vector.broadcast %broadcast_in_dim3A_258 : vector<1x128xf32> to vector<1000x128xf32>
      %add3A_260 = arith.addf %add3A_253, %add3A_259 : vector<1000x128xf32>
      %get3A_261 = arith.constant 0 : index
      %get3A_262 = arith.constant 0 : index
      %get3A_263 = vector.load %arg8[%get3A_261, %get3A_262] : memref<1000x128xf32, #tpu.memory_space<vmem>>, vector<1000x128xf32>
      %jit3A = arith.constant 0.000000e+00 : f32
      %broadcast_in_dim3A_264 = vector.shape_cast %eq3A_72 : vector<1000x1xi1> to vector<1000x1xi1>
      %broadcast_in_dim3A_265 = vector.broadcast %broadcast_in_dim3A_264 : vector<1000x1xi1> to vector<1000x128xi1>
      %broadcast_in_dim3A_266 = vector.broadcast %jit3A : f32 to vector<1000x128xf32>
      %select_n3A = arith.select %broadcast_in_dim3A_265, %add3A_260, %broadcast_in_dim3A_266 : vector<1000x128xi1>, vector<1000x128xf32>
      %add3A_267 = arith.addf %get3A_263, %select_n3A : vector<1000x128xf32>
      %swap3A_268 = arith.constant 0 : index
      %swap3A_269 = arith.constant 0 : index
      %swap3A_270 = vector.load %arg8[%swap3A_268, %swap3A_269] : memref<1000x128xf32, #tpu.memory_space<vmem>>, vector<1000x128xf32>
      tpu.vector_store %arg8[%swap3A_268, %swap3A_269], %add3A_267 {strides = array<i32>} : memref<1000x128xf32, #tpu.memory_space<vmem>>, vector<1000x128xf32>,
    } else {
    }
    %eq3A_88 = arith.constant 4 : i32
    %eq3A_89 = vector.broadcast %eq3A_88 : i32 to vector<1000x1xi32>
    %eq3A_90 = arith.cmpi eq, %get3A_14, %eq3A_89 : vector<1000x1xi32>
    %reduce_or3A_91 = arith.constant 1.000000e+00 : f32
    %reduce_or3A_92 = arith.constant 0.000000e+00 : f32
    %reduce_or3A_93 = vector.broadcast %reduce_or3A_91 : f32 to vector<1000x1xf32>
    %reduce_or3A_94 = vector.broadcast %reduce_or3A_92 : f32 to vector<1000x1xf32>
    %reduce_or3A_95 = arith.select %eq3A_90, %reduce_or3A_93, %reduce_or3A_94 : vector<1000x1xi1>, vector<1000x1xf32>
    %reduce_or3A_96 = vector.shape_cast %reduce_or3A_95 : vector<1000x1xf32> to vector<1x1000x1xf32>
    %reduce_or3A_97 = arith.constant dense<0xFF800000> : vector<1xf32>
    %reduce_or3A_98 = vector.multi_reduction <maximumf>, %reduce_or3A_96, %reduce_or3A_97 [1, 2] : vector<1x1000x1xf32> to vector<1xf32>
    %reduce_or3A_99 = vector.shape_cast %reduce_or3A_98 : vector<1xf32> to vector<1x1x1xf32>
    %reduce_or3A_100 = vector.extract %reduce_or3A_99[0, 0, 0] : f32 from vector<1x1x1xf32>
    %reduce_or3A_101 = arith.constant 0.000000e+00 : f32
    %reduce_or3A_102 = arith.cmpf ogt, %reduce_or3A_100, %reduce_or3A_101 : f32
    %convert_element_type3A_103 = arith.extui %reduce_or3A_102 : i1 to i32
    %cond3A_104 = arith.constant 0 : i32
    %cond3A_105 = arith.cmpi ne, %convert_element_type3A_103, %cond3A_104 : i32
    scf.if %cond3A_105 {
      %get3A_237 = arith.constant 4 : index
      %get3A_238 = arith.constant 0 : index
      %get3A_239 = arith.constant 0 : index
      %get3A_240 = vector.load %arg5[%get3A_237, %get3A_238, %get3A_239] : memref<11x128x128xf32, #tpu.memory_space<vmem>>, vector<1x128x128xf32>
      %get3A_241 = vector.shape_cast %get3A_240 : vector<1x128x128xf32> to vector<128x128xf32>
      %convert_element_type3A_242 = arith.truncf %get3A_241 : vector<128x128xf32> to vector<128x128xbf16>
      %dot_general3A_243 = arith.constant dense<0.000000e+00> : vector<1000x128xf32>
      %dot_general3A_244 = tpu.matmul %convert_element_type3A, %convert_element_type3A_242, %dot_general3A_243 {dimension_numbers = #tpu.dot_dimension_numbers<[1], [0], [0], [1], [0, 0, 1, 1], [], []>, transpose_lhs_hint = false} : vector<1000x128xbf16>, vector<128x128xbf16>, vector<1000x128xf32> -> vector<1000x128xf32>
      %get3A_245 = arith.constant 4 : index
      %get3A_246 = arith.constant 0 : index
      %get3A_247 = arith.constant 0 : index
      %get3A_248 = vector.load %arg7[%get3A_245, %get3A_246, %get3A_247] : memref<11x128x128xf32, #tpu.memory_space<vmem>>, vector<1x128x128xf32>
      %get3A_249 = vector.shape_cast %get3A_248 : vector<1x128x128xf32> to vector<128x128xf32>
      %convert_element_type3A_250 = arith.truncf %get3A_249 : vector<128x128xf32> to vector<128x128xbf16>
      %dot_general3A_251 = arith.constant dense<0.000000e+00> : vector<1000x128xf32>
      %dot_general3A_252 = tpu.matmul %convert_element_type3A_15, %convert_element_type3A_250, %dot_general3A_251 {dimension_numbers = #tpu.dot_dimension_numbers<[1], [0], [0], [1], [0, 0, 1, 1], [], []>, transpose_lhs_hint = false} : vector<1000x128xbf16>, vector<128x128xbf16>, vector<1000x128xf32> -> vector<1000x128xf32>
      %add3A_253 = arith.addf %dot_general3A_244, %dot_general3A_252 : vector<1000x128xf32>
      %get3A_254 = arith.constant 4 : index
      %get3A_255 = arith.constant 0 : index
      %get3A_256 = vector.load %arg6[%get3A_254, %get3A_255] : memref<11x128xf32, #tpu.memory_space<vmem>>, vector<1x128xf32>
      %get3A_257 = vector.shape_cast %get3A_256 : vector<1x128xf32> to vector<128xf32>
      %broadcast_in_dim3A_258 = vector.shape_cast %get3A_257 : vector<128xf32> to vector<1x128xf32>
      %add3A_259 = vector.broadcast %broadcast_in_dim3A_258 : vector<1x128xf32> to vector<1000x128xf32>
      %add3A_260 = arith.addf %add3A_253, %add3A_259 : vector<1000x128xf32>
      %get3A_261 = arith.constant 0 : index
      %get3A_262 = arith.constant 0 : index
      %get3A_263 = vector.load %arg8[%get3A_261, %get3A_262] : memref<1000x128xf32, #tpu.memory_space<vmem>>, vector<1000x128xf32>
      %jit3A = arith.constant 0.000000e+00 : f32
      %broadcast_in_dim3A_264 = vector.shape_cast %eq3A_90 : vector<1000x1xi1> to vector<1000x1xi1>
      %broadcast_in_dim3A_265 = vector.broadcast %broadcast_in_dim3A_264 : vector<1000x1xi1> to vector<1000x128xi1>
      %broadcast_in_dim3A_266 = vector.broadcast %jit3A : f32 to vector<1000x128xf32>
      %select_n3A = arith.select %broadcast_in_dim3A_265, %add3A_260, %broadcast_in_dim3A_266 : vector<1000x128xi1>, vector<1000x128xf32>
      %add3A_267 = arith.addf %get3A_263, %select_n3A : vector<1000x128xf32>
      %swap3A_268 = arith.constant 0 : index
      %swap3A_269 = arith.constant 0 : index
      %swap3A_270 = vector.load %arg8[%swap3A_268, %swap3A_269] : memref<1000x128xf32, #tpu.memory_space<vmem>>, vector<1000x128xf32>
      tpu.vector_store %arg8[%swap3A_268, %swap3A_269], %add3A_267 {strides = array<i32>} : memref<1000x128xf32, #tpu.memory_space<vmem>>, vector<1000x128xf32>,
    } else {
    }
    %eq3A_106 = arith.constant 5 : i32
    %eq3A_107 = vector.broadcast %eq3A_106 : i32 to vector<1000x1xi32>
    %eq3A_108 = arith.cmpi eq, %get3A_14, %eq3A_107 : vector<1000x1xi32>
    %reduce_or3A_109 = arith.constant 1.000000e+00 : f32
    %reduce_or3A_110 = arith.constant 0.000000e+00 : f32
    %reduce_or3A_111 = vector.broadcast %reduce_or3A_109 : f32 to vector<1000x1xf32>
    %reduce_or3A_112 = vector.broadcast %reduce_or3A_110 : f32 to vector<1000x1xf32>
    %reduce_or3A_113 = arith.select %eq3A_108, %reduce_or3A_111, %reduce_or3A_112 : vector<1000x1xi1>, vector<1000x1xf32>
    %reduce_or3A_114 = vector.shape_cast %reduce_or3A_113 : vector<1000x1xf32> to vector<1x1000x1xf32>
    %reduce_or3A_115 = arith.constant dense<0xFF800000> : vector<1xf32>
    %reduce_or3A_116 = vector.multi_reduction <maximumf>, %reduce_or3A_114, %reduce_or3A_115 [1, 2] : vector<1x1000x1xf32> to vector<1xf32>
    %reduce_or3A_117 = vector.shape_cast %reduce_or3A_116 : vector<1xf32> to vector<1x1x1xf32>
    %reduce_or3A_118 = vector.extract %reduce_or3A_117[0, 0, 0] : f32 from vector<1x1x1xf32>
    %reduce_or3A_119 = arith.constant 0.000000e+00 : f32
    %reduce_or3A_120 = arith.cmpf ogt, %reduce_or3A_118, %reduce_or3A_119 : f32
    %convert_element_type3A_121 = arith.extui %reduce_or3A_120 : i1 to i32
    %cond3A_122 = arith.constant 0 : i32
    %cond3A_123 = arith.cmpi ne, %convert_element_type3A_121, %cond3A_122 : i32
    scf.if %cond3A_123 {
      %get3A_237 = arith.constant 5 : index
      %get3A_238 = arith.constant 0 : index
      %get3A_239 = arith.constant 0 : index
      %get3A_240 = vector.load %arg5[%get3A_237, %get3A_238, %get3A_239] : memref<11x128x128xf32, #tpu.memory_space<vmem>>, vector<1x128x128xf32>
      %get3A_241 = vector.shape_cast %get3A_240 : vector<1x128x128xf32> to vector<128x128xf32>
      %convert_element_type3A_242 = arith.truncf %get3A_241 : vector<128x128xf32> to vector<128x128xbf16>
      %dot_general3A_243 = arith.constant dense<0.000000e+00> : vector<1000x128xf32>
      %dot_general3A_244 = tpu.matmul %convert_element_type3A, %convert_element_type3A_242, %dot_general3A_243 {dimension_numbers = #tpu.dot_dimension_numbers<[1], [0], [0], [1], [0, 0, 1, 1], [], []>, transpose_lhs_hint = false} : vector<1000x128xbf16>, vector<128x128xbf16>, vector<1000x128xf32> -> vector<1000x128xf32>
      %get3A_245 = arith.constant 5 : index
      %get3A_246 = arith.constant 0 : index
      %get3A_247 = arith.constant 0 : index
      %get3A_248 = vector.load %arg7[%get3A_245, %get3A_246, %get3A_247] : memref<11x128x128xf32, #tpu.memory_space<vmem>>, vector<1x128x128xf32>
      %get3A_249 = vector.shape_cast %get3A_248 : vector<1x128x128xf32> to vector<128x128xf32>
      %convert_element_type3A_250 = arith.truncf %get3A_249 : vector<128x128xf32> to vector<128x128xbf16>
      %dot_general3A_251 = arith.constant dense<0.000000e+00> : vector<1000x128xf32>
      %dot_general3A_252 = tpu.matmul %convert_element_type3A_15, %convert_element_type3A_250, %dot_general3A_251 {dimension_numbers = #tpu.dot_dimension_numbers<[1], [0], [0], [1], [0, 0, 1, 1], [], []>, transpose_lhs_hint = false} : vector<1000x128xbf16>, vector<128x128xbf16>, vector<1000x128xf32> -> vector<1000x128xf32>
      %add3A_253 = arith.addf %dot_general3A_244, %dot_general3A_252 : vector<1000x128xf32>
      %get3A_254 = arith.constant 5 : index
      %get3A_255 = arith.constant 0 : index
      %get3A_256 = vector.load %arg6[%get3A_254, %get3A_255] : memref<11x128xf32, #tpu.memory_space<vmem>>, vector<1x128xf32>
      %get3A_257 = vector.shape_cast %get3A_256 : vector<1x128xf32> to vector<128xf32>
      %broadcast_in_dim3A_258 = vector.shape_cast %get3A_257 : vector<128xf32> to vector<1x128xf32>
      %add3A_259 = vector.broadcast %broadcast_in_dim3A_258 : vector<1x128xf32> to vector<1000x128xf32>
      %add3A_260 = arith.addf %add3A_253, %add3A_259 : vector<1000x128xf32>
      %get3A_261 = arith.constant 0 : index
      %get3A_262 = arith.constant 0 : index
      %get3A_263 = vector.load %arg8[%get3A_261, %get3A_262] : memref<1000x128xf32, #tpu.memory_space<vmem>>, vector<1000x128xf32>
      %jit3A = arith.constant 0.000000e+00 : f32
      %broadcast_in_dim3A_264 = vector.shape_cast %eq3A_108 : vector<1000x1xi1> to vector<1000x1xi1>
      %broadcast_in_dim3A_265 = vector.broadcast %broadcast_in_dim3A_264 : vector<1000x1xi1> to vector<1000x128xi1>
      %broadcast_in_dim3A_266 = vector.broadcast %jit3A : f32 to vector<1000x128xf32>
      %select_n3A = arith.select %broadcast_in_dim3A_265, %add3A_260, %broadcast_in_dim3A_266 : vector<1000x128xi1>, vector<1000x128xf32>
      %add3A_267 = arith.addf %get3A_263, %select_n3A : vector<1000x128xf32>
      %swap3A_268 = arith.constant 0 : index
      %swap3A_269 = arith.constant 0 : index
      %swap3A_270 = vector.load %arg8[%swap3A_268, %swap3A_269] : memref<1000x128xf32, #tpu.memory_space<vmem>>, vector<1000x128xf32>
      tpu.vector_store %arg8[%swap3A_268, %swap3A_269], %add3A_267 {strides = array<i32>} : memref<1000x128xf32, #tpu.memory_space<vmem>>, vector<1000x128xf32>,
    } else {
    }
    %eq3A_124 = arith.constant 6 : i32
    %eq3A_125 = vector.broadcast %eq3A_124 : i32 to vector<1000x1xi32>
    %eq3A_126 = arith.cmpi eq, %get3A_14, %eq3A_125 : vector<1000x1xi32>
    %reduce_or3A_127 = arith.constant 1.000000e+00 : f32
    %reduce_or3A_128 = arith.constant 0.000000e+00 : f32
    %reduce_or3A_129 = vector.broadcast %reduce_or3A_127 : f32 to vector<1000x1xf32>
    %reduce_or3A_130 = vector.broadcast %reduce_or3A_128 : f32 to vector<1000x1xf32>
    %reduce_or3A_131 = arith.select %eq3A_126, %reduce_or3A_129, %reduce_or3A_130 : vector<1000x1xi1>, vector<1000x1xf32>
    %reduce_or3A_132 = vector.shape_cast %reduce_or3A_131 : vector<1000x1xf32> to vector<1x1000x1xf32>
    %reduce_or3A_133 = arith.constant dense<0xFF800000> : vector<1xf32>
    %reduce_or3A_134 = vector.multi_reduction <maximumf>, %reduce_or3A_132, %reduce_or3A_133 [1, 2] : vector<1x1000x1xf32> to vector<1xf32>
    %reduce_or3A_135 = vector.shape_cast %reduce_or3A_134 : vector<1xf32> to vector<1x1x1xf32>
    %reduce_or3A_136 = vector.extract %reduce_or3A_135[0, 0, 0] : f32 from vector<1x1x1xf32>
    %reduce_or3A_137 = arith.constant 0.000000e+00 : f32
    %reduce_or3A_138 = arith.cmpf ogt, %reduce_or3A_136, %reduce_or3A_137 : f32
    %convert_element_type3A_139 = arith.extui %reduce_or3A_138 : i1 to i32
    %cond3A_140 = arith.constant 0 : i32
    %cond3A_141 = arith.cmpi ne, %convert_element_type3A_139, %cond3A_140 : i32
    scf.if %cond3A_141 {
      %get3A_237 = arith.constant 6 : index
      %get3A_238 = arith.constant 0 : index
      %get3A_239 = arith.constant 0 : index
      %get3A_240 = vector.load %arg5[%get3A_237, %get3A_238, %get3A_239] : memref<11x128x128xf32, #tpu.memory_space<vmem>>, vector<1x128x128xf32>
      %get3A_241 = vector.shape_cast %get3A_240 : vector<1x128x128xf32> to vector<128x128xf32>
      %convert_element_type3A_242 = arith.truncf %get3A_241 : vector<128x128xf32> to vector<128x128xbf16>
      %dot_general3A_243 = arith.constant dense<0.000000e+00> : vector<1000x128xf32>
      %dot_general3A_244 = tpu.matmul %convert_element_type3A, %convert_element_type3A_242, %dot_general3A_243 {dimension_numbers = #tpu.dot_dimension_numbers<[1], [0], [0], [1], [0, 0, 1, 1], [], []>, transpose_lhs_hint = false} : vector<1000x128xbf16>, vector<128x128xbf16>, vector<1000x128xf32> -> vector<1000x128xf32>
      %get3A_245 = arith.constant 6 : index
      %get3A_246 = arith.constant 0 : index
      %get3A_247 = arith.constant 0 : index
      %get3A_248 = vector.load %arg7[%get3A_245, %get3A_246, %get3A_247] : memref<11x128x128xf32, #tpu.memory_space<vmem>>, vector<1x128x128xf32>
      %get3A_249 = vector.shape_cast %get3A_248 : vector<1x128x128xf32> to vector<128x128xf32>
      %convert_element_type3A_250 = arith.truncf %get3A_249 : vector<128x128xf32> to vector<128x128xbf16>
      %dot_general3A_251 = arith.constant dense<0.000000e+00> : vector<1000x128xf32>
      %dot_general3A_252 = tpu.matmul %convert_element_type3A_15, %convert_element_type3A_250, %dot_general3A_251 {dimension_numbers = #tpu.dot_dimension_numbers<[1], [0], [0], [1], [0, 0, 1, 1], [], []>, transpose_lhs_hint = false} : vector<1000x128xbf16>, vector<128x128xbf16>, vector<1000x128xf32> -> vector<1000x128xf32>
      %add3A_253 = arith.addf %dot_general3A_244, %dot_general3A_252 : vector<1000x128xf32>
      %get3A_254 = arith.constant 6 : index
      %get3A_255 = arith.constant 0 : index
      %get3A_256 = vector.load %arg6[%get3A_254, %get3A_255] : memref<11x128xf32, #tpu.memory_space<vmem>>, vector<1x128xf32>
      %get3A_257 = vector.shape_cast %get3A_256 : vector<1x128xf32> to vector<128xf32>
      %broadcast_in_dim3A_258 = vector.shape_cast %get3A_257 : vector<128xf32> to vector<1x128xf32>
      %add3A_259 = vector.broadcast %broadcast_in_dim3A_258 : vector<1x128xf32> to vector<1000x128xf32>
      %add3A_260 = arith.addf %add3A_253, %add3A_259 : vector<1000x128xf32>
      %get3A_261 = arith.constant 0 : index
      %get3A_262 = arith.constant 0 : index
      %get3A_263 = vector.load %arg8[%get3A_261, %get3A_262] : memref<1000x128xf32, #tpu.memory_space<vmem>>, vector<1000x128xf32>
      %jit3A = arith.constant 0.000000e+00 : f32
      %broadcast_in_dim3A_264 = vector.shape_cast %eq3A_126 : vector<1000x1xi1> to vector<1000x1xi1>
      %broadcast_in_dim3A_265 = vector.broadcast %broadcast_in_dim3A_264 : vector<1000x1xi1> to vector<1000x128xi1>
      %broadcast_in_dim3A_266 = vector.broadcast %jit3A : f32 to vector<1000x128xf32>
      %select_n3A = arith.select %broadcast_in_dim3A_265, %add3A_260, %broadcast_in_dim3A_266 : vector<1000x128xi1>, vector<1000x128xf32>
      %add3A_267 = arith.addf %get3A_263, %select_n3A : vector<1000x128xf32>
      %swap3A_268 = arith.constant 0 : index
      %swap3A_269 = arith.constant 0 : index
      %swap3A_270 = vector.load %arg8[%swap3A_268, %swap3A_269] : memref<1000x128xf32, #tpu.memory_space<vmem>>, vector<1000x128xf32>
      tpu.vector_store %arg8[%swap3A_268, %swap3A_269], %add3A_267 {strides = array<i32>} : memref<1000x128xf32, #tpu.memory_space<vmem>>, vector<1000x128xf32>,
    } else {
    }
    %eq3A_142 = arith.constant 7 : i32
    %eq3A_143 = vector.broadcast %eq3A_142 : i32 to vector<1000x1xi32>
    %eq3A_144 = arith.cmpi eq, %get3A_14, %eq3A_143 : vector<1000x1xi32>
    %reduce_or3A_145 = arith.constant 1.000000e+00 : f32
    %reduce_or3A_146 = arith.constant 0.000000e+00 : f32
    %reduce_or3A_147 = vector.broadcast %reduce_or3A_145 : f32 to vector<1000x1xf32>
    %reduce_or3A_148 = vector.broadcast %reduce_or3A_146 : f32 to vector<1000x1xf32>
    %reduce_or3A_149 = arith.select %eq3A_144, %reduce_or3A_147, %reduce_or3A_148 : vector<1000x1xi1>, vector<1000x1xf32>
    %reduce_or3A_150 = vector.shape_cast %reduce_or3A_149 : vector<1000x1xf32> to vector<1x1000x1xf32>
    %reduce_or3A_151 = arith.constant dense<0xFF800000> : vector<1xf32>
    %reduce_or3A_152 = vector.multi_reduction <maximumf>, %reduce_or3A_150, %reduce_or3A_151 [1, 2] : vector<1x1000x1xf32> to vector<1xf32>
    %reduce_or3A_153 = vector.shape_cast %reduce_or3A_152 : vector<1xf32> to vector<1x1x1xf32>
    %reduce_or3A_154 = vector.extract %reduce_or3A_153[0, 0, 0] : f32 from vector<1x1x1xf32>
    %reduce_or3A_155 = arith.constant 0.000000e+00 : f32
    %reduce_or3A_156 = arith.cmpf ogt, %reduce_or3A_154, %reduce_or3A_155 : f32
    %convert_element_type3A_157 = arith.extui %reduce_or3A_156 : i1 to i32
    %cond3A_158 = arith.constant 0 : i32
    %cond3A_159 = arith.cmpi ne, %convert_element_type3A_157, %cond3A_158 : i32
    scf.if %cond3A_159 {
      %get3A_237 = arith.constant 7 : index
      %get3A_238 = arith.constant 0 : index
      %get3A_239 = arith.constant 0 : index
      %get3A_240 = vector.load %arg5[%get3A_237, %get3A_238, %get3A_239] : memref<11x128x128xf32, #tpu.memory_space<vmem>>, vector<1x128x128xf32>
      %get3A_241 = vector.shape_cast %get3A_240 : vector<1x128x128xf32> to vector<128x128xf32>
      %convert_element_type3A_242 = arith.truncf %get3A_241 : vector<128x128xf32> to vector<128x128xbf16>
      %dot_general3A_243 = arith.constant dense<0.000000e+00> : vector<1000x128xf32>
      %dot_general3A_244 = tpu.matmul %convert_element_type3A, %convert_element_type3A_242, %dot_general3A_243 {dimension_numbers = #tpu.dot_dimension_numbers<[1], [0], [0], [1], [0, 0, 1, 1], [], []>, transpose_lhs_hint = false} : vector<1000x128xbf16>, vector<128x128xbf16>, vector<1000x128xf32> -> vector<1000x128xf32>
      %get3A_245 = arith.constant 7 : index
      %get3A_246 = arith.constant 0 : index
      %get3A_247 = arith.constant 0 : index
      %get3A_248 = vector.load %arg7[%get3A_245, %get3A_246, %get3A_247] : memref<11x128x128xf32, #tpu.memory_space<vmem>>, vector<1x128x128xf32>
      %get3A_249 = vector.shape_cast %get3A_248 : vector<1x128x128xf32> to vector<128x128xf32>
      %convert_element_type3A_250 = arith.truncf %get3A_249 : vector<128x128xf32> to vector<128x128xbf16>
      %dot_general3A_251 = arith.constant dense<0.000000e+00> : vector<1000x128xf32>
      %dot_general3A_252 = tpu.matmul %convert_element_type3A_15, %convert_element_type3A_250, %dot_general3A_251 {dimension_numbers = #tpu.dot_dimension_numbers<[1], [0], [0], [1], [0, 0, 1, 1], [], []>, transpose_lhs_hint = false} : vector<1000x128xbf16>, vector<128x128xbf16>, vector<1000x128xf32> -> vector<1000x128xf32>
      %add3A_253 = arith.addf %dot_general3A_244, %dot_general3A_252 : vector<1000x128xf32>
      %get3A_254 = arith.constant 7 : index
      %get3A_255 = arith.constant 0 : index
      %get3A_256 = vector.load %arg6[%get3A_254, %get3A_255] : memref<11x128xf32, #tpu.memory_space<vmem>>, vector<1x128xf32>
      %get3A_257 = vector.shape_cast %get3A_256 : vector<1x128xf32> to vector<128xf32>
      %broadcast_in_dim3A_258 = vector.shape_cast %get3A_257 : vector<128xf32> to vector<1x128xf32>
      %add3A_259 = vector.broadcast %broadcast_in_dim3A_258 : vector<1x128xf32> to vector<1000x128xf32>
      %add3A_260 = arith.addf %add3A_253, %add3A_259 : vector<1000x128xf32>
      %get3A_261 = arith.constant 0 : index
      %get3A_262 = arith.constant 0 : index
      %get3A_263 = vector.load %arg8[%get3A_261, %get3A_262] : memref<1000x128xf32, #tpu.memory_space<vmem>>, vector<1000x128xf32>
      %jit3A = arith.constant 0.000000e+00 : f32
      %broadcast_in_dim3A_264 = vector.shape_cast %eq3A_144 : vector<1000x1xi1> to vector<1000x1xi1>
      %broadcast_in_dim3A_265 = vector.broadcast %broadcast_in_dim3A_264 : vector<1000x1xi1> to vector<1000x128xi1>
      %broadcast_in_dim3A_266 = vector.broadcast %jit3A : f32 to vector<1000x128xf32>
      %select_n3A = arith.select %broadcast_in_dim3A_265, %add3A_260, %broadcast_in_dim3A_266 : vector<1000x128xi1>, vector<1000x128xf32>
      %add3A_267 = arith.addf %get3A_263, %select_n3A : vector<1000x128xf32>
      %swap3A_268 = arith.constant 0 : index
      %swap3A_269 = arith.constant 0 : index
      %swap3A_270 = vector.load %arg8[%swap3A_268, %swap3A_269] : memref<1000x128xf32, #tpu.memory_space<vmem>>, vector<1000x128xf32>
      tpu.vector_store %arg8[%swap3A_268, %swap3A_269], %add3A_267 {strides = array<i32>} : memref<1000x128xf32, #tpu.memory_space<vmem>>, vector<1000x128xf32>,
    } else {
    }
    %eq3A_160 = arith.constant 8 : i32
    %eq3A_161 = vector.broadcast %eq3A_160 : i32 to vector<1000x1xi32>
    %eq3A_162 = arith.cmpi eq, %get3A_14, %eq3A_161 : vector<1000x1xi32>
    %reduce_or3A_163 = arith.constant 1.000000e+00 : f32
    %reduce_or3A_164 = arith.constant 0.000000e+00 : f32
    %reduce_or3A_165 = vector.broadcast %reduce_or3A_163 : f32 to vector<1000x1xf32>
    %reduce_or3A_166 = vector.broadcast %reduce_or3A_164 : f32 to vector<1000x1xf32>
    %reduce_or3A_167 = arith.select %eq3A_162, %reduce_or3A_165, %reduce_or3A_166 : vector<1000x1xi1>, vector<1000x1xf32>
    %reduce_or3A_168 = vector.shape_cast %reduce_or3A_167 : vector<1000x1xf32> to vector<1x1000x1xf32>
    %reduce_or3A_169 = arith.constant dense<0xFF800000> : vector<1xf32>
    %reduce_or3A_170 = vector.multi_reduction <maximumf>, %reduce_or3A_168, %reduce_or3A_169 [1, 2] : vector<1x1000x1xf32> to vector<1xf32>
    %reduce_or3A_171 = vector.shape_cast %reduce_or3A_170 : vector<1xf32> to vector<1x1x1xf32>
    %reduce_or3A_172 = vector.extract %reduce_or3A_171[0, 0, 0] : f32 from vector<1x1x1xf32>
    %reduce_or3A_173 = arith.constant 0.000000e+00 : f32
    %reduce_or3A_174 = arith.cmpf ogt, %reduce_or3A_172, %reduce_or3A_173 : f32
    %convert_element_type3A_175 = arith.extui %reduce_or3A_174 : i1 to i32
    %cond3A_176 = arith.constant 0 : i32
    %cond3A_177 = arith.cmpi ne, %convert_element_type3A_175, %cond3A_176 : i32
    scf.if %cond3A_177 {
      %get3A_237 = arith.constant 8 : index
      %get3A_238 = arith.constant 0 : index
      %get3A_239 = arith.constant 0 : index
      %get3A_240 = vector.load %arg5[%get3A_237, %get3A_238, %get3A_239] : memref<11x128x128xf32, #tpu.memory_space<vmem>>, vector<1x128x128xf32>
      %get3A_241 = vector.shape_cast %get3A_240 : vector<1x128x128xf32> to vector<128x128xf32>
      %convert_element_type3A_242 = arith.truncf %get3A_241 : vector<128x128xf32> to vector<128x128xbf16>
      %dot_general3A_243 = arith.constant dense<0.000000e+00> : vector<1000x128xf32>
      %dot_general3A_244 = tpu.matmul %convert_element_type3A, %convert_element_type3A_242, %dot_general3A_243 {dimension_numbers = #tpu.dot_dimension_numbers<[1], [0], [0], [1], [0, 0, 1, 1], [], []>, transpose_lhs_hint = false} : vector<1000x128xbf16>, vector<128x128xbf16>, vector<1000x128xf32> -> vector<1000x128xf32>
      %get3A_245 = arith.constant 8 : index
      %get3A_246 = arith.constant 0 : index
      %get3A_247 = arith.constant 0 : index
      %get3A_248 = vector.load %arg7[%get3A_245, %get3A_246, %get3A_247] : memref<11x128x128xf32, #tpu.memory_space<vmem>>, vector<1x128x128xf32>
      %get3A_249 = vector.shape_cast %get3A_248 : vector<1x128x128xf32> to vector<128x128xf32>
      %convert_element_type3A_250 = arith.truncf %get3A_249 : vector<128x128xf32> to vector<128x128xbf16>
      %dot_general3A_251 = arith.constant dense<0.000000e+00> : vector<1000x128xf32>
      %dot_general3A_252 = tpu.matmul %convert_element_type3A_15, %convert_element_type3A_250, %dot_general3A_251 {dimension_numbers = #tpu.dot_dimension_numbers<[1], [0], [0], [1], [0, 0, 1, 1], [], []>, transpose_lhs_hint = false} : vector<1000x128xbf16>, vector<128x128xbf16>, vector<1000x128xf32> -> vector<1000x128xf32>
      %add3A_253 = arith.addf %dot_general3A_244, %dot_general3A_252 : vector<1000x128xf32>
      %get3A_254 = arith.constant 8 : index
      %get3A_255 = arith.constant 0 : index
      %get3A_256 = vector.load %arg6[%get3A_254, %get3A_255] : memref<11x128xf32, #tpu.memory_space<vmem>>, vector<1x128xf32>
      %get3A_257 = vector.shape_cast %get3A_256 : vector<1x128xf32> to vector<128xf32>
      %broadcast_in_dim3A_258 = vector.shape_cast %get3A_257 : vector<128xf32> to vector<1x128xf32>
      %add3A_259 = vector.broadcast %broadcast_in_dim3A_258 : vector<1x128xf32> to vector<1000x128xf32>
      %add3A_260 = arith.addf %add3A_253, %add3A_259 : vector<1000x128xf32>
      %get3A_261 = arith.constant 0 : index
      %get3A_262 = arith.constant 0 : index
      %get3A_263 = vector.load %arg8[%get3A_261, %get3A_262] : memref<1000x128xf32, #tpu.memory_space<vmem>>, vector<1000x128xf32>
      %jit3A = arith.constant 0.000000e+00 : f32
      %broadcast_in_dim3A_264 = vector.shape_cast %eq3A_162 : vector<1000x1xi1> to vector<1000x1xi1>
      %broadcast_in_dim3A_265 = vector.broadcast %broadcast_in_dim3A_264 : vector<1000x1xi1> to vector<1000x128xi1>
      %broadcast_in_dim3A_266 = vector.broadcast %jit3A : f32 to vector<1000x128xf32>
      %select_n3A = arith.select %broadcast_in_dim3A_265, %add3A_260, %broadcast_in_dim3A_266 : vector<1000x128xi1>, vector<1000x128xf32>
      %add3A_267 = arith.addf %get3A_263, %select_n3A : vector<1000x128xf32>
      %swap3A_268 = arith.constant 0 : index
      %swap3A_269 = arith.constant 0 : index
      %swap3A_270 = vector.load %arg8[%swap3A_268, %swap3A_269] : memref<1000x128xf32, #tpu.memory_space<vmem>>, vector<1000x128xf32>
      tpu.vector_store %arg8[%swap3A_268, %swap3A_269], %add3A_267 {strides = array<i32>} : memref<1000x128xf32, #tpu.memory_space<vmem>>, vector<1000x128xf32>,
    } else {
    }
    %eq3A_178 = arith.constant 9 : i32
    %eq3A_179 = vector.broadcast %eq3A_178 : i32 to vector<1000x1xi32>
    %eq3A_180 = arith.cmpi eq, %get3A_14, %eq3A_179 : vector<1000x1xi32>
    %reduce_or3A_181 = arith.constant 1.000000e+00 : f32
    %reduce_or3A_182 = arith.constant 0.000000e+00 : f32
    %reduce_or3A_183 = vector.broadcast %reduce_or3A_181 : f32 to vector<1000x1xf32>
    %reduce_or3A_184 = vector.broadcast %reduce_or3A_182 : f32 to vector<1000x1xf32>
    %reduce_or3A_185 = arith.select %eq3A_180, %reduce_or3A_183, %reduce_or3A_184 : vector<1000x1xi1>, vector<1000x1xf32>
    %reduce_or3A_186 = vector.shape_cast %reduce_or3A_185 : vector<1000x1xf32> to vector<1x1000x1xf32>
    %reduce_or3A_187 = arith.constant dense<0xFF800000> : vector<1xf32>
    %reduce_or3A_188 = vector.multi_reduction <maximumf>, %reduce_or3A_186, %reduce_or3A_187 [1, 2] : vector<1x1000x1xf32> to vector<1xf32>
    %reduce_or3A_189 = vector.shape_cast %reduce_or3A_188 : vector<1xf32> to vector<1x1x1xf32>
    %reduce_or3A_190 = vector.extract %reduce_or3A_189[0, 0, 0] : f32 from vector<1x1x1xf32>
    %reduce_or3A_191 = arith.constant 0.000000e+00 : f32
    %reduce_or3A_192 = arith.cmpf ogt, %reduce_or3A_190, %reduce_or3A_191 : f32
    %convert_element_type3A_193 = arith.extui %reduce_or3A_192 : i1 to i32
    %cond3A_194 = arith.constant 0 : i32
    %cond3A_195 = arith.cmpi ne, %convert_element_type3A_193, %cond3A_194 : i32
    scf.if %cond3A_195 {
      %get3A_237 = arith.constant 9 : index
      %get3A_238 = arith.constant 0 : index
      %get3A_239 = arith.constant 0 : index
      %get3A_240 = vector.load %arg5[%get3A_237, %get3A_238, %get3A_239] : memref<11x128x128xf32, #tpu.memory_space<vmem>>, vector<1x128x128xf32>
      %get3A_241 = vector.shape_cast %get3A_240 : vector<1x128x128xf32> to vector<128x128xf32>
      %convert_element_type3A_242 = arith.truncf %get3A_241 : vector<128x128xf32> to vector<128x128xbf16>
      %dot_general3A_243 = arith.constant dense<0.000000e+00> : vector<1000x128xf32>
      %dot_general3A_244 = tpu.matmul %convert_element_type3A, %convert_element_type3A_242, %dot_general3A_243 {dimension_numbers = #tpu.dot_dimension_numbers<[1], [0], [0], [1], [0, 0, 1, 1], [], []>, transpose_lhs_hint = false} : vector<1000x128xbf16>, vector<128x128xbf16>, vector<1000x128xf32> -> vector<1000x128xf32>
      %get3A_245 = arith.constant 9 : index
      %get3A_246 = arith.constant 0 : index
      %get3A_247 = arith.constant 0 : index
      %get3A_248 = vector.load %arg7[%get3A_245, %get3A_246, %get3A_247] : memref<11x128x128xf32, #tpu.memory_space<vmem>>, vector<1x128x128xf32>
      %get3A_249 = vector.shape_cast %get3A_248 : vector<1x128x128xf32> to vector<128x128xf32>
      %convert_element_type3A_250 = arith.truncf %get3A_249 : vector<128x128xf32> to vector<128x128xbf16>
      %dot_general3A_251 = arith.constant dense<0.000000e+00> : vector<1000x128xf32>
      %dot_general3A_252 = tpu.matmul %convert_element_type3A_15, %convert_element_type3A_250, %dot_general3A_251 {dimension_numbers = #tpu.dot_dimension_numbers<[1], [0], [0], [1], [0, 0, 1, 1], [], []>, transpose_lhs_hint = false} : vector<1000x128xbf16>, vector<128x128xbf16>, vector<1000x128xf32> -> vector<1000x128xf32>
      %add3A_253 = arith.addf %dot_general3A_244, %dot_general3A_252 : vector<1000x128xf32>
      %get3A_254 = arith.constant 9 : index
      %get3A_255 = arith.constant 0 : index
      %get3A_256 = vector.load %arg6[%get3A_254, %get3A_255] : memref<11x128xf32, #tpu.memory_space<vmem>>, vector<1x128xf32>
      %get3A_257 = vector.shape_cast %get3A_256 : vector<1x128xf32> to vector<128xf32>
      %broadcast_in_dim3A_258 = vector.shape_cast %get3A_257 : vector<128xf32> to vector<1x128xf32>
      %add3A_259 = vector.broadcast %broadcast_in_dim3A_258 : vector<1x128xf32> to vector<1000x128xf32>
      %add3A_260 = arith.addf %add3A_253, %add3A_259 : vector<1000x128xf32>
      %get3A_261 = arith.constant 0 : index
      %get3A_262 = arith.constant 0 : index
      %get3A_263 = vector.load %arg8[%get3A_261, %get3A_262] : memref<1000x128xf32, #tpu.memory_space<vmem>>, vector<1000x128xf32>
      %jit3A = arith.constant 0.000000e+00 : f32
      %broadcast_in_dim3A_264 = vector.shape_cast %eq3A_180 : vector<1000x1xi1> to vector<1000x1xi1>
      %broadcast_in_dim3A_265 = vector.broadcast %broadcast_in_dim3A_264 : vector<1000x1xi1> to vector<1000x128xi1>
      %broadcast_in_dim3A_266 = vector.broadcast %jit3A : f32 to vector<1000x128xf32>
      %select_n3A = arith.select %broadcast_in_dim3A_265, %add3A_260, %broadcast_in_dim3A_266 : vector<1000x128xi1>, vector<1000x128xf32>
      %add3A_267 = arith.addf %get3A_263, %select_n3A : vector<1000x128xf32>
      %swap3A_268 = arith.constant 0 : index
      %swap3A_269 = arith.constant 0 : index
      %swap3A_270 = vector.load %arg8[%swap3A_268, %swap3A_269] : memref<1000x128xf32, #tpu.memory_space<vmem>>, vector<1000x128xf32>
      tpu.vector_store %arg8[%swap3A_268, %swap3A_269], %add3A_267 {strides = array<i32>} : memref<1000x128xf32, #tpu.memory_space<vmem>>, vector<1000x128xf32>,
    } else {
    }
    %eq3A_196 = arith.constant 10 : i32
    %eq3A_197 = vector.broadcast %eq3A_196 : i32 to vector<1000x1xi32>
    %eq3A_198 = arith.cmpi eq, %get3A_14, %eq3A_197 : vector<1000x1xi32>
    %reduce_or3A_199 = arith.constant 1.000000e+00 : f32
    %reduce_or3A_200 = arith.constant 0.000000e+00 : f32
    %reduce_or3A_201 = vector.broadcast %reduce_or3A_199 : f32 to vector<1000x1xf32>
    %reduce_or3A_202 = vector.broadcast %reduce_or3A_200 : f32 to vector<1000x1xf32>
    %reduce_or3A_203 = arith.select %eq3A_198, %reduce_or3A_201, %reduce_or3A_202 : vector<1000x1xi1>, vector<1000x1xf32>
    %reduce_or3A_204 = vector.shape_cast %reduce_or3A_203 : vector<1000x1xf32> to vector<1x1000x1xf32>
    %reduce_or3A_205 = arith.constant dense<0xFF800000> : vector<1xf32>
    %reduce_or3A_206 = vector.multi_reduction <maximumf>, %reduce_or3A_204, %reduce_or3A_205 [1, 2] : vector<1x1000x1xf32> to vector<1xf32>
    %reduce_or3A_207 = vector.shape_cast %reduce_or3A_206 : vector<1xf32> to vector<1x1x1xf32>
    %reduce_or3A_208 = vector.extract %reduce_or3A_207[0, 0, 0] : f32 from vector<1x1x1xf32>
    %reduce_or3A_209 = arith.constant 0.000000e+00 : f32
    %reduce_or3A_210 = arith.cmpf ogt, %reduce_or3A_208, %reduce_or3A_209 : f32
    %convert_element_type3A_211 = arith.extui %reduce_or3A_210 : i1 to i32
    %cond3A_212 = arith.constant 0 : i32
    %cond3A_213 = arith.cmpi ne, %convert_element_type3A_211, %cond3A_212 : i32
    scf.if %cond3A_213 {
      %get3A_237 = arith.constant 10 : index
      %get3A_238 = arith.constant 0 : index
      %get3A_239 = arith.constant 0 : index
      %get3A_240 = vector.load %arg5[%get3A_237, %get3A_238, %get3A_239] : memref<11x128x128xf32, #tpu.memory_space<vmem>>, vector<1x128x128xf32>
      %get3A_241 = vector.shape_cast %get3A_240 : vector<1x128x128xf32> to vector<128x128xf32>
      %convert_element_type3A_242 = arith.truncf %get3A_241 : vector<128x128xf32> to vector<128x128xbf16>
      %dot_general3A_243 = arith.constant dense<0.000000e+00> : vector<1000x128xf32>
      %dot_general3A_244 = tpu.matmul %convert_element_type3A, %convert_element_type3A_242, %dot_general3A_243 {dimension_numbers = #tpu.dot_dimension_numbers<[1], [0], [0], [1], [0, 0, 1, 1], [], []>, transpose_lhs_hint = false} : vector<1000x128xbf16>, vector<128x128xbf16>, vector<1000x128xf32> -> vector<1000x128xf32>
      %get3A_245 = arith.constant 10 : index
      %get3A_246 = arith.constant 0 : index
      %get3A_247 = arith.constant 0 : index
      %get3A_248 = vector.load %arg7[%get3A_245, %get3A_246, %get3A_247] : memref<11x128x128xf32, #tpu.memory_space<vmem>>, vector<1x128x128xf32>
      %get3A_249 = vector.shape_cast %get3A_248 : vector<1x128x128xf32> to vector<128x128xf32>
      %convert_element_type3A_250 = arith.truncf %get3A_249 : vector<128x128xf32> to vector<128x128xbf16>
      %dot_general3A_251 = arith.constant dense<0.000000e+00> : vector<1000x128xf32>
      %dot_general3A_252 = tpu.matmul %convert_element_type3A_15, %convert_element_type3A_250, %dot_general3A_251 {dimension_numbers = #tpu.dot_dimension_numbers<[1], [0], [0], [1], [0, 0, 1, 1], [], []>, transpose_lhs_hint = false} : vector<1000x128xbf16>, vector<128x128xbf16>, vector<1000x128xf32> -> vector<1000x128xf32>
      %add3A_253 = arith.addf %dot_general3A_244, %dot_general3A_252 : vector<1000x128xf32>
      %get3A_254 = arith.constant 10 : index
      %get3A_255 = arith.constant 0 : index
      %get3A_256 = vector.load %arg6[%get3A_254, %get3A_255] : memref<11x128xf32, #tpu.memory_space<vmem>>, vector<1x128xf32>
      %get3A_257 = vector.shape_cast %get3A_256 : vector<1x128xf32> to vector<128xf32>
      %broadcast_in_dim3A_258 = vector.shape_cast %get3A_257 : vector<128xf32> to vector<1x128xf32>
      %add3A_259 = vector.broadcast %broadcast_in_dim3A_258 : vector<1x128xf32> to vector<1000x128xf32>
      %add3A_260 = arith.addf %add3A_253, %add3A_259 : vector<1000x128xf32>
      %get3A_261 = arith.constant 0 : index
      %get3A_262 = arith.constant 0 : index
      %get3A_263 = vector.load %arg8[%get3A_261, %get3A_262] : memref<1000x128xf32, #tpu.memory_space<vmem>>, vector<1000x128xf32>
      %jit3A = arith.constant 0.000000e+00 : f32
      %broadcast_in_dim3A_264 = vector.shape_cast %eq3A_198 : vector<1000x1xi1> to vector<1000x1xi1>
      %broadcast_in_dim3A_265 = vector.broadcast %broadcast_in_dim3A_264 : vector<1000x1xi1> to vector<1000x128xi1>
      %broadcast_in_dim3A_266 = vector.broadcast %jit3A : f32 to vector<1000x128xf32>
      %select_n3A = arith.select %broadcast_in_dim3A_265, %add3A_260, %broadcast_in_dim3A_266 : vector<1000x128xi1>, vector<1000x128xf32>
      %add3A_267 = arith.addf %get3A_263, %select_n3A : vector<1000x128xf32>
      %swap3A_268 = arith.constant 0 : index
      %swap3A_269 = arith.constant 0 : index
      %swap3A_270 = vector.load %arg8[%swap3A_268, %swap3A_269] : memref<1000x128xf32, #tpu.memory_space<vmem>>, vector<1000x128xf32>
      tpu.vector_store %arg8[%swap3A_268, %swap3A_269], %add3A_267 {strides = array<i32>} : memref<1000x128xf32, #tpu.memory_space<vmem>>, vector<1000x128xf32>,
    } else {
    }
    %eq3A_214 = arith.constant 0 : i32
    %eq3A_215 = arith.cmpi eq, %arg0, %eq3A_214 : i32
    %convert_element_type3A_216 = arith.extui %eq3A_215 : i1 to i32
    %cond3A_217 = arith.constant 0 : i32
    %cond3A_218 = arith.cmpi ne, %convert_element_type3A_216, %cond3A_217 : i32
    scf.if %cond3A_218 {
      %broadcast_in_dim3A_237 = arith.constant 0.000000e+00 : f32
      %broadcast_in_dim3A_238 = vector.broadcast %broadcast_in_dim3A_237 : f32 to vector<256x128xf32>
      %swap3A_239 = arith.constant 0 : index
      %swap3A_240 = arith.constant 0 : index
      %swap3A_241 = vector.load %arg9[%swap3A_239, %swap3A_240] : memref<256x128xf32, #tpu.memory_space<vmem>>, vector<256x128xf32>
      tpu.vector_store %arg9[%swap3A_239, %swap3A_240], %broadcast_in_dim3A_238 {strides = array<i32>} : memref<256x128xf32, #tpu.memory_space<vmem>>, vector<256x128xf32>,
    } else {
    }
    %get3A_219 = arith.constant 0 : index
    %get3A_220 = arith.constant 0 : index
    %get3A_221 = vector.load %arg4[%get3A_219, %get3A_220] : memref<1000x1xi32, #tpu.memory_space<vmem>>, vector<1000x1xi32>
    %iota3A = tpu.iota {dimensions = array<i32: 1>} : vector<1000x256xi32>
    %eq3A_222 = vector.broadcast %get3A_221 : vector<1000x1xi32> to vector<1000x256xi32>
    %eq3A_223 = arith.cmpi eq, %eq3A_222, %iota3A : vector<1000x256xi32>
    %convert_element_type3A_224 = arith.extui %eq3A_223 : vector<1000x256xi1> to vector<1000x256xi32>
    %convert_element_type3A_225 = arith.sitofp %convert_element_type3A_224 : vector<1000x256xi32> to vector<1000x256xf32>
    %get3A_226 = arith.constant 0 : index
    %get3A_227 = arith.constant 0 : index
    %get3A_228 = vector.load %arg9[%get3A_226, %get3A_227] : memref<256x128xf32, #tpu.memory_space<vmem>>, vector<256x128xf32>
    %get3A_229 = arith.constant 0 : index
    %get3A_230 = arith.constant 0 : index
    %get3A_231 = vector.load %arg8[%get3A_229, %get3A_230] : memref<1000x128xf32, #tpu.memory_space<vmem>>, vector<1000x128xf32>
    %dot_general3A = arith.constant dense<0.000000e+00> : vector<256x128xf32>
    %dot_general3A_232 = tpu.matmul %convert_element_type3A_225, %get3A_231, %dot_general3A {dimension_numbers = #tpu.dot_dimension_numbers<[0], [0], [1], [1], [0, 1, 1, 1], [], []>, transpose_lhs_hint = false} : vector<1000x256xf32>, vector<1000x128xf32>, vector<256x128xf32> -> vector<256x128xf32>
    %add3A_233 = arith.addf %get3A_228, %dot_general3A_232 : vector<256x128xf32>
    %swap3A_234 = arith.constant 0 : index
    %swap3A_235 = arith.constant 0 : index
    %swap3A_236 = vector.load %arg9[%swap3A_234, %swap3A_235] : memref<256x128xf32, #tpu.memory_space<vmem>>, vector<256x128xf32>
    tpu.vector_store %arg9[%swap3A_234, %swap3A_235], %add3A_233 {strides = array<i32>} : memref<256x128xf32, #tpu.memory_space<vmem>>, vector<256x128xf32>,
    return
  }
  func.func @transform_0(%arg0: i32) -> (i32, i32, i32) {
    %c0_i32 = arith.constant 0 : i32
    %c0_i32_0 = arith.constant 0 : i32
    %c0_i32_1 = arith.constant 0 : i32
    return %c0_i32, %arg0, %c0_i32_0 : i32, i32, i32
  }
  func.func @transform_1(%arg0: i32) -> (i32, i32) {
    %c0_i32 = arith.constant 0 : i32
    %c0_i32_0 = arith.constant 0 : i32
    return %arg0, %c0_i32 : i32, i32
  }
  func.func @transform_2(%arg0: i32) -> (i32, i32) {
    %c0_i32 = arith.constant 0 : i32
    %c0_i32_0 = arith.constant 0 : i32
    return %arg0, %c0_i32 : i32, i32
  }
  func.func @transform_3(%arg0: i32) -> (i32, i32) {
    %c0_i32 = arith.constant 0 : i32
    %c0_i32_0 = arith.constant 0 : i32
    return %arg0, %c0_i32 : i32, i32
  }
  func.func @transform_4(%arg0: i32) -> (i32, i32, i32) {
    %c0_i32 = arith.constant 0 : i32
    %c0_i32_0 = arith.constant 0 : i32
    %c0_i32_1 = arith.constant 0 : i32
    %c0_i32_2 = arith.constant 0 : i32
    return %c0_i32, %c0_i32_0, %c0_i32_1 : i32, i32, i32
  }
  func.func @transform_5(%arg0: i32) -> (i32, i32) {
    %c0_i32 = arith.constant 0 : i32
    %c0_i32_0 = arith.constant 0 : i32
    %c0_i32_1 = arith.constant 0 : i32
    return %c0_i32, %c0_i32_0 : i32, i32
  }
  func.func @transform_6(%arg0: i32) -> (i32, i32, i32) {
    %c0_i32 = arith.constant 0 : i32
    %c0_i32_0 = arith.constant 0 : i32
    %c0_i32_1 = arith.constant 0 : i32
    %c0_i32_2 = arith.constant 0 : i32
    return %c0_i32, %c0_i32_0, %c0_i32_1 : i32, i32, i32
  }
  func.func @transform_7(%arg0: i32) -> (i32, i32) {
    %c0_i32 = arith.constant 0 : i32
    %c0_i32_0 = arith.constant 0 : i32
    return %arg0, %c0_i32 : i32, i32
  }
  func.func @transform_8(%arg0: i32) -> (i32, i32) {
    %c0_i32 = arith.constant 0 : i32
    %c0_i32_0 = arith.constant 0 : i32
    %c0_i32_1 = arith.constant 0 : i32
    return %c0_i32, %c0_i32_0 : i32, i32
  }
}

module attributes {stable_mosaic.version = 14 : i64} {
  func.func @_mlp_body(%arg0: i32, %arg1: memref<1000x1xi32, #tpu.memory_space<vmem>>, %arg2: memref<1000x128xf32, #tpu.memory_space<vmem>>, %arg3: memref<1000x128xf32, #tpu.memory_space<vmem>>, %arg4: memref<1000x128xf32, #tpu.memory_space<vmem>>, %arg5: memref<256x128xf32, #tpu.memory_space<vmem>>, %arg6: memref<512x384xf32, #tpu.memory_space<vmem>>, %arg7: memref<1x384xf32, #tpu.memory_space<vmem>>, %arg8: memref<384x256xf32, #tpu.memory_space<vmem>>, %arg9: memref<1x256xf32, #tpu.memory_space<vmem>>, %arg10: memref<256x1xf32, #tpu.memory_space<vmem>>, %arg11: memref<1x1xf32, #tpu.memory_space<vmem>>, %arg12: memref<1000x1xf32, #tpu.memory_space<vmem>>) attributes {dimension_semantics = [#tpu.dimension_semantics<arbitrary>], iteration_bounds = array<i64: 10>, scalar_prefetch = 0 : i64, scratch_operands = 0 : i64, tpu.core_type = #tpu.core_type<tc>, window_params = [{transform_indices = @transform_0, window_bounds = array<i64: 1000, 1>}, {transform_indices = @transform_1, window_bounds = array<i64: 1000, 128>}, {transform_indices = @transform_2, window_bounds = array<i64: 1000, 128>}, {transform_indices = @transform_3, window_bounds = array<i64: 1000, 128>}, {pipeline_mode = #tpu.pipeline_mode<synchronous>, transform_indices = @transform_4, window_bounds = array<i64: 256, 128>}, {pipeline_mode = #tpu.pipeline_mode<synchronous>, transform_indices = @transform_5, window_bounds = array<i64: 512, 384>}, {pipeline_mode = #tpu.pipeline_mode<synchronous>, transform_indices = @transform_6, window_bounds = array<i64: 1, 384>}, {pipeline_mode = #tpu.pipeline_mode<synchronous>, transform_indices = @transform_7, window_bounds = array<i64: 384, 256>}, {pipeline_mode = #tpu.pipeline_mode<synchronous>, transform_indices = @transform_8, window_bounds = array<i64: 1, 256>}, {pipeline_mode = #tpu.pipeline_mode<synchronous>, transform_indices = @transform_9, window_bounds = array<i64: 256, 1>}, {pipeline_mode = #tpu.pipeline_mode<synchronous>, transform_indices = @transform_10, window_bounds = array<i64: 1, 1>}, {transform_indices = @transform_11, window_bounds = array<i64: 1000, 1>}]} {
    %get3A = arith.constant 0 : index
    %get3A_0 = arith.constant 0 : index
    %get3A_1 = vector.load %arg1[%get3A, %get3A_0] : memref<1000x1xi32, #tpu.memory_space<vmem>>, vector<1000x1xi32>
    %iota3A = tpu.iota {dimensions = array<i32: 1>} : vector<1000x256xi32>
    %eq3A = vector.broadcast %get3A_1 : vector<1000x1xi32> to vector<1000x256xi32>
    %eq3A_2 = arith.cmpi eq, %eq3A, %iota3A : vector<1000x256xi32>
    %convert_element_type3A = arith.extui %eq3A_2 : vector<1000x256xi1> to vector<1000x256xi32>
    %convert_element_type3A_3 = arith.sitofp %convert_element_type3A : vector<1000x256xi32> to vector<1000x256xf32>
    %convert_element_type3A_4 = arith.truncf %convert_element_type3A_3 : vector<1000x256xf32> to vector<1000x256xbf16>
    %get3A_5 = arith.constant 0 : index
    %get3A_6 = arith.constant 0 : index
    %get3A_7 = vector.load %arg5[%get3A_5, %get3A_6] : memref<256x128xf32, #tpu.memory_space<vmem>>, vector<256x128xf32>
    %convert_element_type3A_8 = arith.truncf %get3A_7 : vector<256x128xf32> to vector<256x128xbf16>
    %dot_general3A = arith.constant dense<0.000000e+00> : vector<1000x128xf32>
    %dot_general3A_9 = tpu.matmul %convert_element_type3A_4, %convert_element_type3A_8, %dot_general3A {dimension_numbers = #tpu.dot_dimension_numbers<[1], [0], [0], [1], [0, 0, 1, 1], [], []>, transpose_lhs_hint = false} : vector<1000x256xbf16>, vector<256x128xbf16>, vector<1000x128xf32> -> vector<1000x128xf32>
    %get3A_10 = arith.constant 0 : index
    %get3A_11 = arith.constant 0 : index
    %get3A_12 = vector.load %arg2[%get3A_10, %get3A_11] : memref<1000x128xf32, #tpu.memory_space<vmem>>, vector<1000x128xf32>
    %convert_element_type3A_13 = arith.truncf %get3A_12 : vector<1000x128xf32> to vector<1000x128xbf16>
    %get3A_14 = arith.constant 0 : index
    %get3A_15 = arith.constant 0 : index
    %get3A_16 = vector.load %arg6[%get3A_14, %get3A_15] : memref<512x384xf32, #tpu.memory_space<vmem>>, vector<128x384xf32>
    %convert_element_type3A_17 = arith.truncf %get3A_16 : vector<128x384xf32> to vector<128x384xbf16>
    %dot_general3A_18 = arith.constant dense<0.000000e+00> : vector<1000x384xf32>
    %dot_general3A_19 = tpu.matmul %convert_element_type3A_13, %convert_element_type3A_17, %dot_general3A_18 {dimension_numbers = #tpu.dot_dimension_numbers<[1], [0], [0], [1], [0, 0, 1, 1], [], []>, transpose_lhs_hint = false} : vector<1000x128xbf16>, vector<128x384xbf16>, vector<1000x384xf32> -> vector<1000x384xf32>
    %get3A_20 = arith.constant 0 : index
    %get3A_21 = arith.constant 0 : index
    %get3A_22 = vector.load %arg3[%get3A_20, %get3A_21] : memref<1000x128xf32, #tpu.memory_space<vmem>>, vector<1000x128xf32>
    %convert_element_type3A_23 = arith.truncf %get3A_22 : vector<1000x128xf32> to vector<1000x128xbf16>
    %get3A_24 = arith.constant 128 : index
    %get3A_25 = arith.constant 0 : index
    %get3A_26 = vector.load %arg6[%get3A_24, %get3A_25] : memref<512x384xf32, #tpu.memory_space<vmem>>, vector<128x384xf32>
    %convert_element_type3A_27 = arith.truncf %get3A_26 : vector<128x384xf32> to vector<128x384xbf16>
    %dot_general3A_28 = arith.constant dense<0.000000e+00> : vector<1000x384xf32>
    %dot_general3A_29 = tpu.matmul %convert_element_type3A_23, %convert_element_type3A_27, %dot_general3A_28 {dimension_numbers = #tpu.dot_dimension_numbers<[1], [0], [0], [1], [0, 0, 1, 1], [], []>, transpose_lhs_hint = false} : vector<1000x128xbf16>, vector<128x384xbf16>, vector<1000x384xf32> -> vector<1000x384xf32>
    %add3A = arith.addf %dot_general3A_19, %dot_general3A_29 : vector<1000x384xf32>
    %get3A_30 = arith.constant 0 : index
    %get3A_31 = arith.constant 0 : index
    %get3A_32 = vector.load %arg4[%get3A_30, %get3A_31] : memref<1000x128xf32, #tpu.memory_space<vmem>>, vector<1000x128xf32>
    %convert_element_type3A_33 = arith.truncf %get3A_32 : vector<1000x128xf32> to vector<1000x128xbf16>
    %get3A_34 = arith.constant 256 : index
    %get3A_35 = arith.constant 0 : index
    %get3A_36 = vector.load %arg6[%get3A_34, %get3A_35] : memref<512x384xf32, #tpu.memory_space<vmem>>, vector<128x384xf32>
    %convert_element_type3A_37 = arith.truncf %get3A_36 : vector<128x384xf32> to vector<128x384xbf16>
    %dot_general3A_38 = arith.constant dense<0.000000e+00> : vector<1000x384xf32>
    %dot_general3A_39 = tpu.matmul %convert_element_type3A_33, %convert_element_type3A_37, %dot_general3A_38 {dimension_numbers = #tpu.dot_dimension_numbers<[1], [0], [0], [1], [0, 0, 1, 1], [], []>, transpose_lhs_hint = false} : vector<1000x128xbf16>, vector<128x384xbf16>, vector<1000x384xf32> -> vector<1000x384xf32>
    %add3A_40 = arith.addf %add3A, %dot_general3A_39 : vector<1000x384xf32>
    %convert_element_type3A_41 = arith.truncf %dot_general3A_9 : vector<1000x128xf32> to vector<1000x128xbf16>
    %get3A_42 = arith.constant 384 : index
    %get3A_43 = arith.constant 0 : index
    %get3A_44 = vector.load %arg6[%get3A_42, %get3A_43] : memref<512x384xf32, #tpu.memory_space<vmem>>, vector<128x384xf32>
    %convert_element_type3A_45 = arith.truncf %get3A_44 : vector<128x384xf32> to vector<128x384xbf16>
    %dot_general3A_46 = arith.constant dense<0.000000e+00> : vector<1000x384xf32>
    %dot_general3A_47 = tpu.matmul %convert_element_type3A_41, %convert_element_type3A_45, %dot_general3A_46 {dimension_numbers = #tpu.dot_dimension_numbers<[1], [0], [0], [1], [0, 0, 1, 1], [], []>, transpose_lhs_hint = false} : vector<1000x128xbf16>, vector<128x384xbf16>, vector<1000x384xf32> -> vector<1000x384xf32>
    %add3A_48 = arith.addf %add3A_40, %dot_general3A_47 : vector<1000x384xf32>
    %get3A_49 = arith.constant 0 : index
    %get3A_50 = arith.constant 0 : index
    %get3A_51 = vector.load %arg7[%get3A_49, %get3A_50] : memref<1x384xf32, #tpu.memory_space<vmem>>, vector<1x384xf32>
    %add3A_52 = vector.broadcast %get3A_51 : vector<1x384xf32> to vector<1000x384xf32>
    %add3A_53 = arith.addf %add3A_48, %add3A_52 : vector<1000x384xf32>
    %gt3A = arith.constant 0.000000e+00 : f32
    %gt3A_54 = vector.broadcast %gt3A : f32 to vector<1000x384xf32>
    %gt3A_55 = arith.cmpf ogt, %add3A_53, %gt3A_54 : vector<1000x384xf32>
    %mul3A = arith.constant 0.00999999977 : f32
    %mul3A_56 = vector.broadcast %mul3A : f32 to vector<1000x384xf32>
    %mul3A_57 = arith.mulf %mul3A_56, %add3A_53 : vector<1000x384xf32>
    %select_n3A = arith.select %gt3A_55, %add3A_53, %mul3A_57 : vector<1000x384xi1>, vector<1000x384xf32>
    %convert_element_type3A_58 = arith.truncf %select_n3A : vector<1000x384xf32> to vector<1000x384xbf16>
    %get3A_59 = arith.constant 0 : index
    %get3A_60 = arith.constant 0 : index
    %get3A_61 = vector.load %arg8[%get3A_59, %get3A_60] : memref<384x256xf32, #tpu.memory_space<vmem>>, vector<384x256xf32>
    %convert_element_type3A_62 = arith.truncf %get3A_61 : vector<384x256xf32> to vector<384x256xbf16>
    %dot_general3A_63 = arith.constant dense<0.000000e+00> : vector<1000x256xf32>
    %dot_general3A_64 = tpu.matmul %convert_element_type3A_58, %convert_element_type3A_62, %dot_general3A_63 {dimension_numbers = #tpu.dot_dimension_numbers<[1], [0], [0], [1], [0, 0, 1, 1], [], []>, transpose_lhs_hint = false} : vector<1000x384xbf16>, vector<384x256xbf16>, vector<1000x256xf32> -> vector<1000x256xf32>
    %get3A_65 = arith.constant 0 : index
    %get3A_66 = arith.constant 0 : index
    %get3A_67 = vector.load %arg9[%get3A_65, %get3A_66] : memref<1x256xf32, #tpu.memory_space<vmem>>, vector<1x256xf32>
    %add3A_68 = vector.broadcast %get3A_67 : vector<1x256xf32> to vector<1000x256xf32>
    %add3A_69 = arith.addf %dot_general3A_64, %add3A_68 : vector<1000x256xf32>
    %gt3A_70 = arith.constant 0.000000e+00 : f32
    %gt3A_71 = vector.broadcast %gt3A_70 : f32 to vector<1000x256xf32>
    %gt3A_72 = arith.cmpf ogt, %add3A_69, %gt3A_71 : vector<1000x256xf32>
    %mul3A_73 = arith.constant 0.00999999977 : f32
    %mul3A_74 = vector.broadcast %mul3A_73 : f32 to vector<1000x256xf32>
    %mul3A_75 = arith.mulf %mul3A_74, %add3A_69 : vector<1000x256xf32>
    %select_n3A_76 = arith.select %gt3A_72, %add3A_69, %mul3A_75 : vector<1000x256xi1>, vector<1000x256xf32>
    %convert_element_type3A_77 = arith.truncf %select_n3A_76 : vector<1000x256xf32> to vector<1000x256xbf16>
    %get3A_78 = arith.constant 0 : index
    %get3A_79 = arith.constant 0 : index
    %get3A_80 = vector.load %arg10[%get3A_78, %get3A_79] : memref<256x1xf32, #tpu.memory_space<vmem>>, vector<256x1xf32>
    %convert_element_type3A_81 = arith.truncf %get3A_80 : vector<256x1xf32> to vector<256x1xbf16>
    %dot_general3A_82 = arith.constant dense<0.000000e+00> : vector<1000x1xf32>
    %dot_general3A_83 = tpu.matmul %convert_element_type3A_77, %convert_element_type3A_81, %dot_general3A_82 {dimension_numbers = #tpu.dot_dimension_numbers<[1], [0], [0], [1], [0, 0, 1, 1], [], []>, transpose_lhs_hint = false} : vector<1000x256xbf16>, vector<256x1xbf16>, vector<1000x1xf32> -> vector<1000x1xf32>
    %get3A_84 = arith.constant 0 : index
    %get3A_85 = arith.constant 0 : index
    %get3A_86 = vector.load %arg11[%get3A_84, %get3A_85] : memref<1x1xf32, #tpu.memory_space<vmem>>, vector<1x1xf32>
    %add3A_87 = vector.broadcast %get3A_86 : vector<1x1xf32> to vector<1000x1xf32>
    %add3A_88 = arith.addf %dot_general3A_83, %add3A_87 : vector<1000x1xf32>
    %logistic3A = arith.negf %add3A_88 : vector<1000x1xf32>
    %logistic3A_89 = math.exp %logistic3A : vector<1000x1xf32>
    %logistic3A_90 = arith.constant 1.000000e+00 : f32
    %logistic3A_91 = vector.broadcast %logistic3A_90 : f32 to vector<1000x1xf32>
    %logistic3A_92 = arith.addf %logistic3A_91, %logistic3A_89 : vector<1000x1xf32>
    %logistic3A_93 = arith.divf %logistic3A_91, %logistic3A_92 : vector<1000x1xf32>
    %swap3A = arith.constant 0 : index
    %swap3A_94 = arith.constant 0 : index
    %swap3A_95 = vector.load %arg12[%swap3A, %swap3A_94] : memref<1000x1xf32, #tpu.memory_space<vmem>>, vector<1000x1xf32>
    tpu.vector_store %arg12[%swap3A, %swap3A_94], %logistic3A_93 {strides = array<i32>} : memref<1000x1xf32, #tpu.memory_space<vmem>>, vector<1000x1xf32>,
    return
  }
  func.func @transform_0(%arg0: i32) -> (i32, i32) {
    %c0_i32 = arith.constant 0 : i32
    %c0_i32_0 = arith.constant 0 : i32
    return %arg0, %c0_i32 : i32, i32
  }
  func.func @transform_1(%arg0: i32) -> (i32, i32) {
    %c0_i32 = arith.constant 0 : i32
    %c0_i32_0 = arith.constant 0 : i32
    return %arg0, %c0_i32 : i32, i32
  }
  func.func @transform_2(%arg0: i32) -> (i32, i32) {
    %c0_i32 = arith.constant 0 : i32
    %c0_i32_0 = arith.constant 0 : i32
    return %arg0, %c0_i32 : i32, i32
  }
  func.func @transform_3(%arg0: i32) -> (i32, i32) {
    %c0_i32 = arith.constant 0 : i32
    %c0_i32_0 = arith.constant 0 : i32
    return %arg0, %c0_i32 : i32, i32
  }
  func.func @transform_4(%arg0: i32) -> (i32, i32) {
    %c0_i32 = arith.constant 0 : i32
    %c0_i32_0 = arith.constant 0 : i32
    %c0_i32_1 = arith.constant 0 : i32
    return %c0_i32, %c0_i32_0 : i32, i32
  }
  func.func @transform_5(%arg0: i32) -> (i32, i32) {
    %c0_i32 = arith.constant 0 : i32
    %c0_i32_0 = arith.constant 0 : i32
    %c0_i32_1 = arith.constant 0 : i32
    return %c0_i32, %c0_i32_0 : i32, i32
  }
  func.func @transform_6(%arg0: i32) -> (i32, i32) {
    %c0_i32 = arith.constant 0 : i32
    %c0_i32_0 = arith.constant 0 : i32
    %c0_i32_1 = arith.constant 0 : i32
    return %c0_i32, %c0_i32_0 : i32, i32
  }
  func.func @transform_7(%arg0: i32) -> (i32, i32) {
    %c0_i32 = arith.constant 0 : i32
    %c0_i32_0 = arith.constant 0 : i32
    %c0_i32_1 = arith.constant 0 : i32
    return %c0_i32, %c0_i32_0 : i32, i32
  }
  func.func @transform_8(%arg0: i32) -> (i32, i32) {
    %c0_i32 = arith.constant 0 : i32
    %c0_i32_0 = arith.constant 0 : i32
    %c0_i32_1 = arith.constant 0 : i32
    return %c0_i32, %c0_i32_0 : i32, i32
  }
  func.func @transform_9(%arg0: i32) -> (i32, i32) {
    %c0_i32 = arith.constant 0 : i32
    %c0_i32_0 = arith.constant 0 : i32
    %c0_i32_1 = arith.constant 0 : i32
    return %c0_i32, %c0_i32_0 : i32, i32
  }
  func.func @transform_10(%arg0: i32) -> (i32, i32) {
    %c0_i32 = arith.constant 0 : i32
    %c0_i32_0 = arith.constant 0 : i32
    %c0_i32_1 = arith.constant 0 : i32
    return %c0_i32, %c0_i32_0 : i32, i32
  }
  func.func @transform_11(%arg0: i32) -> (i32, i32) {
    %c0_i32 = arith.constant 0 : i32
    %c0_i32_0 = arith.constant 0 : i32
    return %arg0, %c0_i32 : i32, i32
  }
}

</mosaic_0001>

<sc_bundles>
// kernel: kernel.12.cloned.1.call-start
scs
__scs_entry_jumppad:
0x0: {  	(pc) =	sbr.rel $0x88, $3  }
0x1: {  	(tag) =	ssettag $0x0;
	lr =	simm.s32 $0x1  }
0x2: {  	[smem:$0x3F8F] =	sst lr;
	_ =	strace $0xD0000000  }
0x3: {  	_ = 	snop  }
0x4: {  	_ = 	snop  }
0x5: {  	_ = 	snop  }
0x6: {  	_ = 	snop  }
0x7: {  	_ = 	snop  }
__scs_overlays_trampoline_lowered:
0x8: {  	[smem:$0x3F9E] =	sst s0  }
0x9: {  	[smem:$0x3F9F] =	sst s1  }
0xa: {  	[smem:$0x3FA0] =	sst s2  }
0xb: {  	[smem:$0x3FA1] =	sst s3  }
0xc: {  	[smem:$0x3FA2] =	sst s4  }
0xd: {  	[smem:$0x3FA3] =	sst s5  }
0xe: {  	[smem:$0x3FA4] =	sst s6  }
0xf: {  	[smem:$0x3FA5] =	sst s7  }
0x10: {  	[smem:$0x3FA6] =	sst s8  }
0x11: {  	[smem:$0x3FA7] =	sst s9;
	s0 =	simm.s32 @!p0 $0x0  }
0x12: {  	s1 =	sld [smem:$0x3F8D];
	s0 =	simm.s32 @p0 $0x1  }
0x13: {  	[smem:$0x3FA8] =	sst s0;
	s0 =	simm.s32 @!p1 $0x0  }
0x14: {  	s2 =	sld [smem:$0x3F8C];
	s0 =	simm.s32 @p1 $0x1  }
0x15: {  	[smem:$0x3FA9] =	sst s0;
	s0 =	simm.s32 @!p2 $0x0  }
0x16: {  	s3 =	sld [smem:$0x3FDB];
	s0 =	simm.s32 @p2 $0x1  }
0x17: {  	s4 =	simm.s32 $0x1BF5;
	[smem:$0x3FAB] =	sst s0  }
0x18: {  	s0 =	sld [smem:$0x3F8E];
	_ =	swait.ge [sflag:s4], $0x0  }
0x19: {  	s7 =	sld [smem:$0x3F8F]  }
0x1a: {  	s8 =	sadd.s32 $0xFFFFE003, lr  }
0x1b: {  	s9 =	sadd.s32 $0xFFFFFEF7, lr;
	s5 =	simm.s32 $0xFFFFFFFF;
	p2 =	slt.u32 s8, $0xFFFFF086  }
0x1c: {  	p1 =	slt.u32 s9, $0xF7A;
	s5 =	simm.s32 @!p2 $0x0  }
0x1d: {  	s5 =	simm.s32 @p1 $0x1;
	p0 =	seq.s32 s7, s2  }
0x1e: {  	s7 =	smul.u32 @!p0 $0xF7A, s2;
	p2 =	seq.s32 @!p0 s5, $0x0  }
0x1f: {  	s9 =	smul.u32 $0xF7A, s1;
	s8 =	simm.s32 @!p0 $0x1BF5;
	p2 =	por !p2, p0  }
0x20: {  	[sflag:s8] =	ssyncset.s32 @!p0 $0xFFFFF086;
	s6 =	sadd.s32 @!p0 s3, s7;
	s7 =	simm.s32 @!p0 $0x108  }
0x21: {  	s3 =	sadd.s32 s3, s9;
	s6 =	sadd.s32 @!p0 $0x88, s6;
	s7 =	simm.s32 @p2 $0x1082  }
0x22: {  	[simem:s7], [sflag:s8] =	dma.local @!p0 [hbm:s6], $0xF7A  }
0x23: {  	s9 =	sor.u32 $0xD0000000, s2;
	s6 =	simm.s32 $0x108;
	_ =	swait.ge @!p0 [sflag:s8], $0x0  }
0x24: {  	s3 =	sadd.s32 $0x88, s3;
	s6 =	simm.s32 @!p1 $0x1082;
	[sflag:s4] =	ssyncset.s32 $0xFFFFF086  }
0x25: {  	[simem:s6], [sflag:s4] =	dma.local [hbm:s3], $0xF7A  }
0x26: {  	[smem:$0x3F8F] =	sst s1;
	(tag) =	ssettag s2;
	_ =	strace s9  }
0x27: {  	s1 =	sld [smem:$0x3F9F]  }
0x28: {  	s2 =	sld [smem:$0x3FA0]  }
0x29: {  	s4 =	sld [smem:$0x3FA2]  }
0x2a: {  	p0 =	seq.s32 s5, $0x0;
	s5 =	sld [smem:$0x3FA3]  }
0x2b: {  	s6 =	sld [smem:$0x3FA4]  }
0x2c: {  	s7 =	sld [smem:$0x3FA5]  }
0x2d: {  	s3 =	simm.s32 $0x108;
	s8 =	sld [smem:$0x3FA6]  }
0x2e: {  	s3 =	simm.s32 @!p0 $0x1082;
	s9 =	sld [smem:$0x3FA7]  }
0x2f: {  	lr =	sadd.s32 s0, s3;
	s0 =	sld [smem:$0x3F9E]  }
0x30: {  	s3 =	sld [smem:$0x3FA1]  }
0x31: {  	[smem:$0x3FAA] =	sst s10  }
0x32: {  	s10 =	sld [smem:$0x3FA8];
	_ =	sdelay $0x3  }
0x33: {  	p0 =	seq.s32 s10, $0x1;
	s10 =	sld [smem:$0x3FAA];
	_ =	sdelay $0x3  }
0x34: {  	[smem:$0x3FAA] =	sst s10  }
0x35: {  	s10 =	sld [smem:$0x3FA9];
	_ =	sdelay $0x3  }
0x36: {  	p1 =	seq.s32 s10, $0x1;
	s10 =	sld [smem:$0x3FAA];
	_ =	sdelay $0x3  }
0x37: {  	[smem:$0x3FAA] =	sst s10  }
0x38: {  	s10 =	sld [smem:$0x3FAB]  }
0x39: {  	_ = 	snop;
	(pc) =	sbr.ind lr, $3  }
0x3a: {  	_ = 	snop  }
0x3b: {  	_ = 	snop  }
0x3c: {  	p2 =	seq.s32 s10, $0x1;
	s10 =	sld [smem:$0x3FAA]  }
0x3d: {  	_ =	shalt  }
0x3e: {  	_ =	shalt  }
0x3f: {  	_ =	shalt  }
0x40: {  	_ =	shalt  }
0x41: {  	_ =	shalt  }
0x42: {  	_ =	shalt  }
0x43: {  	_ =	shalt  }
0x44: {  	_ =	shalt  }
0x45: {  	_ =	shalt  }
0x46: {  	_ =	shalt  }
0x47: {  	_ =	shalt  }
0x48: {  	_ =	shalt  }
0x49: {  	_ =	shalt  }
0x4a: {  	_ =	shalt  }
0x4b: {  	_ =	shalt  }
0x4c: {  	_ =	shalt  }
0x4d: {  	_ =	shalt  }
0x4e: {  	_ =	shalt  }
0x4f: {  	_ =	shalt  }
0x50: {  	_ =	shalt  }
0x51: {  	_ =	shalt  }
0x52: {  	_ =	shalt  }
0x53: {  	_ =	shalt  }
0x54: {  	_ =	shalt  }
0x55: {  	_ =	shalt  }
0x56: {  	_ =	shalt  }
0x57: {  	_ =	shalt  }
0x58: {  	_ =	shalt  }
0x59: {  	_ =	shalt  }
0x5a: {  	_ =	shalt  }
0x5b: {  	_ =	shalt  }
0x5c: {  	_ =	shalt  }
0x5d: {  	_ =	shalt  }
0x5e: {  	_ =	shalt  }
0x5f: {  	_ =	shalt  }
0x60: {  	_ =	shalt  }
0x61: {  	_ =	shalt  }
0x62: {  	_ =	shalt  }
0x63: {  	_ =	shalt  }
0x64: {  	_ =	shalt  }
0x65: {  	_ =	shalt  }
0x66: {  	_ =	shalt  }
0x67: {  	_ =	shalt  }
0x68: {  	_ =	shalt  }
0x69: {  	_ =	shalt  }
0x6a: {  	_ =	shalt  }
0x6b: {  	_ =	shalt  }
0x6c: {  	_ =	shalt  }
0x6d: {  	_ =	shalt  }
0x6e: {  	_ =	shalt  }
0x6f: {  	_ =	shalt  }
0x70: {  	_ =	shalt  }
0x71: {  	_ =	shalt  }
0x72: {  	_ =	shalt  }
0x73: {  	_ =	shalt  }
0x74: {  	_ =	shalt  }
0x75: {  	_ =	shalt  }
0x76: {  	_ =	shalt  }
0x77: {  	_ =	shalt  }
0x78: {  	_ =	shalt  }
0x79: {  	_ =	shalt  }
0x7a: {  	_ =	shalt  }
0x7b: {  	_ =	shalt  }
0x7c: {  	_ =	shalt  }
0x7d: {  	_ =	shalt  }
0x7e: {  	_ =	shalt  }
0x7f: {  	_ =	shalt  }
0x80: {  	_ =	shalt  }
0x81: {  	_ =	shalt  }
0x82: {  	_ =	shalt  }
0x83: {  	_ =	shalt  }
0x84: {  	_ =	shalt  }
0x85: {  	_ =	shalt  }
0x86: {  	_ =	shalt  }
0x87: {  	_ =	shalt  }
.Lfunc_end0:
.L_simem_size_0:
called_computation.1_lowered:
.L_overlay_start_0:
0x88: {  	s2 =	sld [smem:$0x3FD9]  }
0x89: {  	s3 =	sld [smem:$0x3FFE];
	_ =	sdelay $0x1  }
0x8a: {  	s1 =	srdreg.scid  }
0x8b: {  	s0 =	sand.u32 $0x1, s1  }
0x8c: {  	s16 =	sshll.u32 s0, $0xA;
	s2 =	sadd.s32 s3, s2  }
0x8d: {  	s2 =	sadd.s32 s2, s16  }
0x8e: {  	[smem:$0x3FB6] =	sst s2  }
0x8f: {  	_ = 	snop  }
0x90: {  	(tm) =	ssettm $0x1  }
0x91: {  	s17 =	sld [smem:$0x3FFB];
	_ =	sdelay $0x3  }
0x92: {  	_ =	strace s17  }
0x93: {  	s2 =	sld [smem:$0x3FFC];
	_ =	sdelay $0x3  }
0x94: {  	_ =	strace s2  }
0x95: {  	s2 =	sld [smem:$0x3FFD];
	_ =	sdelay $0x3  }
0x96: {  	_ =	strace s2  }
0x97: {  	_ =	strace $0x8FFFFFFF  }
0x98: {  	s18 =	sld [smem:$0x3FDB];
	_ =	sdelay $0x1  }
0x99: {  	s19 =	simm.s32 $_scs_section_size  }
0x9a: {  	s4 =	simm.s32 $_size__tile_overlayer_lowered;
	s5 =	simm.s32 $_tile_overlayer_lowered  }
0x9b: {  	s22 =	simm.s32 $0x1BFF;
	s21 =	sshll.u32 s5, $0x1;
	s2 =	sadd.s32 s19, s18  }
0x9c: {  	s6 =	simm.s32 $0x0;
	s20 =	sshll.u32 s4, $0x1;
	s4 =	sadd.s32 s21, s2  }
0x9d: {  	[timem:s6], [sflag:s22] =	dma.local [hbm:s4], s20  }
0x9e: {  	_ =	swait.ge [sflag:s22], s20  }
0x9f: {  	s3 =	ssub.s32 $0x0, s20;
	[sflag:s22] =	ssyncset.done $0x0  }
0xa0: {  	[sflag:s22] =	ssyncadd.s32 s3;
	_ =	sdelay $0x1  }
0xa1: {  	s23 =	simm.s32 $0x1B8B  }
0xa2: {  	_ =	swait.ge [sflag:s23], $0x1  }
0xa3: {  	[sflag:s23] =	ssyncset.done $0x0  }
0xa4: {  	s25 =	simm.s32 $0x1B8E;
	s24 =	sld [smem:$0x3FFE];
	[sflag:s23] =	ssyncadd.s32 $0xFFFFFFFF  }
0xa5: {  	s26 =	simm.s32 $execute0_lowered;
	[smem:$0x3FD2] =	sst s25  }
0xa6: {  	s4 =	sshll.u32 s26, $0x1;
	_ =	strace $0x80000049;
	[dreg:$0x1] =	wrdreg $0xFFFFFFFF  }
0xa7: {  	s28 =	simm.s32 $_size_execute0_lowered;
	s2 =	sadd.s32 s2, s4;
	[dreg:$0x0] =	wrdreg $0x0  }
0xa8: {  	s4 =	sshll.u32 s28, $0x1;
	[dreg:$0x2] =	wrdreg s2  }
0xa9: {  	[dreg:$0x3] =	wrdreg s4  }
0xaa: {  	[dreg:$0x4] =	wrdreg $0xC0  }
0xab: {  	_ =	task [dreg:s6], $0x5FFFF  }
0xac: {  	[dreg:$0x1] =	wrdreg $0xFFFFFFFF  }
0xad: {  	[dreg:$0x0] =	wrdreg $0x60  }
0xae: {  	[dreg:$0x2] =	wrdreg s24  }
0xaf: {  	[dreg:$0x3] =	wrdreg $0xA4000  }
0xb0: {  	[dreg:$0x4] =	wrdreg $0x9  }
0xb1: {  	_ =	task.clear_ibuf [dreg:s6], $0x5FFFF;
	_ =	strace $0x90000049  }
0xb2: {  	s29 =	simm.s32 $0x9;
	_ =	strace $0x8000004B  }
0xb3: {  	_ =	swait.ge [sflag:s29], $0x1  }
0xb4: {  	[sflag:s29] =	ssyncadd.s32 $0xFFFFFFFF  }
0xb5: {  	_ =	strace $0x9000004B  }
0xb6: {  	_ =	sfence  }
0xb7: {  	s30 =	sld [smem:$0x0];
	_ =	sdelay $0x2  }
0xb8: {  	s31 =	sshll.u32 s1, $0xD;
	s1 =	sshrl.u32 s1, $0x2  }
0xb9: {  	s3 =	sand.u32 $0x4000, s31;
	s1 =	sadd.s32 s1, s30  }
0xba: {  	s0 =	sor.u32 s3, s0;
	s1 =	sshll.u32 s1, $0x11  }
0xbb: {  	s0 =	sor.u32 s1, s0  }
0xbc: {  	s0 =	sadd.s32 $0x8F2B, s0  }
0xbd: {  	[sflag:s0] =	ssyncadd.remote.s32 $0x1  }
0xbe: {  	_ =	sfence.sel $0xFFFF  }
0xbf: {  	[dreg:$0x0] =	wrdreg $0xFFFFFFFF;
	(pc) =	sbr.abs _section_cstart, $3  }
0xc0: {  	[dreg:$0x1] =	wrdreg $0xFFFFFFFF  }
0xc1: {  	_ =	task.clear_ibuf [dreg:s6], $0x2FFFF;
	_ =	strace $0x9FFFFFFF  }
0xc2: {  	(tm) =	ssettm $0x7FFFFFFF  }
0xc3: {  	_ =	shalt  }
tec
execute0_lowered:
.L_overlay_start_1:
0x0: {  	(tag) =	ssettag $0x1  }
0x1: {  	s0 =	rddreg [dreg:$0x0]  }
0x2: {  	s2 =	rddreg [dreg:$0x1];
	s3 =	simm.s32 $0x0;
	s12 =	stileid.u32  }
0x3: {  	s1 =	srdreg.scid;
	s28 =	simm.s32 $0x2;
	s29 =	simm.s32 $0x3  }
0x4: {  	s30 =	simm.s32 $0x4;
	s31 =	simm.s32 $0x5;
	[smem:$0x7FF] =	sst s3  }
0x5: {  	s5 =	smul.u32 $0x14000, s12;
	s1 =	sand.u32 $0x1, s1;
	s4 =	sadd.s32 $0x40400, s0  }
0x6: {  	s8 =	sadd.s32 $0xE600, s0;
	s9 =	sadd.s32 $0x4800, s0;
	s10 =	smul.u32 $0x50000, s12  }
0x7: {  	s13 =	sshll.u32 s12, $0x6;
	_ =	strace $0x8000004A;
	s6 =	smul.u32 $0x140000, s1  }
0x8: {  	s25 =	sshll.u32 s1, $0x4;
	s26 =	ssub.s32 $0x2, s1;
	s1 =	smul.u32 $0x27100, s1  }
0x9: {  	s7 =	sshrl.u32 s5, $0x3;
	s11 =	sshrl.u32 s26, $0x1;
	s10 =	sshrl.u32 s10, $0x2  }
0xa: {  	s7 =	sadd.s32 s7, s0;
	s5 =	sadd.s32 s5, s6;
	s6 =	sor.u32 s12, s25  }
0xb: {  	s10 =	sadd.s32 s10, s2;
	s5 =	sshrl.u32 s5, $0x3;
	s6 =	smul.u32 $0x2710, s6  }
0xc: {  	[dreg:$0xa] =	wrdreg s10;
	s7 =	sadd.s32 $0x18400, s7;
	s0 =	sadd.s32 s5, s0  }
0xd: {  	s5 =	ssub.s32 s26, s11;
	s11 =	smul.u32 $0x2710, s12;
	[dreg:$0xb] =	wrdreg s7  }
0xe: {  	s7 =	sor.u32 $0x1C06, s13;
	s13 =	simm.s32 $0x6;
	s6 =	sshrl.u32 s6, $0x3  }
0xf: {  	s0 =	sadd.s32 $0x8E800, s0;
	s6 =	sadd.s32 $0x4D8, s6;
	s1 =	sadd.s32 s11, s1  }
0x10: {  	[dreg:$0xe] =	wrdreg s0;
	s11 =	smax.u32 s5, $0x1;
	s0 =	simm.s32 $0x0  }
0x11: {  	s14 =	sadd.s32 s8, s6;
	s6 =	sadd.s32 s9, s6;
	s15 =	sshrl.u32 s1, $0x3  }
0x12: {  	s17 =	sadd.s32 $0xF0, s1;
	s21 =	sadd.s32 $0xA0, s1;
	[dreg:$0xc] =	wrdreg s14  }
0x13: {  	s1 =	sadd.s32 $0x50, s1;
	[dreg:$0xd] =	wrdreg s6;
	s16 =	sadd.s32 s15, s9  }
0x14: {  	s18 =	sadd.s32 s15, s8;
	s19 =	sshrl.u32 s17, $0x3;
	s23 =	sshrl.u32 s21, $0x3  }
0x15: {  	s1 =	sshrl.u32 s1, $0x3;
	s14 =	simm.s32 $0x200;
	s15 =	simm.s32 $0x50  }
0x16: {  	s17 =	simm.s32 $0x80;
	s21 =	simm.s32 $0x300;
	[dreg:$0x3] =	wrdreg s16  }
0x17: {  	[dreg:$0x4] =	wrdreg s18;
	s20 =	sadd.s32 s19, s9;
	s22 =	sadd.s32 s19, s8  }
0x18: {  	s24 =	sadd.s32 s23, s9;
	s25 =	sadd.s32 s23, s8;
	[dreg:$0x5] =	wrdreg s20  }
0x19: {  	s26 =	sadd.s32 s1, s9;
	s12 =	sadd.s32 s1, s8;
	[dreg:$0x6] =	wrdreg s22  }
0x1a: {  	s16 =	simm.s32 $0x400;
	s18 =	simm.s32 $0x280;
	[dreg:$0x7] =	wrdreg s24  }
0x1b: {  	s19 =	simm.s32 $0x2C00;
	s23 =	simm.s32 $0x180;
	[dreg:$0x8] =	wrdreg s25  }
0x1c: {  	[dreg:$0x9] =	wrdreg s26;
	s20 =	simm.s32 $0x100;
	s22 =	simm.s32 $0x5400  }
0x1d: {  	s24 =	simm.s32 $0x380;
	s25 =	simm.s32 $0x7C00;
	s26 =	simm.s32 $0x1  }
.LBB2_1:
0x1e: {  	s1 =	rddreg [dreg:$0xa]  }
0x1f: {  	s5 =	rddreg [dreg:$0xb];
	s1 =	sshrl.u32 s1, $0x3  }
0x20: {  	[spmem:s1], [sflag:s7] =	dma.local [hbm:s5], $0x2800  }
0x21: {  	_ =	swait.ge [sflag:s13], $0x2800  }
0x22: {  	[sflag:s13] =	ssyncset.done $0x0  }
0x23: {  	p0 =	por $0x1, $0x1;
	[sflag:s13] =	ssyncadd.s32 $0xFFFFD800  }
0x24: {  	s5 =	simm.s32 @!p0 $0x5;
	[bflag:$0x0] =	sbarrier.arrive $0xFFFF  }
0x25: {  	_ =	swait.ge @!p0 [sflag:s5], $0x2800  }
0x26: {  	s6 =	rddreg [dreg:$0x4];
	[sflag:s5] =	ssyncset.done @!p0 $0x0  }
0x27: {  	[sflag:s5] =	ssyncadd.s32 @!p0 $0xFFFFD800;
	s6 =	sadd.s32 $0x0, s6  }
0x28: {  	[tilespmem:s3], [sflag:$0x6] =	stream.linear.gather [hbm4b:s6+s3], $0x50, $0x38;
	[tilespmem:$0x1E400] =	vst v63  }
0x29: {  	_ =	swait.ge [sflag:s13], $0x50  }
0x2a: {  	s9 =	rddreg [dreg:$0x3];
	[sflag:s13] =	ssyncset.done $0x0  }
0x2b: {  	[sflag:s13] =	ssyncadd.s32 $0xFFFFFFB0;
	s6 =	sadd.s32 $0x0, s9  }
0x2c: {  	[tilespmem:s14], [sflag:$0x6] =	stream.linear.gather [hbm4b:s6+s3], $0x50, $0x38;
	[tilespmem:$0x1E400] =	vst v63  }
0x2d: {  	_ =	swait.ge [sflag:s13], $0x50  }
0x2e: {  	[sflag:s13] =	ssyncset.done $0x0  }
0x2f: {  	[sflag:s13] =	ssyncadd.s32 $0xFFFFFFB0  }
0x30: {  	[tilespmem:s16], [sflag:$0x1] =	stream.indirect.gather [hbm4b:s4+s15], $0x80, s3, s15, $0xb8;
	[tilespmem:$0x1E400] =	vst v63  }
0x31: {  	_ =	swait.ge @!p0 [sflag:s5], $0x2800  }
0x32: {  	[sflag:s5] =	ssyncset.done @!p0 $0x0  }
0x33: {  	s10 =	sadd.s32 $0x0, s12;
	[sflag:s5] =	ssyncadd.s32 @!p0 $0xFFFFD800  }
0x34: {  	[tilespmem:s17], [sflag:$0x6] =	stream.linear.gather [hbm4b:s10+s3], $0x50, $0x38;
	[tilespmem:$0x1E400] =	vst v63  }
0x35: {  	_ =	swait.ge [sflag:s13], $0x50  }
0x36: {  	s8 =	rddreg [dreg:$0x9];
	[sflag:s13] =	ssyncset.done $0x0  }
0x37: {  	[sflag:s13] =	ssyncadd.s32 $0xFFFFFFB0;
	s6 =	sadd.s32 $0x0, s8  }
0x38: {  	[tilespmem:s18], [sflag:$0x6] =	stream.linear.gather [hbm4b:s6+s3], $0x50, $0x38;
	[tilespmem:$0x1E400] =	vst v63  }
0x39: {  	_ =	swait.ge [sflag:s13], $0x50  }
0x3a: {  	[sflag:s13] =	ssyncset.done $0x0  }
0x3b: {  	[sflag:s13] =	ssyncadd.s32 $0xFFFFFFB0  }
0x3c: {  	[tilespmem:s19], [sflag:$0x2] =	stream.indirect.gather [hbm4b:s4+s15], $0x80, s17, s15, $0xb8;
	[tilespmem:$0x1E400] =	vst v63  }
0x3d: {  	_ =	swait.ge @!p0 [sflag:s5], $0x2800  }
0x3e: {  	s9 =	rddreg [dreg:$0x8];
	[sflag:s5] =	ssyncset.done @!p0 $0x0  }
0x3f: {  	[sflag:s5] =	ssyncadd.s32 @!p0 $0xFFFFD800;
	s6 =	sadd.s32 $0x0, s9  }
0x40: {  	[tilespmem:s20], [sflag:$0x6] =	stream.linear.gather [hbm4b:s6+s3], $0x50, $0x38;
	[tilespmem:$0x1E400] =	vst v63  }
0x41: {  	_ =	swait.ge [sflag:s13], $0x50  }
0x42: {  	s10 =	rddreg [dreg:$0x7];
	[sflag:s13] =	ssyncset.done $0x0  }
0x43: {  	[sflag:s13] =	ssyncadd.s32 $0xFFFFFFB0;
	s6 =	sadd.s32 $0x0, s10  }
0x44: {  	[tilespmem:s21], [sflag:$0x6] =	stream.linear.gather [hbm4b:s6+s3], $0x50, $0x38;
	[tilespmem:$0x1E400] =	vst v63  }
0x45: {  	_ =	swait.ge [sflag:s13], $0x50  }
0x46: {  	[sflag:s13] =	ssyncset.done $0x0  }
0x47: {  	[sflag:s13] =	ssyncadd.s32 $0xFFFFFFB0  }
0x48: {  	[tilespmem:s22], [sflag:$0x3] =	stream.indirect.gather [hbm4b:s4+s15], $0x80, s20, s15, $0xb8;
	[tilespmem:$0x1E400] =	vst v63  }
0x49: {  	_ =	swait.ge @!p0 [sflag:s5], $0x2800  }
0x4a: {  	s8 =	rddreg [dreg:$0x6];
	[sflag:s5] =	ssyncset.done @!p0 $0x0  }
0x4b: {  	[sflag:s5] =	ssyncadd.s32 @!p0 $0xFFFFD800;
	s9 =	sadd.s32 $0x0, s8  }
0x4c: {  	[tilespmem:s23], [sflag:$0x6] =	stream.linear.gather [hbm4b:s9+s3], $0x50, $0x38;
	[tilespmem:$0x1E400] =	vst v63  }
0x4d: {  	_ =	swait.ge [sflag:s13], $0x50  }
0x4e: {  	s10 =	rddreg [dreg:$0x5];
	[sflag:s13] =	ssyncset.done $0x0  }
0x4f: {  	[sflag:s13] =	ssyncadd.s32 $0xFFFFFFB0;
	s5 =	sadd.s32 $0x0, s10  }
0x50: {  	[tilespmem:s24], [sflag:$0x6] =	stream.linear.gather [hbm4b:s5+s3], $0x50, $0x38;
	[tilespmem:$0x1E400] =	vst v63  }
0x51: {  	_ =	swait.ge [sflag:s13], $0x50  }
0x52: {  	[sflag:s13] =	ssyncset.done $0x0  }
0x53: {  	[sflag:s13] =	ssyncadd.s32 $0xFFFFFFB0  }
0x54: {  	[tilespmem:s25], [sflag:$0x4] =	stream.indirect.gather [hbm4b:s4+s15], $0x80, s23, s15, $0xb8;
	[tilespmem:$0x1E400] =	vst v63  }
0x55: {  	_ =	swait.ge [sflag:s26], $0x2800  }
0x56: {  	[sflag:s26] =	ssyncset.done $0x0  }
0x57: {  	[sflag:s26] =	ssyncadd.s32 $0xFFFFD800  }
0x58: {  	[spmem:s2] =	stream.indirect.scatter.add.f32 [tilespmem:s16], [sflag:$0x5], $0x80, s14, s15, $0xb8;
	[tilespmem:$0x1E400] =	vst v63  }
0x59: {  	_ =	swait.ge [sflag:s28], $0x2800  }
0x5a: {  	[sflag:s28] =	ssyncset.done $0x0  }
0x5b: {  	[sflag:s28] =	ssyncadd.s32 $0xFFFFD800  }
0x5c: {  	[spmem:s2] =	stream.indirect.scatter.add.f32 [tilespmem:s19], [sflag:$0x5], $0x80, s18, s15, $0xb8;
	[tilespmem:$0x1E400] =	vst v63  }
0x5d: {  	_ =	swait.ge [sflag:s29], $0x2800  }
0x5e: {  	[sflag:s29] =	ssyncset.done $0x0  }
0x5f: {  	[sflag:s29] =	ssyncadd.s32 $0xFFFFD800  }
0x60: {  	[spmem:s2] =	stream.indirect.scatter.add.f32 [tilespmem:s22], [sflag:$0x5], $0x80, s21, s15, $0xb8;
	[tilespmem:$0x1E400] =	vst v63  }
0x61: {  	s6 =	simm.s32 $0x50;
	_ =	swait.ge [sflag:s30], $0x2800  }
0x62: {  	p0 =	por $0x0, $0x0;
	s5 =	simm.s32 $0x28;
	[sflag:s30] =	ssyncset.done $0x0  }
.LBB2_2:
0x63: {  	s9 =	simm.s32 @!p0 $0x5;
	[sflag:s30] =	ssyncadd.s32 $0xFFFFD800  }
0x64: {  	[spmem:s2] =	stream.indirect.scatter.add.f32 [tilespmem:s25], [sflag:$0x5], $0x80, s24, s15, $0xb8;
	[tilespmem:$0x1E400] =	vst v63  }
0x65: {  	_ =	swait.ge @!p0 [sflag:s9], $0x2800  }
0x66: {  	[sflag:s9] =	ssyncset.done @!p0 $0x0;
	s10 =	rddreg [dreg:$0x4]  }
0x67: {  	[sflag:s9] =	ssyncadd.s32 @!p0 $0xFFFFD800;
	s10 =	sadd.s32 s5, s10  }
0x68: {  	[tilespmem:s3], [sflag:$0x6] =	stream.linear.gather [hbm4b:s10+s3], $0x50, $0x38;
	[tilespmem:$0x1E400] =	vst v63  }
0x69: {  	_ =	swait.ge [sflag:s13], $0x50  }
0x6a: {  	s10 =	rddreg [dreg:$0x3];
	[sflag:s13] =	ssyncset.done $0x0  }
0x6b: {  	[sflag:s13] =	ssyncadd.s32 $0xFFFFFFB0;
	s10 =	sadd.s32 s5, s10  }
0x6c: {  	[tilespmem:s14], [sflag:$0x6] =	stream.linear.gather [hbm4b:s10+s3], $0x50, $0x38;
	[tilespmem:$0x1E400] =	vst v63  }
0x6d: {  	_ =	swait.ge [sflag:s13], $0x50  }
0x6e: {  	[sflag:s13] =	ssyncset.done $0x0  }
0x6f: {  	[sflag:s13] =	ssyncadd.s32 $0xFFFFFFB0  }
0x70: {  	[tilespmem:s16], [sflag:$0x1] =	stream.indirect.gather [hbm4b:s4+s15], $0x80, s3, s15, $0xb8;
	[tilespmem:$0x1E400] =	vst v63  }
0x71: {  	_ =	swait.ge @!p0 [sflag:s9], $0x2800  }
0x72: {  	[sflag:s9] =	ssyncset.done @!p0 $0x0  }
0x73: {  	s10 =	sadd.s32 s5, s12;
	[sflag:s9] =	ssyncadd.s32 @!p0 $0xFFFFD800  }
0x74: {  	[tilespmem:s17], [sflag:$0x6] =	stream.linear.gather [hbm4b:s10+s3], $0x50, $0x38;
	[tilespmem:$0x1E400] =	vst v63  }
0x75: {  	_ =	swait.ge [sflag:s13], $0x50  }
0x76: {  	s10 =	rddreg [dreg:$0x9];
	[sflag:s13] =	ssyncset.done $0x0  }
0x77: {  	[sflag:s13] =	ssyncadd.s32 $0xFFFFFFB0;
	s10 =	sadd.s32 s5, s10  }
0x78: {  	[tilespmem:s18], [sflag:$0x6] =	stream.linear.gather [hbm4b:s10+s3], $0x50, $0x38;
	[tilespmem:$0x1E400] =	vst v63  }
0x79: {  	_ =	swait.ge [sflag:s13], $0x50  }
0x7a: {  	[sflag:s13] =	ssyncset.done $0x0  }
0x7b: {  	[sflag:s13] =	ssyncadd.s32 $0xFFFFFFB0  }
0x7c: {  	[tilespmem:s19], [sflag:$0x2] =	stream.indirect.gather [hbm4b:s4+s15], $0x80, s17, s15, $0xb8;
	[tilespmem:$0x1E400] =	vst v63  }
0x7d: {  	_ =	swait.ge @!p0 [sflag:s9], $0x2800  }
0x7e: {  	[sflag:s9] =	ssyncset.done @!p0 $0x0;
	s10 =	rddreg [dreg:$0x8]  }
0x7f: {  	[sflag:s9] =	ssyncadd.s32 @!p0 $0xFFFFD800;
	s10 =	sadd.s32 s5, s10  }
0x80: {  	[tilespmem:s20], [sflag:$0x6] =	stream.linear.gather [hbm4b:s10+s3], $0x50, $0x38;
	[tilespmem:$0x1E400] =	vst v63  }
0x81: {  	_ =	swait.ge [sflag:s13], $0x50  }
0x82: {  	s10 =	rddreg [dreg:$0x7];
	[sflag:s13] =	ssyncset.done $0x0  }
0x83: {  	[sflag:s13] =	ssyncadd.s32 $0xFFFFFFB0;
	s10 =	sadd.s32 s5, s10  }
0x84: {  	[tilespmem:s21], [sflag:$0x6] =	stream.linear.gather [hbm4b:s10+s3], $0x50, $0x38;
	[tilespmem:$0x1E400] =	vst v63  }
0x85: {  	_ =	swait.ge [sflag:s13], $0x50  }
0x86: {  	[sflag:s13] =	ssyncset.done $0x0  }
0x87: {  	[sflag:s13] =	ssyncadd.s32 $0xFFFFFFB0  }
0x88: {  	[tilespmem:s22], [sflag:$0x3] =	stream.indirect.gather [hbm4b:s4+s15], $0x80, s20, s15, $0xb8;
	[tilespmem:$0x1E400] =	vst v63  }
0x89: {  	_ =	swait.ge @!p0 [sflag:s9], $0x2800  }
0x8a: {  	[sflag:s9] =	ssyncset.done @!p0 $0x0;
	s10 =	rddreg [dreg:$0x6]  }
0x8b: {  	[sflag:s9] =	ssyncadd.s32 @!p0 $0xFFFFD800;
	s10 =	sadd.s32 s5, s10  }
0x8c: {  	[tilespmem:s23], [sflag:$0x6] =	stream.linear.gather [hbm4b:s10+s3], $0x50, $0x38;
	[tilespmem:$0x1E400] =	vst v63  }
0x8d: {  	_ =	swait.ge [sflag:s13], $0x50  }
0x8e: {  	s10 =	rddreg [dreg:$0x5];
	[sflag:s13] =	ssyncset.done $0x0  }
0x8f: {  	[sflag:s13] =	ssyncadd.s32 $0xFFFFFFB0;
	s9 =	sadd.s32 s5, s10  }
0x90: {  	[tilespmem:s24], [sflag:$0x6] =	stream.linear.gather [hbm4b:s9+s3], $0x50, $0x38;
	[tilespmem:$0x1E400] =	vst v63  }
0x91: {  	_ =	swait.ge [sflag:s13], $0x50  }
0x92: {  	[sflag:s13] =	ssyncset.done $0x0  }
0x93: {  	[sflag:s13] =	ssyncadd.s32 $0xFFFFFFB0  }
0x94: {  	[tilespmem:s25], [sflag:$0x4] =	stream.indirect.gather [hbm4b:s4+s15], $0x80, s23, s15, $0xb8;
	[tilespmem:$0x1E400] =	vst v63  }
0x95: {  	_ =	swait.ge [sflag:s26], $0x2800  }
0x96: {  	[sflag:s26] =	ssyncset.done $0x0  }
0x97: {  	[sflag:s26] =	ssyncadd.s32 $0xFFFFD800  }
0x98: {  	[spmem:s2] =	stream.indirect.scatter.add.f32 [tilespmem:s16], [sflag:$0x5], $0x80, s14, s15, $0xb8;
	[tilespmem:$0x1E400] =	vst v63  }
0x99: {  	_ =	swait.ge [sflag:s28], $0x2800  }
0x9a: {  	[sflag:s28] =	ssyncset.done $0x0  }
0x9b: {  	s8 =	smov.u32 s6;
	s6 =	sadd.s32 $0x28, s6;
	[sflag:s28] =	ssyncadd.s32 $0xFFFFD800  }
0x9c: {  	[spmem:s2] =	stream.indirect.scatter.add.f32 [tilespmem:s19], [sflag:$0x5], $0x80, s18, s15, $0xb8;
	[tilespmem:$0x1E400] =	vst v63  }
0x9d: {  	p1 =	sne.s32 s6, $0x4D8;
	_ =	swait.ge [sflag:s29], $0x2800  }
.Ltmp0:
0x9e: {  	[sflag:s29] =	ssyncset.done $0x0;
	(pc) =	sbr.rel @p1 .LBB2_2-.Ltmp0, $4  }
0x9f: {  	[sflag:s29] =	ssyncadd.s32 $0xFFFFD800  }
0xa0: {  	[spmem:s2] =	stream.indirect.scatter.add.f32 [tilespmem:s22], [sflag:$0x5], $0x80, s21, s15, $0xb8;
	[tilespmem:$0x1E400] =	vst v63  }
0xa1: {  	s5 =	smov.u32 s8;
	_ =	swait.ge [sflag:s30], $0x2800  }
0xa2: {  	p0 =	seq.s32 s5, $0x0;
	[sflag:s30] =	ssyncset.done $0x0  }
0xa3: {  	s6 =	simm.s32 @!p0 $0x5;
	[sflag:s30] =	ssyncadd.s32 $0xFFFFD800  }
0xa4: {  	[spmem:s2] =	stream.indirect.scatter.add.f32 [tilespmem:s25], [sflag:$0x5], $0x80, s24, s15, $0xb8;
	[tilespmem:$0x1E400] =	vst v63  }
0xa5: {  	_ =	swait.ge @!p0 [sflag:s6], $0x2800  }
0xa6: {  	s8 =	rddreg [dreg:$0x4];
	[sflag:s6] =	ssyncset.done @!p0 $0x0  }
0xa7: {  	[sflag:s6] =	ssyncadd.s32 @!p0 $0xFFFFD800;
	s8 =	sadd.s32 s5, s8  }
0xa8: {  	[tilespmem:s3], [sflag:$0x6] =	stream.linear.gather [hbm4b:s8+s3], $0x50, $0x38;
	[tilespmem:$0x1E400] =	vst v63  }
0xa9: {  	_ =	swait.ge [sflag:s13], $0x50  }
0xaa: {  	s9 =	rddreg [dreg:$0x3];
	[sflag:s13] =	ssyncset.done $0x0  }
0xab: {  	[sflag:s13] =	ssyncadd.s32 $0xFFFFFFB0;
	s8 =	sadd.s32 s5, s9  }
0xac: {  	[tilespmem:s14], [sflag:$0x6] =	stream.linear.gather [hbm4b:s8+s3], $0x50, $0x38;
	[tilespmem:$0x1E400] =	vst v63  }
0xad: {  	_ =	swait.ge [sflag:s13], $0x50  }
0xae: {  	[sflag:s13] =	ssyncset.done $0x0  }
0xaf: {  	[sflag:s13] =	ssyncadd.s32 $0xFFFFFFB0  }
0xb0: {  	[tilespmem:s16], [sflag:$0x1] =	stream.indirect.gather [hbm4b:s4+s15], $0x80, s3, s15, $0xb8;
	[tilespmem:$0x1E400] =	vst v63  }
0xb1: {  	_ =	swait.ge @!p0 [sflag:s6], $0x2800  }
0xb2: {  	[sflag:s6] =	ssyncset.done @!p0 $0x0  }
0xb3: {  	s10 =	sadd.s32 s5, s12;
	[sflag:s6] =	ssyncadd.s32 @!p0 $0xFFFFD800  }
0xb4: {  	[tilespmem:s17], [sflag:$0x6] =	stream.linear.gather [hbm4b:s10+s3], $0x50, $0x38;
	[tilespmem:$0x1E400] =	vst v63  }
0xb5: {  	_ =	swait.ge [sflag:s13], $0x50  }
0xb6: {  	s9 =	rddreg [dreg:$0x9];
	[sflag:s13] =	ssyncset.done $0x0  }
0xb7: {  	[sflag:s13] =	ssyncadd.s32 $0xFFFFFFB0;
	s8 =	sadd.s32 s5, s9  }
0xb8: {  	[tilespmem:s18], [sflag:$0x6] =	stream.linear.gather [hbm4b:s8+s3], $0x50, $0x38;
	[tilespmem:$0x1E400] =	vst v63  }
0xb9: {  	_ =	swait.ge [sflag:s13], $0x50  }
0xba: {  	[sflag:s13] =	ssyncset.done $0x0  }
0xbb: {  	[sflag:s13] =	ssyncadd.s32 $0xFFFFFFB0  }
0xbc: {  	[tilespmem:s19], [sflag:$0x2] =	stream.indirect.gather [hbm4b:s4+s15], $0x80, s17, s15, $0xb8;
	[tilespmem:$0x1E400] =	vst v63  }
0xbd: {  	_ =	swait.ge @!p0 [sflag:s6], $0x2800  }
0xbe: {  	s10 =	rddreg [dreg:$0x8];
	[sflag:s6] =	ssyncset.done @!p0 $0x0  }
0xbf: {  	[sflag:s6] =	ssyncadd.s32 @!p0 $0xFFFFD800;
	s8 =	sadd.s32 s5, s10  }
0xc0: {  	[tilespmem:s20], [sflag:$0x6] =	stream.linear.gather [hbm4b:s8+s3], $0x50, $0x38;
	[tilespmem:$0x1E400] =	vst v63  }
0xc1: {  	_ =	swait.ge [sflag:s13], $0x50  }
0xc2: {  	s9 =	rddreg [dreg:$0x7];
	[sflag:s13] =	ssyncset.done $0x0  }
0xc3: {  	[sflag:s13] =	ssyncadd.s32 $0xFFFFFFB0;
	s8 =	sadd.s32 s5, s9  }
0xc4: {  	[tilespmem:s21], [sflag:$0x6] =	stream.linear.gather [hbm4b:s8+s3], $0x50, $0x38;
	[tilespmem:$0x1E400] =	vst v63  }
0xc5: {  	_ =	swait.ge [sflag:s13], $0x50  }
0xc6: {  	[sflag:s13] =	ssyncset.done $0x0  }
0xc7: {  	[sflag:s13] =	ssyncadd.s32 $0xFFFFFFB0  }
0xc8: {  	[tilespmem:s22], [sflag:$0x3] =	stream.indirect.gather [hbm4b:s4+s15], $0x80, s20, s15, $0xb8;
	[tilespmem:$0x1E400] =	vst v63  }
0xc9: {  	_ =	swait.ge @!p0 [sflag:s6], $0x2800  }
0xca: {  	s10 =	rddreg [dreg:$0x6];
	[sflag:s6] =	ssyncset.done @!p0 $0x0  }
0xcb: {  	[sflag:s6] =	ssyncadd.s32 @!p0 $0xFFFFD800;
	s9 =	sadd.s32 s5, s10  }
0xcc: {  	[tilespmem:s23], [sflag:$0x6] =	stream.linear.gather [hbm4b:s9+s3], $0x50, $0x38;
	[tilespmem:$0x1E400] =	vst v63  }
0xcd: {  	_ =	swait.ge [sflag:s13], $0x50  }
0xce: {  	s10 =	rddreg [dreg:$0x5];
	[sflag:s13] =	ssyncset.done $0x0  }
0xcf: {  	s6 =	sadd.s32 s5, s10;
	[sflag:s13] =	ssyncadd.s32 $0xFFFFFFB0  }
0xd0: {  	[tilespmem:s24], [sflag:$0x6] =	stream.linear.gather [hbm4b:s6+s3], $0x50, $0x38;
	[tilespmem:$0x1E400] =	vst v63  }
0xd1: {  	_ =	swait.ge [sflag:s13], $0x50  }
0xd2: {  	[sflag:s13] =	ssyncset.done $0x0  }
0xd3: {  	[sflag:s13] =	ssyncadd.s32 $0xFFFFFFB0  }
0xd4: {  	[tilespmem:s25], [sflag:$0x4] =	stream.indirect.gather [hbm4b:s4+s15], $0x80, s23, s15, $0xb8;
	[tilespmem:$0x1E400] =	vst v63  }
0xd5: {  	_ =	swait.ge [sflag:s26], $0x2800  }
0xd6: {  	[sflag:s26] =	ssyncset.done $0x0  }
0xd7: {  	[sflag:s26] =	ssyncadd.s32 $0xFFFFD800  }
0xd8: {  	[spmem:s2] =	stream.indirect.scatter.add.f32 [tilespmem:s16], [sflag:$0x5], $0x80, s14, s15, $0xb8;
	[tilespmem:$0x1E400] =	vst v63  }
0xd9: {  	_ =	swait.ge [sflag:s28], $0x2800  }
0xda: {  	[sflag:s28] =	ssyncset.done $0x0  }
0xdb: {  	[sflag:s28] =	ssyncadd.s32 $0xFFFFD800  }
0xdc: {  	[spmem:s2] =	stream.indirect.scatter.add.f32 [tilespmem:s19], [sflag:$0x5], $0x80, s18, s15, $0xb8;
	[tilespmem:$0x1E400] =	vst v63  }
0xdd: {  	_ =	swait.ge [sflag:s29], $0x2800  }
0xde: {  	[sflag:s29] =	ssyncset.done $0x0  }
0xdf: {  	[sflag:s29] =	ssyncadd.s32 $0xFFFFD800  }
0xe0: {  	[spmem:s2] =	stream.indirect.scatter.add.f32 [tilespmem:s22], [sflag:$0x5], $0x80, s21, s15, $0xb8;
	[tilespmem:$0x1E400] =	vst v63  }
0xe1: {  	_ =	swait.ge [sflag:s30], $0x2800  }
0xe2: {  	[sflag:s30] =	ssyncset.done $0x0  }
0xe3: {  	[sflag:s30] =	ssyncadd.s32 $0xFFFFD800  }
0xe4: {  	[spmem:s2] =	stream.indirect.scatter.add.f32 [tilespmem:s25], [sflag:$0x5], $0x80, s24, s15, $0xb8;
	[tilespmem:$0x1E400] =	vst v63  }
0xe5: {  	_ =	swait.ge [sflag:s31], $0x2800  }
0xe6: {  	[sflag:s31] =	ssyncset.done $0x0  }
0xe7: {  	[sflag:s31] =	ssyncadd.s32 $0xFFFFD800  }
0xe8: {  	_ =	swait.ge [sflag:s31], $0x2800  }
0xe9: {  	[sflag:s31] =	ssyncset.done $0x0  }
0xea: {  	[sflag:s31] =	ssyncadd.s32 $0xFFFFD800  }
0xeb: {  	_ =	swait.ge [sflag:s31], $0x2800  }
0xec: {  	[sflag:s31] =	ssyncset.done $0x0  }
0xed: {  	[sflag:s31] =	ssyncadd.s32 $0xFFFFD800  }
0xee: {  	_ =	swait.ge [sflag:s31], $0x2800  }
0xef: {  	[sflag:s31] =	ssyncset.done $0x0  }
0xf0: {  	s8 =	rddreg [dreg:$0xc];
	[sflag:s31] =	ssyncadd.s32 $0xFFFFD800  }
0xf1: {  	[tilespmem:s3], [sflag:$0x6] =	stream.linear.gather [hbm4b:s8+s3], $0x50, $0x38;
	[tilespmem:$0x1E400] =	vst v63  }
0xf2: {  	_ =	swait.ge [sflag:s13], $0x50  }
0xf3: {  	[sflag:s13] =	ssyncset.done $0x0  }
0xf4: {  	s9 =	rddreg [dreg:$0xd];
	[sflag:s13] =	ssyncadd.s32 $0xFFFFFFB0  }
0xf5: {  	[tilespmem:s14], [sflag:$0x6] =	stream.linear.gather [hbm4b:s9+s3], $0x50, $0x38;
	[tilespmem:$0x1E400] =	vst v63  }
0xf6: {  	_ =	swait.ge [sflag:s13], $0x50  }
0xf7: {  	[sflag:s13] =	ssyncset.done $0x0  }
0xf8: {  	[sflag:s13] =	ssyncadd.s32 $0xFFFFFFB0  }
0xf9: {  	[tilespmem:s16], [sflag:$0x1] =	stream.indirect.gather [hbm4b:s4+s15], $0x80, s3, s15, $0xb8;
	[tilespmem:$0x1E400] =	vst v63  }
0xfa: {  	_ =	swait.ge [sflag:s26], $0x2800  }
0xfb: {  	[sflag:s26] =	ssyncset.done $0x0  }
0xfc: {  	[sflag:s26] =	ssyncadd.s32 $0xFFFFD800  }
0xfd: {  	[spmem:s2] =	stream.indirect.scatter.add.f32 [tilespmem:s16], [sflag:$0x5], $0x80, s14, s15, $0xb8;
	[tilespmem:$0x1E400] =	vst v63  }
0xfe: {  	_ =	swait.ge [sflag:s31], $0x2800  }
0xff: {  	[sflag:s31] =	ssyncset.done $0x0  }
0x100: {  	s0 =	sadd.s32 $0x1, s0;
	[sflag:s31] =	ssyncadd.s32 $0xFFFFD800  }
0x101: {  	p0 =	sne.s32 s0, s11;
	[bflag:$0x0] =	sbarrier.arrive $0xFFFF  }
.Ltmp1:
0x102: {  	s10 =	rddreg [dreg:$0xe];
	(pc) =	sbr.rel @p0 .LBB2_1-.Ltmp1, $4  }
0x103: {  	[hbm:s10], [sflag:s7] =	dma.local [spmem:s1], $0x2800  }
0x104: {  	_ =	swait.ge [sflag:s13], $0x2800  }
0x105: {  	[sflag:s13] =	ssyncset.done $0x0  }
0x106: {  	[sflag:s13] =	ssyncadd.s32 $0xFFFFD800  }
0x107: {  	_ =	sfence.sel $0x180000  }
0x108: {  	[bflag:$0x0] =	sbarrier.arrive $0xFFFF  }
0x109: {  	_ =	strace $0x9000004A  }
0x10a: {  	s0 =	stileid.u32;
	[bflag:$0x2] =	sbarrier.arrive $0xFFFF  }
0x10b: {  	p0 =	sne.s32 s0, $0x0;
	s0 =	rddreg [dreg:$0x2]  }
0x10c: {  	s0 =	sadd.s32 @!p0 $0x100000, s0  }
0x10d: {  	[sflag:s0] =	ssyncadd.tile.s32 @!p0 $0x1;
	_ =	shalt  }
.Lfunc_end2:
_tile_overlayer_lowered:
.L_overlay_start_2:
0x10e: {  	(tag) =	ssettag $0x2  }
0x10f: {  	s0 =	rddreg [dreg:$0x0];
	s2 =	stileid.u32  }
0x110: {  	s1 =	rddreg [dreg:$0x1];
	p0 =	sne.s32 s2, $0x0  }
0x111: {  	s3 =	rddreg [dreg:$0x2];
	[bflag:$0x3] =	sbarrier.arrive $0xFFFF;
	s2 =	simm.s32 @!p0 $0x1C06  }
0x112: {  	[timem:s3], [sflag:s2] =	dma.local @!p0 [hbm:s0], s1  }
0x113: {  	s0 =	simm.s32 @!p0 $0x6  }
0x114: {  	_ =	swait.ge @!p0 [sflag:s0], s1  }
0x115: {  	s1 =	ssub.s32 @!p0 $0x0, s1;
	[sflag:s0] =	ssyncset.done @!p0 $0x0  }
0x116: {  	[sflag:s0] =	ssyncadd.s32 @!p0 s1  }
0x117: {  	[bflag:$0x3] =	sbarrier.arrive $0xFFFF  }
0x118: {  	_ =	shalt  }

// kernel: kernel.15.cloned.1.call-start
scs
__scs_entry_jumppad:
0x0: {  	(pc) =	sbr.rel $0x88, $3  }
0x1: {  	(tag) =	ssettag $0x0;
	lr =	simm.s32 $0x1  }
0x2: {  	[smem:$0x3F8F] =	sst lr;
	_ =	strace $0xD0000000  }
0x3: {  	_ = 	snop  }
0x4: {  	_ = 	snop  }
0x5: {  	_ = 	snop  }
0x6: {  	_ = 	snop  }
0x7: {  	_ = 	snop  }
__scs_overlays_trampoline_lowered:
0x8: {  	[smem:$0x3F9E] =	sst s0  }
0x9: {  	[smem:$0x3F9F] =	sst s1  }
0xa: {  	[smem:$0x3FA0] =	sst s2  }
0xb: {  	[smem:$0x3FA1] =	sst s3  }
0xc: {  	[smem:$0x3FA2] =	sst s4  }
0xd: {  	[smem:$0x3FA3] =	sst s5  }
0xe: {  	[smem:$0x3FA4] =	sst s6  }
0xf: {  	[smem:$0x3FA5] =	sst s7  }
0x10: {  	[smem:$0x3FA6] =	sst s8  }
0x11: {  	[smem:$0x3FA7] =	sst s9;
	s0 =	simm.s32 @!p0 $0x0  }
0x12: {  	s1 =	sld [smem:$0x3F8D];
	s0 =	simm.s32 @p0 $0x1  }
0x13: {  	[smem:$0x3FA8] =	sst s0;
	s0 =	simm.s32 @!p1 $0x0  }
0x14: {  	s2 =	sld [smem:$0x3F8C];
	s0 =	simm.s32 @p1 $0x1  }
0x15: {  	[smem:$0x3FA9] =	sst s0;
	s0 =	simm.s32 @!p2 $0x0  }
0x16: {  	s3 =	sld [smem:$0x3FDB];
	s0 =	simm.s32 @p2 $0x1  }
0x17: {  	s4 =	simm.s32 $0x1BF5;
	[smem:$0x3FAB] =	sst s0  }
0x18: {  	s0 =	sld [smem:$0x3F8E];
	_ =	swait.ge [sflag:s4], $0x0  }
0x19: {  	s7 =	sld [smem:$0x3F8F]  }
0x1a: {  	s8 =	sadd.s32 $0xFFFFE003, lr  }
0x1b: {  	s9 =	sadd.s32 $0xFFFFFEF7, lr;
	s5 =	simm.s32 $0xFFFFFFFF;
	p2 =	slt.u32 s8, $0xFFFFF086  }
0x1c: {  	p1 =	slt.u32 s9, $0xF7A;
	s5 =	simm.s32 @!p2 $0x0  }
0x1d: {  	s5 =	simm.s32 @p1 $0x1;
	p0 =	seq.s32 s7, s2  }
0x1e: {  	s7 =	smul.u32 @!p0 $0xF7A, s2;
	p2 =	seq.s32 @!p0 s5, $0x0  }
0x1f: {  	s9 =	smul.u32 $0xF7A, s1;
	s8 =	simm.s32 @!p0 $0x1BF5;
	p2 =	por !p2, p0  }
0x20: {  	[sflag:s8] =	ssyncset.s32 @!p0 $0xFFFFF086;
	s6 =	sadd.s32 @!p0 s3, s7;
	s7 =	simm.s32 @!p0 $0x108  }
0x21: {  	s3 =	sadd.s32 s3, s9;
	s6 =	sadd.s32 @!p0 $0x88, s6;
	s7 =	simm.s32 @p2 $0x1082  }
0x22: {  	[simem:s7], [sflag:s8] =	dma.local @!p0 [hbm:s6], $0xF7A  }
0x23: {  	s9 =	sor.u32 $0xD0000000, s2;
	s6 =	simm.s32 $0x108;
	_ =	swait.ge @!p0 [sflag:s8], $0x0  }
0x24: {  	s3 =	sadd.s32 $0x88, s3;
	s6 =	simm.s32 @!p1 $0x1082;
	[sflag:s4] =	ssyncset.s32 $0xFFFFF086  }
0x25: {  	[simem:s6], [sflag:s4] =	dma.local [hbm:s3], $0xF7A  }
0x26: {  	[smem:$0x3F8F] =	sst s1;
	(tag) =	ssettag s2;
	_ =	strace s9  }
0x27: {  	s1 =	sld [smem:$0x3F9F]  }
0x28: {  	s2 =	sld [smem:$0x3FA0]  }
0x29: {  	s4 =	sld [smem:$0x3FA2]  }
0x2a: {  	p0 =	seq.s32 s5, $0x0;
	s5 =	sld [smem:$0x3FA3]  }
0x2b: {  	s6 =	sld [smem:$0x3FA4]  }
0x2c: {  	s7 =	sld [smem:$0x3FA5]  }
0x2d: {  	s3 =	simm.s32 $0x108;
	s8 =	sld [smem:$0x3FA6]  }
0x2e: {  	s3 =	simm.s32 @!p0 $0x1082;
	s9 =	sld [smem:$0x3FA7]  }
0x2f: {  	lr =	sadd.s32 s0, s3;
	s0 =	sld [smem:$0x3F9E]  }
0x30: {  	s3 =	sld [smem:$0x3FA1]  }
0x31: {  	[smem:$0x3FAA] =	sst s10  }
0x32: {  	s10 =	sld [smem:$0x3FA8];
	_ =	sdelay $0x3  }
0x33: {  	p0 =	seq.s32 s10, $0x1;
	s10 =	sld [smem:$0x3FAA];
	_ =	sdelay $0x3  }
0x34: {  	[smem:$0x3FAA] =	sst s10  }
0x35: {  	s10 =	sld [smem:$0x3FA9];
	_ =	sdelay $0x3  }
0x36: {  	p1 =	seq.s32 s10, $0x1;
	s10 =	sld [smem:$0x3FAA];
	_ =	sdelay $0x3  }
0x37: {  	[smem:$0x3FAA] =	sst s10  }
0x38: {  	s10 =	sld [smem:$0x3FAB]  }
0x39: {  	_ = 	snop;
	(pc) =	sbr.ind lr, $3  }
0x3a: {  	_ = 	snop  }
0x3b: {  	_ = 	snop  }
0x3c: {  	p2 =	seq.s32 s10, $0x1;
	s10 =	sld [smem:$0x3FAA]  }
0x3d: {  	_ =	shalt  }
0x3e: {  	_ =	shalt  }
0x3f: {  	_ =	shalt  }
0x40: {  	_ =	shalt  }
0x41: {  	_ =	shalt  }
0x42: {  	_ =	shalt  }
0x43: {  	_ =	shalt  }
0x44: {  	_ =	shalt  }
0x45: {  	_ =	shalt  }
0x46: {  	_ =	shalt  }
0x47: {  	_ =	shalt  }
0x48: {  	_ =	shalt  }
0x49: {  	_ =	shalt  }
0x4a: {  	_ =	shalt  }
0x4b: {  	_ =	shalt  }
0x4c: {  	_ =	shalt  }
0x4d: {  	_ =	shalt  }
0x4e: {  	_ =	shalt  }
0x4f: {  	_ =	shalt  }
0x50: {  	_ =	shalt  }
0x51: {  	_ =	shalt  }
0x52: {  	_ =	shalt  }
0x53: {  	_ =	shalt  }
0x54: {  	_ =	shalt  }
0x55: {  	_ =	shalt  }
0x56: {  	_ =	shalt  }
0x57: {  	_ =	shalt  }
0x58: {  	_ =	shalt  }
0x59: {  	_ =	shalt  }
0x5a: {  	_ =	shalt  }
0x5b: {  	_ =	shalt  }
0x5c: {  	_ =	shalt  }
0x5d: {  	_ =	shalt  }
0x5e: {  	_ =	shalt  }
0x5f: {  	_ =	shalt  }
0x60: {  	_ =	shalt  }
0x61: {  	_ =	shalt  }
0x62: {  	_ =	shalt  }
0x63: {  	_ =	shalt  }
0x64: {  	_ =	shalt  }
0x65: {  	_ =	shalt  }
0x66: {  	_ =	shalt  }
0x67: {  	_ =	shalt  }
0x68: {  	_ =	shalt  }
0x69: {  	_ =	shalt  }
0x6a: {  	_ =	shalt  }
0x6b: {  	_ =	shalt  }
0x6c: {  	_ =	shalt  }
0x6d: {  	_ =	shalt  }
0x6e: {  	_ =	shalt  }
0x6f: {  	_ =	shalt  }
0x70: {  	_ =	shalt  }
0x71: {  	_ =	shalt  }
0x72: {  	_ =	shalt  }
0x73: {  	_ =	shalt  }
0x74: {  	_ =	shalt  }
0x75: {  	_ =	shalt  }
0x76: {  	_ =	shalt  }
0x77: {  	_ =	shalt  }
0x78: {  	_ =	shalt  }
0x79: {  	_ =	shalt  }
0x7a: {  	_ =	shalt  }
0x7b: {  	_ =	shalt  }
0x7c: {  	_ =	shalt  }
0x7d: {  	_ =	shalt  }
0x7e: {  	_ =	shalt  }
0x7f: {  	_ =	shalt  }
0x80: {  	_ =	shalt  }
0x81: {  	_ =	shalt  }
0x82: {  	_ =	shalt  }
0x83: {  	_ =	shalt  }
0x84: {  	_ =	shalt  }
0x85: {  	_ =	shalt  }
0x86: {  	_ =	shalt  }
0x87: {  	_ =	shalt  }
.Lfunc_end0:
.L_simem_size_0:
called_computation.2_lowered:
.L_overlay_start_0:
0x88: {  	s2 =	sld [smem:$0x3FD9]  }
0x89: {  	s3 =	sld [smem:$0x3FFE];
	_ =	sdelay $0x1  }
0x8a: {  	s1 =	srdreg.scid  }
0x8b: {  	s0 =	sand.u32 $0x1, s1  }
0x8c: {  	s16 =	sshll.u32 s0, $0xA;
	s2 =	sadd.s32 s3, s2  }
0x8d: {  	s2 =	sadd.s32 s2, s16  }
0x8e: {  	[smem:$0x3FB6] =	sst s2  }
0x8f: {  	_ = 	snop  }
0x90: {  	(tm) =	ssettm $0x1  }
0x91: {  	s17 =	sld [smem:$0x3FFB];
	_ =	sdelay $0x3  }
0x92: {  	_ =	strace s17  }
0x93: {  	s2 =	sld [smem:$0x3FFC];
	_ =	sdelay $0x3  }
0x94: {  	_ =	strace s2  }
0x95: {  	s2 =	sld [smem:$0x3FFD];
	_ =	sdelay $0x3  }
0x96: {  	_ =	strace s2  }
0x97: {  	_ =	strace $0x8FFFFFFF  }
0x98: {  	s18 =	sld [smem:$0x3FDB];
	_ =	sdelay $0x1  }
0x99: {  	s19 =	simm.s32 $_scs_section_size  }
0x9a: {  	s4 =	simm.s32 $_size__tile_overlayer_lowered;
	s5 =	simm.s32 $_tile_overlayer_lowered  }
0x9b: {  	s22 =	simm.s32 $0x1BFF;
	s21 =	sshll.u32 s5, $0x1;
	s2 =	sadd.s32 s19, s18  }
0x9c: {  	s6 =	simm.s32 $0x0;
	s20 =	sshll.u32 s4, $0x1;
	s4 =	sadd.s32 s21, s2  }
0x9d: {  	[timem:s6], [sflag:s22] =	dma.local [hbm:s4], s20  }
0x9e: {  	_ =	swait.ge [sflag:s22], s20  }
0x9f: {  	s3 =	ssub.s32 $0x0, s20;
	[sflag:s22] =	ssyncset.done $0x0  }
0xa0: {  	[sflag:s22] =	ssyncadd.s32 s3;
	_ =	sdelay $0x1  }
0xa1: {  	s23 =	simm.s32 $0x1B8B  }
0xa2: {  	_ =	swait.ge [sflag:s23], $0x1  }
0xa3: {  	[sflag:s23] =	ssyncset.done $0x0  }
0xa4: {  	s25 =	simm.s32 $0x1B8E;
	s24 =	sld [smem:$0x3FFE];
	[sflag:s23] =	ssyncadd.s32 $0xFFFFFFFF  }
0xa5: {  	s26 =	simm.s32 $execute0_lowered;
	[smem:$0x3FD2] =	sst s25  }
0xa6: {  	s4 =	sshll.u32 s26, $0x1;
	_ =	strace $0x8000004C;
	[dreg:$0x1] =	wrdreg $0xFFFFFFFF  }
0xa7: {  	s28 =	simm.s32 $_size_execute0_lowered;
	s2 =	sadd.s32 s2, s4;
	[dreg:$0x0] =	wrdreg $0x0  }
0xa8: {  	s4 =	sshll.u32 s28, $0x1;
	[dreg:$0x2] =	wrdreg s2  }
0xa9: {  	[dreg:$0x3] =	wrdreg s4  }
0xaa: {  	[dreg:$0x4] =	wrdreg $0xC0  }
0xab: {  	_ =	task [dreg:s6], $0x5FFFF  }
0xac: {  	[dreg:$0x1] =	wrdreg $0xFFFFFFFF  }
0xad: {  	[dreg:$0x0] =	wrdreg $0x60  }
0xae: {  	[dreg:$0x2] =	wrdreg s24  }
0xaf: {  	[dreg:$0x3] =	wrdreg $0xA4000  }
0xb0: {  	[dreg:$0x4] =	wrdreg $0x9  }
0xb1: {  	_ =	task.clear_ibuf [dreg:s6], $0x5FFFF;
	_ =	strace $0x9000004C  }
0xb2: {  	s29 =	simm.s32 $0x9;
	_ =	strace $0x8000004E  }
0xb3: {  	_ =	swait.ge [sflag:s29], $0x1  }
0xb4: {  	[sflag:s29] =	ssyncadd.s32 $0xFFFFFFFF  }
0xb5: {  	_ =	strace $0x9000004E  }
0xb6: {  	_ =	sfence  }
0xb7: {  	s30 =	sld [smem:$0x0];
	_ =	sdelay $0x2  }
0xb8: {  	s31 =	sshll.u32 s1, $0xD;
	s1 =	sshrl.u32 s1, $0x2  }
0xb9: {  	s3 =	sand.u32 $0x4000, s31;
	s1 =	sadd.s32 s1, s30  }
0xba: {  	s0 =	sor.u32 s3, s0;
	s1 =	sshll.u32 s1, $0x11  }
0xbb: {  	s0 =	sor.u32 s1, s0  }
0xbc: {  	s0 =	sadd.s32 $0x8F2B, s0  }
0xbd: {  	[sflag:s0] =	ssyncadd.remote.s32 $0x1  }
0xbe: {  	_ =	sfence.sel $0xFFFF  }
0xbf: {  	[dreg:$0x0] =	wrdreg $0xFFFFFFFF;
	(pc) =	sbr.abs _section_cstart, $3  }
0xc0: {  	[dreg:$0x1] =	wrdreg $0xFFFFFFFF  }
0xc1: {  	_ =	task.clear_ibuf [dreg:s6], $0x2FFFF;
	_ =	strace $0x9FFFFFFF  }
0xc2: {  	(tm) =	ssettm $0x7FFFFFFF  }
0xc3: {  	_ =	shalt  }
tec
execute0_lowered:
.L_overlay_start_1:
0x0: {  	(tag) =	ssettag $0x1  }
0x1: {  	s0 =	rddreg [dreg:$0x0]  }
0x2: {  	s2 =	rddreg [dreg:$0x1];
	s3 =	simm.s32 $0x0;
	s12 =	stileid.u32  }
0x3: {  	s1 =	srdreg.scid;
	s28 =	simm.s32 $0x2;
	s29 =	simm.s32 $0x3  }
0x4: {  	s30 =	simm.s32 $0x4;
	s31 =	simm.s32 $0x5;
	[smem:$0x7FF] =	sst s3  }
0x5: {  	s5 =	smul.u32 $0x14000, s12;
	s1 =	sand.u32 $0x1, s1;
	s4 =	sadd.s32 $0x40400, s0  }
0x6: {  	s8 =	sadd.s32 $0xE600, s0;
	s9 =	sadd.s32 $0x4800, s0;
	s10 =	smul.u32 $0x50000, s12  }
0x7: {  	s13 =	sshll.u32 s12, $0x6;
	_ =	strace $0x8000004D;
	s6 =	smul.u32 $0x140000, s1  }
0x8: {  	s25 =	sshll.u32 s1, $0x4;
	s26 =	ssub.s32 $0x2, s1;
	s1 =	smul.u32 $0x27100, s1  }
0x9: {  	s7 =	sshrl.u32 s5, $0x3;
	s11 =	sshrl.u32 s26, $0x1;
	s10 =	sshrl.u32 s10, $0x2  }
0xa: {  	s7 =	sadd.s32 s7, s0;
	s5 =	sadd.s32 s5, s6;
	s6 =	sor.u32 s12, s25  }
0xb: {  	s10 =	sadd.s32 s10, s2;
	s5 =	sshrl.u32 s5, $0x3;
	s6 =	smul.u32 $0x2710, s6  }
0xc: {  	[dreg:$0xa] =	wrdreg s10;
	s7 =	sadd.s32 $0x18400, s7;
	s0 =	sadd.s32 s5, s0  }
0xd: {  	s5 =	ssub.s32 s26, s11;
	s11 =	smul.u32 $0x2710, s12;
	[dreg:$0xb] =	wrdreg s7  }
0xe: {  	s7 =	sor.u32 $0x1C06, s13;
	s13 =	simm.s32 $0x6;
	s6 =	sshrl.u32 s6, $0x3  }
0xf: {  	s0 =	sadd.s32 $0x8E800, s0;
	s6 =	sadd.s32 $0x4D8, s6;
	s1 =	sadd.s32 s11, s1  }
0x10: {  	[dreg:$0xe] =	wrdreg s0;
	s11 =	smax.u32 s5, $0x1;
	s0 =	simm.s32 $0x0  }
0x11: {  	s14 =	sadd.s32 s8, s6;
	s6 =	sadd.s32 s9, s6;
	s15 =	sshrl.u32 s1, $0x3  }
0x12: {  	s17 =	sadd.s32 $0xF0, s1;
	s21 =	sadd.s32 $0xA0, s1;
	[dreg:$0xc] =	wrdreg s14  }
0x13: {  	s1 =	sadd.s32 $0x50, s1;
	[dreg:$0xd] =	wrdreg s6;
	s16 =	sadd.s32 s15, s9  }
0x14: {  	s18 =	sadd.s32 s15, s8;
	s19 =	sshrl.u32 s17, $0x3;
	s23 =	sshrl.u32 s21, $0x3  }
0x15: {  	s1 =	sshrl.u32 s1, $0x3;
	s14 =	simm.s32 $0x200;
	s15 =	simm.s32 $0x50  }
0x16: {  	s17 =	simm.s32 $0x80;
	s21 =	simm.s32 $0x300;
	[dreg:$0x3] =	wrdreg s16  }
0x17: {  	[dreg:$0x4] =	wrdreg s18;
	s20 =	sadd.s32 s19, s9;
	s22 =	sadd.s32 s19, s8  }
0x18: {  	s24 =	sadd.s32 s23, s9;
	s25 =	sadd.s32 s23, s8;
	[dreg:$0x5] =	wrdreg s20  }
0x19: {  	s26 =	sadd.s32 s1, s9;
	s12 =	sadd.s32 s1, s8;
	[dreg:$0x6] =	wrdreg s22  }
0x1a: {  	s16 =	simm.s32 $0x400;
	s18 =	simm.s32 $0x280;
	[dreg:$0x7] =	wrdreg s24  }
0x1b: {  	s19 =	simm.s32 $0x2C00;
	s23 =	simm.s32 $0x180;
	[dreg:$0x8] =	wrdreg s25  }
0x1c: {  	[dreg:$0x9] =	wrdreg s26;
	s20 =	simm.s32 $0x100;
	s22 =	simm.s32 $0x5400  }
0x1d: {  	s24 =	simm.s32 $0x380;
	s25 =	simm.s32 $0x7C00;
	s26 =	simm.s32 $0x1  }
.LBB2_1:
0x1e: {  	s1 =	rddreg [dreg:$0xa]  }
0x1f: {  	s5 =	rddreg [dreg:$0xb];
	s1 =	sshrl.u32 s1, $0x3  }
0x20: {  	[spmem:s1], [sflag:s7] =	dma.local [hbm:s5], $0x2800  }
0x21: {  	_ =	swait.ge [sflag:s13], $0x2800  }
0x22: {  	[sflag:s13] =	ssyncset.done $0x0  }
0x23: {  	p0 =	por $0x1, $0x1;
	[sflag:s13] =	ssyncadd.s32 $0xFFFFD800  }
0x24: {  	s5 =	simm.s32 @!p0 $0x5;
	[bflag:$0x0] =	sbarrier.arrive $0xFFFF  }
0x25: {  	_ =	swait.ge @!p0 [sflag:s5], $0x2800  }
0x26: {  	s6 =	rddreg [dreg:$0x4];
	[sflag:s5] =	ssyncset.done @!p0 $0x0  }
0x27: {  	[sflag:s5] =	ssyncadd.s32 @!p0 $0xFFFFD800;
	s6 =	sadd.s32 $0x0, s6  }
0x28: {  	[tilespmem:s3], [sflag:$0x6] =	stream.linear.gather [hbm4b:s6+s3], $0x50, $0x38;
	[tilespmem:$0x1E400] =	vst v63  }
0x29: {  	_ =	swait.ge [sflag:s13], $0x50  }
0x2a: {  	s9 =	rddreg [dreg:$0x3];
	[sflag:s13] =	ssyncset.done $0x0  }
0x2b: {  	[sflag:s13] =	ssyncadd.s32 $0xFFFFFFB0;
	s6 =	sadd.s32 $0x0, s9  }
0x2c: {  	[tilespmem:s14], [sflag:$0x6] =	stream.linear.gather [hbm4b:s6+s3], $0x50, $0x38;
	[tilespmem:$0x1E400] =	vst v63  }
0x2d: {  	_ =	swait.ge [sflag:s13], $0x50  }
0x2e: {  	[sflag:s13] =	ssyncset.done $0x0  }
0x2f: {  	[sflag:s13] =	ssyncadd.s32 $0xFFFFFFB0  }
0x30: {  	[tilespmem:s16], [sflag:$0x1] =	stream.indirect.gather [hbm4b:s4+s15], $0x80, s3, s15, $0xb8;
	[tilespmem:$0x1E400] =	vst v63  }
0x31: {  	_ =	swait.ge @!p0 [sflag:s5], $0x2800  }
0x32: {  	[sflag:s5] =	ssyncset.done @!p0 $0x0  }
0x33: {  	s10 =	sadd.s32 $0x0, s12;
	[sflag:s5] =	ssyncadd.s32 @!p0 $0xFFFFD800  }
0x34: {  	[tilespmem:s17], [sflag:$0x6] =	stream.linear.gather [hbm4b:s10+s3], $0x50, $0x38;
	[tilespmem:$0x1E400] =	vst v63  }
0x35: {  	_ =	swait.ge [sflag:s13], $0x50  }
0x36: {  	s8 =	rddreg [dreg:$0x9];
	[sflag:s13] =	ssyncset.done $0x0  }
0x37: {  	[sflag:s13] =	ssyncadd.s32 $0xFFFFFFB0;
	s6 =	sadd.s32 $0x0, s8  }
0x38: {  	[tilespmem:s18], [sflag:$0x6] =	stream.linear.gather [hbm4b:s6+s3], $0x50, $0x38;
	[tilespmem:$0x1E400] =	vst v63  }
0x39: {  	_ =	swait.ge [sflag:s13], $0x50  }
0x3a: {  	[sflag:s13] =	ssyncset.done $0x0  }
0x3b: {  	[sflag:s13] =	ssyncadd.s32 $0xFFFFFFB0  }
0x3c: {  	[tilespmem:s19], [sflag:$0x2] =	stream.indirect.gather [hbm4b:s4+s15], $0x80, s17, s15, $0xb8;
	[tilespmem:$0x1E400] =	vst v63  }
0x3d: {  	_ =	swait.ge @!p0 [sflag:s5], $0x2800  }
0x3e: {  	s9 =	rddreg [dreg:$0x8];
	[sflag:s5] =	ssyncset.done @!p0 $0x0  }
0x3f: {  	[sflag:s5] =	ssyncadd.s32 @!p0 $0xFFFFD800;
	s6 =	sadd.s32 $0x0, s9  }
0x40: {  	[tilespmem:s20], [sflag:$0x6] =	stream.linear.gather [hbm4b:s6+s3], $0x50, $0x38;
	[tilespmem:$0x1E400] =	vst v63  }
0x41: {  	_ =	swait.ge [sflag:s13], $0x50  }
0x42: {  	s10 =	rddreg [dreg:$0x7];
	[sflag:s13] =	ssyncset.done $0x0  }
0x43: {  	[sflag:s13] =	ssyncadd.s32 $0xFFFFFFB0;
	s6 =	sadd.s32 $0x0, s10  }
0x44: {  	[tilespmem:s21], [sflag:$0x6] =	stream.linear.gather [hbm4b:s6+s3], $0x50, $0x38;
	[tilespmem:$0x1E400] =	vst v63  }
0x45: {  	_ =	swait.ge [sflag:s13], $0x50  }
0x46: {  	[sflag:s13] =	ssyncset.done $0x0  }
0x47: {  	[sflag:s13] =	ssyncadd.s32 $0xFFFFFFB0  }
0x48: {  	[tilespmem:s22], [sflag:$0x3] =	stream.indirect.gather [hbm4b:s4+s15], $0x80, s20, s15, $0xb8;
	[tilespmem:$0x1E400] =	vst v63  }
0x49: {  	_ =	swait.ge @!p0 [sflag:s5], $0x2800  }
0x4a: {  	s8 =	rddreg [dreg:$0x6];
	[sflag:s5] =	ssyncset.done @!p0 $0x0  }
0x4b: {  	[sflag:s5] =	ssyncadd.s32 @!p0 $0xFFFFD800;
	s9 =	sadd.s32 $0x0, s8  }
0x4c: {  	[tilespmem:s23], [sflag:$0x6] =	stream.linear.gather [hbm4b:s9+s3], $0x50, $0x38;
	[tilespmem:$0x1E400] =	vst v63  }
0x4d: {  	_ =	swait.ge [sflag:s13], $0x50  }
0x4e: {  	s10 =	rddreg [dreg:$0x5];
	[sflag:s13] =	ssyncset.done $0x0  }
0x4f: {  	[sflag:s13] =	ssyncadd.s32 $0xFFFFFFB0;
	s5 =	sadd.s32 $0x0, s10  }
0x50: {  	[tilespmem:s24], [sflag:$0x6] =	stream.linear.gather [hbm4b:s5+s3], $0x50, $0x38;
	[tilespmem:$0x1E400] =	vst v63  }
0x51: {  	_ =	swait.ge [sflag:s13], $0x50  }
0x52: {  	[sflag:s13] =	ssyncset.done $0x0  }
0x53: {  	[sflag:s13] =	ssyncadd.s32 $0xFFFFFFB0  }
0x54: {  	[tilespmem:s25], [sflag:$0x4] =	stream.indirect.gather [hbm4b:s4+s15], $0x80, s23, s15, $0xb8;
	[tilespmem:$0x1E400] =	vst v63  }
0x55: {  	_ =	swait.ge [sflag:s26], $0x2800  }
0x56: {  	[sflag:s26] =	ssyncset.done $0x0  }
0x57: {  	[sflag:s26] =	ssyncadd.s32 $0xFFFFD800  }
0x58: {  	[spmem:s2] =	stream.indirect.scatter.add.f32 [tilespmem:s16], [sflag:$0x5], $0x80, s14, s15, $0xb8;
	[tilespmem:$0x1E400] =	vst v63  }
0x59: {  	_ =	swait.ge [sflag:s28], $0x2800  }
0x5a: {  	[sflag:s28] =	ssyncset.done $0x0  }
0x5b: {  	[sflag:s28] =	ssyncadd.s32 $0xFFFFD800  }
0x5c: {  	[spmem:s2] =	stream.indirect.scatter.add.f32 [tilespmem:s19], [sflag:$0x5], $0x80, s18, s15, $0xb8;
	[tilespmem:$0x1E400] =	vst v63  }
0x5d: {  	_ =	swait.ge [sflag:s29], $0x2800  }
0x5e: {  	[sflag:s29] =	ssyncset.done $0x0  }
0x5f: {  	[sflag:s29] =	ssyncadd.s32 $0xFFFFD800  }
0x60: {  	[spmem:s2] =	stream.indirect.scatter.add.f32 [tilespmem:s22], [sflag:$0x5], $0x80, s21, s15, $0xb8;
	[tilespmem:$0x1E400] =	vst v63  }
0x61: {  	s6 =	simm.s32 $0x50;
	_ =	swait.ge [sflag:s30], $0x2800  }
0x62: {  	p0 =	por $0x0, $0x0;
	s5 =	simm.s32 $0x28;
	[sflag:s30] =	ssyncset.done $0x0  }
.LBB2_2:
0x63: {  	s9 =	simm.s32 @!p0 $0x5;
	[sflag:s30] =	ssyncadd.s32 $0xFFFFD800  }
0x64: {  	[spmem:s2] =	stream.indirect.scatter.add.f32 [tilespmem:s25], [sflag:$0x5], $0x80, s24, s15, $0xb8;
	[tilespmem:$0x1E400] =	vst v63  }
0x65: {  	_ =	swait.ge @!p0 [sflag:s9], $0x2800  }
0x66: {  	[sflag:s9] =	ssyncset.done @!p0 $0x0;
	s10 =	rddreg [dreg:$0x4]  }
0x67: {  	[sflag:s9] =	ssyncadd.s32 @!p0 $0xFFFFD800;
	s10 =	sadd.s32 s5, s10  }
0x68: {  	[tilespmem:s3], [sflag:$0x6] =	stream.linear.gather [hbm4b:s10+s3], $0x50, $0x38;
	[tilespmem:$0x1E400] =	vst v63  }
0x69: {  	_ =	swait.ge [sflag:s13], $0x50  }
0x6a: {  	s10 =	rddreg [dreg:$0x3];
	[sflag:s13] =	ssyncset.done $0x0  }
0x6b: {  	[sflag:s13] =	ssyncadd.s32 $0xFFFFFFB0;
	s10 =	sadd.s32 s5, s10  }
0x6c: {  	[tilespmem:s14], [sflag:$0x6] =	stream.linear.gather [hbm4b:s10+s3], $0x50, $0x38;
	[tilespmem:$0x1E400] =	vst v63  }
0x6d: {  	_ =	swait.ge [sflag:s13], $0x50  }
0x6e: {  	[sflag:s13] =	ssyncset.done $0x0  }
0x6f: {  	[sflag:s13] =	ssyncadd.s32 $0xFFFFFFB0  }
0x70: {  	[tilespmem:s16], [sflag:$0x1] =	stream.indirect.gather [hbm4b:s4+s15], $0x80, s3, s15, $0xb8;
	[tilespmem:$0x1E400] =	vst v63  }
0x71: {  	_ =	swait.ge @!p0 [sflag:s9], $0x2800  }
0x72: {  	[sflag:s9] =	ssyncset.done @!p0 $0x0  }
0x73: {  	s10 =	sadd.s32 s5, s12;
	[sflag:s9] =	ssyncadd.s32 @!p0 $0xFFFFD800  }
0x74: {  	[tilespmem:s17], [sflag:$0x6] =	stream.linear.gather [hbm4b:s10+s3], $0x50, $0x38;
	[tilespmem:$0x1E400] =	vst v63  }
0x75: {  	_ =	swait.ge [sflag:s13], $0x50  }
0x76: {  	s10 =	rddreg [dreg:$0x9];
	[sflag:s13] =	ssyncset.done $0x0  }
0x77: {  	[sflag:s13] =	ssyncadd.s32 $0xFFFFFFB0;
	s10 =	sadd.s32 s5, s10  }
0x78: {  	[tilespmem:s18], [sflag:$0x6] =	stream.linear.gather [hbm4b:s10+s3], $0x50, $0x38;
	[tilespmem:$0x1E400] =	vst v63  }
0x79: {  	_ =	swait.ge [sflag:s13], $0x50  }
0x7a: {  	[sflag:s13] =	ssyncset.done $0x0  }
0x7b: {  	[sflag:s13] =	ssyncadd.s32 $0xFFFFFFB0  }
0x7c: {  	[tilespmem:s19], [sflag:$0x2] =	stream.indirect.gather [hbm4b:s4+s15], $0x80, s17, s15, $0xb8;
	[tilespmem:$0x1E400] =	vst v63  }
0x7d: {  	_ =	swait.ge @!p0 [sflag:s9], $0x2800  }
0x7e: {  	[sflag:s9] =	ssyncset.done @!p0 $0x0;
	s10 =	rddreg [dreg:$0x8]  }
0x7f: {  	[sflag:s9] =	ssyncadd.s32 @!p0 $0xFFFFD800;
	s10 =	sadd.s32 s5, s10  }
0x80: {  	[tilespmem:s20], [sflag:$0x6] =	stream.linear.gather [hbm4b:s10+s3], $0x50, $0x38;
	[tilespmem:$0x1E400] =	vst v63  }
0x81: {  	_ =	swait.ge [sflag:s13], $0x50  }
0x82: {  	s10 =	rddreg [dreg:$0x7];
	[sflag:s13] =	ssyncset.done $0x0  }
0x83: {  	[sflag:s13] =	ssyncadd.s32 $0xFFFFFFB0;
	s10 =	sadd.s32 s5, s10  }
0x84: {  	[tilespmem:s21], [sflag:$0x6] =	stream.linear.gather [hbm4b:s10+s3], $0x50, $0x38;
	[tilespmem:$0x1E400] =	vst v63  }
0x85: {  	_ =	swait.ge [sflag:s13], $0x50  }
0x86: {  	[sflag:s13] =	ssyncset.done $0x0  }
0x87: {  	[sflag:s13] =	ssyncadd.s32 $0xFFFFFFB0  }
0x88: {  	[tilespmem:s22], [sflag:$0x3] =	stream.indirect.gather [hbm4b:s4+s15], $0x80, s20, s15, $0xb8;
	[tilespmem:$0x1E400] =	vst v63  }
0x89: {  	_ =	swait.ge @!p0 [sflag:s9], $0x2800  }
0x8a: {  	[sflag:s9] =	ssyncset.done @!p0 $0x0;
	s10 =	rddreg [dreg:$0x6]  }
0x8b: {  	[sflag:s9] =	ssyncadd.s32 @!p0 $0xFFFFD800;
	s10 =	sadd.s32 s5, s10  }
0x8c: {  	[tilespmem:s23], [sflag:$0x6] =	stream.linear.gather [hbm4b:s10+s3], $0x50, $0x38;
	[tilespmem:$0x1E400] =	vst v63  }
0x8d: {  	_ =	swait.ge [sflag:s13], $0x50  }
0x8e: {  	s10 =	rddreg [dreg:$0x5];
	[sflag:s13] =	ssyncset.done $0x0  }
0x8f: {  	[sflag:s13] =	ssyncadd.s32 $0xFFFFFFB0;
	s9 =	sadd.s32 s5, s10  }
0x90: {  	[tilespmem:s24], [sflag:$0x6] =	stream.linear.gather [hbm4b:s9+s3], $0x50, $0x38;
	[tilespmem:$0x1E400] =	vst v63  }
0x91: {  	_ =	swait.ge [sflag:s13], $0x50  }
0x92: {  	[sflag:s13] =	ssyncset.done $0x0  }
0x93: {  	[sflag:s13] =	ssyncadd.s32 $0xFFFFFFB0  }
0x94: {  	[tilespmem:s25], [sflag:$0x4] =	stream.indirect.gather [hbm4b:s4+s15], $0x80, s23, s15, $0xb8;
	[tilespmem:$0x1E400] =	vst v63  }
0x95: {  	_ =	swait.ge [sflag:s26], $0x2800  }
0x96: {  	[sflag:s26] =	ssyncset.done $0x0  }
0x97: {  	[sflag:s26] =	ssyncadd.s32 $0xFFFFD800  }
0x98: {  	[spmem:s2] =	stream.indirect.scatter.add.f32 [tilespmem:s16], [sflag:$0x5], $0x80, s14, s15, $0xb8;
	[tilespmem:$0x1E400] =	vst v63  }
0x99: {  	_ =	swait.ge [sflag:s28], $0x2800  }
0x9a: {  	[sflag:s28] =	ssyncset.done $0x0  }
0x9b: {  	s8 =	smov.u32 s6;
	s6 =	sadd.s32 $0x28, s6;
	[sflag:s28] =	ssyncadd.s32 $0xFFFFD800  }
0x9c: {  	[spmem:s2] =	stream.indirect.scatter.add.f32 [tilespmem:s19], [sflag:$0x5], $0x80, s18, s15, $0xb8;
	[tilespmem:$0x1E400] =	vst v63  }
0x9d: {  	p1 =	sne.s32 s6, $0x4D8;
	_ =	swait.ge [sflag:s29], $0x2800  }
.Ltmp0:
0x9e: {  	[sflag:s29] =	ssyncset.done $0x0;
	(pc) =	sbr.rel @p1 .LBB2_2-.Ltmp0, $4  }
0x9f: {  	[sflag:s29] =	ssyncadd.s32 $0xFFFFD800  }
0xa0: {  	[spmem:s2] =	stream.indirect.scatter.add.f32 [tilespmem:s22], [sflag:$0x5], $0x80, s21, s15, $0xb8;
	[tilespmem:$0x1E400] =	vst v63  }
0xa1: {  	s5 =	smov.u32 s8;
	_ =	swait.ge [sflag:s30], $0x2800  }
0xa2: {  	p0 =	seq.s32 s5, $0x0;
	[sflag:s30] =	ssyncset.done $0x0  }
0xa3: {  	s6 =	simm.s32 @!p0 $0x5;
	[sflag:s30] =	ssyncadd.s32 $0xFFFFD800  }
0xa4: {  	[spmem:s2] =	stream.indirect.scatter.add.f32 [tilespmem:s25], [sflag:$0x5], $0x80, s24, s15, $0xb8;
	[tilespmem:$0x1E400] =	vst v63  }
0xa5: {  	_ =	swait.ge @!p0 [sflag:s6], $0x2800  }
0xa6: {  	s8 =	rddreg [dreg:$0x4];
	[sflag:s6] =	ssyncset.done @!p0 $0x0  }
0xa7: {  	[sflag:s6] =	ssyncadd.s32 @!p0 $0xFFFFD800;
	s8 =	sadd.s32 s5, s8  }
0xa8: {  	[tilespmem:s3], [sflag:$0x6] =	stream.linear.gather [hbm4b:s8+s3], $0x50, $0x38;
	[tilespmem:$0x1E400] =	vst v63  }
0xa9: {  	_ =	swait.ge [sflag:s13], $0x50  }
0xaa: {  	s9 =	rddreg [dreg:$0x3];
	[sflag:s13] =	ssyncset.done $0x0  }
0xab: {  	[sflag:s13] =	ssyncadd.s32 $0xFFFFFFB0;
	s8 =	sadd.s32 s5, s9  }
0xac: {  	[tilespmem:s14], [sflag:$0x6] =	stream.linear.gather [hbm4b:s8+s3], $0x50, $0x38;
	[tilespmem:$0x1E400] =	vst v63  }
0xad: {  	_ =	swait.ge [sflag:s13], $0x50  }
0xae: {  	[sflag:s13] =	ssyncset.done $0x0  }
0xaf: {  	[sflag:s13] =	ssyncadd.s32 $0xFFFFFFB0  }
0xb0: {  	[tilespmem:s16], [sflag:$0x1] =	stream.indirect.gather [hbm4b:s4+s15], $0x80, s3, s15, $0xb8;
	[tilespmem:$0x1E400] =	vst v63  }
0xb1: {  	_ =	swait.ge @!p0 [sflag:s6], $0x2800  }
0xb2: {  	[sflag:s6] =	ssyncset.done @!p0 $0x0  }
0xb3: {  	s10 =	sadd.s32 s5, s12;
	[sflag:s6] =	ssyncadd.s32 @!p0 $0xFFFFD800  }
0xb4: {  	[tilespmem:s17], [sflag:$0x6] =	stream.linear.gather [hbm4b:s10+s3], $0x50, $0x38;
	[tilespmem:$0x1E400] =	vst v63  }
0xb5: {  	_ =	swait.ge [sflag:s13], $0x50  }
0xb6: {  	s9 =	rddreg [dreg:$0x9];
	[sflag:s13] =	ssyncset.done $0x0  }
0xb7: {  	[sflag:s13] =	ssyncadd.s32 $0xFFFFFFB0;
	s8 =	sadd.s32 s5, s9  }
0xb8: {  	[tilespmem:s18], [sflag:$0x6] =	stream.linear.gather [hbm4b:s8+s3], $0x50, $0x38;
	[tilespmem:$0x1E400] =	vst v63  }
0xb9: {  	_ =	swait.ge [sflag:s13], $0x50  }
0xba: {  	[sflag:s13] =	ssyncset.done $0x0  }
0xbb: {  	[sflag:s13] =	ssyncadd.s32 $0xFFFFFFB0  }
0xbc: {  	[tilespmem:s19], [sflag:$0x2] =	stream.indirect.gather [hbm4b:s4+s15], $0x80, s17, s15, $0xb8;
	[tilespmem:$0x1E400] =	vst v63  }
0xbd: {  	_ =	swait.ge @!p0 [sflag:s6], $0x2800  }
0xbe: {  	s10 =	rddreg [dreg:$0x8];
	[sflag:s6] =	ssyncset.done @!p0 $0x0  }
0xbf: {  	[sflag:s6] =	ssyncadd.s32 @!p0 $0xFFFFD800;
	s8 =	sadd.s32 s5, s10  }
0xc0: {  	[tilespmem:s20], [sflag:$0x6] =	stream.linear.gather [hbm4b:s8+s3], $0x50, $0x38;
	[tilespmem:$0x1E400] =	vst v63  }
0xc1: {  	_ =	swait.ge [sflag:s13], $0x50  }
0xc2: {  	s9 =	rddreg [dreg:$0x7];
	[sflag:s13] =	ssyncset.done $0x0  }
0xc3: {  	[sflag:s13] =	ssyncadd.s32 $0xFFFFFFB0;
	s8 =	sadd.s32 s5, s9  }
0xc4: {  	[tilespmem:s21], [sflag:$0x6] =	stream.linear.gather [hbm4b:s8+s3], $0x50, $0x38;
	[tilespmem:$0x1E400] =	vst v63  }
0xc5: {  	_ =	swait.ge [sflag:s13], $0x50  }
0xc6: {  	[sflag:s13] =	ssyncset.done $0x0  }
0xc7: {  	[sflag:s13] =	ssyncadd.s32 $0xFFFFFFB0  }
0xc8: {  	[tilespmem:s22], [sflag:$0x3] =	stream.indirect.gather [hbm4b:s4+s15], $0x80, s20, s15, $0xb8;
	[tilespmem:$0x1E400] =	vst v63  }
0xc9: {  	_ =	swait.ge @!p0 [sflag:s6], $0x2800  }
0xca: {  	s10 =	rddreg [dreg:$0x6];
	[sflag:s6] =	ssyncset.done @!p0 $0x0  }
0xcb: {  	[sflag:s6] =	ssyncadd.s32 @!p0 $0xFFFFD800;
	s9 =	sadd.s32 s5, s10  }
0xcc: {  	[tilespmem:s23], [sflag:$0x6] =	stream.linear.gather [hbm4b:s9+s3], $0x50, $0x38;
	[tilespmem:$0x1E400] =	vst v63  }
0xcd: {  	_ =	swait.ge [sflag:s13], $0x50  }
0xce: {  	s10 =	rddreg [dreg:$0x5];
	[sflag:s13] =	ssyncset.done $0x0  }
0xcf: {  	s6 =	sadd.s32 s5, s10;
	[sflag:s13] =	ssyncadd.s32 $0xFFFFFFB0  }
0xd0: {  	[tilespmem:s24], [sflag:$0x6] =	stream.linear.gather [hbm4b:s6+s3], $0x50, $0x38;
	[tilespmem:$0x1E400] =	vst v63  }
0xd1: {  	_ =	swait.ge [sflag:s13], $0x50  }
0xd2: {  	[sflag:s13] =	ssyncset.done $0x0  }
0xd3: {  	[sflag:s13] =	ssyncadd.s32 $0xFFFFFFB0  }
0xd4: {  	[tilespmem:s25], [sflag:$0x4] =	stream.indirect.gather [hbm4b:s4+s15], $0x80, s23, s15, $0xb8;
	[tilespmem:$0x1E400] =	vst v63  }
0xd5: {  	_ =	swait.ge [sflag:s26], $0x2800  }
0xd6: {  	[sflag:s26] =	ssyncset.done $0x0  }
0xd7: {  	[sflag:s26] =	ssyncadd.s32 $0xFFFFD800  }
0xd8: {  	[spmem:s2] =	stream.indirect.scatter.add.f32 [tilespmem:s16], [sflag:$0x5], $0x80, s14, s15, $0xb8;
	[tilespmem:$0x1E400] =	vst v63  }
0xd9: {  	_ =	swait.ge [sflag:s28], $0x2800  }
0xda: {  	[sflag:s28] =	ssyncset.done $0x0  }
0xdb: {  	[sflag:s28] =	ssyncadd.s32 $0xFFFFD800  }
0xdc: {  	[spmem:s2] =	stream.indirect.scatter.add.f32 [tilespmem:s19], [sflag:$0x5], $0x80, s18, s15, $0xb8;
	[tilespmem:$0x1E400] =	vst v63  }
0xdd: {  	_ =	swait.ge [sflag:s29], $0x2800  }
0xde: {  	[sflag:s29] =	ssyncset.done $0x0  }
0xdf: {  	[sflag:s29] =	ssyncadd.s32 $0xFFFFD800  }
0xe0: {  	[spmem:s2] =	stream.indirect.scatter.add.f32 [tilespmem:s22], [sflag:$0x5], $0x80, s21, s15, $0xb8;
	[tilespmem:$0x1E400] =	vst v63  }
0xe1: {  	_ =	swait.ge [sflag:s30], $0x2800  }
0xe2: {  	[sflag:s30] =	ssyncset.done $0x0  }
0xe3: {  	[sflag:s30] =	ssyncadd.s32 $0xFFFFD800  }
0xe4: {  	[spmem:s2] =	stream.indirect.scatter.add.f32 [tilespmem:s25], [sflag:$0x5], $0x80, s24, s15, $0xb8;
	[tilespmem:$0x1E400] =	vst v63  }
0xe5: {  	_ =	swait.ge [sflag:s31], $0x2800  }
0xe6: {  	[sflag:s31] =	ssyncset.done $0x0  }
0xe7: {  	[sflag:s31] =	ssyncadd.s32 $0xFFFFD800  }
0xe8: {  	_ =	swait.ge [sflag:s31], $0x2800  }
0xe9: {  	[sflag:s31] =	ssyncset.done $0x0  }
0xea: {  	[sflag:s31] =	ssyncadd.s32 $0xFFFFD800  }
0xeb: {  	_ =	swait.ge [sflag:s31], $0x2800  }
0xec: {  	[sflag:s31] =	ssyncset.done $0x0  }
0xed: {  	[sflag:s31] =	ssyncadd.s32 $0xFFFFD800  }
0xee: {  	_ =	swait.ge [sflag:s31], $0x2800  }
0xef: {  	[sflag:s31] =	ssyncset.done $0x0  }
0xf0: {  	s8 =	rddreg [dreg:$0xc];
	[sflag:s31] =	ssyncadd.s32 $0xFFFFD800  }
0xf1: {  	[tilespmem:s3], [sflag:$0x6] =	stream.linear.gather [hbm4b:s8+s3], $0x50, $0x38;
	[tilespmem:$0x1E400] =	vst v63  }
0xf2: {  	_ =	swait.ge [sflag:s13], $0x50  }
0xf3: {  	[sflag:s13] =	ssyncset.done $0x0  }
0xf4: {  	s9 =	rddreg [dreg:$0xd];
	[sflag:s13] =	ssyncadd.s32 $0xFFFFFFB0  }
0xf5: {  	[tilespmem:s14], [sflag:$0x6] =	stream.linear.gather [hbm4b:s9+s3], $0x50, $0x38;
	[tilespmem:$0x1E400] =	vst v63  }
0xf6: {  	_ =	swait.ge [sflag:s13], $0x50  }
0xf7: {  	[sflag:s13] =	ssyncset.done $0x0  }
0xf8: {  	[sflag:s13] =	ssyncadd.s32 $0xFFFFFFB0  }
0xf9: {  	[tilespmem:s16], [sflag:$0x1] =	stream.indirect.gather [hbm4b:s4+s15], $0x80, s3, s15, $0xb8;
	[tilespmem:$0x1E400] =	vst v63  }
0xfa: {  	_ =	swait.ge [sflag:s26], $0x2800  }
0xfb: {  	[sflag:s26] =	ssyncset.done $0x0  }
0xfc: {  	[sflag:s26] =	ssyncadd.s32 $0xFFFFD800  }
0xfd: {  	[spmem:s2] =	stream.indirect.scatter.add.f32 [tilespmem:s16], [sflag:$0x5], $0x80, s14, s15, $0xb8;
	[tilespmem:$0x1E400] =	vst v63  }
0xfe: {  	_ =	swait.ge [sflag:s31], $0x2800  }
0xff: {  	[sflag:s31] =	ssyncset.done $0x0  }
0x100: {  	s0 =	sadd.s32 $0x1, s0;
	[sflag:s31] =	ssyncadd.s32 $0xFFFFD800  }
0x101: {  	p0 =	sne.s32 s0, s11;
	[bflag:$0x0] =	sbarrier.arrive $0xFFFF  }
.Ltmp1:
0x102: {  	s10 =	rddreg [dreg:$0xe];
	(pc) =	sbr.rel @p0 .LBB2_1-.Ltmp1, $4  }
0x103: {  	[hbm:s10], [sflag:s7] =	dma.local [spmem:s1], $0x2800  }
0x104: {  	_ =	swait.ge [sflag:s13], $0x2800  }
0x105: {  	[sflag:s13] =	ssyncset.done $0x0  }
0x106: {  	[sflag:s13] =	ssyncadd.s32 $0xFFFFD800  }
0x107: {  	_ =	sfence.sel $0x180000  }
0x108: {  	[bflag:$0x0] =	sbarrier.arrive $0xFFFF  }
0x109: {  	_ =	strace $0x9000004D  }
0x10a: {  	s0 =	stileid.u32;
	[bflag:$0x2] =	sbarrier.arrive $0xFFFF  }
0x10b: {  	p0 =	sne.s32 s0, $0x0;
	s0 =	rddreg [dreg:$0x2]  }
0x10c: {  	s0 =	sadd.s32 @!p0 $0x100000, s0  }
0x10d: {  	[sflag:s0] =	ssyncadd.tile.s32 @!p0 $0x1;
	_ =	shalt  }
.Lfunc_end2:
_tile_overlayer_lowered:
.L_overlay_start_2:
0x10e: {  	(tag) =	ssettag $0x2  }
0x10f: {  	s0 =	rddreg [dreg:$0x0];
	s2 =	stileid.u32  }
0x110: {  	s1 =	rddreg [dreg:$0x1];
	p0 =	sne.s32 s2, $0x0  }
0x111: {  	s3 =	rddreg [dreg:$0x2];
	[bflag:$0x3] =	sbarrier.arrive $0xFFFF;
	s2 =	simm.s32 @!p0 $0x1C06  }
0x112: {  	[timem:s3], [sflag:s2] =	dma.local @!p0 [hbm:s0], s1  }
0x113: {  	s0 =	simm.s32 @!p0 $0x6  }
0x114: {  	_ =	swait.ge @!p0 [sflag:s0], s1  }
0x115: {  	s1 =	ssub.s32 @!p0 $0x0, s1;
	[sflag:s0] =	ssyncset.done @!p0 $0x0  }
0x116: {  	[sflag:s0] =	ssyncadd.s32 @!p0 s1  }
0x117: {  	[bflag:$0x3] =	sbarrier.arrive $0xFFFF  }
0x118: {  	_ =	shalt  }

// kernel: kernel.9.cloned.1.call-start
scs
__scs_entry_jumppad:
0x0: {  	(pc) =	sbr.rel $0x88, $3  }
0x1: {  	(tag) =	ssettag $0x0;
	lr =	simm.s32 $0x1  }
0x2: {  	[smem:$0x3F8F] =	sst lr;
	_ =	strace $0xD0000000  }
0x3: {  	_ = 	snop  }
0x4: {  	_ = 	snop  }
0x5: {  	_ = 	snop  }
0x6: {  	_ = 	snop  }
0x7: {  	_ = 	snop  }
__scs_overlays_trampoline_lowered:
0x8: {  	[smem:$0x3F9E] =	sst s0  }
0x9: {  	[smem:$0x3F9F] =	sst s1  }
0xa: {  	[smem:$0x3FA0] =	sst s2  }
0xb: {  	[smem:$0x3FA1] =	sst s3  }
0xc: {  	[smem:$0x3FA2] =	sst s4  }
0xd: {  	[smem:$0x3FA3] =	sst s5  }
0xe: {  	[smem:$0x3FA4] =	sst s6  }
0xf: {  	[smem:$0x3FA5] =	sst s7  }
0x10: {  	[smem:$0x3FA6] =	sst s8  }
0x11: {  	[smem:$0x3FA7] =	sst s9;
	s0 =	simm.s32 @!p0 $0x0  }
0x12: {  	s1 =	sld [smem:$0x3F8D];
	s0 =	simm.s32 @p0 $0x1  }
0x13: {  	[smem:$0x3FA8] =	sst s0;
	s0 =	simm.s32 @!p1 $0x0  }
0x14: {  	s2 =	sld [smem:$0x3F8C];
	s0 =	simm.s32 @p1 $0x1  }
0x15: {  	[smem:$0x3FA9] =	sst s0;
	s0 =	simm.s32 @!p2 $0x0  }
0x16: {  	s3 =	sld [smem:$0x3FDB];
	s0 =	simm.s32 @p2 $0x1  }
0x17: {  	s4 =	simm.s32 $0x1BF5;
	[smem:$0x3FAB] =	sst s0  }
0x18: {  	s0 =	sld [smem:$0x3F8E];
	_ =	swait.ge [sflag:s4], $0x0  }
0x19: {  	s7 =	sld [smem:$0x3F8F]  }
0x1a: {  	s8 =	sadd.s32 $0xFFFFE003, lr  }
0x1b: {  	s9 =	sadd.s32 $0xFFFFFEF7, lr;
	s5 =	simm.s32 $0xFFFFFFFF;
	p2 =	slt.u32 s8, $0xFFFFF086  }
0x1c: {  	p1 =	slt.u32 s9, $0xF7A;
	s5 =	simm.s32 @!p2 $0x0  }
0x1d: {  	s5 =	simm.s32 @p1 $0x1;
	p0 =	seq.s32 s7, s2  }
0x1e: {  	s7 =	smul.u32 @!p0 $0xF7A, s2;
	p2 =	seq.s32 @!p0 s5, $0x0  }
0x1f: {  	s9 =	smul.u32 $0xF7A, s1;
	s8 =	simm.s32 @!p0 $0x1BF5;
	p2 =	por !p2, p0  }
0x20: {  	[sflag:s8] =	ssyncset.s32 @!p0 $0xFFFFF086;
	s6 =	sadd.s32 @!p0 s3, s7;
	s7 =	simm.s32 @!p0 $0x108  }
0x21: {  	s3 =	sadd.s32 s3, s9;
	s6 =	sadd.s32 @!p0 $0x88, s6;
	s7 =	simm.s32 @p2 $0x1082  }
0x22: {  	[simem:s7], [sflag:s8] =	dma.local @!p0 [hbm:s6], $0xF7A  }
0x23: {  	s9 =	sor.u32 $0xD0000000, s2;
	s6 =	simm.s32 $0x108;
	_ =	swait.ge @!p0 [sflag:s8], $0x0  }
0x24: {  	s3 =	sadd.s32 $0x88, s3;
	s6 =	simm.s32 @!p1 $0x1082;
	[sflag:s4] =	ssyncset.s32 $0xFFFFF086  }
0x25: {  	[simem:s6], [sflag:s4] =	dma.local [hbm:s3], $0xF7A  }
0x26: {  	[smem:$0x3F8F] =	sst s1;
	(tag) =	ssettag s2;
	_ =	strace s9  }
0x27: {  	s1 =	sld [smem:$0x3F9F]  }
0x28: {  	s2 =	sld [smem:$0x3FA0]  }
0x29: {  	s4 =	sld [smem:$0x3FA2]  }
0x2a: {  	p0 =	seq.s32 s5, $0x0;
	s5 =	sld [smem:$0x3FA3]  }
0x2b: {  	s6 =	sld [smem:$0x3FA4]  }
0x2c: {  	s7 =	sld [smem:$0x3FA5]  }
0x2d: {  	s3 =	simm.s32 $0x108;
	s8 =	sld [smem:$0x3FA6]  }
0x2e: {  	s3 =	simm.s32 @!p0 $0x1082;
	s9 =	sld [smem:$0x3FA7]  }
0x2f: {  	lr =	sadd.s32 s0, s3;
	s0 =	sld [smem:$0x3F9E]  }
0x30: {  	s3 =	sld [smem:$0x3FA1]  }
0x31: {  	[smem:$0x3FAA] =	sst s10  }
0x32: {  	s10 =	sld [smem:$0x3FA8];
	_ =	sdelay $0x3  }
0x33: {  	p0 =	seq.s32 s10, $0x1;
	s10 =	sld [smem:$0x3FAA];
	_ =	sdelay $0x3  }
0x34: {  	[smem:$0x3FAA] =	sst s10  }
0x35: {  	s10 =	sld [smem:$0x3FA9];
	_ =	sdelay $0x3  }
0x36: {  	p1 =	seq.s32 s10, $0x1;
	s10 =	sld [smem:$0x3FAA];
	_ =	sdelay $0x3  }
0x37: {  	[smem:$0x3FAA] =	sst s10  }
0x38: {  	s10 =	sld [smem:$0x3FAB]  }
0x39: {  	_ = 	snop;
	(pc) =	sbr.ind lr, $3  }
0x3a: {  	_ = 	snop  }
0x3b: {  	_ = 	snop  }
0x3c: {  	p2 =	seq.s32 s10, $0x1;
	s10 =	sld [smem:$0x3FAA]  }
0x3d: {  	_ =	shalt  }
0x3e: {  	_ =	shalt  }
0x3f: {  	_ =	shalt  }
0x40: {  	_ =	shalt  }
0x41: {  	_ =	shalt  }
0x42: {  	_ =	shalt  }
0x43: {  	_ =	shalt  }
0x44: {  	_ =	shalt  }
0x45: {  	_ =	shalt  }
0x46: {  	_ =	shalt  }
0x47: {  	_ =	shalt  }
0x48: {  	_ =	shalt  }
0x49: {  	_ =	shalt  }
0x4a: {  	_ =	shalt  }
0x4b: {  	_ =	shalt  }
0x4c: {  	_ =	shalt  }
0x4d: {  	_ =	shalt  }
0x4e: {  	_ =	shalt  }
0x4f: {  	_ =	shalt  }
0x50: {  	_ =	shalt  }
0x51: {  	_ =	shalt  }
0x52: {  	_ =	shalt  }
0x53: {  	_ =	shalt  }
0x54: {  	_ =	shalt  }
0x55: {  	_ =	shalt  }
0x56: {  	_ =	shalt  }
0x57: {  	_ =	shalt  }
0x58: {  	_ =	shalt  }
0x59: {  	_ =	shalt  }
0x5a: {  	_ =	shalt  }
0x5b: {  	_ =	shalt  }
0x5c: {  	_ =	shalt  }
0x5d: {  	_ =	shalt  }
0x5e: {  	_ =	shalt  }
0x5f: {  	_ =	shalt  }
0x60: {  	_ =	shalt  }
0x61: {  	_ =	shalt  }
0x62: {  	_ =	shalt  }
0x63: {  	_ =	shalt  }
0x64: {  	_ =	shalt  }
0x65: {  	_ =	shalt  }
0x66: {  	_ =	shalt  }
0x67: {  	_ =	shalt  }
0x68: {  	_ =	shalt  }
0x69: {  	_ =	shalt  }
0x6a: {  	_ =	shalt  }
0x6b: {  	_ =	shalt  }
0x6c: {  	_ =	shalt  }
0x6d: {  	_ =	shalt  }
0x6e: {  	_ =	shalt  }
0x6f: {  	_ =	shalt  }
0x70: {  	_ =	shalt  }
0x71: {  	_ =	shalt  }
0x72: {  	_ =	shalt  }
0x73: {  	_ =	shalt  }
0x74: {  	_ =	shalt  }
0x75: {  	_ =	shalt  }
0x76: {  	_ =	shalt  }
0x77: {  	_ =	shalt  }
0x78: {  	_ =	shalt  }
0x79: {  	_ =	shalt  }
0x7a: {  	_ =	shalt  }
0x7b: {  	_ =	shalt  }
0x7c: {  	_ =	shalt  }
0x7d: {  	_ =	shalt  }
0x7e: {  	_ =	shalt  }
0x7f: {  	_ =	shalt  }
0x80: {  	_ =	shalt  }
0x81: {  	_ =	shalt  }
0x82: {  	_ =	shalt  }
0x83: {  	_ =	shalt  }
0x84: {  	_ =	shalt  }
0x85: {  	_ =	shalt  }
0x86: {  	_ =	shalt  }
0x87: {  	_ =	shalt  }
.Lfunc_end0:
.L_simem_size_0:
called_computation_lowered:
.L_overlay_start_0:
0x88: {  	s2 =	sld [smem:$0x3FD9]  }
0x89: {  	s3 =	sld [smem:$0x3FFE];
	_ =	sdelay $0x1  }
0x8a: {  	s1 =	srdreg.scid  }
0x8b: {  	s0 =	sand.u32 $0x1, s1  }
0x8c: {  	s17 =	sshll.u32 s0, $0xA;
	s2 =	sadd.s32 s3, s2  }
0x8d: {  	s2 =	sadd.s32 s2, s17  }
0x8e: {  	[smem:$0x3FB6] =	sst s2  }
0x8f: {  	_ = 	snop  }
0x90: {  	s2 =	sld [smem:$0x3FC9];
	(tm) =	ssettm $0x1  }
0x91: {  	s18 =	sld [smem:$0x3FFB];
	_ =	sdelay $0x3  }
0x92: {  	_ =	strace s18  }
0x93: {  	s3 =	sld [smem:$0x3FFC];
	_ =	sdelay $0x3  }
0x94: {  	_ =	strace s3  }
0x95: {  	s3 =	sld [smem:$0x3FFD];
	_ =	sdelay $0x3  }
0x96: {  	_ =	strace s3  }
0x97: {  	_ =	strace $0x8FFFFFFF  }
0x98: {  	s19 =	sld [smem:$0x3FDB];
	_ =	sdelay $0x1  }
0x99: {  	s4 =	simm.s32 $_scs_section_size  }
0x9a: {  	s5 =	simm.s32 $_size__tile_overlayer_lowered;
	s6 =	simm.s32 $_tile_overlayer_lowered  }
0x9b: {  	s22 =	simm.s32 $0x1BFF;
	s21 =	sshll.u32 s6, $0x1;
	s3 =	sadd.s32 s4, s19  }
0x9c: {  	s7 =	simm.s32 $0x0;
	s20 =	sshll.u32 s5, $0x1;
	s5 =	sadd.s32 s21, s3  }
0x9d: {  	[timem:s7], [sflag:s22] =	dma.local [hbm:s5], s20  }
0x9e: {  	_ =	swait.ge [sflag:s22], s20  }
0x9f: {  	s4 =	ssub.s32 $0x0, s20;
	[sflag:s22] =	ssyncset.done $0x0  }
0xa0: {  	[sflag:s22] =	ssyncadd.s32 s4;
	_ =	sdelay $0x1  }
0xa1: {  	s23 =	simm.s32 $0x1B8B  }
0xa2: {  	_ =	swait.ge [sflag:s23], $0x1  }
0xa3: {  	[sflag:s23] =	ssyncset.done $0x0  }
0xa4: {  	s25 =	simm.s32 $0x1B8E;
	s24 =	sld [smem:$0x3FFE];
	[sflag:s23] =	ssyncadd.s32 $0xFFFFFFFF  }
0xa5: {  	s26 =	simm.s32 $execute0_lowered;
	[smem:$0x3FD2] =	sst s25  }
0xa6: {  	s5 =	sshll.u32 s26, $0x1;
	_ =	strace $0x80000046;
	[dreg:$0x1] =	wrdreg $0xFFFFFFFF  }
0xa7: {  	s28 =	simm.s32 $_size_execute0_lowered;
	s3 =	sadd.s32 s3, s5;
	[dreg:$0x0] =	wrdreg $0x0  }
0xa8: {  	s5 =	sshll.u32 s28, $0x1;
	[dreg:$0x2] =	wrdreg s3  }
0xa9: {  	[dreg:$0x3] =	wrdreg s5  }
0xaa: {  	[dreg:$0x4] =	wrdreg $0xC0  }
0xab: {  	_ =	task [dreg:s7], $0x5FFFF  }
0xac: {  	[dreg:$0x1] =	wrdreg $0xFFFFFFFF  }
0xad: {  	[dreg:$0x0] =	wrdreg $0x60  }
0xae: {  	[dreg:$0x2] =	wrdreg s2  }
0xaf: {  	[dreg:$0x3] =	wrdreg s24  }
0xb0: {  	[dreg:$0x4] =	wrdreg $0x52000  }
0xb1: {  	[dreg:$0x5] =	wrdreg $0x1E4000  }
0xb2: {  	[dreg:$0x6] =	wrdreg $0x9  }
0xb3: {  	_ =	task.clear_ibuf [dreg:s7], $0x7FFFF;
	_ =	strace $0x90000046  }
0xb4: {  	s29 =	simm.s32 $0x9;
	_ =	strace $0x80000048  }
0xb5: {  	_ =	swait.ge [sflag:s29], $0x1  }
0xb6: {  	[sflag:s29] =	ssyncadd.s32 $0xFFFFFFFF  }
0xb7: {  	_ =	strace $0x90000048  }
0xb8: {  	_ =	sfence  }
0xb9: {  	s30 =	sld [smem:$0x0];
	_ =	sdelay $0x2  }
0xba: {  	s31 =	sshll.u32 s1, $0xD;
	s1 =	sshrl.u32 s1, $0x2  }
0xbb: {  	s3 =	sand.u32 $0x4000, s31;
	s1 =	sadd.s32 s1, s30  }
0xbc: {  	s0 =	sor.u32 s3, s0;
	s1 =	sshll.u32 s1, $0x11  }
0xbd: {  	s0 =	sor.u32 s1, s0  }
0xbe: {  	s0 =	sadd.s32 $0x8F2B, s0  }
0xbf: {  	[sflag:s0] =	ssyncadd.remote.s32 $0x1  }
0xc0: {  	_ =	sfence.sel $0xFFFF  }
0xc1: {  	[dreg:$0x0] =	wrdreg $0xFFFFFFFF;
	(pc) =	sbr.abs _section_cstart, $3  }
0xc2: {  	[dreg:$0x1] =	wrdreg $0xFFFFFFFF  }
0xc3: {  	_ =	task.clear_ibuf [dreg:s7], $0x2FFFF;
	_ =	strace $0x9FFFFFFF  }
0xc4: {  	(tm) =	ssettm $0x7FFFFFFF  }
0xc5: {  	_ =	shalt  }
tec
execute0_lowered:
.L_overlay_start_1:
0x0: {  	(tag) =	ssettag $0x1  }
0x1: {  	s1 =	rddreg [dreg:$0x0]  }
0x2: {  	s0 =	rddreg [dreg:$0x1]  }
0x3: {  	s2 =	rddreg [dreg:$0x2]  }
0x4: {  	s3 =	rddreg [dreg:$0x3]  }
0x5: {  	s5 =	srdreg.scid;
	s7 =	stileid.u32  }
0x6: {  	s4 =	simm.s32 $0x0;
	s28 =	simm.s32 $0x1BC00;
	s29 =	simm.s32 $0x1  }
0x7: {  	s30 =	simm.s32 $0x4;
	s31 =	simm.s32 $0x19200;
	s8 =	smul.u32 $0x14000, s7  }
0x8: {  	s5 =	sand.u32 $0x1, s5;
	[smem:$0x7FF] =	sst s4;
	s15 =	smul.u32 $0x50000, s7  }
0x9: {  	s9 =	sadd.s32 $0xE600, s0;
	s10 =	sadd.s32 $0x4800, s0;
	s18 =	smul.u32 $0x2710, s7  }
0xa: {  	s17 =	sadd.s32 $0x18400, s0;
	s19 =	sshll.u32 s7, $0x6;
	s6 =	smul.u32 $0x140000, s5  }
0xb: {  	p0 =	sne.s32 s7, $0x0;
	_ =	strace $0x80000047;
	s12 =	smul.u32 $0x500, s5  }
0xc: {  	s13 =	sshll.u32 s5, $0x4;
	s14 =	ssub.s32 $0x2, s5;
	s5 =	smul.u32 $0x27100, s5  }
0xd: {  	[dreg:$0x7] =	wrdreg s17;
	s20 =	sor.u32 $0x1C07, s19;
	s19 =	simm.s32 $0x50  }
0xe: {  	s13 =	sor.u32 s7, s13;
	s26 =	sshrl.u32 s14, $0x1;
	s16 =	sshrl.u32 s15, $0x2  }
0xf: {  	s7 =	simm.s32 $0x19280;
	s11 =	sadd.s32 s8, s6;
	s6 =	sadd.s32 $0x4000, s0  }
0x10: {  	s13 =	smul.u32 $0x2710, s13;
	s16 =	sadd.s32 s16, s2;
	s8 =	sshrl.u32 s8, $0x3  }
0x11: {  	s5 =	sadd.s32 s18, s5;
	s18 =	simm.s32 $0x100;
	s11 =	sshrl.u32 s11, $0x3  }
0x12: {  	s8 =	sadd.s32 s17, s8;
	s22 =	sshrl.u32 s5, $0x3;
	s5 =	sadd.s32 $0x50, s5  }
0x13: {  	s17 =	simm.s32 $0x7;
	s11 =	sadd.s32 s11, s0;
	s0 =	sadd.s32 s12, s0  }
0x14: {  	s12 =	ssub.s32 s14, s26;
	[dreg:$0x8] =	wrdreg s8;
	s13 =	sshrl.u32 s13, $0x3  }
0x15: {  	s23 =	sadd.s32 s22, s10;
	s24 =	sadd.s32 s22, s9;
	s26 =	sshrl.u32 s5, $0x3  }
0x16: {  	s22 =	simm.s32 $0x19400;
	s5 =	simm.s32 $0x5;
	s21 =	sadd.s32 $0x4D8, s13  }
0x17: {  	s11 =	sadd.s32 $0x40E00, s11;
	s0 =	sadd.s32 $0x40400, s0;
	[dreg:$0x5] =	wrdreg s23  }
0x18: {  	s25 =	smax.u32 s12, $0x1;
	[dreg:$0x6] =	wrdreg s24;
	s14 =	sadd.s32 s26, s10  }
0x19: {  	s15 =	sadd.s32 s26, s9;
	s23 =	simm.s32 $0x80;
	[dreg:$0xc] =	wrdreg s11  }
0x1a: {  	s24 =	simm.s32 $0x180;
	s26 =	simm.s32 $0x19380;
	[dreg:$0xd] =	wrdreg s0  }
0x1b: {  	s13 =	sadd.s32 s9, s21;
	s8 =	sadd.s32 s10, s21;
	[dreg:$0xe] =	wrdreg s25  }
0x1c: {  	s9 =	smov.u32 s20;
	s20 =	simm.s32 $0x200;
	[dreg:$0xa] =	wrdreg s13  }
0x1d: {  	s21 =	simm.s32 $0x19300;
	s25 =	simm.s32 $0x2A00;
	[dreg:$0xb] =	wrdreg s8  }
0x1e: {  	s0 =	simm.s32 $0x2;
	s13 =	sshrl.u32 s16, $0x3;
	[dreg:$0x9] =	wrdreg s9  }
0x1f: {  	s10 =	simm.s32 $0x6;
	s11 =	simm.s32 $0x0;
	[dreg:$0xf] =	wrdreg s13  }
.LBB2_1:
0x20: {  	s8 =	rddreg [dreg:$0x8]  }
0x21: {  	[spmem:s13], [sflag:s9] =	dma.local [hbm:s8], $0x2800  }
0x22: {  	s12 =	sshrl.u32 @!p0 s3, $0x3;
	_ =	swait.ge [sflag:s17], $0x2800  }
0x23: {  	[dreg:$0x10] =	wrdreg s12;
	[sflag:s17] =	ssyncset.done $0x0  }
0x24: {  	s8 =	rddreg [dreg:$0x7];
	[sflag:s17] =	ssyncadd.s32 $0xFFFFD800  }
0x25: {  	[spmem:s12], [sflag:s9] =	dma.local @!p0 [hbm:s8], $0x500  }
0x26: {  	s8 =	simm.s32 @!p0 $0x7  }
0x27: {  	_ =	swait.ge @!p0 [sflag:s8], $0x500  }
0x28: {  	[sflag:s8] =	ssyncset.done @!p0 $0x0  }
0x29: {  	p1 =	por $0x1, $0x1;
	[sflag:s8] =	ssyncadd.s32 @!p0 $0xFFFFFB00  }
0x2a: {  	s8 =	simm.s32 @!p1 $0x3;
	[bflag:$0x0] =	sbarrier.arrive $0xFFFF  }
0x2b: {  	_ =	swait.ge @!p1 [sflag:s8], $0x2800  }
0x2c: {  	[sflag:s8] =	ssyncset.done @!p1 $0x0  }
0x2d: {  	s12 =	simm.s32 @!p1 $0x6;
	[sflag:s8] =	ssyncadd.s32 @!p1 $0xFFFFD800  }
0x2e: {  	_ =	swait.ge @!p1 [sflag:s12], $0x2800  }
0x2f: {  	s16 =	rddreg [dreg:$0x6];
	[sflag:s12] =	ssyncset.done @!p1 $0x0  }
0x30: {  	[sflag:s12] =	ssyncadd.s32 @!p1 $0xFFFFD800;
	s13 =	sadd.s32 $0x0, s16  }
0x31: {  	[tilespmem:s4], [sflag:$0x7] =	stream.linear.gather [hbm4b:s13+s4], $0x50, $0x38;
	[tilespmem:$0x1E680] =	vst v63  }
0x32: {  	_ =	swait.ge [sflag:s17], $0x50  }
0x33: {  	s9 =	rddreg [dreg:$0x5];
	[sflag:s17] =	ssyncset.done $0x0  }
0x34: {  	[sflag:s17] =	ssyncadd.s32 $0xFFFFFFB0;
	s13 =	sadd.s32 $0x0, s9  }
0x35: {  	[tilespmem:s18], [sflag:$0x7] =	stream.linear.gather [hbm4b:s13+s4], $0x50, $0x38;
	[tilespmem:$0x1E680] =	vst v63  }
0x36: {  	_ =	swait.ge [sflag:s17], $0x50  }
0x37: {  	[sflag:s17] =	ssyncset.done $0x0  }
0x38: {  	[sflag:s17] =	ssyncadd.s32 $0xFFFFFFB0  }
0x39: {  	[tilespmem:s20], [sflag:$0x1] =	stream.indirect.gather [hbm4b:s1+s19], $0x80, s4, s19, $0xb8;
	[tilespmem:$0x1E680] =	vst v63  }
0x3a: {  	v0 =	vld [tilespmem:$0x140];
	_ =	sdelay $0x1  }
0x3b: {  	v2 =	vld [tilespmem:$0x100];
	_ =	sdelay $0x1  }
0x3c: {  	v1 =	vld [tilespmem:$0x110]  }
0x3d: {  	v4 =	vshrl.u32 v0, $0x7  }
0x3e: {  	v3 =	vld [tilespmem:$0x130];
	v0 =	vand.u32 $0x7F, v0;
	[tilespmem:$0x19240] =	vst v4  }
0x3f: {  	v5 =	vshrl.u32 v2, $0x7;
	[tilespmem:$0x19340] =	vst v0  }
0x40: {  	v2 =	vand.u32 $0x7F, v2;
	v0 =	vld [tilespmem:$0x120];
	[tilespmem:$0x19200] =	vst v5  }
0x41: {  	v4 =	vand.u32 $0x7F, v1;
	[tilespmem:$0x19300] =	vst v2  }
0x42: {  	v1 =	vshrl.u32 v1, $0x7;
	[tilespmem:$0x19310] =	vst v4  }
0x43: {  	v2 =	vand.u32 $0x7F, v3;
	[tilespmem:$0x19210] =	vst v1  }
0x44: {  	v4 =	vshrl.u32 v3, $0x7;
	[tilespmem:$0x19330] =	vst v2  }
0x45: {  	[tilespmem:$0x19230] =	vst v4;
	v1 =	vand.u32 $0x7F, v0  }
0x46: {  	v0 =	vshrl.u32 v0, $0x7;
	[tilespmem:$0x19320] =	vst v1  }
0x47: {  	[tilespmem:$0x19220] =	vst v0  }
0x48: {  	[tilespmem:s22], [sflag:$0x4] =	stream.indirect.gather [hbm4b:s6+s19], $0x80, s21, s19, $0xb8;
	[tilespmem:$0x1E680] =	vst v63  }
0x49: {  	_ =	swait.ge @!p1 [sflag:s8], $0x2800  }
0x4a: {  	[sflag:s8] =	ssyncset.done @!p1 $0x0  }
0x4b: {  	[sflag:s8] =	ssyncadd.s32 @!p1 $0xFFFFD800  }
0x4c: {  	_ =	swait.ge @!p1 [sflag:s12], $0x2800  }
0x4d: {  	[sflag:s12] =	ssyncset.done @!p1 $0x0  }
0x4e: {  	s13 =	sadd.s32 $0x0, s15;
	[sflag:s12] =	ssyncadd.s32 @!p1 $0xFFFFD800  }
0x4f: {  	[tilespmem:s23], [sflag:$0x7] =	stream.linear.gather [hbm4b:s13+s4], $0x50, $0x38;
	[tilespmem:$0x1E680] =	vst v63  }
0x50: {  	_ =	swait.ge [sflag:s17], $0x50  }
0x51: {  	[sflag:s17] =	ssyncset.done $0x0  }
0x52: {  	s16 =	sadd.s32 $0x0, s14;
	[sflag:s17] =	ssyncadd.s32 $0xFFFFFFB0  }
0x53: {  	[tilespmem:s24], [sflag:$0x7] =	stream.linear.gather [hbm4b:s16+s4], $0x50, $0x38;
	[tilespmem:$0x1E680] =	vst v63  }
0x54: {  	_ =	swait.ge [sflag:s17], $0x50  }
0x55: {  	[sflag:s17] =	ssyncset.done $0x0  }
0x56: {  	[sflag:s17] =	ssyncadd.s32 $0xFFFFFFB0  }
0x57: {  	[tilespmem:s25], [sflag:$0x2] =	stream.indirect.gather [hbm4b:s1+s19], $0x80, s23, s19, $0xb8;
	[tilespmem:$0x1E680] =	vst v63  }
0x58: {  	v0 =	vld [tilespmem:$0x180]  }
0x59: {  	v1 =	vld [tilespmem:$0x190];
	_ =	sdelay $0x1  }
0x5a: {  	v2 =	vld [tilespmem:$0x1A0];
	_ =	sdelay $0x1  }
0x5b: {  	v3 =	vld [tilespmem:$0x1C0];
	v4 =	vshrl.u32 v0, $0x7  }
0x5c: {  	v5 =	vld [tilespmem:$0x1B0];
	[tilespmem:$0x19280] =	vst v4;
	v4 =	vshrl.u32 v1, $0x7  }
0x5d: {  	v1 =	vand.u32 $0x7F, v1;
	[tilespmem:$0x19290] =	vst v4  }
0x5e: {  	v4 =	vshrl.u32 v2, $0x7;
	[tilespmem:$0x19390] =	vst v1  }
0x5f: {  	v2 =	vand.u32 $0x7F, v2;
	[tilespmem:$0x192A0] =	vst v4  }
0x60: {  	v0 =	vand.u32 $0x7F, v0;
	v4 =	vshrl.u32 v3, $0x7;
	[tilespmem:$0x193A0] =	vst v2  }
0x61: {  	s13 =	simm.s32 $0x14;
	v1 =	vshrl.u32 v5, $0x7;
	v2 =	vand.u32 $0x7F, v5;
	v3 =	vand.u32 $0x7F, v3;
	[tilespmem:$0x192C0] =	vst v4  }
.LBB2_2:
0x62: {  	[tilespmem:$0x193C0] =	vst v3  }
0x63: {  	[tilespmem:$0x193B0] =	vst v2  }
0x64: {  	[tilespmem:$0x19380] =	vst v0  }
0x65: {  	[tilespmem:$0x192B0] =	vst v1  }
0x66: {  	[tilespmem:s28], [sflag:$0x5] =	stream.indirect.gather [hbm4b:s6+s19], $0x80, s26, s19, $0xb8;
	[tilespmem:$0x1E680] =	vst v63  }
0x67: {  	_ =	swait.ge [sflag:s29], $0x2800  }
0x68: {  	[sflag:s29] =	ssyncset.done $0x0  }
0x69: {  	[sflag:s29] =	ssyncadd.s32 $0xFFFFD800  }
0x6a: {  	[spmem:s2] =	stream.indirect.scatter.add.f32 [tilespmem:s20], [sflag:$0x3], $0x80, s18, s19, $0xb8;
	[tilespmem:$0x1E680] =	vst v63  }
0x6b: {  	_ =	swait.ge [sflag:s30], $0x2800  }
0x6c: {  	[sflag:s30] =	ssyncset.done $0x0  }
0x6d: {  	[sflag:s30] =	ssyncadd.s32 $0xFFFFD800  }
0x6e: {  	[spmem:s3] =	stream.indirect.scatter.add.f32 [tilespmem:s22], [sflag:$0x6], $0x80, s31, s19, $0xb8;
	[tilespmem:$0x1E680] =	vst v63  }
0x6f: {  	_ =	swait.ge [sflag:s0], $0x2800  }
0x70: {  	[sflag:s0] =	ssyncset.done $0x0  }
0x71: {  	[sflag:s0] =	ssyncadd.s32 $0xFFFFD800  }
0x72: {  	[spmem:s2] =	stream.indirect.scatter.add.f32 [tilespmem:s25], [sflag:$0x3], $0x80, s24, s19, $0xb8;
	[tilespmem:$0x1E680] =	vst v63  }
0x73: {  	s16 =	smov.u32 s13;
	_ =	swait.ge [sflag:s5], $0x2800  }
0x74: {  	p2 =	seq.s32 s16, $0x0;
	[sflag:s5] =	ssyncset.done $0x0  }
0x75: {  	s12 =	simm.s32 @!p2 $0x3;
	[sflag:s5] =	ssyncadd.s32 $0xFFFFD800  }
0x76: {  	[spmem:s3] =	stream.indirect.scatter.add.f32 [tilespmem:s28], [sflag:$0x6], $0x80, s7, s19, $0xb8;
	[tilespmem:$0x1E680] =	vst v63  }
0x77: {  	_ =	swait.ge @!p2 [sflag:s12], $0x2800  }
0x78: {  	[sflag:s12] =	ssyncset.done @!p2 $0x0  }
0x79: {  	s8 =	simm.s32 @!p2 $0x6;
	[sflag:s12] =	ssyncadd.s32 @!p2 $0xFFFFD800  }
0x7a: {  	_ =	swait.ge @!p2 [sflag:s8], $0x2800  }
0x7b: {  	[sflag:s8] =	ssyncset.done @!p2 $0x0;
	s9 =	rddreg [dreg:$0x6]  }
0x7c: {  	[sflag:s8] =	ssyncadd.s32 @!p2 $0xFFFFD800;
	s9 =	sadd.s32 s16, s9  }
0x7d: {  	[tilespmem:s4], [sflag:$0x7] =	stream.linear.gather [hbm4b:s9+s4], $0x50, $0x38;
	[tilespmem:$0x1E680] =	vst v63  }
0x7e: {  	_ =	swait.ge [sflag:s17], $0x50  }
0x7f: {  	[sflag:s17] =	ssyncset.done $0x0;
	s9 =	rddreg [dreg:$0x5]  }
0x80: {  	[sflag:s17] =	ssyncadd.s32 $0xFFFFFFB0;
	s9 =	sadd.s32 s16, s9  }
0x81: {  	[tilespmem:s18], [sflag:$0x7] =	stream.linear.gather [hbm4b:s9+s4], $0x50, $0x38;
	[tilespmem:$0x1E680] =	vst v63  }
0x82: {  	_ =	swait.ge [sflag:s17], $0x50  }
0x83: {  	[sflag:s17] =	ssyncset.done $0x0  }
0x84: {  	[sflag:s17] =	ssyncadd.s32 $0xFFFFFFB0  }
0x85: {  	[tilespmem:s20], [sflag:$0x1] =	stream.indirect.gather [hbm4b:s1+s19], $0x80, s4, s19, $0xb8;
	[tilespmem:$0x1E680] =	vst v63  }
0x86: {  	v0 =	vld [tilespmem:$0x140];
	_ =	sdelay $0x1  }
0x87: {  	v1 =	vld [tilespmem:$0x120];
	_ =	sdelay $0x1  }
0x88: {  	v2 =	vld [tilespmem:$0x110]  }
0x89: {  	v3 =	vld [tilespmem:$0x100];
	v5 =	vshrl.u32 v0, $0x7  }
0x8a: {  	v0 =	vand.u32 $0x7F, v0;
	[tilespmem:$0x19240] =	vst v5  }
0x8b: {  	v6 =	vshrl.u32 v1, $0x7;
	v1 =	vand.u32 $0x7F, v1;
	[tilespmem:$0x19340] =	vst v0  }
0x8c: {  	v4 =	vld [tilespmem:$0x130];
	[tilespmem:$0x19320] =	vst v1  }
0x8d: {  	v5 =	vand.u32 $0x7F, v2;
	[tilespmem:$0x19220] =	vst v6  }
0x8e: {  	v0 =	vshrl.u32 v3, $0x7;
	[tilespmem:$0x19310] =	vst v5  }
0x8f: {  	v3 =	vand.u32 $0x7F, v3;
	[tilespmem:$0x19200] =	vst v0  }
0x90: {  	v2 =	vshrl.u32 v2, $0x7;
	[tilespmem:$0x19300] =	vst v3  }
0x91: {  	v0 =	vshrl.u32 v4, $0x7;
	[tilespmem:$0x19210] =	vst v2  }
0x92: {  	[tilespmem:$0x19230] =	vst v0;
	v0 =	vand.u32 $0x7F, v4  }
0x93: {  	[tilespmem:$0x19330] =	vst v0  }
0x94: {  	[tilespmem:s22], [sflag:$0x4] =	stream.indirect.gather [hbm4b:s6+s19], $0x80, s21, s19, $0xb8;
	[tilespmem:$0x1E680] =	vst v63  }
0x95: {  	_ =	swait.ge @!p2 [sflag:s12], $0x2800  }
0x96: {  	[sflag:s12] =	ssyncset.done @!p2 $0x0  }
0x97: {  	[sflag:s12] =	ssyncadd.s32 @!p2 $0xFFFFD800  }
0x98: {  	_ =	swait.ge @!p2 [sflag:s8], $0x2800  }
0x99: {  	[sflag:s8] =	ssyncset.done @!p2 $0x0  }
0x9a: {  	s12 =	sadd.s32 s16, s15;
	[sflag:s8] =	ssyncadd.s32 @!p2 $0xFFFFD800  }
0x9b: {  	[tilespmem:s23], [sflag:$0x7] =	stream.linear.gather [hbm4b:s12+s4], $0x50, $0x38;
	[tilespmem:$0x1E680] =	vst v63  }
0x9c: {  	_ =	swait.ge [sflag:s17], $0x50  }
0x9d: {  	[sflag:s17] =	ssyncset.done $0x0  }
0x9e: {  	s16 =	sadd.s32 s16, s14;
	[sflag:s17] =	ssyncadd.s32 $0xFFFFFFB0  }
0x9f: {  	[tilespmem:s24], [sflag:$0x7] =	stream.linear.gather [hbm4b:s16+s4], $0x50, $0x38;
	[tilespmem:$0x1E680] =	vst v63  }
0xa0: {  	_ =	swait.ge [sflag:s17], $0x50  }
0xa1: {  	[sflag:s17] =	ssyncset.done $0x0  }
0xa2: {  	[sflag:s17] =	ssyncadd.s32 $0xFFFFFFB0  }
0xa3: {  	[tilespmem:s25], [sflag:$0x2] =	stream.indirect.gather [hbm4b:s1+s19], $0x80, s23, s19, $0xb8;
	[tilespmem:$0x1E680] =	vst v63  }
0xa4: {  	v0 =	vld [tilespmem:$0x180]  }
0xa5: {  	v1 =	vld [tilespmem:$0x190]  }
0xa6: {  	v4 =	vld [tilespmem:$0x1C0];
	_ =	sdelay $0x1  }
0xa7: {  	v2 =	vld [tilespmem:$0x1A0]  }
0xa8: {  	s13 =	sadd.s32 $0x14, s13;
	v5 =	vshrl.u32 v0, $0x7  }
0xa9: {  	p1 =	sne.s32 s13, $0x4D8;
	v3 =	vld [tilespmem:$0x1B0];
	v62 =	vand.u32 $0x7F, v1;
	[tilespmem:$0x19280] =	vst v5  }
.Ltmp0:
0xaa: {  	v63 =	vshrl.u32 v4, $0x7;
	[tilespmem:$0x19390] =	vst v62;
	(pc) =	sbr.rel @p1 .LBB2_2-.Ltmp0, $4  }
0xab: {  	v5 =	vshrl.u32 v1, $0x7;
	[tilespmem:$0x192C0] =	vst v63  }
0xac: {  	v1 =	vshrl.u32 v2, $0x7;
	[tilespmem:$0x19290] =	vst v5  }
0xad: {  	v0 =	vand.u32 $0x7F, v0;
	v5 =	vand.u32 $0x7F, v2;
	[tilespmem:$0x192A0] =	vst v1  }
0xae: {  	v1 =	vshrl.u32 v3, $0x7;
	v2 =	vand.u32 $0x7F, v3;
	v3 =	vand.u32 $0x7F, v4;
	[tilespmem:$0x193A0] =	vst v5  }
0xaf: {  	[tilespmem:$0x193C0] =	vst v3  }
0xb0: {  	[tilespmem:$0x193B0] =	vst v2  }
0xb1: {  	[tilespmem:$0x19380] =	vst v0  }
0xb2: {  	[tilespmem:$0x192B0] =	vst v1  }
0xb3: {  	[tilespmem:s28], [sflag:$0x5] =	stream.indirect.gather [hbm4b:s6+s19], $0x80, s26, s19, $0xb8;
	[tilespmem:$0x1E680] =	vst v63  }
0xb4: {  	_ =	swait.ge [sflag:s29], $0x2800  }
0xb5: {  	[sflag:s29] =	ssyncset.done $0x0  }
0xb6: {  	[sflag:s29] =	ssyncadd.s32 $0xFFFFD800  }
0xb7: {  	[spmem:s2] =	stream.indirect.scatter.add.f32 [tilespmem:s20], [sflag:$0x3], $0x80, s18, s19, $0xb8;
	[tilespmem:$0x1E680] =	vst v63  }
0xb8: {  	_ =	swait.ge [sflag:s30], $0x2800  }
0xb9: {  	[sflag:s30] =	ssyncset.done $0x0  }
0xba: {  	[sflag:s30] =	ssyncadd.s32 $0xFFFFD800  }
0xbb: {  	[spmem:s3] =	stream.indirect.scatter.add.f32 [tilespmem:s22], [sflag:$0x6], $0x80, s31, s19, $0xb8;
	[tilespmem:$0x1E680] =	vst v63  }
0xbc: {  	_ =	swait.ge [sflag:s0], $0x2800  }
0xbd: {  	[sflag:s0] =	ssyncset.done $0x0  }
0xbe: {  	[sflag:s0] =	ssyncadd.s32 $0xFFFFD800  }
0xbf: {  	[spmem:s2] =	stream.indirect.scatter.add.f32 [tilespmem:s25], [sflag:$0x3], $0x80, s24, s19, $0xb8;
	[tilespmem:$0x1E680] =	vst v63  }
0xc0: {  	_ =	swait.ge [sflag:s5], $0x2800  }
0xc1: {  	[sflag:s5] =	ssyncset.done $0x0  }
0xc2: {  	s9 =	simm.s32 $0x3;
	[sflag:s5] =	ssyncadd.s32 $0xFFFFD800  }
0xc3: {  	[spmem:s3] =	stream.indirect.scatter.add.f32 [tilespmem:s28], [sflag:$0x6], $0x80, s7, s19, $0xb8;
	[tilespmem:$0x1E680] =	vst v63  }
0xc4: {  	_ =	swait.ge [sflag:s9], $0x2800  }
0xc5: {  	[sflag:s9] =	ssyncset.done $0x0  }
0xc6: {  	[sflag:s9] =	ssyncadd.s32 $0xFFFFD800  }
0xc7: {  	_ =	swait.ge [sflag:s10], $0x2800  }
0xc8: {  	[sflag:s10] =	ssyncset.done $0x0  }
0xc9: {  	[sflag:s10] =	ssyncadd.s32 $0xFFFFD800  }
0xca: {  	_ =	swait.ge [sflag:s9], $0x2800  }
0xcb: {  	[sflag:s9] =	ssyncset.done $0x0  }
0xcc: {  	[sflag:s9] =	ssyncadd.s32 $0xFFFFD800  }
0xcd: {  	_ =	swait.ge [sflag:s10], $0x2800  }
0xce: {  	[sflag:s10] =	ssyncset.done $0x0  }
0xcf: {  	s8 =	rddreg [dreg:$0xa];
	[sflag:s10] =	ssyncadd.s32 $0xFFFFD800  }
0xd0: {  	[tilespmem:s4], [sflag:$0x7] =	stream.linear.gather [hbm4b:s8+s4], $0x50, $0x38;
	[tilespmem:$0x1E680] =	vst v63  }
0xd1: {  	_ =	swait.ge [sflag:s17], $0x50  }
0xd2: {  	[sflag:s17] =	ssyncset.done $0x0  }
0xd3: {  	s16 =	rddreg [dreg:$0xb];
	[sflag:s17] =	ssyncadd.s32 $0xFFFFFFB0  }
0xd4: {  	[tilespmem:s18], [sflag:$0x7] =	stream.linear.gather [hbm4b:s16+s4], $0x50, $0x38;
	[tilespmem:$0x1E680] =	vst v63  }
0xd5: {  	_ =	swait.ge [sflag:s17], $0x50  }
0xd6: {  	[sflag:s17] =	ssyncset.done $0x0  }
0xd7: {  	[sflag:s17] =	ssyncadd.s32 $0xFFFFFFB0  }
0xd8: {  	[tilespmem:s20], [sflag:$0x1] =	stream.indirect.gather [hbm4b:s1+s19], $0x80, s4, s19, $0xb8;
	[tilespmem:$0x1E680] =	vst v63  }
0xd9: {  	v50 =	vld [tilespmem:$0x100];
	_ =	sdelay $0x1  }
0xda: {  	v51 =	vld [tilespmem:$0x110];
	_ =	sdelay $0x1  }
0xdb: {  	v52 =	vld [tilespmem:$0x120]  }
0xdc: {  	v53 =	vshrl.u32 v50, $0x7  }
0xdd: {  	v54 =	vld [tilespmem:$0x130];
	v0 =	vand.u32 $0x7F, v50;
	[tilespmem:$0x19200] =	vst v53  }
0xde: {  	v55 =	vshrl.u32 v51, $0x7;
	[tilespmem:$0x19300] =	vst v0  }
0xdf: {  	v57 =	vld [tilespmem:$0x140];
	v56 =	vand.u32 $0x7F, v51;
	[tilespmem:$0x19210] =	vst v55  }
0xe0: {  	v58 =	vshrl.u32 v52, $0x7;
	[tilespmem:$0x19310] =	vst v56  }
0xe1: {  	v59 =	vand.u32 $0x7F, v52;
	[tilespmem:$0x19220] =	vst v58  }
0xe2: {  	v60 =	vshrl.u32 v54, $0x7;
	[tilespmem:$0x19320] =	vst v59  }
0xe3: {  	v61 =	vand.u32 $0x7F, v54;
	[tilespmem:$0x19230] =	vst v60  }
0xe4: {  	v62 =	vshrl.u32 v57, $0x7;
	[tilespmem:$0x19330] =	vst v61  }
0xe5: {  	v63 =	vand.u32 $0x7F, v57;
	[tilespmem:$0x19240] =	vst v62  }
0xe6: {  	[tilespmem:$0x19340] =	vst v63  }
0xe7: {  	[tilespmem:s22], [sflag:$0x4] =	stream.indirect.gather [hbm4b:s6+s19], $0x80, s21, s19, $0xb8;
	[tilespmem:$0x1E680] =	vst v63  }
0xe8: {  	_ =	swait.ge [sflag:s29], $0x2800  }
0xe9: {  	[sflag:s29] =	ssyncset.done $0x0  }
0xea: {  	[sflag:s29] =	ssyncadd.s32 $0xFFFFD800  }
0xeb: {  	[spmem:s2] =	stream.indirect.scatter.add.f32 [tilespmem:s20], [sflag:$0x3], $0x80, s18, s19, $0xb8;
	[tilespmem:$0x1E680] =	vst v63  }
0xec: {  	_ =	swait.ge [sflag:s30], $0x2800  }
0xed: {  	[sflag:s30] =	ssyncset.done $0x0  }
0xee: {  	[sflag:s30] =	ssyncadd.s32 $0xFFFFD800  }
0xef: {  	[spmem:s3] =	stream.indirect.scatter.add.f32 [tilespmem:s22], [sflag:$0x6], $0x80, s31, s19, $0xb8;
	[tilespmem:$0x1E680] =	vst v63  }
0xf0: {  	_ =	swait.ge [sflag:s9], $0x2800  }
0xf1: {  	[sflag:s9] =	ssyncset.done $0x0  }
0xf2: {  	[sflag:s9] =	ssyncadd.s32 $0xFFFFD800  }
0xf3: {  	_ =	swait.ge [sflag:s10], $0x2800  }
0xf4: {  	[sflag:s10] =	ssyncset.done $0x0  }
0xf5: {  	[sflag:s10] =	ssyncadd.s32 $0xFFFFD800  }
0xf6: {  	[bflag:$0x0] =	sbarrier.arrive $0xFFFF  }
0xf7: {  	s9 =	rddreg [dreg:$0x9]  }
0xf8: {  	s12 =	rddreg [dreg:$0xc]  }
0xf9: {  	s13 =	rddreg [dreg:$0xf]  }
0xfa: {  	[hbm:s12], [sflag:s9] =	dma.local [spmem:s13], $0x2800  }
0xfb: {  	_ =	swait.ge [sflag:s17], $0x2800  }
0xfc: {  	[sflag:s17] =	ssyncset.done $0x0;
	s8 =	rddreg [dreg:$0xd]  }
0xfd: {  	s12 =	rddreg [dreg:$0x10];
	[sflag:s17] =	ssyncadd.s32 $0xFFFFD800  }
0xfe: {  	[hbm:s8], [sflag:s9] =	dma.local @!p0 [spmem:s12], $0x500  }
0xff: {  	s8 =	simm.s32 @!p0 $0x7  }
0x100: {  	_ =	swait.ge @!p0 [sflag:s8], $0x500  }
0x101: {  	s11 =	sadd.s32 $0x1, s11;
	s16 =	rddreg [dreg:$0xe]  }
0x102: {  	p1 =	sne.s32 s11, s16  }
.Ltmp1:
0x103: {  	_ = 	snop;
	(pc) =	sbr.rel @p1 .LBB2_1-.Ltmp1, $3  }
0x104: {  	_ =	sdelay $0x1  }
0x105: {  	[sflag:s8] =	ssyncset.done @!p0 $0x0  }
0x106: {  	[sflag:s8] =	ssyncadd.s32 @!p0 $0xFFFFFB00  }
0x107: {  	_ =	sfence.sel $0x180000  }
0x108: {  	[bflag:$0x0] =	sbarrier.arrive $0xFFFF  }
0x109: {  	_ =	strace $0x90000047  }
0x10a: {  	[bflag:$0x2] =	sbarrier.arrive $0xFFFF  }
0x10b: {  	s0 =	rddreg [dreg:$0x4]  }
0x10c: {  	s0 =	sadd.s32 @!p0 $0x100000, s0  }
0x10d: {  	[sflag:s0] =	ssyncadd.tile.s32 @!p0 $0x1;
	_ =	shalt  }
.Lfunc_end2:
_tile_overlayer_lowered:
.L_overlay_start_2:
0x10e: {  	(tag) =	ssettag $0x2  }
0x10f: {  	s0 =	rddreg [dreg:$0x0];
	s2 =	stileid.u32  }
0x110: {  	s1 =	rddreg [dreg:$0x1];
	p0 =	sne.s32 s2, $0x0  }
0x111: {  	s3 =	rddreg [dreg:$0x2];
	[bflag:$0x3] =	sbarrier.arrive $0xFFFF;
	s2 =	simm.s32 @!p0 $0x1C07  }
0x112: {  	[timem:s3], [sflag:s2] =	dma.local @!p0 [hbm:s0], s1  }
0x113: {  	s0 =	simm.s32 @!p0 $0x7  }
0x114: {  	_ =	swait.ge @!p0 [sflag:s0], s1  }
0x115: {  	s1 =	ssub.s32 @!p0 $0x0, s1;
	[sflag:s0] =	ssyncset.done @!p0 $0x0  }
0x116: {  	[sflag:s0] =	ssyncadd.s32 @!p0 s1  }
0x117: {  	[bflag:$0x3] =	sbarrier.arrive $0xFFFF  }
0x118: {  	_ =	shalt  }

</sc_bundles>
